<compile_context>
chip_gen: v7x
topology: tpu7x:2x2x1
jax: 0.10.2.dev20260603
libtpu: 0.0.44.dev20260713+nightly
codegen_flags: <defaults>
</compile_context>

<pallas_src>
import jax
import jax.numpy as jnp
import numpy as np
from jax import lax
from jax.experimental import pallas as pl
from jax.experimental.pallas import tpu as pltpu
from jax.experimental.pallas import tpu_sc as plsc

_N = 10000
_NP = 10240
_E = 160000
_D = 256
_PK = _D // 2
_RPT = 4
_W = 32
_SEG = _NP // 16

_HI_MASK = np.int32(-65536)


def _unpack_pair(p):
    lo = plsc.bitcast(lax.shift_left(p, 16), jnp.float32)
    hi = plsc.bitcast(lax.bitwise_and(p, _HI_MASK), jnp.float32)
    return lo, hi


def _make_spmm(weighted: bool):
    S = 800 if weighted else 1600
    nblk = S // 16
    nchunk = _E // S

    out_type = [jax.ShapeDtypeStruct((_D, _NP), jnp.float32)]
    scratch = [
        pltpu.VMEM((_RPT * _NP,), jnp.int32),
        pltpu.VMEM((2 * _RPT * _NP,), jnp.float32),
        pltpu.VMEM((S,), jnp.int32),
        pltpu.VMEM((S,), jnp.int32),
        pltpu.VMEM((S,), jnp.int32),
        pltpu.VMEM((S,), jnp.int32),
        pltpu.SemaphoreType.DMA,
        pltpu.SemaphoreType.DMA,
    ]
    if weighted:
        scratch += [
            pltpu.VMEM((S,), jnp.float32),
            pltpu.VMEM((S,), jnp.float32),
        ]

    def body(*refs):
        it = iter(refs)
        xpk_hbm = next(it)
        src = next(it)
        dst = next(it)
        wgt = next(it) if weighted else None
        aggT = next(it)
        xpk = next(it)
        acc = next(it)
        srcb0 = next(it)
        dstb0 = next(it)
        srcb1 = next(it)
        dstb1 = next(it)
        sem0 = next(it)
        sem1 = next(it)
        if weighted:
            wb0 = next(it)
            wb1 = next(it)
        else:
            wb0 = wb1 = None
        slots = ((srcb0, dstb0, wb0, sem0), (srcb1, dstb1, wb1, sem1))

        c = lax.axis_index("c")
        s = lax.axis_index("s")
        wid = s * 2 + c
        zeros = jnp.zeros((16,), jnp.float32)

        for r in range(_RPT):
            pltpu.sync_copy(xpk_hbm.at[_RPT * wid + r],
                            xpk.at[pl.ds(r * _NP, _NP)])

        def zacc(i, carry):
            acc[pl.ds(i * 16, 16)] = zeros
            return carry
        lax.fori_loop(0, 2 * _RPT * _NP // 16, zacc, 0)

        def fire(ci, slot):
            sb, db, wbx, sm = slot
            pltpu.async_copy(src.at[pl.ds(ci * S, S)], sb, sm)
            pltpu.async_copy(dst.at[pl.ds(ci * S, S)], db, sm)
            if weighted:
                pltpu.async_copy(wgt.at[pl.ds(ci * S, S)], wbx, sm)

        def drain(slot):
            sb, db, wbx, sm = slot
            pltpu.make_async_copy(src.at[pl.ds(0, S)], sb, sm).wait()
            pltpu.make_async_copy(dst.at[pl.ds(0, S)], db, sm).wait()
            if weighted:
                pltpu.make_async_copy(wgt.at[pl.ds(0, S)], wbx, sm).wait()

        def process(slot):
            sb, db, wbx, _ = slot

            @plsc.parallel_loop(0, nblk, 1, unroll=4)
            def blk(b):
                s16 = sb[pl.ds(b * 16, 16)]
                d16 = db[pl.ds(b * 16, 16)]
                if weighted:
                    w16 = wbx[pl.ds(b * 16, 16)]
                for r in range(_RPT):
                    p = plsc.load_gather(xpk, [s16 + (r * _NP)])
                    lo, hi = _unpack_pair(p)
                    if weighted:
                        lo = lo * w16
                        hi = hi * w16
                    plsc.addupdate_scatter(acc, [d16 + (r * _NP)], lo)
                    plsc.addupdate_scatter(acc, [d16 + ((r + _RPT) * _NP)], hi)

        fire(0, slots[0])

        def chunk2(cj, carry):
            ci0 = cj * 2
            fire(ci0 + 1, slots[1])
            drain(slots[0])
            process(slots[0])

            @pl.when(ci0 + 2 < nchunk)
            def _():
                fire(ci0 + 2, slots[0])
            drain(slots[1])
            process(slots[1])
            return carry
        lax.fori_loop(0, nchunk // 2, chunk2, 0)

        for r in range(_RPT):
            pltpu.sync_copy(acc.at[pl.ds(r * _NP, _NP)],
                            aggT.at[_RPT * wid + r])
            pltpu.sync_copy(acc.at[pl.ds((r + _RPT) * _NP, _NP)],
                            aggT.at[_PK + _RPT * wid + r])

    mesh = plsc.VectorSubcoreMesh(core_axis_name="c", subcore_axis_name="s",
                                  num_cores=2, num_subcores=16)
    return pl.kernel(
        body, out_type=out_type, mesh=mesh, scratch_types=scratch,
        compiler_params=pltpu.CompilerParams(needs_layout_passes=False))


_spmm_plain = _make_spmm(weighted=False)
_spmm_w = _make_spmm(weighted=True)

_SD = 2000
_DBLK = _SD // 16
_DCH = _E // _SD


def _deg_body(dst, deg_out, degv, db0, db1, sem0, sem1, shdegs, tmpv, dsumv):
    c = lax.axis_index("c")
    s = lax.axis_index("s")
    zeros = jnp.zeros((16,), jnp.float32)
    ones = jnp.ones((16,), jnp.float32)

    def zdeg(i, carry):
        degv[pl.ds(i * 16, 16)] = zeros
        return carry
    lax.fori_loop(0, _NP // 16, zdeg, 0)

    base_c = s * 5
    slots = ((db0, sem0), (db1, sem1))

    def fire(ci, slot):
        db, sm = slot
        pltpu.async_copy(dst.at[pl.ds(ci * _SD, _SD)], db, sm)

    def drain(slot):
        db, sm = slot
        pltpu.make_async_copy(dst.at[pl.ds(0, _SD)], db, sm).wait()

    def process(slot):
        db, _ = slot

        @plsc.parallel_loop(0, _DBLK, 1, unroll=4)
        def blk(b):
            d16 = db[pl.ds(b * 16, 16)]
            plsc.addupdate_scatter(degv, [d16], ones)

    fire(base_c, slots[0])
    for k in range(5):
        slot = slots[k % 2]
        nxt = slots[(k + 1) % 2]
        if k < 4:
            fire(base_c + k + 1, nxt)
        drain(slot)
        process(slot)

    pltpu.sync_copy(degv, shdegs.at[s])
    plsc.subcore_barrier()

    @pl.when(c == 0)
    def _():
        base = s * _SEG

        def zsum(i, carry):
            dsumv[pl.ds(i * 16, 16)] = zeros
            return carry
        lax.fori_loop(0, _SEG // 16, zsum, 0)

        def addrow(j, carry):
            pltpu.sync_copy(shdegs.at[j, pl.ds(base, _SEG)], tmpv)

            def addblk(bb, bcarry):
                sl = pl.ds(bb * 16, 16)
                dsumv[sl] = dsumv[sl] + tmpv[sl]
                return bcarry
            lax.fori_loop(0, _SEG // 16, addblk, 0)
            return carry
        lax.fori_loop(0, 16, addrow, 0)
        pltpu.sync_copy(dsumv, deg_out.at[pl.ds(base, _SEG)])


_deg_kernel = pl.kernel(
    _deg_body,
    out_type=[jax.ShapeDtypeStruct((_NP,), jnp.float32)],
    mesh=plsc.VectorSubcoreMesh(core_axis_name="c", subcore_axis_name="s",
                                num_cores=2, num_subcores=16),
    scratch_types=[
        pltpu.VMEM((_NP,), jnp.float32),
        pltpu.VMEM((_SD,), jnp.int32),
        pltpu.VMEM((_SD,), jnp.int32),
        pltpu.SemaphoreType.DMA,
        pltpu.SemaphoreType.DMA,
        pltpu.VMEM_SHARED((16, _NP), jnp.float32),
        pltpu.VMEM((_SEG,), jnp.float32),
        pltpu.VMEM((_SEG,), jnp.float32),
    ],
    compiler_params=pltpu.CompilerParams(needs_layout_passes=False))

_BN = 512


def _dense1_body(xT_ref, aggT_ref, deg_ref, Ws_ref, Wn_ref, b_ref,
                 hT_ref, hpk_ref):
    xTb = xT_ref[...]
    self_t = lax.dot_general(
        Ws_ref[...], xTb, (((0,), (0,)), ((), ())),
        preferred_element_type=jnp.float32)
    neigh_t = lax.dot_general(
        Wn_ref[...], aggT_ref[...], (((0,), (0,)), ((), ())),
        preferred_element_type=jnp.float32)
    rdeg = 1.0 / jnp.maximum(deg_ref[...], 1.0)
    o = jnp.maximum(xTb + self_t + b_ref[...] + rdeg * neigh_t, 0.0)
    hT_ref[...] = o
    ob = o.astype(jnp.bfloat16)
    lo = lax.bitcast_convert_type(ob[:_PK], jnp.uint16).astype(jnp.int32)
    hi = lax.bitcast_convert_type(ob[_PK:], jnp.uint16).astype(jnp.int32)
    hpk_ref[...] = lax.bitwise_or(lax.shift_left(hi, 16), lo)


_dense1 = pl.pallas_call(
    _dense1_body,
    grid=(_NP // _BN,),
    in_specs=[
        pl.BlockSpec((_D, _BN), lambda i: (0, i)),
        pl.BlockSpec((_D, _BN), lambda i: (0, i)),
        pl.BlockSpec((1, _BN), lambda i: (0, i)),
        pl.BlockSpec((_D, _D), lambda i: (0, 0)),
        pl.BlockSpec((_D, _D), lambda i: (0, 0)),
        pl.BlockSpec((_D, 1), lambda i: (0, 0)),
    ],
    out_specs=[
        pl.BlockSpec((_D, _BN), lambda i: (0, i)),
        pl.BlockSpec((_PK, _BN), lambda i: (0, i)),
    ],
    out_shape=[
        jax.ShapeDtypeStruct((_D, _NP), jnp.float32),
        jax.ShapeDtypeStruct((_PK, _NP), jnp.int32),
    ],
)


def _dense2_body(hT_ref, aggT_ref, deg_ref, Ws_ref, Wn_ref, b_ref, out_ref):
    self_part = lax.dot_general(
        hT_ref[...], Ws_ref[...], (((0,), (0,)), ((), ())),
        preferred_element_type=jnp.float32)
    neigh = lax.dot_general(
        aggT_ref[...], Wn_ref[...], (((0,), (0,)), ((), ())),
        preferred_element_type=jnp.float32)
    rdeg = 1.0 / jnp.maximum(deg_ref[...], 1.0)
    out_ref[...] = self_part + b_ref[...] + rdeg * neigh


_dense2 = pl.pallas_call(
    _dense2_body,
    grid=(_NP // _BN,),
    in_specs=[
        pl.BlockSpec((_D, _BN), lambda i: (0, i)),
        pl.BlockSpec((_D, _BN), lambda i: (0, i)),
        pl.BlockSpec((_BN, 1), lambda i: (i, 0)),
        pl.BlockSpec((_D, _D), lambda i: (0, 0)),
        pl.BlockSpec((_D, _D), lambda i: (0, 0)),
        pl.BlockSpec((1, _D), lambda i: (0, 0)),
    ],
    out_specs=pl.BlockSpec((_BN, _D), lambda i: (i, 0)),
    out_shape=jax.ShapeDtypeStruct((_N, _D), jnp.float32),
)


def _pack_pairs_T(mT):
    mb = mT.astype(jnp.bfloat16)
    lo = lax.bitcast_convert_type(mb[:_PK], jnp.uint16).astype(jnp.int32)
    hi = lax.bitcast_convert_type(mb[_PK:], jnp.uint16).astype(jnp.int32)
    return lax.bitwise_or(lax.shift_left(hi, 16), lo)


def kernel(in_feat, edge_index, edge_weights, W_self0, b0, W_neigh0,
           W_self1, b1, W_neigh1):
    src = edge_index[0]
    dst = edge_index[1]
    xT = jnp.pad(in_feat, ((0, _NP - _N), (0, 0))).T
    xpk = _pack_pairs_T(xT)
    [deg] = _deg_kernel(dst)
    [aggT1] = _spmm_plain(xpk, src, dst)
    hT, hpk = _dense1(xT, aggT1, deg.reshape(1, _NP), W_self0, W_neigh0,
                      b0.reshape(_D, 1))
    [aggT2] = _spmm_w(hpk, src, dst, edge_weights)
    out = _dense2(hT, aggT2, deg.reshape(_NP, 1), W_self1, W_neigh1,
                  b1.reshape(1, _D))
    return out

# --- scband reference (transcript-rebuilt; emitter-appended) ---
"""Pipeline reference for scband-graph-sage-54116587929921 (READ-ONLY COPY).

The authoritative reference and input builder live on the scoring server;
editing this copy changes nothing except your own understanding.
"""

import jax, jax.numpy as jnp
import numpy as np

N = 10000
E = 160000
D = 256
H = 256


def setup_inputs(seed: int = 0) -> dict:
    key = jax.random.key(seed)
    ks = jax.random.split(key, 10)
    x = jax.random.normal(ks[0], (N, D), dtype=jnp.float32)
    edge_index = jax.random.randint(ks[1], (2, E), 0, N, dtype=jnp.int32)
    edge_weights = jax.random.uniform(ks[2], (E,), dtype=jnp.float32)
    s = 0.05
    W_self0 = jax.random.normal(ks[3], (D, H), dtype=jnp.float32) * s
    b0 = jnp.zeros((H,), dtype=jnp.float32)
    W_neigh0 = jax.random.normal(ks[4], (D, H), dtype=jnp.float32) * s
    W_self1 = jax.random.normal(ks[5], (H, H), dtype=jnp.float32) * s
    b1 = jnp.zeros((H,), dtype=jnp.float32)
    W_neigh1 = jax.random.normal(ks[6], (H, H), dtype=jnp.float32) * s
    return {
        "in_feat": x,
        "edge_index": edge_index,
        "edge_weights": edge_weights,
        "W_self0": W_self0,
        "b0": b0,
        "W_neigh0": W_neigh0,
        "W_self1": W_self1,
        "b1": b1,
        "W_neigh1": W_neigh1,
    }


def _sage_conv_mean(x, src, dst, W_self, b_self, W_neigh, edge_weight):
    # DGL SAGEConv(aggregator='mean'): h_neigh = mean over incoming edges of
    # (h_src * w); out = fc_self(h_self) + fc_neigh(h_neigh)
    msgs = x[src]
    if edge_weight is not None:
        msgs = msgs * edge_weight[:, None]
    agg = jax.ops.segment_sum(msgs, dst, num_segments=N)
    deg = jax.ops.segment_sum(jnp.ones((src.shape[0],), jnp.float32), dst, num_segments=N)
    h_neigh = agg / jnp.clip(deg, 1.0, None)[:, None]
    return x @ W_self + b_self + h_neigh @ W_neigh


def reference(in_feat, edge_index, edge_weights, W_self0, b0, W_neigh0, W_self1, b1, W_neigh1):
    src = edge_index[0]
    dst = edge_index[1]
    h = in_feat
    # layers[:-1]: no edge weights, residual + relu
    h_old = h
    h1 = _sage_conv_mean(h, src, dst, W_self0, b0, W_neigh0, None)
    h = h1.reshape(h1.shape[0], -1)
    h = h + h_old  # residual=True (in_feats == h_feats)
    h = jax.nn.relu(h)
    # final layer uses edge_weights
    out = _sage_conv_mean(h, src, dst, W_self1, b1, W_neigh1, edge_weights)
    return out

if __name__ == "__main__":
    import jax
    _d = setup_inputs()
    print(jax.jit(kernel)(*tuple(_d.values())))

</pallas_src>

<mosaic_0001>
#map = affine_map<(d0, d1) -> (0, 0)>
#map1 = affine_map<(d0, d1) -> (0)>
module attributes {stable_mosaic.version = 14 : i64} {
  func.func @body(%arg0: i32, %arg1: i32, %arg2: memref<128x10240xi32, #tpu.memory_space<hbm>>, %arg3: memref<160000xi32, #tpu.memory_space<hbm>>, %arg4: memref<160000xi32, #tpu.memory_space<hbm>>, %arg5: memref<256x10240xf32, #tpu.memory_space<hbm>>, %arg6: memref<40960xi32, #tpu.memory_space<vmem>>, %arg7: memref<81920xf32, #tpu.memory_space<vmem>>, %arg8: memref<1600xi32, #tpu.memory_space<vmem>>, %arg9: memref<1600xi32, #tpu.memory_space<vmem>>, %arg10: memref<1600xi32, #tpu.memory_space<vmem>>, %arg11: memref<1600xi32, #tpu.memory_space<vmem>>, %arg12: memref<!tpu.dma_semaphore, #tpu.memory_space<semaphore_mem>>, %arg13: memref<!tpu.dma_semaphore, #tpu.memory_space<semaphore_mem>>) attributes {dimension_semantics = [#tpu.dimension_semantics<core_parallel>, #tpu.dimension_semantics<subcore_parallel>], iteration_bounds = array<i64: 2, 16>, scalar_prefetch = 0 : i64, scratch_operands = 8 : i64, tpu.core_type = #tpu.core_type<sc_vector_subcore>, window_params = [{transform_indices = #map}, {transform_indices = #map1}, {transform_indices = #map1}, {transform_indices = #map}]} {
    %mul3A = arith.constant 2 : i32
    %mul3A_0 = arith.muli %arg1, %mul3A : i32
    %add3A = arith.addi %mul3A_0, %arg0 : i32
    %broadcast_in_dim3A = arith.constant 0.000000e+00 : f32
    %broadcast_in_dim3A_1 = vector.broadcast %broadcast_in_dim3A : f32 to vector<16xf32>
    %mul3A_2 = arith.constant 4 : i32
    %mul3A_3 = arith.muli %mul3A_2, %add3A : i32
    %add3A_4 = arith.constant 0 : i32
    %add3A_5 = arith.addi %mul3A_3, %add3A_4 : i32
    "tpu.region"() ({
      %run_scoped3A = tpu.sem_alloc : memref<!tpu.dma_semaphore, #tpu.memory_space<semaphore_mem>>
      %dma_start3A_76 = arith.constant 0 : i32
      %dma_start3A_77 = tpu.memref_slice %arg6[%dma_start3A_76] : memref<40960xi32, #tpu.memory_space<vmem>> -> memref<10240xi32, #tpu.memory_space<vmem>>
      %dma_start3A_78 = arith.constant 0 : i32
      %dma_start3A_79 = tpu.memref_slice %arg2[%add3A_5, %dma_start3A_78] : memref<128x10240xi32, #tpu.memory_space<hbm>> -> memref<1x10240xi32, #tpu.memory_space<hbm>>
      %dma_start3A_80 = tpu.memref_squeeze %dma_start3A_79 : memref<1x10240xi32, #tpu.memory_space<hbm>> -> memref<10240xi32, #tpu.memory_space<hbm>>
      %dma_start3A_81 = arith.constant 0 : i32
      %dma_start3A_82 = tpu.memref_slice %arg6[%dma_start3A_81] : memref<40960xi32, #tpu.memory_space<vmem>> -> memref<10240xi32, #tpu.memory_space<vmem>>
      %dma_start3A_83 = arith.constant 0 : i32
      %dma_start3A_84 = tpu.memref_slice %arg2[%add3A_5, %dma_start3A_83] : memref<128x10240xi32, #tpu.memory_space<hbm>> -> memref<1x10240xi32, #tpu.memory_space<hbm>>
      %dma_start3A_85 = tpu.memref_squeeze %dma_start3A_84 : memref<1x10240xi32, #tpu.memory_space<hbm>> -> memref<10240xi32, #tpu.memory_space<hbm>>
      tpu.enqueue_dma source(%dma_start3A_85 : memref<10240xi32, #tpu.memory_space<hbm>>) target(%dma_start3A_82 : memref<10240xi32, #tpu.memory_space<vmem>>) target_semaphore(%run_scoped3A : memref<!tpu.dma_semaphore, #tpu.memory_space<semaphore_mem>>)
      %dma_wait3A = arith.constant 0 : i32
      %dma_wait3A_86 = tpu.memref_slice %arg6[%dma_wait3A] : memref<40960xi32, #tpu.memory_space<vmem>> -> memref<10240xi32, #tpu.memory_space<vmem>>
      %dma_wait3A_87 = arith.constant 0 : i32
      %dma_wait3A_88 = tpu.memref_slice %arg2[%add3A_5, %dma_wait3A_87] : memref<128x10240xi32, #tpu.memory_space<hbm>> -> memref<1x10240xi32, #tpu.memory_space<hbm>>
      %dma_wait3A_89 = tpu.memref_squeeze %dma_wait3A_88 : memref<1x10240xi32, #tpu.memory_space<hbm>> -> memref<10240xi32, #tpu.memory_space<hbm>>
      %dma_wait3A_90 = arith.constant 0 : i32
      %dma_wait3A_91 = tpu.memref_slice %arg6[%dma_wait3A_90] : memref<40960xi32, #tpu.memory_space<vmem>> -> memref<10240xi32, #tpu.memory_space<vmem>>
      %dma_wait3A_92 = arith.constant 0 : i32
      %dma_wait3A_93 = tpu.memref_slice %arg2[%add3A_5, %dma_wait3A_92] : memref<128x10240xi32, #tpu.memory_space<hbm>> -> memref<1x10240xi32, #tpu.memory_space<hbm>>
      %dma_wait3A_94 = tpu.memref_squeeze %dma_wait3A_93 : memref<1x10240xi32, #tpu.memory_space<hbm>> -> memref<10240xi32, #tpu.memory_space<hbm>>
      tpu.wait_dma2 semaphore(%run_scoped3A : memref<!tpu.dma_semaphore, #tpu.memory_space<semaphore_mem>>) src(%dma_wait3A_94 : memref<10240xi32, #tpu.memory_space<hbm>>) dst(%dma_wait3A_91 : memref<10240xi32, #tpu.memory_space<vmem>>)
      tpu.yield
    }) : () -> ()
    %mul3A_6 = arith.constant 4 : i32
    %mul3A_7 = arith.muli %mul3A_6, %add3A : i32
    %add3A_8 = arith.constant 1 : i32
    %add3A_9 = arith.addi %mul3A_7, %add3A_8 : i32
    "tpu.region"() ({
      %run_scoped3A = tpu.sem_alloc : memref<!tpu.dma_semaphore, #tpu.memory_space<semaphore_mem>>
      %dma_start3A_76 = arith.constant 10240 : i32
      %dma_start3A_77 = tpu.memref_slice %arg6[%dma_start3A_76] : memref<40960xi32, #tpu.memory_space<vmem>> -> memref<10240xi32, #tpu.memory_space<vmem>>
      %dma_start3A_78 = arith.constant 0 : i32
      %dma_start3A_79 = tpu.memref_slice %arg2[%add3A_9, %dma_start3A_78] : memref<128x10240xi32, #tpu.memory_space<hbm>> -> memref<1x10240xi32, #tpu.memory_space<hbm>>
      %dma_start3A_80 = tpu.memref_squeeze %dma_start3A_79 : memref<1x10240xi32, #tpu.memory_space<hbm>> -> memref<10240xi32, #tpu.memory_space<hbm>>
      %dma_start3A_81 = arith.constant 10240 : i32
      %dma_start3A_82 = tpu.memref_slice %arg6[%dma_start3A_81] : memref<40960xi32, #tpu.memory_space<vmem>> -> memref<10240xi32, #tpu.memory_space<vmem>>
      %dma_start3A_83 = arith.constant 0 : i32
      %dma_start3A_84 = tpu.memref_slice %arg2[%add3A_9, %dma_start3A_83] : memref<128x10240xi32, #tpu.memory_space<hbm>> -> memref<1x10240xi32, #tpu.memory_space<hbm>>
      %dma_start3A_85 = tpu.memref_squeeze %dma_start3A_84 : memref<1x10240xi32, #tpu.memory_space<hbm>> -> memref<10240xi32, #tpu.memory_space<hbm>>
      tpu.enqueue_dma source(%dma_start3A_85 : memref<10240xi32, #tpu.memory_space<hbm>>) target(%dma_start3A_82 : memref<10240xi32, #tpu.memory_space<vmem>>) target_semaphore(%run_scoped3A : memref<!tpu.dma_semaphore, #tpu.memory_space<semaphore_mem>>)
      %dma_wait3A = arith.constant 10240 : i32
      %dma_wait3A_86 = tpu.memref_slice %arg6[%dma_wait3A] : memref<40960xi32, #tpu.memory_space<vmem>> -> memref<10240xi32, #tpu.memory_space<vmem>>
      %dma_wait3A_87 = arith.constant 0 : i32
      %dma_wait3A_88 = tpu.memref_slice %arg2[%add3A_9, %dma_wait3A_87] : memref<128x10240xi32, #tpu.memory_space<hbm>> -> memref<1x10240xi32, #tpu.memory_space<hbm>>
      %dma_wait3A_89 = tpu.memref_squeeze %dma_wait3A_88 : memref<1x10240xi32, #tpu.memory_space<hbm>> -> memref<10240xi32, #tpu.memory_space<hbm>>
      %dma_wait3A_90 = arith.constant 10240 : i32
      %dma_wait3A_91 = tpu.memref_slice %arg6[%dma_wait3A_90] : memref<40960xi32, #tpu.memory_space<vmem>> -> memref<10240xi32, #tpu.memory_space<vmem>>
      %dma_wait3A_92 = arith.constant 0 : i32
      %dma_wait3A_93 = tpu.memref_slice %arg2[%add3A_9, %dma_wait3A_92] : memref<128x10240xi32, #tpu.memory_space<hbm>> -> memref<1x10240xi32, #tpu.memory_space<hbm>>
      %dma_wait3A_94 = tpu.memref_squeeze %dma_wait3A_93 : memref<1x10240xi32, #tpu.memory_space<hbm>> -> memref<10240xi32, #tpu.memory_space<hbm>>
      tpu.wait_dma2 semaphore(%run_scoped3A : memref<!tpu.dma_semaphore, #tpu.memory_space<semaphore_mem>>) src(%dma_wait3A_94 : memref<10240xi32, #tpu.memory_space<hbm>>) dst(%dma_wait3A_91 : memref<10240xi32, #tpu.memory_space<vmem>>)
      tpu.yield
    }) : () -> ()
    %mul3A_10 = arith.constant 4 : i32
    %mul3A_11 = arith.muli %mul3A_10, %add3A : i32
    %add3A_12 = arith.constant 2 : i32
    %add3A_13 = arith.addi %mul3A_11, %add3A_12 : i32
    "tpu.region"() ({
      %run_scoped3A = tpu.sem_alloc : memref<!tpu.dma_semaphore, #tpu.memory_space<semaphore_mem>>
      %dma_start3A_76 = arith.constant 20480 : i32
      %dma_start3A_77 = tpu.memref_slice %arg6[%dma_start3A_76] : memref<40960xi32, #tpu.memory_space<vmem>> -> memref<10240xi32, #tpu.memory_space<vmem>>
      %dma_start3A_78 = arith.constant 0 : i32
      %dma_start3A_79 = tpu.memref_slice %arg2[%add3A_13, %dma_start3A_78] : memref<128x10240xi32, #tpu.memory_space<hbm>> -> memref<1x10240xi32, #tpu.memory_space<hbm>>
      %dma_start3A_80 = tpu.memref_squeeze %dma_start3A_79 : memref<1x10240xi32, #tpu.memory_space<hbm>> -> memref<10240xi32, #tpu.memory_space<hbm>>
      %dma_start3A_81 = arith.constant 20480 : i32
      %dma_start3A_82 = tpu.memref_slice %arg6[%dma_start3A_81] : memref<40960xi32, #tpu.memory_space<vmem>> -> memref<10240xi32, #tpu.memory_space<vmem>>
      %dma_start3A_83 = arith.constant 0 : i32
      %dma_start3A_84 = tpu.memref_slice %arg2[%add3A_13, %dma_start3A_83] : memref<128x10240xi32, #tpu.memory_space<hbm>> -> memref<1x10240xi32, #tpu.memory_space<hbm>>
      %dma_start3A_85 = tpu.memref_squeeze %dma_start3A_84 : memref<1x10240xi32, #tpu.memory_space<hbm>> -> memref<10240xi32, #tpu.memory_space<hbm>>
      tpu.enqueue_dma source(%dma_start3A_85 : memref<10240xi32, #tpu.memory_space<hbm>>) target(%dma_start3A_82 : memref<10240xi32, #tpu.memory_space<vmem>>) target_semaphore(%run_scoped3A : memref<!tpu.dma_semaphore, #tpu.memory_space<semaphore_mem>>)
      %dma_wait3A = arith.constant 20480 : i32
      %dma_wait3A_86 = tpu.memref_slice %arg6[%dma_wait3A] : memref<40960xi32, #tpu.memory_space<vmem>> -> memref<10240xi32, #tpu.memory_space<vmem>>
      %dma_wait3A_87 = arith.constant 0 : i32
      %dma_wait3A_88 = tpu.memref_slice %arg2[%add3A_13, %dma_wait3A_87] : memref<128x10240xi32, #tpu.memory_space<hbm>> -> memref<1x10240xi32, #tpu.memory_space<hbm>>
      %dma_wait3A_89 = tpu.memref_squeeze %dma_wait3A_88 : memref<1x10240xi32, #tpu.memory_space<hbm>> -> memref<10240xi32, #tpu.memory_space<hbm>>
      %dma_wait3A_90 = arith.constant 20480 : i32
      %dma_wait3A_91 = tpu.memref_slice %arg6[%dma_wait3A_90] : memref<40960xi32, #tpu.memory_space<vmem>> -> memref<10240xi32, #tpu.memory_space<vmem>>
      %dma_wait3A_92 = arith.constant 0 : i32
      %dma_wait3A_93 = tpu.memref_slice %arg2[%add3A_13, %dma_wait3A_92] : memref<128x10240xi32, #tpu.memory_space<hbm>> -> memref<1x10240xi32, #tpu.memory_space<hbm>>
      %dma_wait3A_94 = tpu.memref_squeeze %dma_wait3A_93 : memref<1x10240xi32, #tpu.memory_space<hbm>> -> memref<10240xi32, #tpu.memory_space<hbm>>
      tpu.wait_dma2 semaphore(%run_scoped3A : memref<!tpu.dma_semaphore, #tpu.memory_space<semaphore_mem>>) src(%dma_wait3A_94 : memref<10240xi32, #tpu.memory_space<hbm>>) dst(%dma_wait3A_91 : memref<10240xi32, #tpu.memory_space<vmem>>)
      tpu.yield
    }) : () -> ()
    %mul3A_14 = arith.constant 4 : i32
    %mul3A_15 = arith.muli %mul3A_14, %add3A : i32
    %add3A_16 = arith.constant 3 : i32
    %add3A_17 = arith.addi %mul3A_15, %add3A_16 : i32
    "tpu.region"() ({
      %run_scoped3A = tpu.sem_alloc : memref<!tpu.dma_semaphore, #tpu.memory_space<semaphore_mem>>
      %dma_start3A_76 = arith.constant 30720 : i32
      %dma_start3A_77 = tpu.memref_slice %arg6[%dma_start3A_76] : memref<40960xi32, #tpu.memory_space<vmem>> -> memref<10240xi32, #tpu.memory_space<vmem>>
      %dma_start3A_78 = arith.constant 0 : i32
      %dma_start3A_79 = tpu.memref_slice %arg2[%add3A_17, %dma_start3A_78] : memref<128x10240xi32, #tpu.memory_space<hbm>> -> memref<1x10240xi32, #tpu.memory_space<hbm>>
      %dma_start3A_80 = tpu.memref_squeeze %dma_start3A_79 : memref<1x10240xi32, #tpu.memory_space<hbm>> -> memref<10240xi32, #tpu.memory_space<hbm>>
      %dma_start3A_81 = arith.constant 30720 : i32
      %dma_start3A_82 = tpu.memref_slice %arg6[%dma_start3A_81] : memref<40960xi32, #tpu.memory_space<vmem>> -> memref<10240xi32, #tpu.memory_space<vmem>>
      %dma_start3A_83 = arith.constant 0 : i32
      %dma_start3A_84 = tpu.memref_slice %arg2[%add3A_17, %dma_start3A_83] : memref<128x10240xi32, #tpu.memory_space<hbm>> -> memref<1x10240xi32, #tpu.memory_space<hbm>>
      %dma_start3A_85 = tpu.memref_squeeze %dma_start3A_84 : memref<1x10240xi32, #tpu.memory_space<hbm>> -> memref<10240xi32, #tpu.memory_space<hbm>>
      tpu.enqueue_dma source(%dma_start3A_85 : memref<10240xi32, #tpu.memory_space<hbm>>) target(%dma_start3A_82 : memref<10240xi32, #tpu.memory_space<vmem>>) target_semaphore(%run_scoped3A : memref<!tpu.dma_semaphore, #tpu.memory_space<semaphore_mem>>)
      %dma_wait3A = arith.constant 30720 : i32
      %dma_wait3A_86 = tpu.memref_slice %arg6[%dma_wait3A] : memref<40960xi32, #tpu.memory_space<vmem>> -> memref<10240xi32, #tpu.memory_space<vmem>>
      %dma_wait3A_87 = arith.constant 0 : i32
      %dma_wait3A_88 = tpu.memref_slice %arg2[%add3A_17, %dma_wait3A_87] : memref<128x10240xi32, #tpu.memory_space<hbm>> -> memref<1x10240xi32, #tpu.memory_space<hbm>>
      %dma_wait3A_89 = tpu.memref_squeeze %dma_wait3A_88 : memref<1x10240xi32, #tpu.memory_space<hbm>> -> memref<10240xi32, #tpu.memory_space<hbm>>
      %dma_wait3A_90 = arith.constant 30720 : i32
      %dma_wait3A_91 = tpu.memref_slice %arg6[%dma_wait3A_90] : memref<40960xi32, #tpu.memory_space<vmem>> -> memref<10240xi32, #tpu.memory_space<vmem>>
      %dma_wait3A_92 = arith.constant 0 : i32
      %dma_wait3A_93 = tpu.memref_slice %arg2[%add3A_17, %dma_wait3A_92] : memref<128x10240xi32, #tpu.memory_space<hbm>> -> memref<1x10240xi32, #tpu.memory_space<hbm>>
      %dma_wait3A_94 = tpu.memref_squeeze %dma_wait3A_93 : memref<1x10240xi32, #tpu.memory_space<hbm>> -> memref<10240xi32, #tpu.memory_space<hbm>>
      tpu.wait_dma2 semaphore(%run_scoped3A : memref<!tpu.dma_semaphore, #tpu.memory_space<semaphore_mem>>) src(%dma_wait3A_94 : memref<10240xi32, #tpu.memory_space<hbm>>) dst(%dma_wait3A_91 : memref<10240xi32, #tpu.memory_space<vmem>>)
      tpu.yield
    }) : () -> ()
    %scan3A = arith.constant 0 : i32
    %scan3A_18 = arith.constant 0 : i32
    %scan3A_19 = arith.constant 5120 : i32
    %scan3A_20 = arith.addi %scan3A_18, %scan3A_19 : i32
    %scan3A_21 = arith.constant 1 : i32
    scf.for %scan3A_76 = %scan3A_18 to %scan3A_20 step %scan3A_21  : i32 {
      %mul3A_77 = arith.constant 16 : i32
      %mul3A_78 = arith.muli %scan3A_76, %mul3A_77 : i32
      %swap3A = arith.index_cast %mul3A_78 : i32 to index
      %swap3A_79 = tpu.vector_load %arg7[%swap3A] {strides = array<i32>} : memref<81920xf32, #tpu.memory_space<vmem>>, vector<16xf32>,
      tpu.vector_store %arg7[%swap3A], %broadcast_in_dim3A_1 {strides = array<i32>} : memref<81920xf32, #tpu.memory_space<vmem>>, vector<16xf32>,
    }
    %scan3A_22 = arith.constant 5120 : i32
    %dma_start3A = arith.constant 0 : i32
    %dma_start3A_23 = tpu.memref_slice %arg3[%dma_start3A] : memref<160000xi32, #tpu.memory_space<hbm>> -> memref<1600xi32, #tpu.memory_space<hbm>>
    %dma_start3A_24 = arith.constant 0 : i32
    %dma_start3A_25 = tpu.memref_slice %arg3[%dma_start3A_24] : memref<160000xi32, #tpu.memory_space<hbm>> -> memref<1600xi32, #tpu.memory_space<hbm>>
    tpu.enqueue_dma source(%dma_start3A_25 : memref<1600xi32, #tpu.memory_space<hbm>>) target(%arg8 : memref<1600xi32, #tpu.memory_space<vmem>>) target_semaphore(%arg12 : memref<!tpu.dma_semaphore, #tpu.memory_space<semaphore_mem>>)
    %dma_start3A_26 = arith.constant 0 : i32
    %dma_start3A_27 = tpu.memref_slice %arg4[%dma_start3A_26] : memref<160000xi32, #tpu.memory_space<hbm>> -> memref<1600xi32, #tpu.memory_space<hbm>>
    %dma_start3A_28 = arith.constant 0 : i32
    %dma_start3A_29 = tpu.memref_slice %arg4[%dma_start3A_28] : memref<160000xi32, #tpu.memory_space<hbm>> -> memref<1600xi32, #tpu.memory_space<hbm>>
    tpu.enqueue_dma source(%dma_start3A_29 : memref<1600xi32, #tpu.memory_space<hbm>>) target(%arg9 : memref<1600xi32, #tpu.memory_space<vmem>>) target_semaphore(%arg12 : memref<!tpu.dma_semaphore, #tpu.memory_space<semaphore_mem>>)
    %scan3A_30 = arith.constant 0 : i32
    %scan3A_31 = arith.constant 0 : i32
    %scan3A_32 = arith.constant 50 : i32
    %scan3A_33 = arith.addi %scan3A_31, %scan3A_32 : i32
    %scan3A_34 = arith.constant 1 : i32
    scf.for %scan3A_76 = %scan3A_31 to %scan3A_33 step %scan3A_34  : i32 {
      %mul3A_77 = arith.constant 2 : i32
      %mul3A_78 = arith.muli %scan3A_76, %mul3A_77 : i32
      %add3A_79 = arith.constant 1 : i32
      %add3A_80 = arith.addi %mul3A_78, %add3A_79 : i32
      %mul3A_81 = arith.constant 1600 : i32
      %mul3A_82 = arith.muli %add3A_80, %mul3A_81 : i32
      %dma_start3A_83 = tpu.memref_slice %arg3[%mul3A_82] : memref<160000xi32, #tpu.memory_space<hbm>> -> memref<1600xi32, #tpu.memory_space<hbm>>
      %dma_start3A_84 = tpu.memref_slice %arg3[%mul3A_82] : memref<160000xi32, #tpu.memory_space<hbm>> -> memref<1600xi32, #tpu.memory_space<hbm>>
      tpu.enqueue_dma source(%dma_start3A_84 : memref<1600xi32, #tpu.memory_space<hbm>>) target(%arg10 : memref<1600xi32, #tpu.memory_space<vmem>>) target_semaphore(%arg13 : memref<!tpu.dma_semaphore, #tpu.memory_space<semaphore_mem>>)
      %mul3A_85 = arith.constant 1600 : i32
      %mul3A_86 = arith.muli %add3A_80, %mul3A_85 : i32
      %dma_start3A_87 = tpu.memref_slice %arg4[%mul3A_86] : memref<160000xi32, #tpu.memory_space<hbm>> -> memref<1600xi32, #tpu.memory_space<hbm>>
      %dma_start3A_88 = tpu.memref_slice %arg4[%mul3A_86] : memref<160000xi32, #tpu.memory_space<hbm>> -> memref<1600xi32, #tpu.memory_space<hbm>>
      tpu.enqueue_dma source(%dma_start3A_88 : memref<1600xi32, #tpu.memory_space<hbm>>) target(%arg11 : memref<1600xi32, #tpu.memory_space<vmem>>) target_semaphore(%arg13 : memref<!tpu.dma_semaphore, #tpu.memory_space<semaphore_mem>>)
      %dma_wait3A = arith.constant 0 : i32
      %dma_wait3A_89 = tpu.memref_slice %arg3[%dma_wait3A] : memref<160000xi32, #tpu.memory_space<hbm>> -> memref<1600xi32, #tpu.memory_space<hbm>>
      %dma_wait3A_90 = arith.constant 0 : i32
      %dma_wait3A_91 = tpu.memref_slice %arg3[%dma_wait3A_90] : memref<160000xi32, #tpu.memory_space<hbm>> -> memref<1600xi32, #tpu.memory_space<hbm>>
      tpu.wait_dma2 semaphore(%arg12 : memref<!tpu.dma_semaphore, #tpu.memory_space<semaphore_mem>>) src(%dma_wait3A_91 : memref<1600xi32, #tpu.memory_space<hbm>>) dst(%arg8 : memref<1600xi32, #tpu.memory_space<vmem>>)
      %dma_wait3A_92 = arith.constant 0 : i32
      %dma_wait3A_93 = tpu.memref_slice %arg4[%dma_wait3A_92] : memref<160000xi32, #tpu.memory_space<hbm>> -> memref<1600xi32, #tpu.memory_space<hbm>>
      %dma_wait3A_94 = arith.constant 0 : i32
      %dma_wait3A_95 = tpu.memref_slice %arg4[%dma_wait3A_94] : memref<160000xi32, #tpu.memory_space<hbm>> -> memref<1600xi32, #tpu.memory_space<hbm>>
      tpu.wait_dma2 semaphore(%arg12 : memref<!tpu.dma_semaphore, #tpu.memory_space<semaphore_mem>>) src(%dma_wait3A_95 : memref<1600xi32, #tpu.memory_space<hbm>>) dst(%arg9 : memref<1600xi32, #tpu.memory_space<vmem>>)
      %parallel_loop3A = arith.constant 0 : i32
      %parallel_loop3A_96 = arith.constant 100 : i32
      %parallel_loop3A_97 = arith.constant 1 : i32
      scf.for %parallel_loop3A_113 = %parallel_loop3A to %parallel_loop3A_96 step %parallel_loop3A_97  : i32 {
        %parallel_loop3A_114 = arith.constant 16 : i32
        %parallel_loop3A_115 = arith.muli %parallel_loop3A_113, %parallel_loop3A_114 : i32
        %parallel_loop3A_116 = arith.index_cast %parallel_loop3A_115 : i32 to index
        %parallel_loop3A_117 = tpu.vector_load %arg8[%parallel_loop3A_116] {strides = array<i32>} : memref<1600xi32, #tpu.memory_space<vmem>>, vector<16xi32>,
        %parallel_loop3A_118 = arith.constant 16 : i32
        %parallel_loop3A_119 = arith.muli %parallel_loop3A_113, %parallel_loop3A_118 : i32
        %parallel_loop3A_120 = arith.index_cast %parallel_loop3A_119 : i32 to index
        %parallel_loop3A_121 = tpu.vector_load %arg9[%parallel_loop3A_120] {strides = array<i32>} : memref<1600xi32, #tpu.memory_space<vmem>>, vector<16xi32>,
        %parallel_loop3A_122 = arith.constant 0 : i32
        %parallel_loop3A_123 = vector.broadcast %parallel_loop3A_122 : i32 to vector<16xi32>
        %parallel_loop3A_124 = arith.addi %parallel_loop3A_117, %parallel_loop3A_123 : vector<16xi32>
        %parallel_loop3A_125 = tpu.vector_load_idx %arg6[%parallel_loop3A_124] : memref<40960xi32, #tpu.memory_space<vmem>>[vector<16xi32>], vector<16xi32>,
        %parallel_loop3A_126 = arith.constant 16 : i32
        %parallel_loop3A_127 = vector.broadcast %parallel_loop3A_126 : i32 to vector<16xi32>
        %parallel_loop3A_128 = arith.shli %parallel_loop3A_125, %parallel_loop3A_127 : vector<16xi32>
        %parallel_loop3A_129 = vector.bitcast %parallel_loop3A_128 : vector<16xi32> to vector<16xf32>
        %parallel_loop3A_130 = arith.constant -65536 : i32
        %parallel_loop3A_131 = vector.broadcast %parallel_loop3A_130 : i32 to vector<16xi32>
        %parallel_loop3A_132 = arith.andi %parallel_loop3A_125, %parallel_loop3A_131 : vector<16xi32>
        %parallel_loop3A_133 = vector.bitcast %parallel_loop3A_132 : vector<16xi32> to vector<16xf32>
        %parallel_loop3A_134 = arith.constant 0 : i32
        %parallel_loop3A_135 = vector.broadcast %parallel_loop3A_134 : i32 to vector<16xi32>
        %parallel_loop3A_136 = arith.addi %parallel_loop3A_121, %parallel_loop3A_135 : vector<16xi32>
        tpu.vector_store_idx %arg7[%parallel_loop3A_136], %parallel_loop3A_129 {add = true} : memref<81920xf32, #tpu.memory_space<vmem>>[vector<16xi32>], vector<16xf32>,
        %parallel_loop3A_137 = arith.constant 40960 : i32
        %parallel_loop3A_138 = vector.broadcast %parallel_loop3A_137 : i32 to vector<16xi32>
        %parallel_loop3A_139 = arith.addi %parallel_loop3A_121, %parallel_loop3A_138 : vector<16xi32>
        tpu.vector_store_idx %arg7[%parallel_loop3A_139], %parallel_loop3A_133 {add = true} : memref<81920xf32, #tpu.memory_space<vmem>>[vector<16xi32>], vector<16xf32>,
        %parallel_loop3A_140 = arith.constant 10240 : i32
        %parallel_loop3A_141 = vector.broadcast %parallel_loop3A_140 : i32 to vector<16xi32>
        %parallel_loop3A_142 = arith.addi %parallel_loop3A_117, %parallel_loop3A_141 : vector<16xi32>
        %parallel_loop3A_143 = tpu.vector_load_idx %arg6[%parallel_loop3A_142] : memref<40960xi32, #tpu.memory_space<vmem>>[vector<16xi32>], vector<16xi32>,
        %parallel_loop3A_144 = arith.constant 16 : i32
        %parallel_loop3A_145 = vector.broadcast %parallel_loop3A_144 : i32 to vector<16xi32>
        %parallel_loop3A_146 = arith.shli %parallel_loop3A_143, %parallel_loop3A_145 : vector<16xi32>
        %parallel_loop3A_147 = vector.bitcast %parallel_loop3A_146 : vector<16xi32> to vector<16xf32>
        %parallel_loop3A_148 = arith.constant -65536 : i32
        %parallel_loop3A_149 = vector.broadcast %parallel_loop3A_148 : i32 to vector<16xi32>
        %parallel_loop3A_150 = arith.andi %parallel_loop3A_143, %parallel_loop3A_149 : vector<16xi32>
        %parallel_loop3A_151 = vector.bitcast %parallel_loop3A_150 : vector<16xi32> to vector<16xf32>
        %parallel_loop3A_152 = arith.constant 10240 : i32
        %parallel_loop3A_153 = vector.broadcast %parallel_loop3A_152 : i32 to vector<16xi32>
        %parallel_loop3A_154 = arith.addi %parallel_loop3A_121, %parallel_loop3A_153 : vector<16xi32>
        tpu.vector_store_idx %arg7[%parallel_loop3A_154], %parallel_loop3A_147 {add = true} : memref<81920xf32, #tpu.memory_space<vmem>>[vector<16xi32>], vector<16xf32>,
        %parallel_loop3A_155 = arith.constant 51200 : i32
        %parallel_loop3A_156 = vector.broadcast %parallel_loop3A_155 : i32 to vector<16xi32>
        %parallel_loop3A_157 = arith.addi %parallel_loop3A_121, %parallel_loop3A_156 : vector<16xi32>
        tpu.vector_store_idx %arg7[%parallel_loop3A_157], %parallel_loop3A_151 {add = true} : memref<81920xf32, #tpu.memory_space<vmem>>[vector<16xi32>], vector<16xf32>,
        %parallel_loop3A_158 = arith.constant 20480 : i32
        %parallel_loop3A_159 = vector.broadcast %parallel_loop3A_158 : i32 to vector<16xi32>
        %parallel_loop3A_160 = arith.addi %parallel_loop3A_117, %parallel_loop3A_159 : vector<16xi32>
        %parallel_loop3A_161 = tpu.vector_load_idx %arg6[%parallel_loop3A_160] : memref<40960xi32, #tpu.memory_space<vmem>>[vector<16xi32>], vector<16xi32>,
        %parallel_loop3A_162 = arith.constant 16 : i32
        %parallel_loop3A_163 = vector.broadcast %parallel_loop3A_162 : i32 to vector<16xi32>
        %parallel_loop3A_164 = arith.shli %parallel_loop3A_161, %parallel_loop3A_163 : vector<16xi32>
        %parallel_loop3A_165 = vector.bitcast %parallel_loop3A_164 : vector<16xi32> to vector<16xf32>
        %parallel_loop3A_166 = arith.constant -65536 : i32
        %parallel_loop3A_167 = vector.broadcast %parallel_loop3A_166 : i32 to vector<16xi32>
        %parallel_loop3A_168 = arith.andi %parallel_loop3A_161, %parallel_loop3A_167 : vector<16xi32>
        %parallel_loop3A_169 = vector.bitcast %parallel_loop3A_168 : vector<16xi32> to vector<16xf32>
        %parallel_loop3A_170 = arith.constant 20480 : i32
        %parallel_loop3A_171 = vector.broadcast %parallel_loop3A_170 : i32 to vector<16xi32>
        %parallel_loop3A_172 = arith.addi %parallel_loop3A_121, %parallel_loop3A_171 : vector<16xi32>
        tpu.vector_store_idx %arg7[%parallel_loop3A_172], %parallel_loop3A_165 {add = true} : memref<81920xf32, #tpu.memory_space<vmem>>[vector<16xi32>], vector<16xf32>,
        %parallel_loop3A_173 = arith.constant 61440 : i32
        %parallel_loop3A_174 = vector.broadcast %parallel_loop3A_173 : i32 to vector<16xi32>
        %parallel_loop3A_175 = arith.addi %parallel_loop3A_121, %parallel_loop3A_174 : vector<16xi32>
        tpu.vector_store_idx %arg7[%parallel_loop3A_175], %parallel_loop3A_169 {add = true} : memref<81920xf32, #tpu.memory_space<vmem>>[vector<16xi32>], vector<16xf32>,
        %parallel_loop3A_176 = arith.constant 30720 : i32
        %parallel_loop3A_177 = vector.broadcast %parallel_loop3A_176 : i32 to vector<16xi32>
        %parallel_loop3A_178 = arith.addi %parallel_loop3A_117, %parallel_loop3A_177 : vector<16xi32>
        %parallel_loop3A_179 = tpu.vector_load_idx %arg6[%parallel_loop3A_178] : memref<40960xi32, #tpu.memory_space<vmem>>[vector<16xi32>], vector<16xi32>,
        %parallel_loop3A_180 = arith.constant 16 : i32
        %parallel_loop3A_181 = vector.broadcast %parallel_loop3A_180 : i32 to vector<16xi32>
        %parallel_loop3A_182 = arith.shli %parallel_loop3A_179, %parallel_loop3A_181 : vector<16xi32>
        %parallel_loop3A_183 = vector.bitcast %parallel_loop3A_182 : vector<16xi32> to vector<16xf32>
        %parallel_loop3A_184 = arith.constant -65536 : i32
        %parallel_loop3A_185 = vector.broadcast %parallel_loop3A_184 : i32 to vector<16xi32>
        %parallel_loop3A_186 = arith.andi %parallel_loop3A_179, %parallel_loop3A_185 : vector<16xi32>
        %parallel_loop3A_187 = vector.bitcast %parallel_loop3A_186 : vector<16xi32> to vector<16xf32>
        %parallel_loop3A_188 = arith.constant 30720 : i32
        %parallel_loop3A_189 = vector.broadcast %parallel_loop3A_188 : i32 to vector<16xi32>
        %parallel_loop3A_190 = arith.addi %parallel_loop3A_121, %parallel_loop3A_189 : vector<16xi32>
        tpu.vector_store_idx %arg7[%parallel_loop3A_190], %parallel_loop3A_183 {add = true} : memref<81920xf32, #tpu.memory_space<vmem>>[vector<16xi32>], vector<16xf32>,
        %parallel_loop3A_191 = arith.constant 71680 : i32
        %parallel_loop3A_192 = vector.broadcast %parallel_loop3A_191 : i32 to vector<16xi32>
        %parallel_loop3A_193 = arith.addi %parallel_loop3A_121, %parallel_loop3A_192 : vector<16xi32>
        tpu.vector_store_idx %arg7[%parallel_loop3A_193], %parallel_loop3A_187 {add = true} : memref<81920xf32, #tpu.memory_space<vmem>>[vector<16xi32>], vector<16xf32>,
      } {sc.loop_unroll_factor = 4 : i64, sc.parallel_access}
      %add3A_98 = arith.constant 2 : i32
      %add3A_99 = arith.addi %mul3A_78, %add3A_98 : i32
      %lt3A = arith.constant 100 : i32
      %lt3A_100 = arith.cmpi slt, %add3A_99, %lt3A : i32
      %convert_element_type3A = arith.extui %lt3A_100 : i1 to i32
      %cond3A = arith.constant 0 : i32
      %cond3A_101 = arith.cmpi ne, %convert_element_type3A, %cond3A : i32
      scf.if %cond3A_101 {
        %add3A_113 = arith.constant 2 : i32
        %add3A_114 = arith.addi %mul3A_78, %add3A_113 : i32
        %mul3A_115 = arith.constant 1600 : i32
        %mul3A_116 = arith.muli %add3A_114, %mul3A_115 : i32
        %dma_start3A_117 = tpu.memref_slice %arg3[%mul3A_116] : memref<160000xi32, #tpu.memory_space<hbm>> -> memref<1600xi32, #tpu.memory_space<hbm>>
        %dma_start3A_118 = tpu.memref_slice %arg3[%mul3A_116] : memref<160000xi32, #tpu.memory_space<hbm>> -> memref<1600xi32, #tpu.memory_space<hbm>>
        tpu.enqueue_dma source(%dma_start3A_118 : memref<1600xi32, #tpu.memory_space<hbm>>) target(%arg8 : memref<1600xi32, #tpu.memory_space<vmem>>) target_semaphore(%arg12 : memref<!tpu.dma_semaphore, #tpu.memory_space<semaphore_mem>>)
        %mul3A_119 = arith.constant 1600 : i32
        %mul3A_120 = arith.muli %add3A_114, %mul3A_119 : i32
        %dma_start3A_121 = tpu.memref_slice %arg4[%mul3A_120] : memref<160000xi32, #tpu.memory_space<hbm>> -> memref<1600xi32, #tpu.memory_space<hbm>>
        %dma_start3A_122 = tpu.memref_slice %arg4[%mul3A_120] : memref<160000xi32, #tpu.memory_space<hbm>> -> memref<1600xi32, #tpu.memory_space<hbm>>
        tpu.enqueue_dma source(%dma_start3A_122 : memref<1600xi32, #tpu.memory_space<hbm>>) target(%arg9 : memref<1600xi32, #tpu.memory_space<vmem>>) target_semaphore(%arg12 : memref<!tpu.dma_semaphore, #tpu.memory_space<semaphore_mem>>)
      } else {
      }
      %dma_wait3A_102 = arith.constant 0 : i32
      %dma_wait3A_103 = tpu.memref_slice %arg3[%dma_wait3A_102] : memref<160000xi32, #tpu.memory_space<hbm>> -> memref<1600xi32, #tpu.memory_space<hbm>>
      %dma_wait3A_104 = arith.constant 0 : i32
      %dma_wait3A_105 = tpu.memref_slice %arg3[%dma_wait3A_104] : memref<160000xi32, #tpu.memory_space<hbm>> -> memref<1600xi32, #tpu.memory_space<hbm>>
      tpu.wait_dma2 semaphore(%arg13 : memref<!tpu.dma_semaphore, #tpu.memory_space<semaphore_mem>>) src(%dma_wait3A_105 : memref<1600xi32, #tpu.memory_space<hbm>>) dst(%arg10 : memref<1600xi32, #tpu.memory_space<vmem>>)
      %dma_wait3A_106 = arith.constant 0 : i32
      %dma_wait3A_107 = tpu.memref_slice %arg4[%dma_wait3A_106] : memref<160000xi32, #tpu.memory_space<hbm>> -> memref<1600xi32, #tpu.memory_space<hbm>>
      %dma_wait3A_108 = arith.constant 0 : i32
      %dma_wait3A_109 = tpu.memref_slice %arg4[%dma_wait3A_108] : memref<160000xi32, #tpu.memory_space<hbm>> -> memref<1600xi32, #tpu.memory_space<hbm>>
      tpu.wait_dma2 semaphore(%arg13 : memref<!tpu.dma_semaphore, #tpu.memory_space<semaphore_mem>>) src(%dma_wait3A_109 : memref<1600xi32, #tpu.memory_space<hbm>>) dst(%arg11 : memref<1600xi32, #tpu.memory_space<vmem>>)
      %parallel_loop3A_110 = arith.constant 0 : i32
      %parallel_loop3A_111 = arith.constant 100 : i32
      %parallel_loop3A_112 = arith.constant 1 : i32
      scf.for %parallel_loop3A_113 = %parallel_loop3A_110 to %parallel_loop3A_111 step %parallel_loop3A_112  : i32 {
        %parallel_loop3A_114 = arith.constant 16 : i32
        %parallel_loop3A_115 = arith.muli %parallel_loop3A_113, %parallel_loop3A_114 : i32
        %parallel_loop3A_116 = arith.index_cast %parallel_loop3A_115 : i32 to index
        %parallel_loop3A_117 = tpu.vector_load %arg10[%parallel_loop3A_116] {strides = array<i32>} : memref<1600xi32, #tpu.memory_space<vmem>>, vector<16xi32>,
        %parallel_loop3A_118 = arith.constant 16 : i32
        %parallel_loop3A_119 = arith.muli %parallel_loop3A_113, %parallel_loop3A_118 : i32
        %parallel_loop3A_120 = arith.index_cast %parallel_loop3A_119 : i32 to index
        %parallel_loop3A_121 = tpu.vector_load %arg11[%parallel_loop3A_120] {strides = array<i32>} : memref<1600xi32, #tpu.memory_space<vmem>>, vector<16xi32>,
        %parallel_loop3A_122 = arith.constant 0 : i32
        %parallel_loop3A_123 = vector.broadcast %parallel_loop3A_122 : i32 to vector<16xi32>
        %parallel_loop3A_124 = arith.addi %parallel_loop3A_117, %parallel_loop3A_123 : vector<16xi32>
        %parallel_loop3A_125 = tpu.vector_load_idx %arg6[%parallel_loop3A_124] : memref<40960xi32, #tpu.memory_space<vmem>>[vector<16xi32>], vector<16xi32>,
        %parallel_loop3A_126 = arith.constant 16 : i32
        %parallel_loop3A_127 = vector.broadcast %parallel_loop3A_126 : i32 to vector<16xi32>
        %parallel_loop3A_128 = arith.shli %parallel_loop3A_125, %parallel_loop3A_127 : vector<16xi32>
        %parallel_loop3A_129 = vector.bitcast %parallel_loop3A_128 : vector<16xi32> to vector<16xf32>
        %parallel_loop3A_130 = arith.constant -65536 : i32
        %parallel_loop3A_131 = vector.broadcast %parallel_loop3A_130 : i32 to vector<16xi32>
        %parallel_loop3A_132 = arith.andi %parallel_loop3A_125, %parallel_loop3A_131 : vector<16xi32>
        %parallel_loop3A_133 = vector.bitcast %parallel_loop3A_132 : vector<16xi32> to vector<16xf32>
        %parallel_loop3A_134 = arith.constant 0 : i32
        %parallel_loop3A_135 = vector.broadcast %parallel_loop3A_134 : i32 to vector<16xi32>
        %parallel_loop3A_136 = arith.addi %parallel_loop3A_121, %parallel_loop3A_135 : vector<16xi32>
        tpu.vector_store_idx %arg7[%parallel_loop3A_136], %parallel_loop3A_129 {add = true} : memref<81920xf32, #tpu.memory_space<vmem>>[vector<16xi32>], vector<16xf32>,
        %parallel_loop3A_137 = arith.constant 40960 : i32
        %parallel_loop3A_138 = vector.broadcast %parallel_loop3A_137 : i32 to vector<16xi32>
        %parallel_loop3A_139 = arith.addi %parallel_loop3A_121, %parallel_loop3A_138 : vector<16xi32>
        tpu.vector_store_idx %arg7[%parallel_loop3A_139], %parallel_loop3A_133 {add = true} : memref<81920xf32, #tpu.memory_space<vmem>>[vector<16xi32>], vector<16xf32>,
        %parallel_loop3A_140 = arith.constant 10240 : i32
        %parallel_loop3A_141 = vector.broadcast %parallel_loop3A_140 : i32 to vector<16xi32>
        %parallel_loop3A_142 = arith.addi %parallel_loop3A_117, %parallel_loop3A_141 : vector<16xi32>
        %parallel_loop3A_143 = tpu.vector_load_idx %arg6[%parallel_loop3A_142] : memref<40960xi32, #tpu.memory_space<vmem>>[vector<16xi32>], vector<16xi32>,
        %parallel_loop3A_144 = arith.constant 16 : i32
        %parallel_loop3A_145 = vector.broadcast %parallel_loop3A_144 : i32 to vector<16xi32>
        %parallel_loop3A_146 = arith.shli %parallel_loop3A_143, %parallel_loop3A_145 : vector<16xi32>
        %parallel_loop3A_147 = vector.bitcast %parallel_loop3A_146 : vector<16xi32> to vector<16xf32>
        %parallel_loop3A_148 = arith.constant -65536 : i32
        %parallel_loop3A_149 = vector.broadcast %parallel_loop3A_148 : i32 to vector<16xi32>
        %parallel_loop3A_150 = arith.andi %parallel_loop3A_143, %parallel_loop3A_149 : vector<16xi32>
        %parallel_loop3A_151 = vector.bitcast %parallel_loop3A_150 : vector<16xi32> to vector<16xf32>
        %parallel_loop3A_152 = arith.constant 10240 : i32
        %parallel_loop3A_153 = vector.broadcast %parallel_loop3A_152 : i32 to vector<16xi32>
        %parallel_loop3A_154 = arith.addi %parallel_loop3A_121, %parallel_loop3A_153 : vector<16xi32>
        tpu.vector_store_idx %arg7[%parallel_loop3A_154], %parallel_loop3A_147 {add = true} : memref<81920xf32, #tpu.memory_space<vmem>>[vector<16xi32>], vector<16xf32>,
        %parallel_loop3A_155 = arith.constant 51200 : i32
        %parallel_loop3A_156 = vector.broadcast %parallel_loop3A_155 : i32 to vector<16xi32>
        %parallel_loop3A_157 = arith.addi %parallel_loop3A_121, %parallel_loop3A_156 : vector<16xi32>
        tpu.vector_store_idx %arg7[%parallel_loop3A_157], %parallel_loop3A_151 {add = true} : memref<81920xf32, #tpu.memory_space<vmem>>[vector<16xi32>], vector<16xf32>,
        %parallel_loop3A_158 = arith.constant 20480 : i32
        %parallel_loop3A_159 = vector.broadcast %parallel_loop3A_158 : i32 to vector<16xi32>
        %parallel_loop3A_160 = arith.addi %parallel_loop3A_117, %parallel_loop3A_159 : vector<16xi32>
        %parallel_loop3A_161 = tpu.vector_load_idx %arg6[%parallel_loop3A_160] : memref<40960xi32, #tpu.memory_space<vmem>>[vector<16xi32>], vector<16xi32>,
        %parallel_loop3A_162 = arith.constant 16 : i32
        %parallel_loop3A_163 = vector.broadcast %parallel_loop3A_162 : i32 to vector<16xi32>
        %parallel_loop3A_164 = arith.shli %parallel_loop3A_161, %parallel_loop3A_163 : vector<16xi32>
        %parallel_loop3A_165 = vector.bitcast %parallel_loop3A_164 : vector<16xi32> to vector<16xf32>
        %parallel_loop3A_166 = arith.constant -65536 : i32
        %parallel_loop3A_167 = vector.broadcast %parallel_loop3A_166 : i32 to vector<16xi32>
        %parallel_loop3A_168 = arith.andi %parallel_loop3A_161, %parallel_loop3A_167 : vector<16xi32>
        %parallel_loop3A_169 = vector.bitcast %parallel_loop3A_168 : vector<16xi32> to vector<16xf32>
        %parallel_loop3A_170 = arith.constant 20480 : i32
        %parallel_loop3A_171 = vector.broadcast %parallel_loop3A_170 : i32 to vector<16xi32>
        %parallel_loop3A_172 = arith.addi %parallel_loop3A_121, %parallel_loop3A_171 : vector<16xi32>
        tpu.vector_store_idx %arg7[%parallel_loop3A_172], %parallel_loop3A_165 {add = true} : memref<81920xf32, #tpu.memory_space<vmem>>[vector<16xi32>], vector<16xf32>,
        %parallel_loop3A_173 = arith.constant 61440 : i32
        %parallel_loop3A_174 = vector.broadcast %parallel_loop3A_173 : i32 to vector<16xi32>
        %parallel_loop3A_175 = arith.addi %parallel_loop3A_121, %parallel_loop3A_174 : vector<16xi32>
        tpu.vector_store_idx %arg7[%parallel_loop3A_175], %parallel_loop3A_169 {add = true} : memref<81920xf32, #tpu.memory_space<vmem>>[vector<16xi32>], vector<16xf32>,
        %parallel_loop3A_176 = arith.constant 30720 : i32
        %parallel_loop3A_177 = vector.broadcast %parallel_loop3A_176 : i32 to vector<16xi32>
        %parallel_loop3A_178 = arith.addi %parallel_loop3A_117, %parallel_loop3A_177 : vector<16xi32>
        %parallel_loop3A_179 = tpu.vector_load_idx %arg6[%parallel_loop3A_178] : memref<40960xi32, #tpu.memory_space<vmem>>[vector<16xi32>], vector<16xi32>,
        %parallel_loop3A_180 = arith.constant 16 : i32
        %parallel_loop3A_181 = vector.broadcast %parallel_loop3A_180 : i32 to vector<16xi32>
        %parallel_loop3A_182 = arith.shli %parallel_loop3A_179, %parallel_loop3A_181 : vector<16xi32>
        %parallel_loop3A_183 = vector.bitcast %parallel_loop3A_182 : vector<16xi32> to vector<16xf32>
        %parallel_loop3A_184 = arith.constant -65536 : i32
        %parallel_loop3A_185 = vector.broadcast %parallel_loop3A_184 : i32 to vector<16xi32>
        %parallel_loop3A_186 = arith.andi %parallel_loop3A_179, %parallel_loop3A_185 : vector<16xi32>
        %parallel_loop3A_187 = vector.bitcast %parallel_loop3A_186 : vector<16xi32> to vector<16xf32>
        %parallel_loop3A_188 = arith.constant 30720 : i32
        %parallel_loop3A_189 = vector.broadcast %parallel_loop3A_188 : i32 to vector<16xi32>
        %parallel_loop3A_190 = arith.addi %parallel_loop3A_121, %parallel_loop3A_189 : vector<16xi32>
        tpu.vector_store_idx %arg7[%parallel_loop3A_190], %parallel_loop3A_183 {add = true} : memref<81920xf32, #tpu.memory_space<vmem>>[vector<16xi32>], vector<16xf32>,
        %parallel_loop3A_191 = arith.constant 71680 : i32
        %parallel_loop3A_192 = vector.broadcast %parallel_loop3A_191 : i32 to vector<16xi32>
        %parallel_loop3A_193 = arith.addi %parallel_loop3A_121, %parallel_loop3A_192 : vector<16xi32>
        tpu.vector_store_idx %arg7[%parallel_loop3A_193], %parallel_loop3A_187 {add = true} : memref<81920xf32, #tpu.memory_space<vmem>>[vector<16xi32>], vector<16xf32>,
      } {sc.loop_unroll_factor = 4 : i64, sc.parallel_access}
    }
    %scan3A_35 = arith.constant 50 : i32
    %mul3A_36 = arith.constant 4 : i32
    %mul3A_37 = arith.muli %mul3A_36, %add3A : i32
    %add3A_38 = arith.constant 0 : i32
    %add3A_39 = arith.addi %mul3A_37, %add3A_38 : i32
    "tpu.region"() ({
      %run_scoped3A = tpu.sem_alloc : memref<!tpu.dma_semaphore, #tpu.memory_space<semaphore_mem>>
      %dma_start3A_76 = arith.constant 0 : i32
      %dma_start3A_77 = tpu.memref_slice %arg7[%dma_start3A_76] : memref<81920xf32, #tpu.memory_space<vmem>> -> memref<10240xf32, #tpu.memory_space<vmem>>
      %dma_start3A_78 = arith.constant 0 : i32
      %dma_start3A_79 = tpu.memref_slice %arg5[%add3A_39, %dma_start3A_78] : memref<256x10240xf32, #tpu.memory_space<hbm>> -> memref<1x10240xf32, #tpu.memory_space<hbm>>
      %dma_start3A_80 = tpu.memref_squeeze %dma_start3A_79 : memref<1x10240xf32, #tpu.memory_space<hbm>> -> memref<10240xf32, #tpu.memory_space<hbm>>
      %dma_start3A_81 = arith.constant 0 : i32
      %dma_start3A_82 = tpu.memref_slice %arg5[%add3A_39, %dma_start3A_81] : memref<256x10240xf32, #tpu.memory_space<hbm>> -> memref<1x10240xf32, #tpu.memory_space<hbm>>
      %dma_start3A_83 = tpu.memref_squeeze %dma_start3A_82 : memref<1x10240xf32, #tpu.memory_space<hbm>> -> memref<10240xf32, #tpu.memory_space<hbm>>
      %dma_start3A_84 = arith.constant 0 : i32
      %dma_start3A_85 = tpu.memref_slice %arg7[%dma_start3A_84] : memref<81920xf32, #tpu.memory_space<vmem>> -> memref<10240xf32, #tpu.memory_space<vmem>>
      tpu.enqueue_dma source(%dma_start3A_85 : memref<10240xf32, #tpu.memory_space<vmem>>) target(%dma_start3A_83 : memref<10240xf32, #tpu.memory_space<hbm>>) target_semaphore(%run_scoped3A : memref<!tpu.dma_semaphore, #tpu.memory_space<semaphore_mem>>)
      %dma_wait3A = arith.constant 0 : i32
      %dma_wait3A_86 = tpu.memref_slice %arg7[%dma_wait3A] : memref<81920xf32, #tpu.memory_space<vmem>> -> memref<10240xf32, #tpu.memory_space<vmem>>
      %dma_wait3A_87 = arith.constant 0 : i32
      %dma_wait3A_88 = tpu.memref_slice %arg5[%add3A_39, %dma_wait3A_87] : memref<256x10240xf32, #tpu.memory_space<hbm>> -> memref<1x10240xf32, #tpu.memory_space<hbm>>
      %dma_wait3A_89 = tpu.memref_squeeze %dma_wait3A_88 : memref<1x10240xf32, #tpu.memory_space<hbm>> -> memref<10240xf32, #tpu.memory_space<hbm>>
      %dma_wait3A_90 = arith.constant 0 : i32
      %dma_wait3A_91 = tpu.memref_slice %arg5[%add3A_39, %dma_wait3A_90] : memref<256x10240xf32, #tpu.memory_space<hbm>> -> memref<1x10240xf32, #tpu.memory_space<hbm>>
      %dma_wait3A_92 = tpu.memref_squeeze %dma_wait3A_91 : memref<1x10240xf32, #tpu.memory_space<hbm>> -> memref<10240xf32, #tpu.memory_space<hbm>>
      %dma_wait3A_93 = arith.constant 0 : i32
      %dma_wait3A_94 = tpu.memref_slice %arg7[%dma_wait3A_93] : memref<81920xf32, #tpu.memory_space<vmem>> -> memref<10240xf32, #tpu.memory_space<vmem>>
      tpu.wait_dma2 semaphore(%run_scoped3A : memref<!tpu.dma_semaphore, #tpu.memory_space<semaphore_mem>>) src(%dma_wait3A_94 : memref<10240xf32, #tpu.memory_space<vmem>>) dst(%dma_wait3A_92 : memref<10240xf32, #tpu.memory_space<hbm>>)
      tpu.yield
    }) : () -> ()
    %mul3A_40 = arith.constant 4 : i32
    %mul3A_41 = arith.muli %mul3A_40, %add3A : i32
    %add3A_42 = arith.constant 128 : i32
    %add3A_43 = arith.addi %add3A_42, %mul3A_41 : i32
    %add3A_44 = arith.constant 0 : i32
    %add3A_45 = arith.addi %add3A_43, %add3A_44 : i32
    "tpu.region"() ({
      %run_scoped3A = tpu.sem_alloc : memref<!tpu.dma_semaphore, #tpu.memory_space<semaphore_mem>>
      %dma_start3A_76 = arith.constant 40960 : i32
      %dma_start3A_77 = tpu.memref_slice %arg7[%dma_start3A_76] : memref<81920xf32, #tpu.memory_space<vmem>> -> memref<10240xf32, #tpu.memory_space<vmem>>
      %dma_start3A_78 = arith.constant 0 : i32
      %dma_start3A_79 = tpu.memref_slice %arg5[%add3A_45, %dma_start3A_78] : memref<256x10240xf32, #tpu.memory_space<hbm>> -> memref<1x10240xf32, #tpu.memory_space<hbm>>
      %dma_start3A_80 = tpu.memref_squeeze %dma_start3A_79 : memref<1x10240xf32, #tpu.memory_space<hbm>> -> memref<10240xf32, #tpu.memory_space<hbm>>
      %dma_start3A_81 = arith.constant 0 : i32
      %dma_start3A_82 = tpu.memref_slice %arg5[%add3A_45, %dma_start3A_81] : memref<256x10240xf32, #tpu.memory_space<hbm>> -> memref<1x10240xf32, #tpu.memory_space<hbm>>
      %dma_start3A_83 = tpu.memref_squeeze %dma_start3A_82 : memref<1x10240xf32, #tpu.memory_space<hbm>> -> memref<10240xf32, #tpu.memory_space<hbm>>
      %dma_start3A_84 = arith.constant 40960 : i32
      %dma_start3A_85 = tpu.memref_slice %arg7[%dma_start3A_84] : memref<81920xf32, #tpu.memory_space<vmem>> -> memref<10240xf32, #tpu.memory_space<vmem>>
      tpu.enqueue_dma source(%dma_start3A_85 : memref<10240xf32, #tpu.memory_space<vmem>>) target(%dma_start3A_83 : memref<10240xf32, #tpu.memory_space<hbm>>) target_semaphore(%run_scoped3A : memref<!tpu.dma_semaphore, #tpu.memory_space<semaphore_mem>>)
      %dma_wait3A = arith.constant 40960 : i32
      %dma_wait3A_86 = tpu.memref_slice %arg7[%dma_wait3A] : memref<81920xf32, #tpu.memory_space<vmem>> -> memref<10240xf32, #tpu.memory_space<vmem>>
      %dma_wait3A_87 = arith.constant 0 : i32
      %dma_wait3A_88 = tpu.memref_slice %arg5[%add3A_45, %dma_wait3A_87] : memref<256x10240xf32, #tpu.memory_space<hbm>> -> memref<1x10240xf32, #tpu.memory_space<hbm>>
      %dma_wait3A_89 = tpu.memref_squeeze %dma_wait3A_88 : memref<1x10240xf32, #tpu.memory_space<hbm>> -> memref<10240xf32, #tpu.memory_space<hbm>>
      %dma_wait3A_90 = arith.constant 0 : i32
      %dma_wait3A_91 = tpu.memref_slice %arg5[%add3A_45, %dma_wait3A_90] : memref<256x10240xf32, #tpu.memory_space<hbm>> -> memref<1x10240xf32, #tpu.memory_space<hbm>>
      %dma_wait3A_92 = tpu.memref_squeeze %dma_wait3A_91 : memref<1x10240xf32, #tpu.memory_space<hbm>> -> memref<10240xf32, #tpu.memory_space<hbm>>
      %dma_wait3A_93 = arith.constant 40960 : i32
      %dma_wait3A_94 = tpu.memref_slice %arg7[%dma_wait3A_93] : memref<81920xf32, #tpu.memory_space<vmem>> -> memref<10240xf32, #tpu.memory_space<vmem>>
      tpu.wait_dma2 semaphore(%run_scoped3A : memref<!tpu.dma_semaphore, #tpu.memory_space<semaphore_mem>>) src(%dma_wait3A_94 : memref<10240xf32, #tpu.memory_space<vmem>>) dst(%dma_wait3A_92 : memref<10240xf32, #tpu.memory_space<hbm>>)
      tpu.yield
    }) : () -> ()
    %mul3A_46 = arith.constant 4 : i32
    %mul3A_47 = arith.muli %mul3A_46, %add3A : i32
    %add3A_48 = arith.constant 1 : i32
    %add3A_49 = arith.addi %mul3A_47, %add3A_48 : i32
    "tpu.region"() ({
      %run_scoped3A = tpu.sem_alloc : memref<!tpu.dma_semaphore, #tpu.memory_space<semaphore_mem>>
      %dma_start3A_76 = arith.constant 10240 : i32
      %dma_start3A_77 = tpu.memref_slice %arg7[%dma_start3A_76] : memref<81920xf32, #tpu.memory_space<vmem>> -> memref<10240xf32, #tpu.memory_space<vmem>>
      %dma_start3A_78 = arith.constant 0 : i32
      %dma_start3A_79 = tpu.memref_slice %arg5[%add3A_49, %dma_start3A_78] : memref<256x10240xf32, #tpu.memory_space<hbm>> -> memref<1x10240xf32, #tpu.memory_space<hbm>>
      %dma_start3A_80 = tpu.memref_squeeze %dma_start3A_79 : memref<1x10240xf32, #tpu.memory_space<hbm>> -> memref<10240xf32, #tpu.memory_space<hbm>>
      %dma_start3A_81 = arith.constant 0 : i32
      %dma_start3A_82 = tpu.memref_slice %arg5[%add3A_49, %dma_start3A_81] : memref<256x10240xf32, #tpu.memory_space<hbm>> -> memref<1x10240xf32, #tpu.memory_space<hbm>>
      %dma_start3A_83 = tpu.memref_squeeze %dma_start3A_82 : memref<1x10240xf32, #tpu.memory_space<hbm>> -> memref<10240xf32, #tpu.memory_space<hbm>>
      %dma_start3A_84 = arith.constant 10240 : i32
      %dma_start3A_85 = tpu.memref_slice %arg7[%dma_start3A_84] : memref<81920xf32, #tpu.memory_space<vmem>> -> memref<10240xf32, #tpu.memory_space<vmem>>
      tpu.enqueue_dma source(%dma_start3A_85 : memref<10240xf32, #tpu.memory_space<vmem>>) target(%dma_start3A_83 : memref<10240xf32, #tpu.memory_space<hbm>>) target_semaphore(%run_scoped3A : memref<!tpu.dma_semaphore, #tpu.memory_space<semaphore_mem>>)
      %dma_wait3A = arith.constant 10240 : i32
      %dma_wait3A_86 = tpu.memref_slice %arg7[%dma_wait3A] : memref<81920xf32, #tpu.memory_space<vmem>> -> memref<10240xf32, #tpu.memory_space<vmem>>
      %dma_wait3A_87 = arith.constant 0 : i32
      %dma_wait3A_88 = tpu.memref_slice %arg5[%add3A_49, %dma_wait3A_87] : memref<256x10240xf32, #tpu.memory_space<hbm>> -> memref<1x10240xf32, #tpu.memory_space<hbm>>
      %dma_wait3A_89 = tpu.memref_squeeze %dma_wait3A_88 : memref<1x10240xf32, #tpu.memory_space<hbm>> -> memref<10240xf32, #tpu.memory_space<hbm>>
      %dma_wait3A_90 = arith.constant 0 : i32
      %dma_wait3A_91 = tpu.memref_slice %arg5[%add3A_49, %dma_wait3A_90] : memref<256x10240xf32, #tpu.memory_space<hbm>> -> memref<1x10240xf32, #tpu.memory_space<hbm>>
      %dma_wait3A_92 = tpu.memref_squeeze %dma_wait3A_91 : memref<1x10240xf32, #tpu.memory_space<hbm>> -> memref<10240xf32, #tpu.memory_space<hbm>>
      %dma_wait3A_93 = arith.constant 10240 : i32
      %dma_wait3A_94 = tpu.memref_slice %arg7[%dma_wait3A_93] : memref<81920xf32, #tpu.memory_space<vmem>> -> memref<10240xf32, #tpu.memory_space<vmem>>
      tpu.wait_dma2 semaphore(%run_scoped3A : memref<!tpu.dma_semaphore, #tpu.memory_space<semaphore_mem>>) src(%dma_wait3A_94 : memref<10240xf32, #tpu.memory_space<vmem>>) dst(%dma_wait3A_92 : memref<10240xf32, #tpu.memory_space<hbm>>)
      tpu.yield
    }) : () -> ()
    %mul3A_50 = arith.constant 4 : i32
    %mul3A_51 = arith.muli %mul3A_50, %add3A : i32
    %add3A_52 = arith.constant 128 : i32
    %add3A_53 = arith.addi %add3A_52, %mul3A_51 : i32
    %add3A_54 = arith.constant 1 : i32
    %add3A_55 = arith.addi %add3A_53, %add3A_54 : i32
    "tpu.region"() ({
      %run_scoped3A = tpu.sem_alloc : memref<!tpu.dma_semaphore, #tpu.memory_space<semaphore_mem>>
      %dma_start3A_76 = arith.constant 51200 : i32
      %dma_start3A_77 = tpu.memref_slice %arg7[%dma_start3A_76] : memref<81920xf32, #tpu.memory_space<vmem>> -> memref<10240xf32, #tpu.memory_space<vmem>>
      %dma_start3A_78 = arith.constant 0 : i32
      %dma_start3A_79 = tpu.memref_slice %arg5[%add3A_55, %dma_start3A_78] : memref<256x10240xf32, #tpu.memory_space<hbm>> -> memref<1x10240xf32, #tpu.memory_space<hbm>>
      %dma_start3A_80 = tpu.memref_squeeze %dma_start3A_79 : memref<1x10240xf32, #tpu.memory_space<hbm>> -> memref<10240xf32, #tpu.memory_space<hbm>>
      %dma_start3A_81 = arith.constant 0 : i32
      %dma_start3A_82 = tpu.memref_slice %arg5[%add3A_55, %dma_start3A_81] : memref<256x10240xf32, #tpu.memory_space<hbm>> -> memref<1x10240xf32, #tpu.memory_space<hbm>>
      %dma_start3A_83 = tpu.memref_squeeze %dma_start3A_82 : memref<1x10240xf32, #tpu.memory_space<hbm>> -> memref<10240xf32, #tpu.memory_space<hbm>>
      %dma_start3A_84 = arith.constant 51200 : i32
      %dma_start3A_85 = tpu.memref_slice %arg7[%dma_start3A_84] : memref<81920xf32, #tpu.memory_space<vmem>> -> memref<10240xf32, #tpu.memory_space<vmem>>
      tpu.enqueue_dma source(%dma_start3A_85 : memref<10240xf32, #tpu.memory_space<vmem>>) target(%dma_start3A_83 : memref<10240xf32, #tpu.memory_space<hbm>>) target_semaphore(%run_scoped3A : memref<!tpu.dma_semaphore, #tpu.memory_space<semaphore_mem>>)
      %dma_wait3A = arith.constant 51200 : i32
      %dma_wait3A_86 = tpu.memref_slice %arg7[%dma_wait3A] : memref<81920xf32, #tpu.memory_space<vmem>> -> memref<10240xf32, #tpu.memory_space<vmem>>
      %dma_wait3A_87 = arith.constant 0 : i32
      %dma_wait3A_88 = tpu.memref_slice %arg5[%add3A_55, %dma_wait3A_87] : memref<256x10240xf32, #tpu.memory_space<hbm>> -> memref<1x10240xf32, #tpu.memory_space<hbm>>
      %dma_wait3A_89 = tpu.memref_squeeze %dma_wait3A_88 : memref<1x10240xf32, #tpu.memory_space<hbm>> -> memref<10240xf32, #tpu.memory_space<hbm>>
      %dma_wait3A_90 = arith.constant 0 : i32
      %dma_wait3A_91 = tpu.memref_slice %arg5[%add3A_55, %dma_wait3A_90] : memref<256x10240xf32, #tpu.memory_space<hbm>> -> memref<1x10240xf32, #tpu.memory_space<hbm>>
      %dma_wait3A_92 = tpu.memref_squeeze %dma_wait3A_91 : memref<1x10240xf32, #tpu.memory_space<hbm>> -> memref<10240xf32, #tpu.memory_space<hbm>>
      %dma_wait3A_93 = arith.constant 51200 : i32
      %dma_wait3A_94 = tpu.memref_slice %arg7[%dma_wait3A_93] : memref<81920xf32, #tpu.memory_space<vmem>> -> memref<10240xf32, #tpu.memory_space<vmem>>
      tpu.wait_dma2 semaphore(%run_scoped3A : memref<!tpu.dma_semaphore, #tpu.memory_space<semaphore_mem>>) src(%dma_wait3A_94 : memref<10240xf32, #tpu.memory_space<vmem>>) dst(%dma_wait3A_92 : memref<10240xf32, #tpu.memory_space<hbm>>)
      tpu.yield
    }) : () -> ()
    %mul3A_56 = arith.constant 4 : i32
    %mul3A_57 = arith.muli %mul3A_56, %add3A : i32
    %add3A_58 = arith.constant 2 : i32
    %add3A_59 = arith.addi %mul3A_57, %add3A_58 : i32
    "tpu.region"() ({
      %run_scoped3A = tpu.sem_alloc : memref<!tpu.dma_semaphore, #tpu.memory_space<semaphore_mem>>
      %dma_start3A_76 = arith.constant 20480 : i32
      %dma_start3A_77 = tpu.memref_slice %arg7[%dma_start3A_76] : memref<81920xf32, #tpu.memory_space<vmem>> -> memref<10240xf32, #tpu.memory_space<vmem>>
      %dma_start3A_78 = arith.constant 0 : i32
      %dma_start3A_79 = tpu.memref_slice %arg5[%add3A_59, %dma_start3A_78] : memref<256x10240xf32, #tpu.memory_space<hbm>> -> memref<1x10240xf32, #tpu.memory_space<hbm>>
      %dma_start3A_80 = tpu.memref_squeeze %dma_start3A_79 : memref<1x10240xf32, #tpu.memory_space<hbm>> -> memref<10240xf32, #tpu.memory_space<hbm>>
      %dma_start3A_81 = arith.constant 0 : i32
      %dma_start3A_82 = tpu.memref_slice %arg5[%add3A_59, %dma_start3A_81] : memref<256x10240xf32, #tpu.memory_space<hbm>> -> memref<1x10240xf32, #tpu.memory_space<hbm>>
      %dma_start3A_83 = tpu.memref_squeeze %dma_start3A_82 : memref<1x10240xf32, #tpu.memory_space<hbm>> -> memref<10240xf32, #tpu.memory_space<hbm>>
      %dma_start3A_84 = arith.constant 20480 : i32
      %dma_start3A_85 = tpu.memref_slice %arg7[%dma_start3A_84] : memref<81920xf32, #tpu.memory_space<vmem>> -> memref<10240xf32, #tpu.memory_space<vmem>>
      tpu.enqueue_dma source(%dma_start3A_85 : memref<10240xf32, #tpu.memory_space<vmem>>) target(%dma_start3A_83 : memref<10240xf32, #tpu.memory_space<hbm>>) target_semaphore(%run_scoped3A : memref<!tpu.dma_semaphore, #tpu.memory_space<semaphore_mem>>)
      %dma_wait3A = arith.constant 20480 : i32
      %dma_wait3A_86 = tpu.memref_slice %arg7[%dma_wait3A] : memref<81920xf32, #tpu.memory_space<vmem>> -> memref<10240xf32, #tpu.memory_space<vmem>>
      %dma_wait3A_87 = arith.constant 0 : i32
      %dma_wait3A_88 = tpu.memref_slice %arg5[%add3A_59, %dma_wait3A_87] : memref<256x10240xf32, #tpu.memory_space<hbm>> -> memref<1x10240xf32, #tpu.memory_space<hbm>>
      %dma_wait3A_89 = tpu.memref_squeeze %dma_wait3A_88 : memref<1x10240xf32, #tpu.memory_space<hbm>> -> memref<10240xf32, #tpu.memory_space<hbm>>
      %dma_wait3A_90 = arith.constant 0 : i32
      %dma_wait3A_91 = tpu.memref_slice %arg5[%add3A_59, %dma_wait3A_90] : memref<256x10240xf32, #tpu.memory_space<hbm>> -> memref<1x10240xf32, #tpu.memory_space<hbm>>
      %dma_wait3A_92 = tpu.memref_squeeze %dma_wait3A_91 : memref<1x10240xf32, #tpu.memory_space<hbm>> -> memref<10240xf32, #tpu.memory_space<hbm>>
      %dma_wait3A_93 = arith.constant 20480 : i32
      %dma_wait3A_94 = tpu.memref_slice %arg7[%dma_wait3A_93] : memref<81920xf32, #tpu.memory_space<vmem>> -> memref<10240xf32, #tpu.memory_space<vmem>>
      tpu.wait_dma2 semaphore(%run_scoped3A : memref<!tpu.dma_semaphore, #tpu.memory_space<semaphore_mem>>) src(%dma_wait3A_94 : memref<10240xf32, #tpu.memory_space<vmem>>) dst(%dma_wait3A_92 : memref<10240xf32, #tpu.memory_space<hbm>>)
      tpu.yield
    }) : () -> ()
    %mul3A_60 = arith.constant 4 : i32
    %mul3A_61 = arith.muli %mul3A_60, %add3A : i32
    %add3A_62 = arith.constant 128 : i32
    %add3A_63 = arith.addi %add3A_62, %mul3A_61 : i32
    %add3A_64 = arith.constant 2 : i32
    %add3A_65 = arith.addi %add3A_63, %add3A_64 : i32
    "tpu.region"() ({
      %run_scoped3A = tpu.sem_alloc : memref<!tpu.dma_semaphore, #tpu.memory_space<semaphore_mem>>
      %dma_start3A_76 = arith.constant 61440 : i32
      %dma_start3A_77 = tpu.memref_slice %arg7[%dma_start3A_76] : memref<81920xf32, #tpu.memory_space<vmem>> -> memref<10240xf32, #tpu.memory_space<vmem>>
      %dma_start3A_78 = arith.constant 0 : i32
      %dma_start3A_79 = tpu.memref_slice %arg5[%add3A_65, %dma_start3A_78] : memref<256x10240xf32, #tpu.memory_space<hbm>> -> memref<1x10240xf32, #tpu.memory_space<hbm>>
      %dma_start3A_80 = tpu.memref_squeeze %dma_start3A_79 : memref<1x10240xf32, #tpu.memory_space<hbm>> -> memref<10240xf32, #tpu.memory_space<hbm>>
      %dma_start3A_81 = arith.constant 0 : i32
      %dma_start3A_82 = tpu.memref_slice %arg5[%add3A_65, %dma_start3A_81] : memref<256x10240xf32, #tpu.memory_space<hbm>> -> memref<1x10240xf32, #tpu.memory_space<hbm>>
      %dma_start3A_83 = tpu.memref_squeeze %dma_start3A_82 : memref<1x10240xf32, #tpu.memory_space<hbm>> -> memref<10240xf32, #tpu.memory_space<hbm>>
      %dma_start3A_84 = arith.constant 61440 : i32
      %dma_start3A_85 = tpu.memref_slice %arg7[%dma_start3A_84] : memref<81920xf32, #tpu.memory_space<vmem>> -> memref<10240xf32, #tpu.memory_space<vmem>>
      tpu.enqueue_dma source(%dma_start3A_85 : memref<10240xf32, #tpu.memory_space<vmem>>) target(%dma_start3A_83 : memref<10240xf32, #tpu.memory_space<hbm>>) target_semaphore(%run_scoped3A : memref<!tpu.dma_semaphore, #tpu.memory_space<semaphore_mem>>)
      %dma_wait3A = arith.constant 61440 : i32
      %dma_wait3A_86 = tpu.memref_slice %arg7[%dma_wait3A] : memref<81920xf32, #tpu.memory_space<vmem>> -> memref<10240xf32, #tpu.memory_space<vmem>>
      %dma_wait3A_87 = arith.constant 0 : i32
      %dma_wait3A_88 = tpu.memref_slice %arg5[%add3A_65, %dma_wait3A_87] : memref<256x10240xf32, #tpu.memory_space<hbm>> -> memref<1x10240xf32, #tpu.memory_space<hbm>>
      %dma_wait3A_89 = tpu.memref_squeeze %dma_wait3A_88 : memref<1x10240xf32, #tpu.memory_space<hbm>> -> memref<10240xf32, #tpu.memory_space<hbm>>
      %dma_wait3A_90 = arith.constant 0 : i32
      %dma_wait3A_91 = tpu.memref_slice %arg5[%add3A_65, %dma_wait3A_90] : memref<256x10240xf32, #tpu.memory_space<hbm>> -> memref<1x10240xf32, #tpu.memory_space<hbm>>
      %dma_wait3A_92 = tpu.memref_squeeze %dma_wait3A_91 : memref<1x10240xf32, #tpu.memory_space<hbm>> -> memref<10240xf32, #tpu.memory_space<hbm>>
      %dma_wait3A_93 = arith.constant 61440 : i32
      %dma_wait3A_94 = tpu.memref_slice %arg7[%dma_wait3A_93] : memref<81920xf32, #tpu.memory_space<vmem>> -> memref<10240xf32, #tpu.memory_space<vmem>>
      tpu.wait_dma2 semaphore(%run_scoped3A : memref<!tpu.dma_semaphore, #tpu.memory_space<semaphore_mem>>) src(%dma_wait3A_94 : memref<10240xf32, #tpu.memory_space<vmem>>) dst(%dma_wait3A_92 : memref<10240xf32, #tpu.memory_space<hbm>>)
      tpu.yield
    }) : () -> ()
    %mul3A_66 = arith.constant 4 : i32
    %mul3A_67 = arith.muli %mul3A_66, %add3A : i32
    %add3A_68 = arith.constant 3 : i32
    %add3A_69 = arith.addi %mul3A_67, %add3A_68 : i32
    "tpu.region"() ({
      %run_scoped3A = tpu.sem_alloc : memref<!tpu.dma_semaphore, #tpu.memory_space<semaphore_mem>>
      %dma_start3A_76 = arith.constant 30720 : i32
      %dma_start3A_77 = tpu.memref_slice %arg7[%dma_start3A_76] : memref<81920xf32, #tpu.memory_space<vmem>> -> memref<10240xf32, #tpu.memory_space<vmem>>
      %dma_start3A_78 = arith.constant 0 : i32
      %dma_start3A_79 = tpu.memref_slice %arg5[%add3A_69, %dma_start3A_78] : memref<256x10240xf32, #tpu.memory_space<hbm>> -> memref<1x10240xf32, #tpu.memory_space<hbm>>
      %dma_start3A_80 = tpu.memref_squeeze %dma_start3A_79 : memref<1x10240xf32, #tpu.memory_space<hbm>> -> memref<10240xf32, #tpu.memory_space<hbm>>
      %dma_start3A_81 = arith.constant 0 : i32
      %dma_start3A_82 = tpu.memref_slice %arg5[%add3A_69, %dma_start3A_81] : memref<256x10240xf32, #tpu.memory_space<hbm>> -> memref<1x10240xf32, #tpu.memory_space<hbm>>
      %dma_start3A_83 = tpu.memref_squeeze %dma_start3A_82 : memref<1x10240xf32, #tpu.memory_space<hbm>> -> memref<10240xf32, #tpu.memory_space<hbm>>
      %dma_start3A_84 = arith.constant 30720 : i32
      %dma_start3A_85 = tpu.memref_slice %arg7[%dma_start3A_84] : memref<81920xf32, #tpu.memory_space<vmem>> -> memref<10240xf32, #tpu.memory_space<vmem>>
      tpu.enqueue_dma source(%dma_start3A_85 : memref<10240xf32, #tpu.memory_space<vmem>>) target(%dma_start3A_83 : memref<10240xf32, #tpu.memory_space<hbm>>) target_semaphore(%run_scoped3A : memref<!tpu.dma_semaphore, #tpu.memory_space<semaphore_mem>>)
      %dma_wait3A = arith.constant 30720 : i32
      %dma_wait3A_86 = tpu.memref_slice %arg7[%dma_wait3A] : memref<81920xf32, #tpu.memory_space<vmem>> -> memref<10240xf32, #tpu.memory_space<vmem>>
      %dma_wait3A_87 = arith.constant 0 : i32
      %dma_wait3A_88 = tpu.memref_slice %arg5[%add3A_69, %dma_wait3A_87] : memref<256x10240xf32, #tpu.memory_space<hbm>> -> memref<1x10240xf32, #tpu.memory_space<hbm>>
      %dma_wait3A_89 = tpu.memref_squeeze %dma_wait3A_88 : memref<1x10240xf32, #tpu.memory_space<hbm>> -> memref<10240xf32, #tpu.memory_space<hbm>>
      %dma_wait3A_90 = arith.constant 0 : i32
      %dma_wait3A_91 = tpu.memref_slice %arg5[%add3A_69, %dma_wait3A_90] : memref<256x10240xf32, #tpu.memory_space<hbm>> -> memref<1x10240xf32, #tpu.memory_space<hbm>>
      %dma_wait3A_92 = tpu.memref_squeeze %dma_wait3A_91 : memref<1x10240xf32, #tpu.memory_space<hbm>> -> memref<10240xf32, #tpu.memory_space<hbm>>
      %dma_wait3A_93 = arith.constant 30720 : i32
      %dma_wait3A_94 = tpu.memref_slice %arg7[%dma_wait3A_93] : memref<81920xf32, #tpu.memory_space<vmem>> -> memref<10240xf32, #tpu.memory_space<vmem>>
      tpu.wait_dma2 semaphore(%run_scoped3A : memref<!tpu.dma_semaphore, #tpu.memory_space<semaphore_mem>>) src(%dma_wait3A_94 : memref<10240xf32, #tpu.memory_space<vmem>>) dst(%dma_wait3A_92 : memref<10240xf32, #tpu.memory_space<hbm>>)
      tpu.yield
    }) : () -> ()
    %mul3A_70 = arith.constant 4 : i32
    %mul3A_71 = arith.muli %mul3A_70, %add3A : i32
    %add3A_72 = arith.constant 128 : i32
    %add3A_73 = arith.addi %add3A_72, %mul3A_71 : i32
    %add3A_74 = arith.constant 3 : i32
    %add3A_75 = arith.addi %add3A_73, %add3A_74 : i32
    "tpu.region"() ({
      %run_scoped3A = tpu.sem_alloc : memref<!tpu.dma_semaphore, #tpu.memory_space<semaphore_mem>>
      %dma_start3A_76 = arith.constant 71680 : i32
      %dma_start3A_77 = tpu.memref_slice %arg7[%dma_start3A_76] : memref<81920xf32, #tpu.memory_space<vmem>> -> memref<10240xf32, #tpu.memory_space<vmem>>
      %dma_start3A_78 = arith.constant 0 : i32
      %dma_start3A_79 = tpu.memref_slice %arg5[%add3A_75, %dma_start3A_78] : memref<256x10240xf32, #tpu.memory_space<hbm>> -> memref<1x10240xf32, #tpu.memory_space<hbm>>
      %dma_start3A_80 = tpu.memref_squeeze %dma_start3A_79 : memref<1x10240xf32, #tpu.memory_space<hbm>> -> memref<10240xf32, #tpu.memory_space<hbm>>
      %dma_start3A_81 = arith.constant 0 : i32
      %dma_start3A_82 = tpu.memref_slice %arg5[%add3A_75, %dma_start3A_81] : memref<256x10240xf32, #tpu.memory_space<hbm>> -> memref<1x10240xf32, #tpu.memory_space<hbm>>
      %dma_start3A_83 = tpu.memref_squeeze %dma_start3A_82 : memref<1x10240xf32, #tpu.memory_space<hbm>> -> memref<10240xf32, #tpu.memory_space<hbm>>
      %dma_start3A_84 = arith.constant 71680 : i32
      %dma_start3A_85 = tpu.memref_slice %arg7[%dma_start3A_84] : memref<81920xf32, #tpu.memory_space<vmem>> -> memref<10240xf32, #tpu.memory_space<vmem>>
      tpu.enqueue_dma source(%dma_start3A_85 : memref<10240xf32, #tpu.memory_space<vmem>>) target(%dma_start3A_83 : memref<10240xf32, #tpu.memory_space<hbm>>) target_semaphore(%run_scoped3A : memref<!tpu.dma_semaphore, #tpu.memory_space<semaphore_mem>>)
      %dma_wait3A = arith.constant 71680 : i32
      %dma_wait3A_86 = tpu.memref_slice %arg7[%dma_wait3A] : memref<81920xf32, #tpu.memory_space<vmem>> -> memref<10240xf32, #tpu.memory_space<vmem>>
      %dma_wait3A_87 = arith.constant 0 : i32
      %dma_wait3A_88 = tpu.memref_slice %arg5[%add3A_75, %dma_wait3A_87] : memref<256x10240xf32, #tpu.memory_space<hbm>> -> memref<1x10240xf32, #tpu.memory_space<hbm>>
      %dma_wait3A_89 = tpu.memref_squeeze %dma_wait3A_88 : memref<1x10240xf32, #tpu.memory_space<hbm>> -> memref<10240xf32, #tpu.memory_space<hbm>>
      %dma_wait3A_90 = arith.constant 0 : i32
      %dma_wait3A_91 = tpu.memref_slice %arg5[%add3A_75, %dma_wait3A_90] : memref<256x10240xf32, #tpu.memory_space<hbm>> -> memref<1x10240xf32, #tpu.memory_space<hbm>>
      %dma_wait3A_92 = tpu.memref_squeeze %dma_wait3A_91 : memref<1x10240xf32, #tpu.memory_space<hbm>> -> memref<10240xf32, #tpu.memory_space<hbm>>
      %dma_wait3A_93 = arith.constant 71680 : i32
      %dma_wait3A_94 = tpu.memref_slice %arg7[%dma_wait3A_93] : memref<81920xf32, #tpu.memory_space<vmem>> -> memref<10240xf32, #tpu.memory_space<vmem>>
      tpu.wait_dma2 semaphore(%run_scoped3A : memref<!tpu.dma_semaphore, #tpu.memory_space<semaphore_mem>>) src(%dma_wait3A_94 : memref<10240xf32, #tpu.memory_space<vmem>>) dst(%dma_wait3A_92 : memref<10240xf32, #tpu.memory_space<hbm>>)
      tpu.yield
    }) : () -> ()
    return
  }
}

#map = affine_map<(d0, d1) -> (0, 0)>
#map1 = affine_map<(d0, d1) -> (0)>
module attributes {stable_mosaic.version = 14 : i64} {
  func.func @body(%arg0: i32, %arg1: i32, %arg2: memref<128x10240xi32, #tpu.memory_space<hbm>>, %arg3: memref<160000xi32, #tpu.memory_space<hbm>>, %arg4: memref<160000xi32, #tpu.memory_space<hbm>>, %arg5: memref<160000xf32, #tpu.memory_space<hbm>>, %arg6: memref<256x10240xf32, #tpu.memory_space<hbm>>, %arg7: memref<40960xi32, #tpu.memory_space<vmem>>, %arg8: memref<81920xf32, #tpu.memory_space<vmem>>, %arg9: memref<800xi32, #tpu.memory_space<vmem>>, %arg10: memref<800xi32, #tpu.memory_space<vmem>>, %arg11: memref<800xi32, #tpu.memory_space<vmem>>, %arg12: memref<800xi32, #tpu.memory_space<vmem>>, %arg13: memref<!tpu.dma_semaphore, #tpu.memory_space<semaphore_mem>>, %arg14: memref<!tpu.dma_semaphore, #tpu.memory_space<semaphore_mem>>, %arg15: memref<800xf32, #tpu.memory_space<vmem>>, %arg16: memref<800xf32, #tpu.memory_space<vmem>>) attributes {dimension_semantics = [#tpu.dimension_semantics<core_parallel>, #tpu.dimension_semantics<subcore_parallel>], iteration_bounds = array<i64: 2, 16>, scalar_prefetch = 0 : i64, scratch_operands = 10 : i64, tpu.core_type = #tpu.core_type<sc_vector_subcore>, window_params = [{transform_indices = #map}, {transform_indices = #map1}, {transform_indices = #map1}, {transform_indices = #map1}, {transform_indices = #map}]} {
    %mul3A = arith.constant 2 : i32
    %mul3A_0 = arith.muli %arg1, %mul3A : i32
    %add3A = arith.addi %mul3A_0, %arg0 : i32
    %broadcast_in_dim3A = arith.constant 0.000000e+00 : f32
    %broadcast_in_dim3A_1 = vector.broadcast %broadcast_in_dim3A : f32 to vector<16xf32>
    %mul3A_2 = arith.constant 4 : i32
    %mul3A_3 = arith.muli %mul3A_2, %add3A : i32
    %add3A_4 = arith.constant 0 : i32
    %add3A_5 = arith.addi %mul3A_3, %add3A_4 : i32
    "tpu.region"() ({
      %run_scoped3A = tpu.sem_alloc : memref<!tpu.dma_semaphore, #tpu.memory_space<semaphore_mem>>
      %dma_start3A_80 = arith.constant 0 : i32
      %dma_start3A_81 = tpu.memref_slice %arg7[%dma_start3A_80] : memref<40960xi32, #tpu.memory_space<vmem>> -> memref<10240xi32, #tpu.memory_space<vmem>>
      %dma_start3A_82 = arith.constant 0 : i32
      %dma_start3A_83 = tpu.memref_slice %arg2[%add3A_5, %dma_start3A_82] : memref<128x10240xi32, #tpu.memory_space<hbm>> -> memref<1x10240xi32, #tpu.memory_space<hbm>>
      %dma_start3A_84 = tpu.memref_squeeze %dma_start3A_83 : memref<1x10240xi32, #tpu.memory_space<hbm>> -> memref<10240xi32, #tpu.memory_space<hbm>>
      %dma_start3A_85 = arith.constant 0 : i32
      %dma_start3A_86 = tpu.memref_slice %arg7[%dma_start3A_85] : memref<40960xi32, #tpu.memory_space<vmem>> -> memref<10240xi32, #tpu.memory_space<vmem>>
      %dma_start3A_87 = arith.constant 0 : i32
      %dma_start3A_88 = tpu.memref_slice %arg2[%add3A_5, %dma_start3A_87] : memref<128x10240xi32, #tpu.memory_space<hbm>> -> memref<1x10240xi32, #tpu.memory_space<hbm>>
      %dma_start3A_89 = tpu.memref_squeeze %dma_start3A_88 : memref<1x10240xi32, #tpu.memory_space<hbm>> -> memref<10240xi32, #tpu.memory_space<hbm>>
      tpu.enqueue_dma source(%dma_start3A_89 : memref<10240xi32, #tpu.memory_space<hbm>>) target(%dma_start3A_86 : memref<10240xi32, #tpu.memory_space<vmem>>) target_semaphore(%run_scoped3A : memref<!tpu.dma_semaphore, #tpu.memory_space<semaphore_mem>>)
      %dma_wait3A = arith.constant 0 : i32
      %dma_wait3A_90 = tpu.memref_slice %arg7[%dma_wait3A] : memref<40960xi32, #tpu.memory_space<vmem>> -> memref<10240xi32, #tpu.memory_space<vmem>>
      %dma_wait3A_91 = arith.constant 0 : i32
      %dma_wait3A_92 = tpu.memref_slice %arg2[%add3A_5, %dma_wait3A_91] : memref<128x10240xi32, #tpu.memory_space<hbm>> -> memref<1x10240xi32, #tpu.memory_space<hbm>>
      %dma_wait3A_93 = tpu.memref_squeeze %dma_wait3A_92 : memref<1x10240xi32, #tpu.memory_space<hbm>> -> memref<10240xi32, #tpu.memory_space<hbm>>
      %dma_wait3A_94 = arith.constant 0 : i32
      %dma_wait3A_95 = tpu.memref_slice %arg7[%dma_wait3A_94] : memref<40960xi32, #tpu.memory_space<vmem>> -> memref<10240xi32, #tpu.memory_space<vmem>>
      %dma_wait3A_96 = arith.constant 0 : i32
      %dma_wait3A_97 = tpu.memref_slice %arg2[%add3A_5, %dma_wait3A_96] : memref<128x10240xi32, #tpu.memory_space<hbm>> -> memref<1x10240xi32, #tpu.memory_space<hbm>>
      %dma_wait3A_98 = tpu.memref_squeeze %dma_wait3A_97 : memref<1x10240xi32, #tpu.memory_space<hbm>> -> memref<10240xi32, #tpu.memory_space<hbm>>
      tpu.wait_dma2 semaphore(%run_scoped3A : memref<!tpu.dma_semaphore, #tpu.memory_space<semaphore_mem>>) src(%dma_wait3A_98 : memref<10240xi32, #tpu.memory_space<hbm>>) dst(%dma_wait3A_95 : memref<10240xi32, #tpu.memory_space<vmem>>)
      tpu.yield
    }) : () -> ()
    %mul3A_6 = arith.constant 4 : i32
    %mul3A_7 = arith.muli %mul3A_6, %add3A : i32
    %add3A_8 = arith.constant 1 : i32
    %add3A_9 = arith.addi %mul3A_7, %add3A_8 : i32
    "tpu.region"() ({
      %run_scoped3A = tpu.sem_alloc : memref<!tpu.dma_semaphore, #tpu.memory_space<semaphore_mem>>
      %dma_start3A_80 = arith.constant 10240 : i32
      %dma_start3A_81 = tpu.memref_slice %arg7[%dma_start3A_80] : memref<40960xi32, #tpu.memory_space<vmem>> -> memref<10240xi32, #tpu.memory_space<vmem>>
      %dma_start3A_82 = arith.constant 0 : i32
      %dma_start3A_83 = tpu.memref_slice %arg2[%add3A_9, %dma_start3A_82] : memref<128x10240xi32, #tpu.memory_space<hbm>> -> memref<1x10240xi32, #tpu.memory_space<hbm>>
      %dma_start3A_84 = tpu.memref_squeeze %dma_start3A_83 : memref<1x10240xi32, #tpu.memory_space<hbm>> -> memref<10240xi32, #tpu.memory_space<hbm>>
      %dma_start3A_85 = arith.constant 10240 : i32
      %dma_start3A_86 = tpu.memref_slice %arg7[%dma_start3A_85] : memref<40960xi32, #tpu.memory_space<vmem>> -> memref<10240xi32, #tpu.memory_space<vmem>>
      %dma_start3A_87 = arith.constant 0 : i32
      %dma_start3A_88 = tpu.memref_slice %arg2[%add3A_9, %dma_start3A_87] : memref<128x10240xi32, #tpu.memory_space<hbm>> -> memref<1x10240xi32, #tpu.memory_space<hbm>>
      %dma_start3A_89 = tpu.memref_squeeze %dma_start3A_88 : memref<1x10240xi32, #tpu.memory_space<hbm>> -> memref<10240xi32, #tpu.memory_space<hbm>>
      tpu.enqueue_dma source(%dma_start3A_89 : memref<10240xi32, #tpu.memory_space<hbm>>) target(%dma_start3A_86 : memref<10240xi32, #tpu.memory_space<vmem>>) target_semaphore(%run_scoped3A : memref<!tpu.dma_semaphore, #tpu.memory_space<semaphore_mem>>)
      %dma_wait3A = arith.constant 10240 : i32
      %dma_wait3A_90 = tpu.memref_slice %arg7[%dma_wait3A] : memref<40960xi32, #tpu.memory_space<vmem>> -> memref<10240xi32, #tpu.memory_space<vmem>>
      %dma_wait3A_91 = arith.constant 0 : i32
      %dma_wait3A_92 = tpu.memref_slice %arg2[%add3A_9, %dma_wait3A_91] : memref<128x10240xi32, #tpu.memory_space<hbm>> -> memref<1x10240xi32, #tpu.memory_space<hbm>>
      %dma_wait3A_93 = tpu.memref_squeeze %dma_wait3A_92 : memref<1x10240xi32, #tpu.memory_space<hbm>> -> memref<10240xi32, #tpu.memory_space<hbm>>
      %dma_wait3A_94 = arith.constant 10240 : i32
      %dma_wait3A_95 = tpu.memref_slice %arg7[%dma_wait3A_94] : memref<40960xi32, #tpu.memory_space<vmem>> -> memref<10240xi32, #tpu.memory_space<vmem>>
      %dma_wait3A_96 = arith.constant 0 : i32
      %dma_wait3A_97 = tpu.memref_slice %arg2[%add3A_9, %dma_wait3A_96] : memref<128x10240xi32, #tpu.memory_space<hbm>> -> memref<1x10240xi32, #tpu.memory_space<hbm>>
      %dma_wait3A_98 = tpu.memref_squeeze %dma_wait3A_97 : memref<1x10240xi32, #tpu.memory_space<hbm>> -> memref<10240xi32, #tpu.memory_space<hbm>>
      tpu.wait_dma2 semaphore(%run_scoped3A : memref<!tpu.dma_semaphore, #tpu.memory_space<semaphore_mem>>) src(%dma_wait3A_98 : memref<10240xi32, #tpu.memory_space<hbm>>) dst(%dma_wait3A_95 : memref<10240xi32, #tpu.memory_space<vmem>>)
      tpu.yield
    }) : () -> ()
    %mul3A_10 = arith.constant 4 : i32
    %mul3A_11 = arith.muli %mul3A_10, %add3A : i32
    %add3A_12 = arith.constant 2 : i32
    %add3A_13 = arith.addi %mul3A_11, %add3A_12 : i32
    "tpu.region"() ({
      %run_scoped3A = tpu.sem_alloc : memref<!tpu.dma_semaphore, #tpu.memory_space<semaphore_mem>>
      %dma_start3A_80 = arith.constant 20480 : i32
      %dma_start3A_81 = tpu.memref_slice %arg7[%dma_start3A_80] : memref<40960xi32, #tpu.memory_space<vmem>> -> memref<10240xi32, #tpu.memory_space<vmem>>
      %dma_start3A_82 = arith.constant 0 : i32
      %dma_start3A_83 = tpu.memref_slice %arg2[%add3A_13, %dma_start3A_82] : memref<128x10240xi32, #tpu.memory_space<hbm>> -> memref<1x10240xi32, #tpu.memory_space<hbm>>
      %dma_start3A_84 = tpu.memref_squeeze %dma_start3A_83 : memref<1x10240xi32, #tpu.memory_space<hbm>> -> memref<10240xi32, #tpu.memory_space<hbm>>
      %dma_start3A_85 = arith.constant 20480 : i32
      %dma_start3A_86 = tpu.memref_slice %arg7[%dma_start3A_85] : memref<40960xi32, #tpu.memory_space<vmem>> -> memref<10240xi32, #tpu.memory_space<vmem>>
      %dma_start3A_87 = arith.constant 0 : i32
      %dma_start3A_88 = tpu.memref_slice %arg2[%add3A_13, %dma_start3A_87] : memref<128x10240xi32, #tpu.memory_space<hbm>> -> memref<1x10240xi32, #tpu.memory_space<hbm>>
      %dma_start3A_89 = tpu.memref_squeeze %dma_start3A_88 : memref<1x10240xi32, #tpu.memory_space<hbm>> -> memref<10240xi32, #tpu.memory_space<hbm>>
      tpu.enqueue_dma source(%dma_start3A_89 : memref<10240xi32, #tpu.memory_space<hbm>>) target(%dma_start3A_86 : memref<10240xi32, #tpu.memory_space<vmem>>) target_semaphore(%run_scoped3A : memref<!tpu.dma_semaphore, #tpu.memory_space<semaphore_mem>>)
      %dma_wait3A = arith.constant 20480 : i32
      %dma_wait3A_90 = tpu.memref_slice %arg7[%dma_wait3A] : memref<40960xi32, #tpu.memory_space<vmem>> -> memref<10240xi32, #tpu.memory_space<vmem>>
      %dma_wait3A_91 = arith.constant 0 : i32
      %dma_wait3A_92 = tpu.memref_slice %arg2[%add3A_13, %dma_wait3A_91] : memref<128x10240xi32, #tpu.memory_space<hbm>> -> memref<1x10240xi32, #tpu.memory_space<hbm>>
      %dma_wait3A_93 = tpu.memref_squeeze %dma_wait3A_92 : memref<1x10240xi32, #tpu.memory_space<hbm>> -> memref<10240xi32, #tpu.memory_space<hbm>>
      %dma_wait3A_94 = arith.constant 20480 : i32
      %dma_wait3A_95 = tpu.memref_slice %arg7[%dma_wait3A_94] : memref<40960xi32, #tpu.memory_space<vmem>> -> memref<10240xi32, #tpu.memory_space<vmem>>
      %dma_wait3A_96 = arith.constant 0 : i32
      %dma_wait3A_97 = tpu.memref_slice %arg2[%add3A_13, %dma_wait3A_96] : memref<128x10240xi32, #tpu.memory_space<hbm>> -> memref<1x10240xi32, #tpu.memory_space<hbm>>
      %dma_wait3A_98 = tpu.memref_squeeze %dma_wait3A_97 : memref<1x10240xi32, #tpu.memory_space<hbm>> -> memref<10240xi32, #tpu.memory_space<hbm>>
      tpu.wait_dma2 semaphore(%run_scoped3A : memref<!tpu.dma_semaphore, #tpu.memory_space<semaphore_mem>>) src(%dma_wait3A_98 : memref<10240xi32, #tpu.memory_space<hbm>>) dst(%dma_wait3A_95 : memref<10240xi32, #tpu.memory_space<vmem>>)
      tpu.yield
    }) : () -> ()
    %mul3A_14 = arith.constant 4 : i32
    %mul3A_15 = arith.muli %mul3A_14, %add3A : i32
    %add3A_16 = arith.constant 3 : i32
    %add3A_17 = arith.addi %mul3A_15, %add3A_16 : i32
    "tpu.region"() ({
      %run_scoped3A = tpu.sem_alloc : memref<!tpu.dma_semaphore, #tpu.memory_space<semaphore_mem>>
      %dma_start3A_80 = arith.constant 30720 : i32
      %dma_start3A_81 = tpu.memref_slice %arg7[%dma_start3A_80] : memref<40960xi32, #tpu.memory_space<vmem>> -> memref<10240xi32, #tpu.memory_space<vmem>>
      %dma_start3A_82 = arith.constant 0 : i32
      %dma_start3A_83 = tpu.memref_slice %arg2[%add3A_17, %dma_start3A_82] : memref<128x10240xi32, #tpu.memory_space<hbm>> -> memref<1x10240xi32, #tpu.memory_space<hbm>>
      %dma_start3A_84 = tpu.memref_squeeze %dma_start3A_83 : memref<1x10240xi32, #tpu.memory_space<hbm>> -> memref<10240xi32, #tpu.memory_space<hbm>>
      %dma_start3A_85 = arith.constant 30720 : i32
      %dma_start3A_86 = tpu.memref_slice %arg7[%dma_start3A_85] : memref<40960xi32, #tpu.memory_space<vmem>> -> memref<10240xi32, #tpu.memory_space<vmem>>
      %dma_start3A_87 = arith.constant 0 : i32
      %dma_start3A_88 = tpu.memref_slice %arg2[%add3A_17, %dma_start3A_87] : memref<128x10240xi32, #tpu.memory_space<hbm>> -> memref<1x10240xi32, #tpu.memory_space<hbm>>
      %dma_start3A_89 = tpu.memref_squeeze %dma_start3A_88 : memref<1x10240xi32, #tpu.memory_space<hbm>> -> memref<10240xi32, #tpu.memory_space<hbm>>
      tpu.enqueue_dma source(%dma_start3A_89 : memref<10240xi32, #tpu.memory_space<hbm>>) target(%dma_start3A_86 : memref<10240xi32, #tpu.memory_space<vmem>>) target_semaphore(%run_scoped3A : memref<!tpu.dma_semaphore, #tpu.memory_space<semaphore_mem>>)
      %dma_wait3A = arith.constant 30720 : i32
      %dma_wait3A_90 = tpu.memref_slice %arg7[%dma_wait3A] : memref<40960xi32, #tpu.memory_space<vmem>> -> memref<10240xi32, #tpu.memory_space<vmem>>
      %dma_wait3A_91 = arith.constant 0 : i32
      %dma_wait3A_92 = tpu.memref_slice %arg2[%add3A_17, %dma_wait3A_91] : memref<128x10240xi32, #tpu.memory_space<hbm>> -> memref<1x10240xi32, #tpu.memory_space<hbm>>
      %dma_wait3A_93 = tpu.memref_squeeze %dma_wait3A_92 : memref<1x10240xi32, #tpu.memory_space<hbm>> -> memref<10240xi32, #tpu.memory_space<hbm>>
      %dma_wait3A_94 = arith.constant 30720 : i32
      %dma_wait3A_95 = tpu.memref_slice %arg7[%dma_wait3A_94] : memref<40960xi32, #tpu.memory_space<vmem>> -> memref<10240xi32, #tpu.memory_space<vmem>>
      %dma_wait3A_96 = arith.constant 0 : i32
      %dma_wait3A_97 = tpu.memref_slice %arg2[%add3A_17, %dma_wait3A_96] : memref<128x10240xi32, #tpu.memory_space<hbm>> -> memref<1x10240xi32, #tpu.memory_space<hbm>>
      %dma_wait3A_98 = tpu.memref_squeeze %dma_wait3A_97 : memref<1x10240xi32, #tpu.memory_space<hbm>> -> memref<10240xi32, #tpu.memory_space<hbm>>
      tpu.wait_dma2 semaphore(%run_scoped3A : memref<!tpu.dma_semaphore, #tpu.memory_space<semaphore_mem>>) src(%dma_wait3A_98 : memref<10240xi32, #tpu.memory_space<hbm>>) dst(%dma_wait3A_95 : memref<10240xi32, #tpu.memory_space<vmem>>)
      tpu.yield
    }) : () -> ()
    %scan3A = arith.constant 0 : i32
    %scan3A_18 = arith.constant 0 : i32
    %scan3A_19 = arith.constant 5120 : i32
    %scan3A_20 = arith.addi %scan3A_18, %scan3A_19 : i32
    %scan3A_21 = arith.constant 1 : i32
    scf.for %scan3A_80 = %scan3A_18 to %scan3A_20 step %scan3A_21  : i32 {
      %mul3A_81 = arith.constant 16 : i32
      %mul3A_82 = arith.muli %scan3A_80, %mul3A_81 : i32
      %swap3A = arith.index_cast %mul3A_82 : i32 to index
      %swap3A_83 = tpu.vector_load %arg8[%swap3A] {strides = array<i32>} : memref<81920xf32, #tpu.memory_space<vmem>>, vector<16xf32>,
      tpu.vector_store %arg8[%swap3A], %broadcast_in_dim3A_1 {strides = array<i32>} : memref<81920xf32, #tpu.memory_space<vmem>>, vector<16xf32>,
    }
    %scan3A_22 = arith.constant 5120 : i32
    %dma_start3A = arith.constant 0 : i32
    %dma_start3A_23 = tpu.memref_slice %arg3[%dma_start3A] : memref<160000xi32, #tpu.memory_space<hbm>> -> memref<800xi32, #tpu.memory_space<hbm>>
    %dma_start3A_24 = arith.constant 0 : i32
    %dma_start3A_25 = tpu.memref_slice %arg3[%dma_start3A_24] : memref<160000xi32, #tpu.memory_space<hbm>> -> memref<800xi32, #tpu.memory_space<hbm>>
    tpu.enqueue_dma source(%dma_start3A_25 : memref<800xi32, #tpu.memory_space<hbm>>) target(%arg9 : memref<800xi32, #tpu.memory_space<vmem>>) target_semaphore(%arg13 : memref<!tpu.dma_semaphore, #tpu.memory_space<semaphore_mem>>)
    %dma_start3A_26 = arith.constant 0 : i32
    %dma_start3A_27 = tpu.memref_slice %arg4[%dma_start3A_26] : memref<160000xi32, #tpu.memory_space<hbm>> -> memref<800xi32, #tpu.memory_space<hbm>>
    %dma_start3A_28 = arith.constant 0 : i32
    %dma_start3A_29 = tpu.memref_slice %arg4[%dma_start3A_28] : memref<160000xi32, #tpu.memory_space<hbm>> -> memref<800xi32, #tpu.memory_space<hbm>>
    tpu.enqueue_dma source(%dma_start3A_29 : memref<800xi32, #tpu.memory_space<hbm>>) target(%arg10 : memref<800xi32, #tpu.memory_space<vmem>>) target_semaphore(%arg13 : memref<!tpu.dma_semaphore, #tpu.memory_space<semaphore_mem>>)
    %dma_start3A_30 = arith.constant 0 : i32
    %dma_start3A_31 = tpu.memref_slice %arg5[%dma_start3A_30] : memref<160000xf32, #tpu.memory_space<hbm>> -> memref<800xf32, #tpu.memory_space<hbm>>
    %dma_start3A_32 = arith.constant 0 : i32
    %dma_start3A_33 = tpu.memref_slice %arg5[%dma_start3A_32] : memref<160000xf32, #tpu.memory_space<hbm>> -> memref<800xf32, #tpu.memory_space<hbm>>
    tpu.enqueue_dma source(%dma_start3A_33 : memref<800xf32, #tpu.memory_space<hbm>>) target(%arg15 : memref<800xf32, #tpu.memory_space<vmem>>) target_semaphore(%arg13 : memref<!tpu.dma_semaphore, #tpu.memory_space<semaphore_mem>>)
    %scan3A_34 = arith.constant 0 : i32
    %scan3A_35 = arith.constant 0 : i32
    %scan3A_36 = arith.constant 100 : i32
    %scan3A_37 = arith.addi %scan3A_35, %scan3A_36 : i32
    %scan3A_38 = arith.constant 1 : i32
    scf.for %scan3A_80 = %scan3A_35 to %scan3A_37 step %scan3A_38  : i32 {
      %mul3A_81 = arith.constant 2 : i32
      %mul3A_82 = arith.muli %scan3A_80, %mul3A_81 : i32
      %add3A_83 = arith.constant 1 : i32
      %add3A_84 = arith.addi %mul3A_82, %add3A_83 : i32
      %mul3A_85 = arith.constant 800 : i32
      %mul3A_86 = arith.muli %add3A_84, %mul3A_85 : i32
      %dma_start3A_87 = tpu.memref_slice %arg3[%mul3A_86] : memref<160000xi32, #tpu.memory_space<hbm>> -> memref<800xi32, #tpu.memory_space<hbm>>
      %dma_start3A_88 = tpu.memref_slice %arg3[%mul3A_86] : memref<160000xi32, #tpu.memory_space<hbm>> -> memref<800xi32, #tpu.memory_space<hbm>>
      tpu.enqueue_dma source(%dma_start3A_88 : memref<800xi32, #tpu.memory_space<hbm>>) target(%arg11 : memref<800xi32, #tpu.memory_space<vmem>>) target_semaphore(%arg14 : memref<!tpu.dma_semaphore, #tpu.memory_space<semaphore_mem>>)
      %mul3A_89 = arith.constant 800 : i32
      %mul3A_90 = arith.muli %add3A_84, %mul3A_89 : i32
      %dma_start3A_91 = tpu.memref_slice %arg4[%mul3A_90] : memref<160000xi32, #tpu.memory_space<hbm>> -> memref<800xi32, #tpu.memory_space<hbm>>
      %dma_start3A_92 = tpu.memref_slice %arg4[%mul3A_90] : memref<160000xi32, #tpu.memory_space<hbm>> -> memref<800xi32, #tpu.memory_space<hbm>>
      tpu.enqueue_dma source(%dma_start3A_92 : memref<800xi32, #tpu.memory_space<hbm>>) target(%arg12 : memref<800xi32, #tpu.memory_space<vmem>>) target_semaphore(%arg14 : memref<!tpu.dma_semaphore, #tpu.memory_space<semaphore_mem>>)
      %mul3A_93 = arith.constant 800 : i32
      %mul3A_94 = arith.muli %add3A_84, %mul3A_93 : i32
      %dma_start3A_95 = tpu.memref_slice %arg5[%mul3A_94] : memref<160000xf32, #tpu.memory_space<hbm>> -> memref<800xf32, #tpu.memory_space<hbm>>
      %dma_start3A_96 = tpu.memref_slice %arg5[%mul3A_94] : memref<160000xf32, #tpu.memory_space<hbm>> -> memref<800xf32, #tpu.memory_space<hbm>>
      tpu.enqueue_dma source(%dma_start3A_96 : memref<800xf32, #tpu.memory_space<hbm>>) target(%arg16 : memref<800xf32, #tpu.memory_space<vmem>>) target_semaphore(%arg14 : memref<!tpu.dma_semaphore, #tpu.memory_space<semaphore_mem>>)
      %dma_wait3A = arith.constant 0 : i32
      %dma_wait3A_97 = tpu.memref_slice %arg3[%dma_wait3A] : memref<160000xi32, #tpu.memory_space<hbm>> -> memref<800xi32, #tpu.memory_space<hbm>>
      %dma_wait3A_98 = arith.constant 0 : i32
      %dma_wait3A_99 = tpu.memref_slice %arg3[%dma_wait3A_98] : memref<160000xi32, #tpu.memory_space<hbm>> -> memref<800xi32, #tpu.memory_space<hbm>>
      tpu.wait_dma2 semaphore(%arg13 : memref<!tpu.dma_semaphore, #tpu.memory_space<semaphore_mem>>) src(%dma_wait3A_99 : memref<800xi32, #tpu.memory_space<hbm>>) dst(%arg9 : memref<800xi32, #tpu.memory_space<vmem>>)
      %dma_wait3A_100 = arith.constant 0 : i32
      %dma_wait3A_101 = tpu.memref_slice %arg4[%dma_wait3A_100] : memref<160000xi32, #tpu.memory_space<hbm>> -> memref<800xi32, #tpu.memory_space<hbm>>
      %dma_wait3A_102 = arith.constant 0 : i32
      %dma_wait3A_103 = tpu.memref_slice %arg4[%dma_wait3A_102] : memref<160000xi32, #tpu.memory_space<hbm>> -> memref<800xi32, #tpu.memory_space<hbm>>
      tpu.wait_dma2 semaphore(%arg13 : memref<!tpu.dma_semaphore, #tpu.memory_space<semaphore_mem>>) src(%dma_wait3A_103 : memref<800xi32, #tpu.memory_space<hbm>>) dst(%arg10 : memref<800xi32, #tpu.memory_space<vmem>>)
      %dma_wait3A_104 = arith.constant 0 : i32
      %dma_wait3A_105 = tpu.memref_slice %arg5[%dma_wait3A_104] : memref<160000xf32, #tpu.memory_space<hbm>> -> memref<800xf32, #tpu.memory_space<hbm>>
      %dma_wait3A_106 = arith.constant 0 : i32
      %dma_wait3A_107 = tpu.memref_slice %arg5[%dma_wait3A_106] : memref<160000xf32, #tpu.memory_space<hbm>> -> memref<800xf32, #tpu.memory_space<hbm>>
      tpu.wait_dma2 semaphore(%arg13 : memref<!tpu.dma_semaphore, #tpu.memory_space<semaphore_mem>>) src(%dma_wait3A_107 : memref<800xf32, #tpu.memory_space<hbm>>) dst(%arg15 : memref<800xf32, #tpu.memory_space<vmem>>)
      %parallel_loop3A = arith.constant 0 : i32
      %parallel_loop3A_108 = arith.constant 50 : i32
      %parallel_loop3A_109 = arith.constant 1 : i32
      scf.for %parallel_loop3A_129 = %parallel_loop3A to %parallel_loop3A_108 step %parallel_loop3A_109  : i32 {
        %parallel_loop3A_130 = arith.constant 16 : i32
        %parallel_loop3A_131 = arith.muli %parallel_loop3A_129, %parallel_loop3A_130 : i32
        %parallel_loop3A_132 = arith.index_cast %parallel_loop3A_131 : i32 to index
        %parallel_loop3A_133 = tpu.vector_load %arg9[%parallel_loop3A_132] {strides = array<i32>} : memref<800xi32, #tpu.memory_space<vmem>>, vector<16xi32>,
        %parallel_loop3A_134 = arith.constant 16 : i32
        %parallel_loop3A_135 = arith.muli %parallel_loop3A_129, %parallel_loop3A_134 : i32
        %parallel_loop3A_136 = arith.index_cast %parallel_loop3A_135 : i32 to index
        %parallel_loop3A_137 = tpu.vector_load %arg10[%parallel_loop3A_136] {strides = array<i32>} : memref<800xi32, #tpu.memory_space<vmem>>, vector<16xi32>,
        %parallel_loop3A_138 = arith.constant 16 : i32
        %parallel_loop3A_139 = arith.muli %parallel_loop3A_129, %parallel_loop3A_138 : i32
        %parallel_loop3A_140 = arith.index_cast %parallel_loop3A_139 : i32 to index
        %parallel_loop3A_141 = tpu.vector_load %arg15[%parallel_loop3A_140] {strides = array<i32>} : memref<800xf32, #tpu.memory_space<vmem>>, vector<16xf32>,
        %parallel_loop3A_142 = arith.constant 0 : i32
        %parallel_loop3A_143 = vector.broadcast %parallel_loop3A_142 : i32 to vector<16xi32>
        %parallel_loop3A_144 = arith.addi %parallel_loop3A_133, %parallel_loop3A_143 : vector<16xi32>
        %parallel_loop3A_145 = tpu.vector_load_idx %arg7[%parallel_loop3A_144] : memref<40960xi32, #tpu.memory_space<vmem>>[vector<16xi32>], vector<16xi32>,
        %parallel_loop3A_146 = arith.constant 16 : i32
        %parallel_loop3A_147 = vector.broadcast %parallel_loop3A_146 : i32 to vector<16xi32>
        %parallel_loop3A_148 = arith.shli %parallel_loop3A_145, %parallel_loop3A_147 : vector<16xi32>
        %parallel_loop3A_149 = vector.bitcast %parallel_loop3A_148 : vector<16xi32> to vector<16xf32>
        %parallel_loop3A_150 = arith.constant -65536 : i32
        %parallel_loop3A_151 = vector.broadcast %parallel_loop3A_150 : i32 to vector<16xi32>
        %parallel_loop3A_152 = arith.andi %parallel_loop3A_145, %parallel_loop3A_151 : vector<16xi32>
        %parallel_loop3A_153 = vector.bitcast %parallel_loop3A_152 : vector<16xi32> to vector<16xf32>
        %parallel_loop3A_154 = arith.mulf %parallel_loop3A_149, %parallel_loop3A_141 : vector<16xf32>
        %parallel_loop3A_155 = arith.mulf %parallel_loop3A_153, %parallel_loop3A_141 : vector<16xf32>
        %parallel_loop3A_156 = arith.constant 0 : i32
        %parallel_loop3A_157 = vector.broadcast %parallel_loop3A_156 : i32 to vector<16xi32>
        %parallel_loop3A_158 = arith.addi %parallel_loop3A_137, %parallel_loop3A_157 : vector<16xi32>
        tpu.vector_store_idx %arg8[%parallel_loop3A_158], %parallel_loop3A_154 {add = true} : memref<81920xf32, #tpu.memory_space<vmem>>[vector<16xi32>], vector<16xf32>,
        %parallel_loop3A_159 = arith.constant 40960 : i32
        %parallel_loop3A_160 = vector.broadcast %parallel_loop3A_159 : i32 to vector<16xi32>
        %parallel_loop3A_161 = arith.addi %parallel_loop3A_137, %parallel_loop3A_160 : vector<16xi32>
        tpu.vector_store_idx %arg8[%parallel_loop3A_161], %parallel_loop3A_155 {add = true} : memref<81920xf32, #tpu.memory_space<vmem>>[vector<16xi32>], vector<16xf32>,
        %parallel_loop3A_162 = arith.constant 10240 : i32
        %parallel_loop3A_163 = vector.broadcast %parallel_loop3A_162 : i32 to vector<16xi32>
        %parallel_loop3A_164 = arith.addi %parallel_loop3A_133, %parallel_loop3A_163 : vector<16xi32>
        %parallel_loop3A_165 = tpu.vector_load_idx %arg7[%parallel_loop3A_164] : memref<40960xi32, #tpu.memory_space<vmem>>[vector<16xi32>], vector<16xi32>,
        %parallel_loop3A_166 = arith.constant 16 : i32
        %parallel_loop3A_167 = vector.broadcast %parallel_loop3A_166 : i32 to vector<16xi32>
        %parallel_loop3A_168 = arith.shli %parallel_loop3A_165, %parallel_loop3A_167 : vector<16xi32>
        %parallel_loop3A_169 = vector.bitcast %parallel_loop3A_168 : vector<16xi32> to vector<16xf32>
        %parallel_loop3A_170 = arith.constant -65536 : i32
        %parallel_loop3A_171 = vector.broadcast %parallel_loop3A_170 : i32 to vector<16xi32>
        %parallel_loop3A_172 = arith.andi %parallel_loop3A_165, %parallel_loop3A_171 : vector<16xi32>
        %parallel_loop3A_173 = vector.bitcast %parallel_loop3A_172 : vector<16xi32> to vector<16xf32>
        %parallel_loop3A_174 = arith.mulf %parallel_loop3A_169, %parallel_loop3A_141 : vector<16xf32>
        %parallel_loop3A_175 = arith.mulf %parallel_loop3A_173, %parallel_loop3A_141 : vector<16xf32>
        %parallel_loop3A_176 = arith.constant 10240 : i32
        %parallel_loop3A_177 = vector.broadcast %parallel_loop3A_176 : i32 to vector<16xi32>
        %parallel_loop3A_178 = arith.addi %parallel_loop3A_137, %parallel_loop3A_177 : vector<16xi32>
        tpu.vector_store_idx %arg8[%parallel_loop3A_178], %parallel_loop3A_174 {add = true} : memref<81920xf32, #tpu.memory_space<vmem>>[vector<16xi32>], vector<16xf32>,
        %parallel_loop3A_179 = arith.constant 51200 : i32
        %parallel_loop3A_180 = vector.broadcast %parallel_loop3A_179 : i32 to vector<16xi32>
        %parallel_loop3A_181 = arith.addi %parallel_loop3A_137, %parallel_loop3A_180 : vector<16xi32>
        tpu.vector_store_idx %arg8[%parallel_loop3A_181], %parallel_loop3A_175 {add = true} : memref<81920xf32, #tpu.memory_space<vmem>>[vector<16xi32>], vector<16xf32>,
        %parallel_loop3A_182 = arith.constant 20480 : i32
        %parallel_loop3A_183 = vector.broadcast %parallel_loop3A_182 : i32 to vector<16xi32>
        %parallel_loop3A_184 = arith.addi %parallel_loop3A_133, %parallel_loop3A_183 : vector<16xi32>
        %parallel_loop3A_185 = tpu.vector_load_idx %arg7[%parallel_loop3A_184] : memref<40960xi32, #tpu.memory_space<vmem>>[vector<16xi32>], vector<16xi32>,
        %parallel_loop3A_186 = arith.constant 16 : i32
        %parallel_loop3A_187 = vector.broadcast %parallel_loop3A_186 : i32 to vector<16xi32>
        %parallel_loop3A_188 = arith.shli %parallel_loop3A_185, %parallel_loop3A_187 : vector<16xi32>
        %parallel_loop3A_189 = vector.bitcast %parallel_loop3A_188 : vector<16xi32> to vector<16xf32>
        %parallel_loop3A_190 = arith.constant -65536 : i32
        %parallel_loop3A_191 = vector.broadcast %parallel_loop3A_190 : i32 to vector<16xi32>
        %parallel_loop3A_192 = arith.andi %parallel_loop3A_185, %parallel_loop3A_191 : vector<16xi32>
        %parallel_loop3A_193 = vector.bitcast %parallel_loop3A_192 : vector<16xi32> to vector<16xf32>
        %parallel_loop3A_194 = arith.mulf %parallel_loop3A_189, %parallel_loop3A_141 : vector<16xf32>
        %parallel_loop3A_195 = arith.mulf %parallel_loop3A_193, %parallel_loop3A_141 : vector<16xf32>
        %parallel_loop3A_196 = arith.constant 20480 : i32
        %parallel_loop3A_197 = vector.broadcast %parallel_loop3A_196 : i32 to vector<16xi32>
        %parallel_loop3A_198 = arith.addi %parallel_loop3A_137, %parallel_loop3A_197 : vector<16xi32>
        tpu.vector_store_idx %arg8[%parallel_loop3A_198], %parallel_loop3A_194 {add = true} : memref<81920xf32, #tpu.memory_space<vmem>>[vector<16xi32>], vector<16xf32>,
        %parallel_loop3A_199 = arith.constant 61440 : i32
        %parallel_loop3A_200 = vector.broadcast %parallel_loop3A_199 : i32 to vector<16xi32>
        %parallel_loop3A_201 = arith.addi %parallel_loop3A_137, %parallel_loop3A_200 : vector<16xi32>
        tpu.vector_store_idx %arg8[%parallel_loop3A_201], %parallel_loop3A_195 {add = true} : memref<81920xf32, #tpu.memory_space<vmem>>[vector<16xi32>], vector<16xf32>,
        %parallel_loop3A_202 = arith.constant 30720 : i32
        %parallel_loop3A_203 = vector.broadcast %parallel_loop3A_202 : i32 to vector<16xi32>
        %parallel_loop3A_204 = arith.addi %parallel_loop3A_133, %parallel_loop3A_203 : vector<16xi32>
        %parallel_loop3A_205 = tpu.vector_load_idx %arg7[%parallel_loop3A_204] : memref<40960xi32, #tpu.memory_space<vmem>>[vector<16xi32>], vector<16xi32>,
        %parallel_loop3A_206 = arith.constant 16 : i32
        %parallel_loop3A_207 = vector.broadcast %parallel_loop3A_206 : i32 to vector<16xi32>
        %parallel_loop3A_208 = arith.shli %parallel_loop3A_205, %parallel_loop3A_207 : vector<16xi32>
        %parallel_loop3A_209 = vector.bitcast %parallel_loop3A_208 : vector<16xi32> to vector<16xf32>
        %parallel_loop3A_210 = arith.constant -65536 : i32
        %parallel_loop3A_211 = vector.broadcast %parallel_loop3A_210 : i32 to vector<16xi32>
        %parallel_loop3A_212 = arith.andi %parallel_loop3A_205, %parallel_loop3A_211 : vector<16xi32>
        %parallel_loop3A_213 = vector.bitcast %parallel_loop3A_212 : vector<16xi32> to vector<16xf32>
        %parallel_loop3A_214 = arith.mulf %parallel_loop3A_209, %parallel_loop3A_141 : vector<16xf32>
        %parallel_loop3A_215 = arith.mulf %parallel_loop3A_213, %parallel_loop3A_141 : vector<16xf32>
        %parallel_loop3A_216 = arith.constant 30720 : i32
        %parallel_loop3A_217 = vector.broadcast %parallel_loop3A_216 : i32 to vector<16xi32>
        %parallel_loop3A_218 = arith.addi %parallel_loop3A_137, %parallel_loop3A_217 : vector<16xi32>
        tpu.vector_store_idx %arg8[%parallel_loop3A_218], %parallel_loop3A_214 {add = true} : memref<81920xf32, #tpu.memory_space<vmem>>[vector<16xi32>], vector<16xf32>,
        %parallel_loop3A_219 = arith.constant 71680 : i32
        %parallel_loop3A_220 = vector.broadcast %parallel_loop3A_219 : i32 to vector<16xi32>
        %parallel_loop3A_221 = arith.addi %parallel_loop3A_137, %parallel_loop3A_220 : vector<16xi32>
        tpu.vector_store_idx %arg8[%parallel_loop3A_221], %parallel_loop3A_215 {add = true} : memref<81920xf32, #tpu.memory_space<vmem>>[vector<16xi32>], vector<16xf32>,
      } {sc.loop_unroll_factor = 4 : i64, sc.parallel_access}
      %add3A_110 = arith.constant 2 : i32
      %add3A_111 = arith.addi %mul3A_82, %add3A_110 : i32
      %lt3A = arith.constant 200 : i32
      %lt3A_112 = arith.cmpi slt, %add3A_111, %lt3A : i32
      %convert_element_type3A = arith.extui %lt3A_112 : i1 to i32
      %cond3A = arith.constant 0 : i32
      %cond3A_113 = arith.cmpi ne, %convert_element_type3A, %cond3A : i32
      scf.if %cond3A_113 {
        %add3A_129 = arith.constant 2 : i32
        %add3A_130 = arith.addi %mul3A_82, %add3A_129 : i32
        %mul3A_131 = arith.constant 800 : i32
        %mul3A_132 = arith.muli %add3A_130, %mul3A_131 : i32
        %dma_start3A_133 = tpu.memref_slice %arg3[%mul3A_132] : memref<160000xi32, #tpu.memory_space<hbm>> -> memref<800xi32, #tpu.memory_space<hbm>>
        %dma_start3A_134 = tpu.memref_slice %arg3[%mul3A_132] : memref<160000xi32, #tpu.memory_space<hbm>> -> memref<800xi32, #tpu.memory_space<hbm>>
        tpu.enqueue_dma source(%dma_start3A_134 : memref<800xi32, #tpu.memory_space<hbm>>) target(%arg9 : memref<800xi32, #tpu.memory_space<vmem>>) target_semaphore(%arg13 : memref<!tpu.dma_semaphore, #tpu.memory_space<semaphore_mem>>)
        %mul3A_135 = arith.constant 800 : i32
        %mul3A_136 = arith.muli %add3A_130, %mul3A_135 : i32
        %dma_start3A_137 = tpu.memref_slice %arg4[%mul3A_136] : memref<160000xi32, #tpu.memory_space<hbm>> -> memref<800xi32, #tpu.memory_space<hbm>>
        %dma_start3A_138 = tpu.memref_slice %arg4[%mul3A_136] : memref<160000xi32, #tpu.memory_space<hbm>> -> memref<800xi32, #tpu.memory_space<hbm>>
        tpu.enqueue_dma source(%dma_start3A_138 : memref<800xi32, #tpu.memory_space<hbm>>) target(%arg10 : memref<800xi32, #tpu.memory_space<vmem>>) target_semaphore(%arg13 : memref<!tpu.dma_semaphore, #tpu.memory_space<semaphore_mem>>)
        %mul3A_139 = arith.constant 800 : i32
        %mul3A_140 = arith.muli %add3A_130, %mul3A_139 : i32
        %dma_start3A_141 = tpu.memref_slice %arg5[%mul3A_140] : memref<160000xf32, #tpu.memory_space<hbm>> -> memref<800xf32, #tpu.memory_space<hbm>>
        %dma_start3A_142 = tpu.memref_slice %arg5[%mul3A_140] : memref<160000xf32, #tpu.memory_space<hbm>> -> memref<800xf32, #tpu.memory_space<hbm>>
        tpu.enqueue_dma source(%dma_start3A_142 : memref<800xf32, #tpu.memory_space<hbm>>) target(%arg15 : memref<800xf32, #tpu.memory_space<vmem>>) target_semaphore(%arg13 : memref<!tpu.dma_semaphore, #tpu.memory_space<semaphore_mem>>)
      } else {
      }
      %dma_wait3A_114 = arith.constant 0 : i32
      %dma_wait3A_115 = tpu.memref_slice %arg3[%dma_wait3A_114] : memref<160000xi32, #tpu.memory_space<hbm>> -> memref<800xi32, #tpu.memory_space<hbm>>
      %dma_wait3A_116 = arith.constant 0 : i32
      %dma_wait3A_117 = tpu.memref_slice %arg3[%dma_wait3A_116] : memref<160000xi32, #tpu.memory_space<hbm>> -> memref<800xi32, #tpu.memory_space<hbm>>
      tpu.wait_dma2 semaphore(%arg14 : memref<!tpu.dma_semaphore, #tpu.memory_space<semaphore_mem>>) src(%dma_wait3A_117 : memref<800xi32, #tpu.memory_space<hbm>>) dst(%arg11 : memref<800xi32, #tpu.memory_space<vmem>>)
      %dma_wait3A_118 = arith.constant 0 : i32
      %dma_wait3A_119 = tpu.memref_slice %arg4[%dma_wait3A_118] : memref<160000xi32, #tpu.memory_space<hbm>> -> memref<800xi32, #tpu.memory_space<hbm>>
      %dma_wait3A_120 = arith.constant 0 : i32
      %dma_wait3A_121 = tpu.memref_slice %arg4[%dma_wait3A_120] : memref<160000xi32, #tpu.memory_space<hbm>> -> memref<800xi32, #tpu.memory_space<hbm>>
      tpu.wait_dma2 semaphore(%arg14 : memref<!tpu.dma_semaphore, #tpu.memory_space<semaphore_mem>>) src(%dma_wait3A_121 : memref<800xi32, #tpu.memory_space<hbm>>) dst(%arg12 : memref<800xi32, #tpu.memory_space<vmem>>)
      %dma_wait3A_122 = arith.constant 0 : i32
      %dma_wait3A_123 = tpu.memref_slice %arg5[%dma_wait3A_122] : memref<160000xf32, #tpu.memory_space<hbm>> -> memref<800xf32, #tpu.memory_space<hbm>>
      %dma_wait3A_124 = arith.constant 0 : i32
      %dma_wait3A_125 = tpu.memref_slice %arg5[%dma_wait3A_124] : memref<160000xf32, #tpu.memory_space<hbm>> -> memref<800xf32, #tpu.memory_space<hbm>>
      tpu.wait_dma2 semaphore(%arg14 : memref<!tpu.dma_semaphore, #tpu.memory_space<semaphore_mem>>) src(%dma_wait3A_125 : memref<800xf32, #tpu.memory_space<hbm>>) dst(%arg16 : memref<800xf32, #tpu.memory_space<vmem>>)
      %parallel_loop3A_126 = arith.constant 0 : i32
      %parallel_loop3A_127 = arith.constant 50 : i32
      %parallel_loop3A_128 = arith.constant 1 : i32
      scf.for %parallel_loop3A_129 = %parallel_loop3A_126 to %parallel_loop3A_127 step %parallel_loop3A_128  : i32 {
        %parallel_loop3A_130 = arith.constant 16 : i32
        %parallel_loop3A_131 = arith.muli %parallel_loop3A_129, %parallel_loop3A_130 : i32
        %parallel_loop3A_132 = arith.index_cast %parallel_loop3A_131 : i32 to index
        %parallel_loop3A_133 = tpu.vector_load %arg11[%parallel_loop3A_132] {strides = array<i32>} : memref<800xi32, #tpu.memory_space<vmem>>, vector<16xi32>,
        %parallel_loop3A_134 = arith.constant 16 : i32
        %parallel_loop3A_135 = arith.muli %parallel_loop3A_129, %parallel_loop3A_134 : i32
        %parallel_loop3A_136 = arith.index_cast %parallel_loop3A_135 : i32 to index
        %parallel_loop3A_137 = tpu.vector_load %arg12[%parallel_loop3A_136] {strides = array<i32>} : memref<800xi32, #tpu.memory_space<vmem>>, vector<16xi32>,
        %parallel_loop3A_138 = arith.constant 16 : i32
        %parallel_loop3A_139 = arith.muli %parallel_loop3A_129, %parallel_loop3A_138 : i32
        %parallel_loop3A_140 = arith.index_cast %parallel_loop3A_139 : i32 to index
        %parallel_loop3A_141 = tpu.vector_load %arg16[%parallel_loop3A_140] {strides = array<i32>} : memref<800xf32, #tpu.memory_space<vmem>>, vector<16xf32>,
        %parallel_loop3A_142 = arith.constant 0 : i32
        %parallel_loop3A_143 = vector.broadcast %parallel_loop3A_142 : i32 to vector<16xi32>
        %parallel_loop3A_144 = arith.addi %parallel_loop3A_133, %parallel_loop3A_143 : vector<16xi32>
        %parallel_loop3A_145 = tpu.vector_load_idx %arg7[%parallel_loop3A_144] : memref<40960xi32, #tpu.memory_space<vmem>>[vector<16xi32>], vector<16xi32>,
        %parallel_loop3A_146 = arith.constant 16 : i32
        %parallel_loop3A_147 = vector.broadcast %parallel_loop3A_146 : i32 to vector<16xi32>
        %parallel_loop3A_148 = arith.shli %parallel_loop3A_145, %parallel_loop3A_147 : vector<16xi32>
        %parallel_loop3A_149 = vector.bitcast %parallel_loop3A_148 : vector<16xi32> to vector<16xf32>
        %parallel_loop3A_150 = arith.constant -65536 : i32
        %parallel_loop3A_151 = vector.broadcast %parallel_loop3A_150 : i32 to vector<16xi32>
        %parallel_loop3A_152 = arith.andi %parallel_loop3A_145, %parallel_loop3A_151 : vector<16xi32>
        %parallel_loop3A_153 = vector.bitcast %parallel_loop3A_152 : vector<16xi32> to vector<16xf32>
        %parallel_loop3A_154 = arith.mulf %parallel_loop3A_149, %parallel_loop3A_141 : vector<16xf32>
        %parallel_loop3A_155 = arith.mulf %parallel_loop3A_153, %parallel_loop3A_141 : vector<16xf32>
        %parallel_loop3A_156 = arith.constant 0 : i32
        %parallel_loop3A_157 = vector.broadcast %parallel_loop3A_156 : i32 to vector<16xi32>
        %parallel_loop3A_158 = arith.addi %parallel_loop3A_137, %parallel_loop3A_157 : vector<16xi32>
        tpu.vector_store_idx %arg8[%parallel_loop3A_158], %parallel_loop3A_154 {add = true} : memref<81920xf32, #tpu.memory_space<vmem>>[vector<16xi32>], vector<16xf32>,
        %parallel_loop3A_159 = arith.constant 40960 : i32
        %parallel_loop3A_160 = vector.broadcast %parallel_loop3A_159 : i32 to vector<16xi32>
        %parallel_loop3A_161 = arith.addi %parallel_loop3A_137, %parallel_loop3A_160 : vector<16xi32>
        tpu.vector_store_idx %arg8[%parallel_loop3A_161], %parallel_loop3A_155 {add = true} : memref<81920xf32, #tpu.memory_space<vmem>>[vector<16xi32>], vector<16xf32>,
        %parallel_loop3A_162 = arith.constant 10240 : i32
        %parallel_loop3A_163 = vector.broadcast %parallel_loop3A_162 : i32 to vector<16xi32>
        %parallel_loop3A_164 = arith.addi %parallel_loop3A_133, %parallel_loop3A_163 : vector<16xi32>
        %parallel_loop3A_165 = tpu.vector_load_idx %arg7[%parallel_loop3A_164] : memref<40960xi32, #tpu.memory_space<vmem>>[vector<16xi32>], vector<16xi32>,
        %parallel_loop3A_166 = arith.constant 16 : i32
        %parallel_loop3A_167 = vector.broadcast %parallel_loop3A_166 : i32 to vector<16xi32>
        %parallel_loop3A_168 = arith.shli %parallel_loop3A_165, %parallel_loop3A_167 : vector<16xi32>
        %parallel_loop3A_169 = vector.bitcast %parallel_loop3A_168 : vector<16xi32> to vector<16xf32>
        %parallel_loop3A_170 = arith.constant -65536 : i32
        %parallel_loop3A_171 = vector.broadcast %parallel_loop3A_170 : i32 to vector<16xi32>
        %parallel_loop3A_172 = arith.andi %parallel_loop3A_165, %parallel_loop3A_171 : vector<16xi32>
        %parallel_loop3A_173 = vector.bitcast %parallel_loop3A_172 : vector<16xi32> to vector<16xf32>
        %parallel_loop3A_174 = arith.mulf %parallel_loop3A_169, %parallel_loop3A_141 : vector<16xf32>
        %parallel_loop3A_175 = arith.mulf %parallel_loop3A_173, %parallel_loop3A_141 : vector<16xf32>
        %parallel_loop3A_176 = arith.constant 10240 : i32
        %parallel_loop3A_177 = vector.broadcast %parallel_loop3A_176 : i32 to vector<16xi32>
        %parallel_loop3A_178 = arith.addi %parallel_loop3A_137, %parallel_loop3A_177 : vector<16xi32>
        tpu.vector_store_idx %arg8[%parallel_loop3A_178], %parallel_loop3A_174 {add = true} : memref<81920xf32, #tpu.memory_space<vmem>>[vector<16xi32>], vector<16xf32>,
        %parallel_loop3A_179 = arith.constant 51200 : i32
        %parallel_loop3A_180 = vector.broadcast %parallel_loop3A_179 : i32 to vector<16xi32>
        %parallel_loop3A_181 = arith.addi %parallel_loop3A_137, %parallel_loop3A_180 : vector<16xi32>
        tpu.vector_store_idx %arg8[%parallel_loop3A_181], %parallel_loop3A_175 {add = true} : memref<81920xf32, #tpu.memory_space<vmem>>[vector<16xi32>], vector<16xf32>,
        %parallel_loop3A_182 = arith.constant 20480 : i32
        %parallel_loop3A_183 = vector.broadcast %parallel_loop3A_182 : i32 to vector<16xi32>
        %parallel_loop3A_184 = arith.addi %parallel_loop3A_133, %parallel_loop3A_183 : vector<16xi32>
        %parallel_loop3A_185 = tpu.vector_load_idx %arg7[%parallel_loop3A_184] : memref<40960xi32, #tpu.memory_space<vmem>>[vector<16xi32>], vector<16xi32>,
        %parallel_loop3A_186 = arith.constant 16 : i32
        %parallel_loop3A_187 = vector.broadcast %parallel_loop3A_186 : i32 to vector<16xi32>
        %parallel_loop3A_188 = arith.shli %parallel_loop3A_185, %parallel_loop3A_187 : vector<16xi32>
        %parallel_loop3A_189 = vector.bitcast %parallel_loop3A_188 : vector<16xi32> to vector<16xf32>
        %parallel_loop3A_190 = arith.constant -65536 : i32
        %parallel_loop3A_191 = vector.broadcast %parallel_loop3A_190 : i32 to vector<16xi32>
        %parallel_loop3A_192 = arith.andi %parallel_loop3A_185, %parallel_loop3A_191 : vector<16xi32>
        %parallel_loop3A_193 = vector.bitcast %parallel_loop3A_192 : vector<16xi32> to vector<16xf32>
        %parallel_loop3A_194 = arith.mulf %parallel_loop3A_189, %parallel_loop3A_141 : vector<16xf32>
        %parallel_loop3A_195 = arith.mulf %parallel_loop3A_193, %parallel_loop3A_141 : vector<16xf32>
        %parallel_loop3A_196 = arith.constant 20480 : i32
        %parallel_loop3A_197 = vector.broadcast %parallel_loop3A_196 : i32 to vector<16xi32>
        %parallel_loop3A_198 = arith.addi %parallel_loop3A_137, %parallel_loop3A_197 : vector<16xi32>
        tpu.vector_store_idx %arg8[%parallel_loop3A_198], %parallel_loop3A_194 {add = true} : memref<81920xf32, #tpu.memory_space<vmem>>[vector<16xi32>], vector<16xf32>,
        %parallel_loop3A_199 = arith.constant 61440 : i32
        %parallel_loop3A_200 = vector.broadcast %parallel_loop3A_199 : i32 to vector<16xi32>
        %parallel_loop3A_201 = arith.addi %parallel_loop3A_137, %parallel_loop3A_200 : vector<16xi32>
        tpu.vector_store_idx %arg8[%parallel_loop3A_201], %parallel_loop3A_195 {add = true} : memref<81920xf32, #tpu.memory_space<vmem>>[vector<16xi32>], vector<16xf32>,
        %parallel_loop3A_202 = arith.constant 30720 : i32
        %parallel_loop3A_203 = vector.broadcast %parallel_loop3A_202 : i32 to vector<16xi32>
        %parallel_loop3A_204 = arith.addi %parallel_loop3A_133, %parallel_loop3A_203 : vector<16xi32>
        %parallel_loop3A_205 = tpu.vector_load_idx %arg7[%parallel_loop3A_204] : memref<40960xi32, #tpu.memory_space<vmem>>[vector<16xi32>], vector<16xi32>,
        %parallel_loop3A_206 = arith.constant 16 : i32
        %parallel_loop3A_207 = vector.broadcast %parallel_loop3A_206 : i32 to vector<16xi32>
        %parallel_loop3A_208 = arith.shli %parallel_loop3A_205, %parallel_loop3A_207 : vector<16xi32>
        %parallel_loop3A_209 = vector.bitcast %parallel_loop3A_208 : vector<16xi32> to vector<16xf32>
        %parallel_loop3A_210 = arith.constant -65536 : i32
        %parallel_loop3A_211 = vector.broadcast %parallel_loop3A_210 : i32 to vector<16xi32>
        %parallel_loop3A_212 = arith.andi %parallel_loop3A_205, %parallel_loop3A_211 : vector<16xi32>
        %parallel_loop3A_213 = vector.bitcast %parallel_loop3A_212 : vector<16xi32> to vector<16xf32>
        %parallel_loop3A_214 = arith.mulf %parallel_loop3A_209, %parallel_loop3A_141 : vector<16xf32>
        %parallel_loop3A_215 = arith.mulf %parallel_loop3A_213, %parallel_loop3A_141 : vector<16xf32>
        %parallel_loop3A_216 = arith.constant 30720 : i32
        %parallel_loop3A_217 = vector.broadcast %parallel_loop3A_216 : i32 to vector<16xi32>
        %parallel_loop3A_218 = arith.addi %parallel_loop3A_137, %parallel_loop3A_217 : vector<16xi32>
        tpu.vector_store_idx %arg8[%parallel_loop3A_218], %parallel_loop3A_214 {add = true} : memref<81920xf32, #tpu.memory_space<vmem>>[vector<16xi32>], vector<16xf32>,
        %parallel_loop3A_219 = arith.constant 71680 : i32
        %parallel_loop3A_220 = vector.broadcast %parallel_loop3A_219 : i32 to vector<16xi32>
        %parallel_loop3A_221 = arith.addi %parallel_loop3A_137, %parallel_loop3A_220 : vector<16xi32>
        tpu.vector_store_idx %arg8[%parallel_loop3A_221], %parallel_loop3A_215 {add = true} : memref<81920xf32, #tpu.memory_space<vmem>>[vector<16xi32>], vector<16xf32>,
      } {sc.loop_unroll_factor = 4 : i64, sc.parallel_access}
    }
    %scan3A_39 = arith.constant 100 : i32
    %mul3A_40 = arith.constant 4 : i32
    %mul3A_41 = arith.muli %mul3A_40, %add3A : i32
    %add3A_42 = arith.constant 0 : i32
    %add3A_43 = arith.addi %mul3A_41, %add3A_42 : i32
    "tpu.region"() ({
      %run_scoped3A = tpu.sem_alloc : memref<!tpu.dma_semaphore, #tpu.memory_space<semaphore_mem>>
      %dma_start3A_80 = arith.constant 0 : i32
      %dma_start3A_81 = tpu.memref_slice %arg8[%dma_start3A_80] : memref<81920xf32, #tpu.memory_space<vmem>> -> memref<10240xf32, #tpu.memory_space<vmem>>
      %dma_start3A_82 = arith.constant 0 : i32
      %dma_start3A_83 = tpu.memref_slice %arg6[%add3A_43, %dma_start3A_82] : memref<256x10240xf32, #tpu.memory_space<hbm>> -> memref<1x10240xf32, #tpu.memory_space<hbm>>
      %dma_start3A_84 = tpu.memref_squeeze %dma_start3A_83 : memref<1x10240xf32, #tpu.memory_space<hbm>> -> memref<10240xf32, #tpu.memory_space<hbm>>
      %dma_start3A_85 = arith.constant 0 : i32
      %dma_start3A_86 = tpu.memref_slice %arg6[%add3A_43, %dma_start3A_85] : memref<256x10240xf32, #tpu.memory_space<hbm>> -> memref<1x10240xf32, #tpu.memory_space<hbm>>
      %dma_start3A_87 = tpu.memref_squeeze %dma_start3A_86 : memref<1x10240xf32, #tpu.memory_space<hbm>> -> memref<10240xf32, #tpu.memory_space<hbm>>
      %dma_start3A_88 = arith.constant 0 : i32
      %dma_start3A_89 = tpu.memref_slice %arg8[%dma_start3A_88] : memref<81920xf32, #tpu.memory_space<vmem>> -> memref<10240xf32, #tpu.memory_space<vmem>>
      tpu.enqueue_dma source(%dma_start3A_89 : memref<10240xf32, #tpu.memory_space<vmem>>) target(%dma_start3A_87 : memref<10240xf32, #tpu.memory_space<hbm>>) target_semaphore(%run_scoped3A : memref<!tpu.dma_semaphore, #tpu.memory_space<semaphore_mem>>)
      %dma_wait3A = arith.constant 0 : i32
      %dma_wait3A_90 = tpu.memref_slice %arg8[%dma_wait3A] : memref<81920xf32, #tpu.memory_space<vmem>> -> memref<10240xf32, #tpu.memory_space<vmem>>
      %dma_wait3A_91 = arith.constant 0 : i32
      %dma_wait3A_92 = tpu.memref_slice %arg6[%add3A_43, %dma_wait3A_91] : memref<256x10240xf32, #tpu.memory_space<hbm>> -> memref<1x10240xf32, #tpu.memory_space<hbm>>
      %dma_wait3A_93 = tpu.memref_squeeze %dma_wait3A_92 : memref<1x10240xf32, #tpu.memory_space<hbm>> -> memref<10240xf32, #tpu.memory_space<hbm>>
      %dma_wait3A_94 = arith.constant 0 : i32
      %dma_wait3A_95 = tpu.memref_slice %arg6[%add3A_43, %dma_wait3A_94] : memref<256x10240xf32, #tpu.memory_space<hbm>> -> memref<1x10240xf32, #tpu.memory_space<hbm>>
      %dma_wait3A_96 = tpu.memref_squeeze %dma_wait3A_95 : memref<1x10240xf32, #tpu.memory_space<hbm>> -> memref<10240xf32, #tpu.memory_space<hbm>>
      %dma_wait3A_97 = arith.constant 0 : i32
      %dma_wait3A_98 = tpu.memref_slice %arg8[%dma_wait3A_97] : memref<81920xf32, #tpu.memory_space<vmem>> -> memref<10240xf32, #tpu.memory_space<vmem>>
      tpu.wait_dma2 semaphore(%run_scoped3A : memref<!tpu.dma_semaphore, #tpu.memory_space<semaphore_mem>>) src(%dma_wait3A_98 : memref<10240xf32, #tpu.memory_space<vmem>>) dst(%dma_wait3A_96 : memref<10240xf32, #tpu.memory_space<hbm>>)
      tpu.yield
    }) : () -> ()
    %mul3A_44 = arith.constant 4 : i32
    %mul3A_45 = arith.muli %mul3A_44, %add3A : i32
    %add3A_46 = arith.constant 128 : i32
    %add3A_47 = arith.addi %add3A_46, %mul3A_45 : i32
    %add3A_48 = arith.constant 0 : i32
    %add3A_49 = arith.addi %add3A_47, %add3A_48 : i32
    "tpu.region"() ({
      %run_scoped3A = tpu.sem_alloc : memref<!tpu.dma_semaphore, #tpu.memory_space<semaphore_mem>>
      %dma_start3A_80 = arith.constant 40960 : i32
      %dma_start3A_81 = tpu.memref_slice %arg8[%dma_start3A_80] : memref<81920xf32, #tpu.memory_space<vmem>> -> memref<10240xf32, #tpu.memory_space<vmem>>
      %dma_start3A_82 = arith.constant 0 : i32
      %dma_start3A_83 = tpu.memref_slice %arg6[%add3A_49, %dma_start3A_82] : memref<256x10240xf32, #tpu.memory_space<hbm>> -> memref<1x10240xf32, #tpu.memory_space<hbm>>
      %dma_start3A_84 = tpu.memref_squeeze %dma_start3A_83 : memref<1x10240xf32, #tpu.memory_space<hbm>> -> memref<10240xf32, #tpu.memory_space<hbm>>
      %dma_start3A_85 = arith.constant 0 : i32
      %dma_start3A_86 = tpu.memref_slice %arg6[%add3A_49, %dma_start3A_85] : memref<256x10240xf32, #tpu.memory_space<hbm>> -> memref<1x10240xf32, #tpu.memory_space<hbm>>
      %dma_start3A_87 = tpu.memref_squeeze %dma_start3A_86 : memref<1x10240xf32, #tpu.memory_space<hbm>> -> memref<10240xf32, #tpu.memory_space<hbm>>
      %dma_start3A_88 = arith.constant 40960 : i32
      %dma_start3A_89 = tpu.memref_slice %arg8[%dma_start3A_88] : memref<81920xf32, #tpu.memory_space<vmem>> -> memref<10240xf32, #tpu.memory_space<vmem>>
      tpu.enqueue_dma source(%dma_start3A_89 : memref<10240xf32, #tpu.memory_space<vmem>>) target(%dma_start3A_87 : memref<10240xf32, #tpu.memory_space<hbm>>) target_semaphore(%run_scoped3A : memref<!tpu.dma_semaphore, #tpu.memory_space<semaphore_mem>>)
      %dma_wait3A = arith.constant 40960 : i32
      %dma_wait3A_90 = tpu.memref_slice %arg8[%dma_wait3A] : memref<81920xf32, #tpu.memory_space<vmem>> -> memref<10240xf32, #tpu.memory_space<vmem>>
      %dma_wait3A_91 = arith.constant 0 : i32
      %dma_wait3A_92 = tpu.memref_slice %arg6[%add3A_49, %dma_wait3A_91] : memref<256x10240xf32, #tpu.memory_space<hbm>> -> memref<1x10240xf32, #tpu.memory_space<hbm>>
      %dma_wait3A_93 = tpu.memref_squeeze %dma_wait3A_92 : memref<1x10240xf32, #tpu.memory_space<hbm>> -> memref<10240xf32, #tpu.memory_space<hbm>>
      %dma_wait3A_94 = arith.constant 0 : i32
      %dma_wait3A_95 = tpu.memref_slice %arg6[%add3A_49, %dma_wait3A_94] : memref<256x10240xf32, #tpu.memory_space<hbm>> -> memref<1x10240xf32, #tpu.memory_space<hbm>>
      %dma_wait3A_96 = tpu.memref_squeeze %dma_wait3A_95 : memref<1x10240xf32, #tpu.memory_space<hbm>> -> memref<10240xf32, #tpu.memory_space<hbm>>
      %dma_wait3A_97 = arith.constant 40960 : i32
      %dma_wait3A_98 = tpu.memref_slice %arg8[%dma_wait3A_97] : memref<81920xf32, #tpu.memory_space<vmem>> -> memref<10240xf32, #tpu.memory_space<vmem>>
      tpu.wait_dma2 semaphore(%run_scoped3A : memref<!tpu.dma_semaphore, #tpu.memory_space<semaphore_mem>>) src(%dma_wait3A_98 : memref<10240xf32, #tpu.memory_space<vmem>>) dst(%dma_wait3A_96 : memref<10240xf32, #tpu.memory_space<hbm>>)
      tpu.yield
    }) : () -> ()
    %mul3A_50 = arith.constant 4 : i32
    %mul3A_51 = arith.muli %mul3A_50, %add3A : i32
    %add3A_52 = arith.constant 1 : i32
    %add3A_53 = arith.addi %mul3A_51, %add3A_52 : i32
    "tpu.region"() ({
      %run_scoped3A = tpu.sem_alloc : memref<!tpu.dma_semaphore, #tpu.memory_space<semaphore_mem>>
      %dma_start3A_80 = arith.constant 10240 : i32
      %dma_start3A_81 = tpu.memref_slice %arg8[%dma_start3A_80] : memref<81920xf32, #tpu.memory_space<vmem>> -> memref<10240xf32, #tpu.memory_space<vmem>>
      %dma_start3A_82 = arith.constant 0 : i32
      %dma_start3A_83 = tpu.memref_slice %arg6[%add3A_53, %dma_start3A_82] : memref<256x10240xf32, #tpu.memory_space<hbm>> -> memref<1x10240xf32, #tpu.memory_space<hbm>>
      %dma_start3A_84 = tpu.memref_squeeze %dma_start3A_83 : memref<1x10240xf32, #tpu.memory_space<hbm>> -> memref<10240xf32, #tpu.memory_space<hbm>>
      %dma_start3A_85 = arith.constant 0 : i32
      %dma_start3A_86 = tpu.memref_slice %arg6[%add3A_53, %dma_start3A_85] : memref<256x10240xf32, #tpu.memory_space<hbm>> -> memref<1x10240xf32, #tpu.memory_space<hbm>>
      %dma_start3A_87 = tpu.memref_squeeze %dma_start3A_86 : memref<1x10240xf32, #tpu.memory_space<hbm>> -> memref<10240xf32, #tpu.memory_space<hbm>>
      %dma_start3A_88 = arith.constant 10240 : i32
      %dma_start3A_89 = tpu.memref_slice %arg8[%dma_start3A_88] : memref<81920xf32, #tpu.memory_space<vmem>> -> memref<10240xf32, #tpu.memory_space<vmem>>
      tpu.enqueue_dma source(%dma_start3A_89 : memref<10240xf32, #tpu.memory_space<vmem>>) target(%dma_start3A_87 : memref<10240xf32, #tpu.memory_space<hbm>>) target_semaphore(%run_scoped3A : memref<!tpu.dma_semaphore, #tpu.memory_space<semaphore_mem>>)
      %dma_wait3A = arith.constant 10240 : i32
      %dma_wait3A_90 = tpu.memref_slice %arg8[%dma_wait3A] : memref<81920xf32, #tpu.memory_space<vmem>> -> memref<10240xf32, #tpu.memory_space<vmem>>
      %dma_wait3A_91 = arith.constant 0 : i32
      %dma_wait3A_92 = tpu.memref_slice %arg6[%add3A_53, %dma_wait3A_91] : memref<256x10240xf32, #tpu.memory_space<hbm>> -> memref<1x10240xf32, #tpu.memory_space<hbm>>
      %dma_wait3A_93 = tpu.memref_squeeze %dma_wait3A_92 : memref<1x10240xf32, #tpu.memory_space<hbm>> -> memref<10240xf32, #tpu.memory_space<hbm>>
      %dma_wait3A_94 = arith.constant 0 : i32
      %dma_wait3A_95 = tpu.memref_slice %arg6[%add3A_53, %dma_wait3A_94] : memref<256x10240xf32, #tpu.memory_space<hbm>> -> memref<1x10240xf32, #tpu.memory_space<hbm>>
      %dma_wait3A_96 = tpu.memref_squeeze %dma_wait3A_95 : memref<1x10240xf32, #tpu.memory_space<hbm>> -> memref<10240xf32, #tpu.memory_space<hbm>>
      %dma_wait3A_97 = arith.constant 10240 : i32
      %dma_wait3A_98 = tpu.memref_slice %arg8[%dma_wait3A_97] : memref<81920xf32, #tpu.memory_space<vmem>> -> memref<10240xf32, #tpu.memory_space<vmem>>
      tpu.wait_dma2 semaphore(%run_scoped3A : memref<!tpu.dma_semaphore, #tpu.memory_space<semaphore_mem>>) src(%dma_wait3A_98 : memref<10240xf32, #tpu.memory_space<vmem>>) dst(%dma_wait3A_96 : memref<10240xf32, #tpu.memory_space<hbm>>)
      tpu.yield
    }) : () -> ()
    %mul3A_54 = arith.constant 4 : i32
    %mul3A_55 = arith.muli %mul3A_54, %add3A : i32
    %add3A_56 = arith.constant 128 : i32
    %add3A_57 = arith.addi %add3A_56, %mul3A_55 : i32
    %add3A_58 = arith.constant 1 : i32
    %add3A_59 = arith.addi %add3A_57, %add3A_58 : i32
    "tpu.region"() ({
      %run_scoped3A = tpu.sem_alloc : memref<!tpu.dma_semaphore, #tpu.memory_space<semaphore_mem>>
      %dma_start3A_80 = arith.constant 51200 : i32
      %dma_start3A_81 = tpu.memref_slice %arg8[%dma_start3A_80] : memref<81920xf32, #tpu.memory_space<vmem>> -> memref<10240xf32, #tpu.memory_space<vmem>>
      %dma_start3A_82 = arith.constant 0 : i32
      %dma_start3A_83 = tpu.memref_slice %arg6[%add3A_59, %dma_start3A_82] : memref<256x10240xf32, #tpu.memory_space<hbm>> -> memref<1x10240xf32, #tpu.memory_space<hbm>>
      %dma_start3A_84 = tpu.memref_squeeze %dma_start3A_83 : memref<1x10240xf32, #tpu.memory_space<hbm>> -> memref<10240xf32, #tpu.memory_space<hbm>>
      %dma_start3A_85 = arith.constant 0 : i32
      %dma_start3A_86 = tpu.memref_slice %arg6[%add3A_59, %dma_start3A_85] : memref<256x10240xf32, #tpu.memory_space<hbm>> -> memref<1x10240xf32, #tpu.memory_space<hbm>>
      %dma_start3A_87 = tpu.memref_squeeze %dma_start3A_86 : memref<1x10240xf32, #tpu.memory_space<hbm>> -> memref<10240xf32, #tpu.memory_space<hbm>>
      %dma_start3A_88 = arith.constant 51200 : i32
      %dma_start3A_89 = tpu.memref_slice %arg8[%dma_start3A_88] : memref<81920xf32, #tpu.memory_space<vmem>> -> memref<10240xf32, #tpu.memory_space<vmem>>
      tpu.enqueue_dma source(%dma_start3A_89 : memref<10240xf32, #tpu.memory_space<vmem>>) target(%dma_start3A_87 : memref<10240xf32, #tpu.memory_space<hbm>>) target_semaphore(%run_scoped3A : memref<!tpu.dma_semaphore, #tpu.memory_space<semaphore_mem>>)
      %dma_wait3A = arith.constant 51200 : i32
      %dma_wait3A_90 = tpu.memref_slice %arg8[%dma_wait3A] : memref<81920xf32, #tpu.memory_space<vmem>> -> memref<10240xf32, #tpu.memory_space<vmem>>
      %dma_wait3A_91 = arith.constant 0 : i32
      %dma_wait3A_92 = tpu.memref_slice %arg6[%add3A_59, %dma_wait3A_91] : memref<256x10240xf32, #tpu.memory_space<hbm>> -> memref<1x10240xf32, #tpu.memory_space<hbm>>
      %dma_wait3A_93 = tpu.memref_squeeze %dma_wait3A_92 : memref<1x10240xf32, #tpu.memory_space<hbm>> -> memref<10240xf32, #tpu.memory_space<hbm>>
      %dma_wait3A_94 = arith.constant 0 : i32
      %dma_wait3A_95 = tpu.memref_slice %arg6[%add3A_59, %dma_wait3A_94] : memref<256x10240xf32, #tpu.memory_space<hbm>> -> memref<1x10240xf32, #tpu.memory_space<hbm>>
      %dma_wait3A_96 = tpu.memref_squeeze %dma_wait3A_95 : memref<1x10240xf32, #tpu.memory_space<hbm>> -> memref<10240xf32, #tpu.memory_space<hbm>>
      %dma_wait3A_97 = arith.constant 51200 : i32
      %dma_wait3A_98 = tpu.memref_slice %arg8[%dma_wait3A_97] : memref<81920xf32, #tpu.memory_space<vmem>> -> memref<10240xf32, #tpu.memory_space<vmem>>
      tpu.wait_dma2 semaphore(%run_scoped3A : memref<!tpu.dma_semaphore, #tpu.memory_space<semaphore_mem>>) src(%dma_wait3A_98 : memref<10240xf32, #tpu.memory_space<vmem>>) dst(%dma_wait3A_96 : memref<10240xf32, #tpu.memory_space<hbm>>)
      tpu.yield
    }) : () -> ()
    %mul3A_60 = arith.constant 4 : i32
    %mul3A_61 = arith.muli %mul3A_60, %add3A : i32
    %add3A_62 = arith.constant 2 : i32
    %add3A_63 = arith.addi %mul3A_61, %add3A_62 : i32
    "tpu.region"() ({
      %run_scoped3A = tpu.sem_alloc : memref<!tpu.dma_semaphore, #tpu.memory_space<semaphore_mem>>
      %dma_start3A_80 = arith.constant 20480 : i32
      %dma_start3A_81 = tpu.memref_slice %arg8[%dma_start3A_80] : memref<81920xf32, #tpu.memory_space<vmem>> -> memref<10240xf32, #tpu.memory_space<vmem>>
      %dma_start3A_82 = arith.constant 0 : i32
      %dma_start3A_83 = tpu.memref_slice %arg6[%add3A_63, %dma_start3A_82] : memref<256x10240xf32, #tpu.memory_space<hbm>> -> memref<1x10240xf32, #tpu.memory_space<hbm>>
      %dma_start3A_84 = tpu.memref_squeeze %dma_start3A_83 : memref<1x10240xf32, #tpu.memory_space<hbm>> -> memref<10240xf32, #tpu.memory_space<hbm>>
      %dma_start3A_85 = arith.constant 0 : i32
      %dma_start3A_86 = tpu.memref_slice %arg6[%add3A_63, %dma_start3A_85] : memref<256x10240xf32, #tpu.memory_space<hbm>> -> memref<1x10240xf32, #tpu.memory_space<hbm>>
      %dma_start3A_87 = tpu.memref_squeeze %dma_start3A_86 : memref<1x10240xf32, #tpu.memory_space<hbm>> -> memref<10240xf32, #tpu.memory_space<hbm>>
      %dma_start3A_88 = arith.constant 20480 : i32
      %dma_start3A_89 = tpu.memref_slice %arg8[%dma_start3A_88] : memref<81920xf32, #tpu.memory_space<vmem>> -> memref<10240xf32, #tpu.memory_space<vmem>>
      tpu.enqueue_dma source(%dma_start3A_89 : memref<10240xf32, #tpu.memory_space<vmem>>) target(%dma_start3A_87 : memref<10240xf32, #tpu.memory_space<hbm>>) target_semaphore(%run_scoped3A : memref<!tpu.dma_semaphore, #tpu.memory_space<semaphore_mem>>)
      %dma_wait3A = arith.constant 20480 : i32
      %dma_wait3A_90 = tpu.memref_slice %arg8[%dma_wait3A] : memref<81920xf32, #tpu.memory_space<vmem>> -> memref<10240xf32, #tpu.memory_space<vmem>>
      %dma_wait3A_91 = arith.constant 0 : i32
      %dma_wait3A_92 = tpu.memref_slice %arg6[%add3A_63, %dma_wait3A_91] : memref<256x10240xf32, #tpu.memory_space<hbm>> -> memref<1x10240xf32, #tpu.memory_space<hbm>>
      %dma_wait3A_93 = tpu.memref_squeeze %dma_wait3A_92 : memref<1x10240xf32, #tpu.memory_space<hbm>> -> memref<10240xf32, #tpu.memory_space<hbm>>
      %dma_wait3A_94 = arith.constant 0 : i32
      %dma_wait3A_95 = tpu.memref_slice %arg6[%add3A_63, %dma_wait3A_94] : memref<256x10240xf32, #tpu.memory_space<hbm>> -> memref<1x10240xf32, #tpu.memory_space<hbm>>
      %dma_wait3A_96 = tpu.memref_squeeze %dma_wait3A_95 : memref<1x10240xf32, #tpu.memory_space<hbm>> -> memref<10240xf32, #tpu.memory_space<hbm>>
      %dma_wait3A_97 = arith.constant 20480 : i32
      %dma_wait3A_98 = tpu.memref_slice %arg8[%dma_wait3A_97] : memref<81920xf32, #tpu.memory_space<vmem>> -> memref<10240xf32, #tpu.memory_space<vmem>>
      tpu.wait_dma2 semaphore(%run_scoped3A : memref<!tpu.dma_semaphore, #tpu.memory_space<semaphore_mem>>) src(%dma_wait3A_98 : memref<10240xf32, #tpu.memory_space<vmem>>) dst(%dma_wait3A_96 : memref<10240xf32, #tpu.memory_space<hbm>>)
      tpu.yield
    }) : () -> ()
    %mul3A_64 = arith.constant 4 : i32
    %mul3A_65 = arith.muli %mul3A_64, %add3A : i32
    %add3A_66 = arith.constant 128 : i32
    %add3A_67 = arith.addi %add3A_66, %mul3A_65 : i32
    %add3A_68 = arith.constant 2 : i32
    %add3A_69 = arith.addi %add3A_67, %add3A_68 : i32
    "tpu.region"() ({
      %run_scoped3A = tpu.sem_alloc : memref<!tpu.dma_semaphore, #tpu.memory_space<semaphore_mem>>
      %dma_start3A_80 = arith.constant 61440 : i32
      %dma_start3A_81 = tpu.memref_slice %arg8[%dma_start3A_80] : memref<81920xf32, #tpu.memory_space<vmem>> -> memref<10240xf32, #tpu.memory_space<vmem>>
      %dma_start3A_82 = arith.constant 0 : i32
      %dma_start3A_83 = tpu.memref_slice %arg6[%add3A_69, %dma_start3A_82] : memref<256x10240xf32, #tpu.memory_space<hbm>> -> memref<1x10240xf32, #tpu.memory_space<hbm>>
      %dma_start3A_84 = tpu.memref_squeeze %dma_start3A_83 : memref<1x10240xf32, #tpu.memory_space<hbm>> -> memref<10240xf32, #tpu.memory_space<hbm>>
      %dma_start3A_85 = arith.constant 0 : i32
      %dma_start3A_86 = tpu.memref_slice %arg6[%add3A_69, %dma_start3A_85] : memref<256x10240xf32, #tpu.memory_space<hbm>> -> memref<1x10240xf32, #tpu.memory_space<hbm>>
      %dma_start3A_87 = tpu.memref_squeeze %dma_start3A_86 : memref<1x10240xf32, #tpu.memory_space<hbm>> -> memref<10240xf32, #tpu.memory_space<hbm>>
      %dma_start3A_88 = arith.constant 61440 : i32
      %dma_start3A_89 = tpu.memref_slice %arg8[%dma_start3A_88] : memref<81920xf32, #tpu.memory_space<vmem>> -> memref<10240xf32, #tpu.memory_space<vmem>>
      tpu.enqueue_dma source(%dma_start3A_89 : memref<10240xf32, #tpu.memory_space<vmem>>) target(%dma_start3A_87 : memref<10240xf32, #tpu.memory_space<hbm>>) target_semaphore(%run_scoped3A : memref<!tpu.dma_semaphore, #tpu.memory_space<semaphore_mem>>)
      %dma_wait3A = arith.constant 61440 : i32
      %dma_wait3A_90 = tpu.memref_slice %arg8[%dma_wait3A] : memref<81920xf32, #tpu.memory_space<vmem>> -> memref<10240xf32, #tpu.memory_space<vmem>>
      %dma_wait3A_91 = arith.constant 0 : i32
      %dma_wait3A_92 = tpu.memref_slice %arg6[%add3A_69, %dma_wait3A_91] : memref<256x10240xf32, #tpu.memory_space<hbm>> -> memref<1x10240xf32, #tpu.memory_space<hbm>>
      %dma_wait3A_93 = tpu.memref_squeeze %dma_wait3A_92 : memref<1x10240xf32, #tpu.memory_space<hbm>> -> memref<10240xf32, #tpu.memory_space<hbm>>
      %dma_wait3A_94 = arith.constant 0 : i32
      %dma_wait3A_95 = tpu.memref_slice %arg6[%add3A_69, %dma_wait3A_94] : memref<256x10240xf32, #tpu.memory_space<hbm>> -> memref<1x10240xf32, #tpu.memory_space<hbm>>
      %dma_wait3A_96 = tpu.memref_squeeze %dma_wait3A_95 : memref<1x10240xf32, #tpu.memory_space<hbm>> -> memref<10240xf32, #tpu.memory_space<hbm>>
      %dma_wait3A_97 = arith.constant 61440 : i32
      %dma_wait3A_98 = tpu.memref_slice %arg8[%dma_wait3A_97] : memref<81920xf32, #tpu.memory_space<vmem>> -> memref<10240xf32, #tpu.memory_space<vmem>>
      tpu.wait_dma2 semaphore(%run_scoped3A : memref<!tpu.dma_semaphore, #tpu.memory_space<semaphore_mem>>) src(%dma_wait3A_98 : memref<10240xf32, #tpu.memory_space<vmem>>) dst(%dma_wait3A_96 : memref<10240xf32, #tpu.memory_space<hbm>>)
      tpu.yield
    }) : () -> ()
    %mul3A_70 = arith.constant 4 : i32
    %mul3A_71 = arith.muli %mul3A_70, %add3A : i32
    %add3A_72 = arith.constant 3 : i32
    %add3A_73 = arith.addi %mul3A_71, %add3A_72 : i32
    "tpu.region"() ({
      %run_scoped3A = tpu.sem_alloc : memref<!tpu.dma_semaphore, #tpu.memory_space<semaphore_mem>>
      %dma_start3A_80 = arith.constant 30720 : i32
      %dma_start3A_81 = tpu.memref_slice %arg8[%dma_start3A_80] : memref<81920xf32, #tpu.memory_space<vmem>> -> memref<10240xf32, #tpu.memory_space<vmem>>
      %dma_start3A_82 = arith.constant 0 : i32
      %dma_start3A_83 = tpu.memref_slice %arg6[%add3A_73, %dma_start3A_82] : memref<256x10240xf32, #tpu.memory_space<hbm>> -> memref<1x10240xf32, #tpu.memory_space<hbm>>
      %dma_start3A_84 = tpu.memref_squeeze %dma_start3A_83 : memref<1x10240xf32, #tpu.memory_space<hbm>> -> memref<10240xf32, #tpu.memory_space<hbm>>
      %dma_start3A_85 = arith.constant 0 : i32
      %dma_start3A_86 = tpu.memref_slice %arg6[%add3A_73, %dma_start3A_85] : memref<256x10240xf32, #tpu.memory_space<hbm>> -> memref<1x10240xf32, #tpu.memory_space<hbm>>
      %dma_start3A_87 = tpu.memref_squeeze %dma_start3A_86 : memref<1x10240xf32, #tpu.memory_space<hbm>> -> memref<10240xf32, #tpu.memory_space<hbm>>
      %dma_start3A_88 = arith.constant 30720 : i32
      %dma_start3A_89 = tpu.memref_slice %arg8[%dma_start3A_88] : memref<81920xf32, #tpu.memory_space<vmem>> -> memref<10240xf32, #tpu.memory_space<vmem>>
      tpu.enqueue_dma source(%dma_start3A_89 : memref<10240xf32, #tpu.memory_space<vmem>>) target(%dma_start3A_87 : memref<10240xf32, #tpu.memory_space<hbm>>) target_semaphore(%run_scoped3A : memref<!tpu.dma_semaphore, #tpu.memory_space<semaphore_mem>>)
      %dma_wait3A = arith.constant 30720 : i32
      %dma_wait3A_90 = tpu.memref_slice %arg8[%dma_wait3A] : memref<81920xf32, #tpu.memory_space<vmem>> -> memref<10240xf32, #tpu.memory_space<vmem>>
      %dma_wait3A_91 = arith.constant 0 : i32
      %dma_wait3A_92 = tpu.memref_slice %arg6[%add3A_73, %dma_wait3A_91] : memref<256x10240xf32, #tpu.memory_space<hbm>> -> memref<1x10240xf32, #tpu.memory_space<hbm>>
      %dma_wait3A_93 = tpu.memref_squeeze %dma_wait3A_92 : memref<1x10240xf32, #tpu.memory_space<hbm>> -> memref<10240xf32, #tpu.memory_space<hbm>>
      %dma_wait3A_94 = arith.constant 0 : i32
      %dma_wait3A_95 = tpu.memref_slice %arg6[%add3A_73, %dma_wait3A_94] : memref<256x10240xf32, #tpu.memory_space<hbm>> -> memref<1x10240xf32, #tpu.memory_space<hbm>>
      %dma_wait3A_96 = tpu.memref_squeeze %dma_wait3A_95 : memref<1x10240xf32, #tpu.memory_space<hbm>> -> memref<10240xf32, #tpu.memory_space<hbm>>
      %dma_wait3A_97 = arith.constant 30720 : i32
      %dma_wait3A_98 = tpu.memref_slice %arg8[%dma_wait3A_97] : memref<81920xf32, #tpu.memory_space<vmem>> -> memref<10240xf32, #tpu.memory_space<vmem>>
      tpu.wait_dma2 semaphore(%run_scoped3A : memref<!tpu.dma_semaphore, #tpu.memory_space<semaphore_mem>>) src(%dma_wait3A_98 : memref<10240xf32, #tpu.memory_space<vmem>>) dst(%dma_wait3A_96 : memref<10240xf32, #tpu.memory_space<hbm>>)
      tpu.yield
    }) : () -> ()
    %mul3A_74 = arith.constant 4 : i32
    %mul3A_75 = arith.muli %mul3A_74, %add3A : i32
    %add3A_76 = arith.constant 128 : i32
    %add3A_77 = arith.addi %add3A_76, %mul3A_75 : i32
    %add3A_78 = arith.constant 3 : i32
    %add3A_79 = arith.addi %add3A_77, %add3A_78 : i32
    "tpu.region"() ({
      %run_scoped3A = tpu.sem_alloc : memref<!tpu.dma_semaphore, #tpu.memory_space<semaphore_mem>>
      %dma_start3A_80 = arith.constant 71680 : i32
      %dma_start3A_81 = tpu.memref_slice %arg8[%dma_start3A_80] : memref<81920xf32, #tpu.memory_space<vmem>> -> memref<10240xf32, #tpu.memory_space<vmem>>
      %dma_start3A_82 = arith.constant 0 : i32
      %dma_start3A_83 = tpu.memref_slice %arg6[%add3A_79, %dma_start3A_82] : memref<256x10240xf32, #tpu.memory_space<hbm>> -> memref<1x10240xf32, #tpu.memory_space<hbm>>
      %dma_start3A_84 = tpu.memref_squeeze %dma_start3A_83 : memref<1x10240xf32, #tpu.memory_space<hbm>> -> memref<10240xf32, #tpu.memory_space<hbm>>
      %dma_start3A_85 = arith.constant 0 : i32
      %dma_start3A_86 = tpu.memref_slice %arg6[%add3A_79, %dma_start3A_85] : memref<256x10240xf32, #tpu.memory_space<hbm>> -> memref<1x10240xf32, #tpu.memory_space<hbm>>
      %dma_start3A_87 = tpu.memref_squeeze %dma_start3A_86 : memref<1x10240xf32, #tpu.memory_space<hbm>> -> memref<10240xf32, #tpu.memory_space<hbm>>
      %dma_start3A_88 = arith.constant 71680 : i32
      %dma_start3A_89 = tpu.memref_slice %arg8[%dma_start3A_88] : memref<81920xf32, #tpu.memory_space<vmem>> -> memref<10240xf32, #tpu.memory_space<vmem>>
      tpu.enqueue_dma source(%dma_start3A_89 : memref<10240xf32, #tpu.memory_space<vmem>>) target(%dma_start3A_87 : memref<10240xf32, #tpu.memory_space<hbm>>) target_semaphore(%run_scoped3A : memref<!tpu.dma_semaphore, #tpu.memory_space<semaphore_mem>>)
      %dma_wait3A = arith.constant 71680 : i32
      %dma_wait3A_90 = tpu.memref_slice %arg8[%dma_wait3A] : memref<81920xf32, #tpu.memory_space<vmem>> -> memref<10240xf32, #tpu.memory_space<vmem>>
      %dma_wait3A_91 = arith.constant 0 : i32
      %dma_wait3A_92 = tpu.memref_slice %arg6[%add3A_79, %dma_wait3A_91] : memref<256x10240xf32, #tpu.memory_space<hbm>> -> memref<1x10240xf32, #tpu.memory_space<hbm>>
      %dma_wait3A_93 = tpu.memref_squeeze %dma_wait3A_92 : memref<1x10240xf32, #tpu.memory_space<hbm>> -> memref<10240xf32, #tpu.memory_space<hbm>>
      %dma_wait3A_94 = arith.constant 0 : i32
      %dma_wait3A_95 = tpu.memref_slice %arg6[%add3A_79, %dma_wait3A_94] : memref<256x10240xf32, #tpu.memory_space<hbm>> -> memref<1x10240xf32, #tpu.memory_space<hbm>>
      %dma_wait3A_96 = tpu.memref_squeeze %dma_wait3A_95 : memref<1x10240xf32, #tpu.memory_space<hbm>> -> memref<10240xf32, #tpu.memory_space<hbm>>
      %dma_wait3A_97 = arith.constant 71680 : i32
      %dma_wait3A_98 = tpu.memref_slice %arg8[%dma_wait3A_97] : memref<81920xf32, #tpu.memory_space<vmem>> -> memref<10240xf32, #tpu.memory_space<vmem>>
      tpu.wait_dma2 semaphore(%run_scoped3A : memref<!tpu.dma_semaphore, #tpu.memory_space<semaphore_mem>>) src(%dma_wait3A_98 : memref<10240xf32, #tpu.memory_space<vmem>>) dst(%dma_wait3A_96 : memref<10240xf32, #tpu.memory_space<hbm>>)
      tpu.yield
    }) : () -> ()
    return
  }
}

#map = affine_map<(d0, d1) -> (0)>
module attributes {stable_mosaic.version = 14 : i64} {
  func.func @_deg_body(%arg0: i32, %arg1: i32, %arg2: memref<160000xi32, #tpu.memory_space<hbm>>, %arg3: memref<10240xf32, #tpu.memory_space<hbm>>, %arg4: memref<10240xf32, #tpu.memory_space<vmem>>, %arg5: memref<2000xi32, #tpu.memory_space<vmem>>, %arg6: memref<2000xi32, #tpu.memory_space<vmem>>, %arg7: memref<!tpu.dma_semaphore, #tpu.memory_space<semaphore_mem>>, %arg8: memref<!tpu.dma_semaphore, #tpu.memory_space<semaphore_mem>>, %arg9: memref<16x10240xf32, #tpu.memory_space<vmem_shared>>, %arg10: memref<640xf32, #tpu.memory_space<vmem>>, %arg11: memref<640xf32, #tpu.memory_space<vmem>>) attributes {dimension_semantics = [#tpu.dimension_semantics<core_parallel>, #tpu.dimension_semantics<subcore_parallel>], iteration_bounds = array<i64: 2, 16>, scalar_prefetch = 0 : i64, scratch_operands = 8 : i64, tpu.core_type = #tpu.core_type<sc_vector_subcore>, window_params = [{transform_indices = #map}, {transform_indices = #map}]} {
    %broadcast_in_dim3A = arith.constant 0.000000e+00 : f32
    %broadcast_in_dim3A_0 = vector.broadcast %broadcast_in_dim3A : f32 to vector<16xf32>
    %broadcast_in_dim3A_1 = arith.constant 1.000000e+00 : f32
    %broadcast_in_dim3A_2 = vector.broadcast %broadcast_in_dim3A_1 : f32 to vector<16xf32>
    %scan3A = arith.constant 0 : i32
    %scan3A_3 = arith.constant 0 : i32
    %scan3A_4 = arith.constant 640 : i32
    %scan3A_5 = arith.addi %scan3A_3, %scan3A_4 : i32
    %scan3A_6 = arith.constant 1 : i32
    scf.for %scan3A_78 = %scan3A_3 to %scan3A_5 step %scan3A_6  : i32 {
      %mul3A_79 = arith.constant 16 : i32
      %mul3A_80 = arith.muli %scan3A_78, %mul3A_79 : i32
      %swap3A = arith.index_cast %mul3A_80 : i32 to index
      %swap3A_81 = tpu.vector_load %arg4[%swap3A] {strides = array<i32>} : memref<10240xf32, #tpu.memory_space<vmem>>, vector<16xf32>,
      tpu.vector_store %arg4[%swap3A], %broadcast_in_dim3A_0 {strides = array<i32>} : memref<10240xf32, #tpu.memory_space<vmem>>, vector<16xf32>,
    }
    %scan3A_7 = arith.constant 640 : i32
    %mul3A = arith.constant 5 : i32
    %mul3A_8 = arith.muli %arg1, %mul3A : i32
    %mul3A_9 = arith.constant 2000 : i32
    %mul3A_10 = arith.muli %mul3A_8, %mul3A_9 : i32
    %dma_start3A = tpu.memref_slice %arg2[%mul3A_10] : memref<160000xi32, #tpu.memory_space<hbm>> -> memref<2000xi32, #tpu.memory_space<hbm>>
    %dma_start3A_11 = tpu.memref_slice %arg2[%mul3A_10] : memref<160000xi32, #tpu.memory_space<hbm>> -> memref<2000xi32, #tpu.memory_space<hbm>>
    tpu.enqueue_dma source(%dma_start3A_11 : memref<2000xi32, #tpu.memory_space<hbm>>) target(%arg5 : memref<2000xi32, #tpu.memory_space<vmem>>) target_semaphore(%arg7 : memref<!tpu.dma_semaphore, #tpu.memory_space<semaphore_mem>>)
    %add3A = arith.constant 0 : i32
    %add3A_12 = arith.addi %mul3A_8, %add3A : i32
    %add3A_13 = arith.constant 1 : i32
    %add3A_14 = arith.addi %add3A_12, %add3A_13 : i32
    %mul3A_15 = arith.constant 2000 : i32
    %mul3A_16 = arith.muli %add3A_14, %mul3A_15 : i32
    %dma_start3A_17 = tpu.memref_slice %arg2[%mul3A_16] : memref<160000xi32, #tpu.memory_space<hbm>> -> memref<2000xi32, #tpu.memory_space<hbm>>
    %dma_start3A_18 = tpu.memref_slice %arg2[%mul3A_16] : memref<160000xi32, #tpu.memory_space<hbm>> -> memref<2000xi32, #tpu.memory_space<hbm>>
    tpu.enqueue_dma source(%dma_start3A_18 : memref<2000xi32, #tpu.memory_space<hbm>>) target(%arg6 : memref<2000xi32, #tpu.memory_space<vmem>>) target_semaphore(%arg8 : memref<!tpu.dma_semaphore, #tpu.memory_space<semaphore_mem>>)
    %dma_wait3A = arith.constant 0 : i32
    %dma_wait3A_19 = tpu.memref_slice %arg2[%dma_wait3A] : memref<160000xi32, #tpu.memory_space<hbm>> -> memref<2000xi32, #tpu.memory_space<hbm>>
    %dma_wait3A_20 = arith.constant 0 : i32
    %dma_wait3A_21 = tpu.memref_slice %arg2[%dma_wait3A_20] : memref<160000xi32, #tpu.memory_space<hbm>> -> memref<2000xi32, #tpu.memory_space<hbm>>
    tpu.wait_dma2 semaphore(%arg7 : memref<!tpu.dma_semaphore, #tpu.memory_space<semaphore_mem>>) src(%dma_wait3A_21 : memref<2000xi32, #tpu.memory_space<hbm>>) dst(%arg5 : memref<2000xi32, #tpu.memory_space<vmem>>)
    %parallel_loop3A = arith.constant 0 : i32
    %parallel_loop3A_22 = arith.constant 125 : i32
    %parallel_loop3A_23 = arith.constant 1 : i32
    scf.for %parallel_loop3A_78 = %parallel_loop3A to %parallel_loop3A_22 step %parallel_loop3A_23  : i32 {
      %parallel_loop3A_79 = arith.constant 16 : i32
      %parallel_loop3A_80 = arith.muli %parallel_loop3A_78, %parallel_loop3A_79 : i32
      %parallel_loop3A_81 = arith.index_cast %parallel_loop3A_80 : i32 to index
      %parallel_loop3A_82 = tpu.vector_load %arg5[%parallel_loop3A_81] {strides = array<i32>} : memref<2000xi32, #tpu.memory_space<vmem>>, vector<16xi32>,
      tpu.vector_store_idx %arg4[%parallel_loop3A_82], %broadcast_in_dim3A_2 {add = true} : memref<10240xf32, #tpu.memory_space<vmem>>[vector<16xi32>], vector<16xf32>,
    } {sc.loop_unroll_factor = 4 : i64, sc.parallel_access}
    %add3A_24 = arith.constant 1 : i32
    %add3A_25 = arith.addi %mul3A_8, %add3A_24 : i32
    %add3A_26 = arith.constant 1 : i32
    %add3A_27 = arith.addi %add3A_25, %add3A_26 : i32
    %mul3A_28 = arith.constant 2000 : i32
    %mul3A_29 = arith.muli %add3A_27, %mul3A_28 : i32
    %dma_start3A_30 = tpu.memref_slice %arg2[%mul3A_29] : memref<160000xi32, #tpu.memory_space<hbm>> -> memref<2000xi32, #tpu.memory_space<hbm>>
    %dma_start3A_31 = tpu.memref_slice %arg2[%mul3A_29] : memref<160000xi32, #tpu.memory_space<hbm>> -> memref<2000xi32, #tpu.memory_space<hbm>>
    tpu.enqueue_dma source(%dma_start3A_31 : memref<2000xi32, #tpu.memory_space<hbm>>) target(%arg5 : memref<2000xi32, #tpu.memory_space<vmem>>) target_semaphore(%arg7 : memref<!tpu.dma_semaphore, #tpu.memory_space<semaphore_mem>>)
    %dma_wait3A_32 = arith.constant 0 : i32
    %dma_wait3A_33 = tpu.memref_slice %arg2[%dma_wait3A_32] : memref<160000xi32, #tpu.memory_space<hbm>> -> memref<2000xi32, #tpu.memory_space<hbm>>
    %dma_wait3A_34 = arith.constant 0 : i32
    %dma_wait3A_35 = tpu.memref_slice %arg2[%dma_wait3A_34] : memref<160000xi32, #tpu.memory_space<hbm>> -> memref<2000xi32, #tpu.memory_space<hbm>>
    tpu.wait_dma2 semaphore(%arg8 : memref<!tpu.dma_semaphore, #tpu.memory_space<semaphore_mem>>) src(%dma_wait3A_35 : memref<2000xi32, #tpu.memory_space<hbm>>) dst(%arg6 : memref<2000xi32, #tpu.memory_space<vmem>>)
    %parallel_loop3A_36 = arith.constant 0 : i32
    %parallel_loop3A_37 = arith.constant 125 : i32
    %parallel_loop3A_38 = arith.constant 1 : i32
    scf.for %parallel_loop3A_78 = %parallel_loop3A_36 to %parallel_loop3A_37 step %parallel_loop3A_38  : i32 {
      %parallel_loop3A_79 = arith.constant 16 : i32
      %parallel_loop3A_80 = arith.muli %parallel_loop3A_78, %parallel_loop3A_79 : i32
      %parallel_loop3A_81 = arith.index_cast %parallel_loop3A_80 : i32 to index
      %parallel_loop3A_82 = tpu.vector_load %arg6[%parallel_loop3A_81] {strides = array<i32>} : memref<2000xi32, #tpu.memory_space<vmem>>, vector<16xi32>,
      tpu.vector_store_idx %arg4[%parallel_loop3A_82], %broadcast_in_dim3A_2 {add = true} : memref<10240xf32, #tpu.memory_space<vmem>>[vector<16xi32>], vector<16xf32>,
    } {sc.loop_unroll_factor = 4 : i64, sc.parallel_access}
    %add3A_39 = arith.constant 2 : i32
    %add3A_40 = arith.addi %mul3A_8, %add3A_39 : i32
    %add3A_41 = arith.constant 1 : i32
    %add3A_42 = arith.addi %add3A_40, %add3A_41 : i32
    %mul3A_43 = arith.constant 2000 : i32
    %mul3A_44 = arith.muli %add3A_42, %mul3A_43 : i32
    %dma_start3A_45 = tpu.memref_slice %arg2[%mul3A_44] : memref<160000xi32, #tpu.memory_space<hbm>> -> memref<2000xi32, #tpu.memory_space<hbm>>
    %dma_start3A_46 = tpu.memref_slice %arg2[%mul3A_44] : memref<160000xi32, #tpu.memory_space<hbm>> -> memref<2000xi32, #tpu.memory_space<hbm>>
    tpu.enqueue_dma source(%dma_start3A_46 : memref<2000xi32, #tpu.memory_space<hbm>>) target(%arg6 : memref<2000xi32, #tpu.memory_space<vmem>>) target_semaphore(%arg8 : memref<!tpu.dma_semaphore, #tpu.memory_space<semaphore_mem>>)
    %dma_wait3A_47 = arith.constant 0 : i32
    %dma_wait3A_48 = tpu.memref_slice %arg2[%dma_wait3A_47] : memref<160000xi32, #tpu.memory_space<hbm>> -> memref<2000xi32, #tpu.memory_space<hbm>>
    %dma_wait3A_49 = arith.constant 0 : i32
    %dma_wait3A_50 = tpu.memref_slice %arg2[%dma_wait3A_49] : memref<160000xi32, #tpu.memory_space<hbm>> -> memref<2000xi32, #tpu.memory_space<hbm>>
    tpu.wait_dma2 semaphore(%arg7 : memref<!tpu.dma_semaphore, #tpu.memory_space<semaphore_mem>>) src(%dma_wait3A_50 : memref<2000xi32, #tpu.memory_space<hbm>>) dst(%arg5 : memref<2000xi32, #tpu.memory_space<vmem>>)
    %parallel_loop3A_51 = arith.constant 0 : i32
    %parallel_loop3A_52 = arith.constant 125 : i32
    %parallel_loop3A_53 = arith.constant 1 : i32
    scf.for %parallel_loop3A_78 = %parallel_loop3A_51 to %parallel_loop3A_52 step %parallel_loop3A_53  : i32 {
      %parallel_loop3A_79 = arith.constant 16 : i32
      %parallel_loop3A_80 = arith.muli %parallel_loop3A_78, %parallel_loop3A_79 : i32
      %parallel_loop3A_81 = arith.index_cast %parallel_loop3A_80 : i32 to index
      %parallel_loop3A_82 = tpu.vector_load %arg5[%parallel_loop3A_81] {strides = array<i32>} : memref<2000xi32, #tpu.memory_space<vmem>>, vector<16xi32>,
      tpu.vector_store_idx %arg4[%parallel_loop3A_82], %broadcast_in_dim3A_2 {add = true} : memref<10240xf32, #tpu.memory_space<vmem>>[vector<16xi32>], vector<16xf32>,
    } {sc.loop_unroll_factor = 4 : i64, sc.parallel_access}
    %add3A_54 = arith.constant 3 : i32
    %add3A_55 = arith.addi %mul3A_8, %add3A_54 : i32
    %add3A_56 = arith.constant 1 : i32
    %add3A_57 = arith.addi %add3A_55, %add3A_56 : i32
    %mul3A_58 = arith.constant 2000 : i32
    %mul3A_59 = arith.muli %add3A_57, %mul3A_58 : i32
    %dma_start3A_60 = tpu.memref_slice %arg2[%mul3A_59] : memref<160000xi32, #tpu.memory_space<hbm>> -> memref<2000xi32, #tpu.memory_space<hbm>>
    %dma_start3A_61 = tpu.memref_slice %arg2[%mul3A_59] : memref<160000xi32, #tpu.memory_space<hbm>> -> memref<2000xi32, #tpu.memory_space<hbm>>
    tpu.enqueue_dma source(%dma_start3A_61 : memref<2000xi32, #tpu.memory_space<hbm>>) target(%arg5 : memref<2000xi32, #tpu.memory_space<vmem>>) target_semaphore(%arg7 : memref<!tpu.dma_semaphore, #tpu.memory_space<semaphore_mem>>)
    %dma_wait3A_62 = arith.constant 0 : i32
    %dma_wait3A_63 = tpu.memref_slice %arg2[%dma_wait3A_62] : memref<160000xi32, #tpu.memory_space<hbm>> -> memref<2000xi32, #tpu.memory_space<hbm>>
    %dma_wait3A_64 = arith.constant 0 : i32
    %dma_wait3A_65 = tpu.memref_slice %arg2[%dma_wait3A_64] : memref<160000xi32, #tpu.memory_space<hbm>> -> memref<2000xi32, #tpu.memory_space<hbm>>
    tpu.wait_dma2 semaphore(%arg8 : memref<!tpu.dma_semaphore, #tpu.memory_space<semaphore_mem>>) src(%dma_wait3A_65 : memref<2000xi32, #tpu.memory_space<hbm>>) dst(%arg6 : memref<2000xi32, #tpu.memory_space<vmem>>)
    %parallel_loop3A_66 = arith.constant 0 : i32
    %parallel_loop3A_67 = arith.constant 125 : i32
    %parallel_loop3A_68 = arith.constant 1 : i32
    scf.for %parallel_loop3A_78 = %parallel_loop3A_66 to %parallel_loop3A_67 step %parallel_loop3A_68  : i32 {
      %parallel_loop3A_79 = arith.constant 16 : i32
      %parallel_loop3A_80 = arith.muli %parallel_loop3A_78, %parallel_loop3A_79 : i32
      %parallel_loop3A_81 = arith.index_cast %parallel_loop3A_80 : i32 to index
      %parallel_loop3A_82 = tpu.vector_load %arg6[%parallel_loop3A_81] {strides = array<i32>} : memref<2000xi32, #tpu.memory_space<vmem>>, vector<16xi32>,
      tpu.vector_store_idx %arg4[%parallel_loop3A_82], %broadcast_in_dim3A_2 {add = true} : memref<10240xf32, #tpu.memory_space<vmem>>[vector<16xi32>], vector<16xf32>,
    } {sc.loop_unroll_factor = 4 : i64, sc.parallel_access}
    %dma_wait3A_69 = arith.constant 0 : i32
    %dma_wait3A_70 = tpu.memref_slice %arg2[%dma_wait3A_69] : memref<160000xi32, #tpu.memory_space<hbm>> -> memref<2000xi32, #tpu.memory_space<hbm>>
    %dma_wait3A_71 = arith.constant 0 : i32
    %dma_wait3A_72 = tpu.memref_slice %arg2[%dma_wait3A_71] : memref<160000xi32, #tpu.memory_space<hbm>> -> memref<2000xi32, #tpu.memory_space<hbm>>
    tpu.wait_dma2 semaphore(%arg7 : memref<!tpu.dma_semaphore, #tpu.memory_space<semaphore_mem>>) src(%dma_wait3A_72 : memref<2000xi32, #tpu.memory_space<hbm>>) dst(%arg5 : memref<2000xi32, #tpu.memory_space<vmem>>)
    %parallel_loop3A_73 = arith.constant 0 : i32
    %parallel_loop3A_74 = arith.constant 125 : i32
    %parallel_loop3A_75 = arith.constant 1 : i32
    scf.for %parallel_loop3A_78 = %parallel_loop3A_73 to %parallel_loop3A_74 step %parallel_loop3A_75  : i32 {
      %parallel_loop3A_79 = arith.constant 16 : i32
      %parallel_loop3A_80 = arith.muli %parallel_loop3A_78, %parallel_loop3A_79 : i32
      %parallel_loop3A_81 = arith.index_cast %parallel_loop3A_80 : i32 to index
      %parallel_loop3A_82 = tpu.vector_load %arg5[%parallel_loop3A_81] {strides = array<i32>} : memref<2000xi32, #tpu.memory_space<vmem>>, vector<16xi32>,
      tpu.vector_store_idx %arg4[%parallel_loop3A_82], %broadcast_in_dim3A_2 {add = true} : memref<10240xf32, #tpu.memory_space<vmem>>[vector<16xi32>], vector<16xf32>,
    } {sc.loop_unroll_factor = 4 : i64, sc.parallel_access}
    "tpu.region"() ({
      %run_scoped3A = tpu.sem_alloc : memref<!tpu.dma_semaphore, #tpu.memory_space<semaphore_mem>>
      %dma_start3A_78 = arith.constant 0 : i32
      %dma_start3A_79 = tpu.memref_slice %arg9[%arg1, %dma_start3A_78] : memref<16x10240xf32, #tpu.memory_space<vmem_shared>> -> memref<1x10240xf32, #tpu.memory_space<vmem_shared>>
      %dma_start3A_80 = tpu.memref_squeeze %dma_start3A_79 : memref<1x10240xf32, #tpu.memory_space<vmem_shared>> -> memref<10240xf32, #tpu.memory_space<vmem_shared>>
      %dma_start3A_81 = arith.constant 0 : i32
      %dma_start3A_82 = tpu.memref_slice %arg9[%arg1, %dma_start3A_81] : memref<16x10240xf32, #tpu.memory_space<vmem_shared>> -> memref<1x10240xf32, #tpu.memory_space<vmem_shared>>
      %dma_start3A_83 = tpu.memref_squeeze %dma_start3A_82 : memref<1x10240xf32, #tpu.memory_space<vmem_shared>> -> memref<10240xf32, #tpu.memory_space<vmem_shared>>
      tpu.enqueue_dma source(%arg4 : memref<10240xf32, #tpu.memory_space<vmem>>) target(%dma_start3A_83 : memref<10240xf32, #tpu.memory_space<vmem_shared>>) target_semaphore(%run_scoped3A : memref<!tpu.dma_semaphore, #tpu.memory_space<semaphore_mem>>)
      %dma_wait3A_84 = arith.constant 0 : i32
      %dma_wait3A_85 = tpu.memref_slice %arg9[%arg1, %dma_wait3A_84] : memref<16x10240xf32, #tpu.memory_space<vmem_shared>> -> memref<1x10240xf32, #tpu.memory_space<vmem_shared>>
      %dma_wait3A_86 = tpu.memref_squeeze %dma_wait3A_85 : memref<1x10240xf32, #tpu.memory_space<vmem_shared>> -> memref<10240xf32, #tpu.memory_space<vmem_shared>>
      %dma_wait3A_87 = arith.constant 0 : i32
      %dma_wait3A_88 = tpu.memref_slice %arg9[%arg1, %dma_wait3A_87] : memref<16x10240xf32, #tpu.memory_space<vmem_shared>> -> memref<1x10240xf32, #tpu.memory_space<vmem_shared>>
      %dma_wait3A_89 = tpu.memref_squeeze %dma_wait3A_88 : memref<1x10240xf32, #tpu.memory_space<vmem_shared>> -> memref<10240xf32, #tpu.memory_space<vmem_shared>>
      tpu.wait_dma2 semaphore(%run_scoped3A : memref<!tpu.dma_semaphore, #tpu.memory_space<semaphore_mem>>) src(%arg4 : memref<10240xf32, #tpu.memory_space<vmem>>) dst(%dma_wait3A_89 : memref<10240xf32, #tpu.memory_space<vmem_shared>>)
      tpu.yield
    }) : () -> ()
    %barrier3A = arith.constant 0 : index
    tpu.barrier barrier_id(%barrier3A)
    %eq3A = arith.constant 0 : i32
    %eq3A_76 = arith.cmpi eq, %arg0, %eq3A : i32
    %convert_element_type3A = arith.extui %eq3A_76 : i1 to i32
    %cond3A = arith.constant 0 : i32
    %cond3A_77 = arith.cmpi ne, %convert_element_type3A, %cond3A : i32
    scf.if %cond3A_77 {
      %mul3A_78 = arith.constant 640 : i32
      %mul3A_79 = arith.muli %arg1, %mul3A_78 : i32
      %scan3A_80 = arith.constant 0 : i32
      %scan3A_81 = arith.constant 0 : i32
      %scan3A_82 = arith.constant 40 : i32
      %scan3A_83 = arith.addi %scan3A_81, %scan3A_82 : i32
      %scan3A_84 = arith.constant 1 : i32
      scf.for %scan3A_92 = %scan3A_81 to %scan3A_83 step %scan3A_84  : i32 {
        %mul3A_93 = arith.constant 16 : i32
        %mul3A_94 = arith.muli %scan3A_92, %mul3A_93 : i32
        %swap3A = arith.index_cast %mul3A_94 : i32 to index
        %swap3A_95 = tpu.vector_load %arg11[%swap3A] {strides = array<i32>} : memref<640xf32, #tpu.memory_space<vmem>>, vector<16xf32>,
        tpu.vector_store %arg11[%swap3A], %broadcast_in_dim3A_0 {strides = array<i32>} : memref<640xf32, #tpu.memory_space<vmem>>, vector<16xf32>,
      }
      %scan3A_85 = arith.constant 40 : i32
      %scan3A_86 = arith.constant 0 : i32
      %scan3A_87 = arith.constant 0 : i32
      %scan3A_88 = arith.constant 16 : i32
      %scan3A_89 = arith.addi %scan3A_87, %scan3A_88 : i32
      %scan3A_90 = arith.constant 1 : i32
      scf.for %scan3A_92 = %scan3A_87 to %scan3A_89 step %scan3A_90  : i32 {
        "tpu.region"() ({
          %run_scoped3A = tpu.sem_alloc : memref<!tpu.dma_semaphore, #tpu.memory_space<semaphore_mem>>
          %dma_start3A_99 = tpu.memref_slice %arg9[%scan3A_92, %mul3A_79] : memref<16x10240xf32, #tpu.memory_space<vmem_shared>> -> memref<1x640xf32, #tpu.memory_space<vmem_shared>>
          %dma_start3A_100 = tpu.memref_squeeze %dma_start3A_99 : memref<1x640xf32, #tpu.memory_space<vmem_shared>> -> memref<640xf32, #tpu.memory_space<vmem_shared>>
          %dma_start3A_101 = tpu.memref_slice %arg9[%scan3A_92, %mul3A_79] : memref<16x10240xf32, #tpu.memory_space<vmem_shared>> -> memref<1x640xf32, #tpu.memory_space<vmem_shared>>
          %dma_start3A_102 = tpu.memref_squeeze %dma_start3A_101 : memref<1x640xf32, #tpu.memory_space<vmem_shared>> -> memref<640xf32, #tpu.memory_space<vmem_shared>>
          tpu.enqueue_dma source(%dma_start3A_102 : memref<640xf32, #tpu.memory_space<vmem_shared>>) target(%arg10 : memref<640xf32, #tpu.memory_space<vmem>>) target_semaphore(%run_scoped3A : memref<!tpu.dma_semaphore, #tpu.memory_space<semaphore_mem>>)
          %dma_wait3A_103 = tpu.memref_slice %arg9[%scan3A_92, %mul3A_79] : memref<16x10240xf32, #tpu.memory_space<vmem_shared>> -> memref<1x640xf32, #tpu.memory_space<vmem_shared>>
          %dma_wait3A_104 = tpu.memref_squeeze %dma_wait3A_103 : memref<1x640xf32, #tpu.memory_space<vmem_shared>> -> memref<640xf32, #tpu.memory_space<vmem_shared>>
          %dma_wait3A_105 = tpu.memref_slice %arg9[%scan3A_92, %mul3A_79] : memref<16x10240xf32, #tpu.memory_space<vmem_shared>> -> memref<1x640xf32, #tpu.memory_space<vmem_shared>>
          %dma_wait3A_106 = tpu.memref_squeeze %dma_wait3A_105 : memref<1x640xf32, #tpu.memory_space<vmem_shared>> -> memref<640xf32, #tpu.memory_space<vmem_shared>>
          tpu.wait_dma2 semaphore(%run_scoped3A : memref<!tpu.dma_semaphore, #tpu.memory_space<semaphore_mem>>) src(%dma_wait3A_106 : memref<640xf32, #tpu.memory_space<vmem_shared>>) dst(%arg10 : memref<640xf32, #tpu.memory_space<vmem>>)
          tpu.yield
        }) : () -> ()
        %scan3A_93 = arith.constant 0 : i32
        %scan3A_94 = arith.constant 0 : i32
        %scan3A_95 = arith.constant 40 : i32
        %scan3A_96 = arith.addi %scan3A_94, %scan3A_95 : i32
        %scan3A_97 = arith.constant 1 : i32
        scf.for %scan3A_99 = %scan3A_94 to %scan3A_96 step %scan3A_97  : i32 {
          %mul3A_100 = arith.constant 16 : i32
          %mul3A_101 = arith.muli %scan3A_99, %mul3A_100 : i32
          %get3A = arith.index_cast %mul3A_101 : i32 to index
          %get3A_102 = tpu.vector_load %arg11[%get3A] {strides = array<i32>} : memref<640xf32, #tpu.memory_space<vmem>>, vector<16xf32>,
          %get3A_103 = arith.index_cast %mul3A_101 : i32 to index
          %get3A_104 = tpu.vector_load %arg10[%get3A_103] {strides = array<i32>} : memref<640xf32, #tpu.memory_space<vmem>>, vector<16xf32>,
          %add3A_105 = arith.addf %get3A_102, %get3A_104 : vector<16xf32>
          %swap3A = arith.index_cast %mul3A_101 : i32 to index
          %swap3A_106 = tpu.vector_load %arg11[%swap3A] {strides = array<i32>} : memref<640xf32, #tpu.memory_space<vmem>>, vector<16xf32>,
          tpu.vector_store %arg11[%swap3A], %add3A_105 {strides = array<i32>} : memref<640xf32, #tpu.memory_space<vmem>>, vector<16xf32>,
        }
        %scan3A_98 = arith.constant 40 : i32
      }
      %scan3A_91 = arith.constant 16 : i32
      "tpu.region"() ({
        %run_scoped3A = tpu.sem_alloc : memref<!tpu.dma_semaphore, #tpu.memory_space<semaphore_mem>>
        %dma_start3A_92 = tpu.memref_slice %arg3[%mul3A_79] : memref<10240xf32, #tpu.memory_space<hbm>> -> memref<640xf32, #tpu.memory_space<hbm>>
        %dma_start3A_93 = tpu.memref_slice %arg3[%mul3A_79] : memref<10240xf32, #tpu.memory_space<hbm>> -> memref<640xf32, #tpu.memory_space<hbm>>
        tpu.enqueue_dma source(%arg11 : memref<640xf32, #tpu.memory_space<vmem>>) target(%dma_start3A_93 : memref<640xf32, #tpu.memory_space<hbm>>) target_semaphore(%run_scoped3A : memref<!tpu.dma_semaphore, #tpu.memory_space<semaphore_mem>>)
        %dma_wait3A_94 = tpu.memref_slice %arg3[%mul3A_79] : memref<10240xf32, #tpu.memory_space<hbm>> -> memref<640xf32, #tpu.memory_space<hbm>>
        %dma_wait3A_95 = tpu.memref_slice %arg3[%mul3A_79] : memref<10240xf32, #tpu.memory_space<hbm>> -> memref<640xf32, #tpu.memory_space<hbm>>
        tpu.wait_dma2 semaphore(%run_scoped3A : memref<!tpu.dma_semaphore, #tpu.memory_space<semaphore_mem>>) src(%arg11 : memref<640xf32, #tpu.memory_space<vmem>>) dst(%dma_wait3A_95 : memref<640xf32, #tpu.memory_space<hbm>>)
        tpu.yield
      }) : () -> ()
    } else {
    }
    return
  }
}

module attributes {stable_mosaic.version = 14 : i64} {
  func.func @_dense1_body(%arg0: i32, %arg1: memref<256x512xf32, #tpu.memory_space<vmem>>, %arg2: memref<256x512xf32, #tpu.memory_space<vmem>>, %arg3: memref<1x512xf32, #tpu.memory_space<vmem>>, %arg4: memref<256x256xf32, #tpu.memory_space<vmem>>, %arg5: memref<256x256xf32, #tpu.memory_space<vmem>>, %arg6: memref<256x1xf32, #tpu.memory_space<vmem>>, %arg7: memref<256x512xf32, #tpu.memory_space<vmem>>, %arg8: memref<128x512xi32, #tpu.memory_space<vmem>>) attributes {dimension_semantics = [#tpu.dimension_semantics<arbitrary>], iteration_bounds = array<i64: 20>, scalar_prefetch = 0 : i64, scratch_operands = 0 : i64, tpu.core_type = #tpu.core_type<tc>, window_params = [{transform_indices = @transform_0, window_bounds = array<i64: 256, 512>}, {transform_indices = @transform_1, window_bounds = array<i64: 256, 512>}, {transform_indices = @transform_2, window_bounds = array<i64: 1, 512>}, {pipeline_mode = #tpu.pipeline_mode<synchronous>, transform_indices = @transform_3, window_bounds = array<i64: 256, 256>}, {pipeline_mode = #tpu.pipeline_mode<synchronous>, transform_indices = @transform_4, window_bounds = array<i64: 256, 256>}, {pipeline_mode = #tpu.pipeline_mode<synchronous>, transform_indices = @transform_5, window_bounds = array<i64: 256, 1>}, {transform_indices = @transform_6, window_bounds = array<i64: 256, 512>}, {transform_indices = @transform_7, window_bounds = array<i64: 128, 512>}]} {
    %get3A = arith.constant 0 : index
    %get3A_0 = arith.constant 0 : index
    %get3A_1 = vector.load %arg1[%get3A, %get3A_0] : memref<256x512xf32, #tpu.memory_space<vmem>>, vector<256x512xf32>
    %get3A_2 = arith.constant 0 : index
    %get3A_3 = arith.constant 0 : index
    %get3A_4 = vector.load %arg4[%get3A_2, %get3A_3] : memref<256x256xf32, #tpu.memory_space<vmem>>, vector<256x256xf32>
    %dot_general3A = arith.constant dense<0.000000e+00> : vector<256x512xf32>
    %dot_general3A_5 = tpu.matmul %get3A_4, %get3A_1, %dot_general3A {dimension_numbers = #tpu.dot_dimension_numbers<[0], [0], [1], [1], [0, 1, 1, 1], [], []>, transpose_lhs_hint = false} : vector<256x256xf32>, vector<256x512xf32>, vector<256x512xf32> -> vector<256x512xf32>
    %get3A_6 = arith.constant 0 : index
    %get3A_7 = arith.constant 0 : index
    %get3A_8 = vector.load %arg5[%get3A_6, %get3A_7] : memref<256x256xf32, #tpu.memory_space<vmem>>, vector<256x256xf32>
    %get3A_9 = arith.constant 0 : index
    %get3A_10 = arith.constant 0 : index
    %get3A_11 = vector.load %arg2[%get3A_9, %get3A_10] : memref<256x512xf32, #tpu.memory_space<vmem>>, vector<256x512xf32>
    %dot_general3A_12 = arith.constant dense<0.000000e+00> : vector<256x512xf32>
    %dot_general3A_13 = tpu.matmul %get3A_8, %get3A_11, %dot_general3A_12 {dimension_numbers = #tpu.dot_dimension_numbers<[0], [0], [1], [1], [0, 1, 1, 1], [], []>, transpose_lhs_hint = false} : vector<256x256xf32>, vector<256x512xf32>, vector<256x512xf32> -> vector<256x512xf32>
    %get3A_14 = arith.constant 0 : index
    %get3A_15 = arith.constant 0 : index
    %get3A_16 = vector.load %arg3[%get3A_14, %get3A_15] : memref<1x512xf32, #tpu.memory_space<vmem>>, vector<1x512xf32>
    %max3A = arith.constant 1.000000e+00 : f32
    %max3A_17 = vector.broadcast %max3A : f32 to vector<1x512xf32>
    %max3A_18 = arith.maximumf %get3A_16, %max3A_17 : vector<1x512xf32>
    %div3A = arith.constant 1.000000e+00 : f32
    %div3A_19 = vector.broadcast %div3A : f32 to vector<1x512xf32>
    %div3A_20 = arith.divf %div3A_19, %max3A_18 : vector<1x512xf32>
    %add3A = arith.addf %get3A_1, %dot_general3A_5 : vector<256x512xf32>
    %get3A_21 = arith.constant 0 : index
    %get3A_22 = arith.constant 0 : index
    %get3A_23 = vector.load %arg6[%get3A_21, %get3A_22] : memref<256x1xf32, #tpu.memory_space<vmem>>, vector<256x1xf32>
    %add3A_24 = vector.broadcast %get3A_23 : vector<256x1xf32> to vector<256x512xf32>
    %add3A_25 = arith.addf %add3A, %add3A_24 : vector<256x512xf32>
    %mul3A = vector.broadcast %div3A_20 : vector<1x512xf32> to vector<256x512xf32>
    %mul3A_26 = arith.mulf %mul3A, %dot_general3A_13 : vector<256x512xf32>
    %add3A_27 = arith.addf %add3A_25, %mul3A_26 : vector<256x512xf32>
    %max3A_28 = arith.constant 0.000000e+00 : f32
    %max3A_29 = vector.broadcast %max3A_28 : f32 to vector<256x512xf32>
    %max3A_30 = arith.maximumf %add3A_27, %max3A_29 : vector<256x512xf32>
    %swap3A = arith.constant 0 : index
    %swap3A_31 = arith.constant 0 : index
    %swap3A_32 = vector.load %arg7[%swap3A, %swap3A_31] : memref<256x512xf32, #tpu.memory_space<vmem>>, vector<256x512xf32>
    tpu.vector_store %arg7[%swap3A, %swap3A_31], %max3A_30 {strides = array<i32>} : memref<256x512xf32, #tpu.memory_space<vmem>>, vector<256x512xf32>,
    %convert_element_type3A = arith.truncf %max3A_30 : vector<256x512xf32> to vector<256x512xbf16>
    %slice3A = vector.extract_strided_slice %convert_element_type3A {offsets = [0, 0], sizes = [128, 512], strides = [1, 1]} : vector<256x512xbf16> to vector<128x512xbf16>
    %bitcast_convert_type3A = tpu.bitcast %slice3A : vector<128x512xbf16> -> vector<128x512xi16>
    %convert_element_type3A_33 = arith.extui %bitcast_convert_type3A : vector<128x512xi16> to vector<128x512xi32>
    %slice3A_34 = vector.extract_strided_slice %convert_element_type3A {offsets = [128, 0], sizes = [128, 512], strides = [1, 1]} : vector<256x512xbf16> to vector<128x512xbf16>
    %bitcast_convert_type3A_35 = tpu.bitcast %slice3A_34 : vector<128x512xbf16> -> vector<128x512xi16>
    %convert_element_type3A_36 = arith.extui %bitcast_convert_type3A_35 : vector<128x512xi16> to vector<128x512xi32>
    %shift_left3A = arith.constant 16 : i32
    %shift_left3A_37 = vector.broadcast %shift_left3A : i32 to vector<128x512xi32>
    %shift_left3A_38 = arith.shli %convert_element_type3A_36, %shift_left3A_37 : vector<128x512xi32>
    %or3A = arith.ori %shift_left3A_38, %convert_element_type3A_33 : vector<128x512xi32>
    %swap3A_39 = arith.constant 0 : index
    %swap3A_40 = arith.constant 0 : index
    %swap3A_41 = vector.load %arg8[%swap3A_39, %swap3A_40] : memref<128x512xi32, #tpu.memory_space<vmem>>, vector<128x512xi32>
    tpu.vector_store %arg8[%swap3A_39, %swap3A_40], %or3A {strides = array<i32>} : memref<128x512xi32, #tpu.memory_space<vmem>>, vector<128x512xi32>,
    return
  }
  func.func @transform_0(%arg0: i32) -> (i32, i32) {
    %c0_i32 = arith.constant 0 : i32
    %c0_i32_0 = arith.constant 0 : i32
    return %c0_i32, %arg0 : i32, i32
  }
  func.func @transform_1(%arg0: i32) -> (i32, i32) {
    %c0_i32 = arith.constant 0 : i32
    %c0_i32_0 = arith.constant 0 : i32
    return %c0_i32, %arg0 : i32, i32
  }
  func.func @transform_2(%arg0: i32) -> (i32, i32) {
    %c0_i32 = arith.constant 0 : i32
    %c0_i32_0 = arith.constant 0 : i32
    return %c0_i32, %arg0 : i32, i32
  }
  func.func @transform_3(%arg0: i32) -> (i32, i32) {
    %c0_i32 = arith.constant 0 : i32
    %c0_i32_0 = arith.constant 0 : i32
    %c0_i32_1 = arith.constant 0 : i32
    return %c0_i32, %c0_i32_0 : i32, i32
  }
  func.func @transform_4(%arg0: i32) -> (i32, i32) {
    %c0_i32 = arith.constant 0 : i32
    %c0_i32_0 = arith.constant 0 : i32
    %c0_i32_1 = arith.constant 0 : i32
    return %c0_i32, %c0_i32_0 : i32, i32
  }
  func.func @transform_5(%arg0: i32) -> (i32, i32) {
    %c0_i32 = arith.constant 0 : i32
    %c0_i32_0 = arith.constant 0 : i32
    %c0_i32_1 = arith.constant 0 : i32
    return %c0_i32, %c0_i32_0 : i32, i32
  }
  func.func @transform_6(%arg0: i32) -> (i32, i32) {
    %c0_i32 = arith.constant 0 : i32
    %c0_i32_0 = arith.constant 0 : i32
    return %c0_i32, %arg0 : i32, i32
  }
  func.func @transform_7(%arg0: i32) -> (i32, i32) {
    %c0_i32 = arith.constant 0 : i32
    %c0_i32_0 = arith.constant 0 : i32
    return %c0_i32, %arg0 : i32, i32
  }
}

module attributes {stable_mosaic.version = 14 : i64} {
  func.func @_dense2_body(%arg0: i32, %arg1: memref<256x512xf32, #tpu.memory_space<vmem>>, %arg2: memref<256x512xf32, #tpu.memory_space<vmem>>, %arg3: memref<512x1xf32, #tpu.memory_space<vmem>>, %arg4: memref<256x256xf32, #tpu.memory_space<vmem>>, %arg5: memref<256x256xf32, #tpu.memory_space<vmem>>, %arg6: memref<1x256xf32, #tpu.memory_space<vmem>>, %arg7: memref<512x256xf32, #tpu.memory_space<vmem>>) attributes {dimension_semantics = [#tpu.dimension_semantics<arbitrary>], iteration_bounds = array<i64: 20>, scalar_prefetch = 0 : i64, scratch_operands = 0 : i64, tpu.core_type = #tpu.core_type<tc>, window_params = [{transform_indices = @transform_0, window_bounds = array<i64: 256, 512>}, {transform_indices = @transform_1, window_bounds = array<i64: 256, 512>}, {transform_indices = @transform_2, window_bounds = array<i64: 512, 1>}, {pipeline_mode = #tpu.pipeline_mode<synchronous>, transform_indices = @transform_3, window_bounds = array<i64: 256, 256>}, {pipeline_mode = #tpu.pipeline_mode<synchronous>, transform_indices = @transform_4, window_bounds = array<i64: 256, 256>}, {pipeline_mode = #tpu.pipeline_mode<synchronous>, transform_indices = @transform_5, window_bounds = array<i64: 1, 256>}, {transform_indices = @transform_6, window_bounds = array<i64: 512, 256>}]} {
    %get3A = arith.constant 0 : index
    %get3A_0 = arith.constant 0 : index
    %get3A_1 = vector.load %arg1[%get3A, %get3A_0] : memref<256x512xf32, #tpu.memory_space<vmem>>, vector<256x512xf32>
    %get3A_2 = arith.constant 0 : index
    %get3A_3 = arith.constant 0 : index
    %get3A_4 = vector.load %arg4[%get3A_2, %get3A_3] : memref<256x256xf32, #tpu.memory_space<vmem>>, vector<256x256xf32>
    %dot_general3A = arith.constant dense<0.000000e+00> : vector<512x256xf32>
    %dot_general3A_5 = tpu.matmul %get3A_1, %get3A_4, %dot_general3A {dimension_numbers = #tpu.dot_dimension_numbers<[0], [0], [1], [1], [0, 1, 1, 1], [], []>, transpose_lhs_hint = false} : vector<256x512xf32>, vector<256x256xf32>, vector<512x256xf32> -> vector<512x256xf32>
    %get3A_6 = arith.constant 0 : index
    %get3A_7 = arith.constant 0 : index
    %get3A_8 = vector.load %arg2[%get3A_6, %get3A_7] : memref<256x512xf32, #tpu.memory_space<vmem>>, vector<256x512xf32>
    %get3A_9 = arith.constant 0 : index
    %get3A_10 = arith.constant 0 : index
    %get3A_11 = vector.load %arg5[%get3A_9, %get3A_10] : memref<256x256xf32, #tpu.memory_space<vmem>>, vector<256x256xf32>
    %dot_general3A_12 = arith.constant dense<0.000000e+00> : vector<512x256xf32>
    %dot_general3A_13 = tpu.matmul %get3A_8, %get3A_11, %dot_general3A_12 {dimension_numbers = #tpu.dot_dimension_numbers<[0], [0], [1], [1], [0, 1, 1, 1], [], []>, transpose_lhs_hint = false} : vector<256x512xf32>, vector<256x256xf32>, vector<512x256xf32> -> vector<512x256xf32>
    %get3A_14 = arith.constant 0 : index
    %get3A_15 = arith.constant 0 : index
    %get3A_16 = vector.load %arg3[%get3A_14, %get3A_15] : memref<512x1xf32, #tpu.memory_space<vmem>>, vector<512x1xf32>
    %max3A = arith.constant 1.000000e+00 : f32
    %max3A_17 = vector.broadcast %max3A : f32 to vector<512x1xf32>
    %max3A_18 = arith.maximumf %get3A_16, %max3A_17 : vector<512x1xf32>
    %div3A = arith.constant 1.000000e+00 : f32
    %div3A_19 = vector.broadcast %div3A : f32 to vector<512x1xf32>
    %div3A_20 = arith.divf %div3A_19, %max3A_18 : vector<512x1xf32>
    %get3A_21 = arith.constant 0 : index
    %get3A_22 = arith.constant 0 : index
    %get3A_23 = vector.load %arg6[%get3A_21, %get3A_22] : memref<1x256xf32, #tpu.memory_space<vmem>>, vector<1x256xf32>
    %add3A = vector.broadcast %get3A_23 : vector<1x256xf32> to vector<512x256xf32>
    %add3A_24 = arith.addf %dot_general3A_5, %add3A : vector<512x256xf32>
    %mul3A = vector.broadcast %div3A_20 : vector<512x1xf32> to vector<512x256xf32>
    %mul3A_25 = arith.mulf %mul3A, %dot_general3A_13 : vector<512x256xf32>
    %add3A_26 = arith.addf %add3A_24, %mul3A_25 : vector<512x256xf32>
    %swap3A = arith.constant 0 : index
    %swap3A_27 = arith.constant 0 : index
    %swap3A_28 = vector.load %arg7[%swap3A, %swap3A_27] : memref<512x256xf32, #tpu.memory_space<vmem>>, vector<512x256xf32>
    tpu.vector_store %arg7[%swap3A, %swap3A_27], %add3A_26 {strides = array<i32>} : memref<512x256xf32, #tpu.memory_space<vmem>>, vector<512x256xf32>,
    return
  }
  func.func @transform_0(%arg0: i32) -> (i32, i32) {
    %c0_i32 = arith.constant 0 : i32
    %c0_i32_0 = arith.constant 0 : i32
    return %c0_i32, %arg0 : i32, i32
  }
  func.func @transform_1(%arg0: i32) -> (i32, i32) {
    %c0_i32 = arith.constant 0 : i32
    %c0_i32_0 = arith.constant 0 : i32
    return %c0_i32, %arg0 : i32, i32
  }
  func.func @transform_2(%arg0: i32) -> (i32, i32) {
    %c0_i32 = arith.constant 0 : i32
    %c0_i32_0 = arith.constant 0 : i32
    return %arg0, %c0_i32 : i32, i32
  }
  func.func @transform_3(%arg0: i32) -> (i32, i32) {
    %c0_i32 = arith.constant 0 : i32
    %c0_i32_0 = arith.constant 0 : i32
    %c0_i32_1 = arith.constant 0 : i32
    return %c0_i32, %c0_i32_0 : i32, i32
  }
  func.func @transform_4(%arg0: i32) -> (i32, i32) {
    %c0_i32 = arith.constant 0 : i32
    %c0_i32_0 = arith.constant 0 : i32
    %c0_i32_1 = arith.constant 0 : i32
    return %c0_i32, %c0_i32_0 : i32, i32
  }
  func.func @transform_5(%arg0: i32) -> (i32, i32) {
    %c0_i32 = arith.constant 0 : i32
    %c0_i32_0 = arith.constant 0 : i32
    %c0_i32_1 = arith.constant 0 : i32
    return %c0_i32, %c0_i32_0 : i32, i32
  }
  func.func @transform_6(%arg0: i32) -> (i32, i32) {
    %c0_i32 = arith.constant 0 : i32
    %c0_i32_0 = arith.constant 0 : i32
    return %arg0, %c0_i32 : i32, i32
  }
}

</mosaic_0001>

<sc_bundles>
// kernel: kernel.10.cloned.1.call-start
scs
__scs_entry_jumppad:
0x0: {  	(pc) =	sbr.rel $0x88, $3  }
0x1: {  	(tag) =	ssettag $0x0;
	lr =	simm.s32 $0x1  }
0x2: {  	[smem:$0x3F98] =	sst lr;
	_ =	strace $0xD0000000  }
0x3: {  	_ = 	snop  }
0x4: {  	_ = 	snop  }
0x5: {  	_ = 	snop  }
0x6: {  	_ = 	snop  }
0x7: {  	_ = 	snop  }
__scs_overlays_trampoline_lowered:
0x8: {  	[smem:$0x3FA7] =	sst s0  }
0x9: {  	[smem:$0x3FA8] =	sst s1  }
0xa: {  	[smem:$0x3FA9] =	sst s2  }
0xb: {  	[smem:$0x3FAA] =	sst s3  }
0xc: {  	[smem:$0x3FAB] =	sst s4  }
0xd: {  	[smem:$0x3FAC] =	sst s5  }
0xe: {  	[smem:$0x3FAD] =	sst s6  }
0xf: {  	[smem:$0x3FAE] =	sst s7  }
0x10: {  	[smem:$0x3FAF] =	sst s8  }
0x11: {  	[smem:$0x3FB0] =	sst s9;
	s0 =	simm.s32 @!p0 $0x0  }
0x12: {  	s1 =	sld [smem:$0x3F96];
	s0 =	simm.s32 @p0 $0x1  }
0x13: {  	[smem:$0x3FB1] =	sst s0;
	s0 =	simm.s32 @!p1 $0x0  }
0x14: {  	s2 =	sld [smem:$0x3F95];
	s0 =	simm.s32 @p1 $0x1  }
0x15: {  	[smem:$0x3FB2] =	sst s0;
	s0 =	simm.s32 @!p2 $0x0  }
0x16: {  	s3 =	sld [smem:$0x3FDB];
	s0 =	simm.s32 @p2 $0x1  }
0x17: {  	s4 =	simm.s32 $0x1BF5;
	[smem:$0x3FB4] =	sst s0  }
0x18: {  	s0 =	sld [smem:$0x3F97];
	_ =	swait.ge [sflag:s4], $0x0  }
0x19: {  	s7 =	sld [smem:$0x3F98]  }
0x1a: {  	s8 =	sadd.s32 $0xFFFFE003, lr  }
0x1b: {  	s9 =	sadd.s32 $0xFFFFFEF7, lr;
	s5 =	simm.s32 $0xFFFFFFFF;
	p2 =	slt.u32 s8, $0xFFFFF086  }
0x1c: {  	p1 =	slt.u32 s9, $0xF7A;
	s5 =	simm.s32 @!p2 $0x0  }
0x1d: {  	s5 =	simm.s32 @p1 $0x1;
	p0 =	seq.s32 s7, s2  }
0x1e: {  	s7 =	smul.u32 @!p0 $0xF7A, s2;
	p2 =	seq.s32 @!p0 s5, $0x0  }
0x1f: {  	s9 =	smul.u32 $0xF7A, s1;
	s8 =	simm.s32 @!p0 $0x1BF5;
	p2 =	por !p2, p0  }
0x20: {  	[sflag:s8] =	ssyncset.s32 @!p0 $0xFFFFF086;
	s6 =	sadd.s32 @!p0 s3, s7;
	s7 =	simm.s32 @!p0 $0x108  }
0x21: {  	s3 =	sadd.s32 s3, s9;
	s6 =	sadd.s32 @!p0 $0x88, s6;
	s7 =	simm.s32 @p2 $0x1082  }
0x22: {  	[simem:s7], [sflag:s8] =	dma.local @!p0 [hbm:s6], $0xF7A  }
0x23: {  	s9 =	sor.u32 $0xD0000000, s2;
	s6 =	simm.s32 $0x108;
	_ =	swait.ge @!p0 [sflag:s8], $0x0  }
0x24: {  	s3 =	sadd.s32 $0x88, s3;
	s6 =	simm.s32 @!p1 $0x1082;
	[sflag:s4] =	ssyncset.s32 $0xFFFFF086  }
0x25: {  	[simem:s6], [sflag:s4] =	dma.local [hbm:s3], $0xF7A  }
0x26: {  	[smem:$0x3F98] =	sst s1;
	(tag) =	ssettag s2;
	_ =	strace s9  }
0x27: {  	s1 =	sld [smem:$0x3FA8]  }
0x28: {  	s2 =	sld [smem:$0x3FA9]  }
0x29: {  	s4 =	sld [smem:$0x3FAB]  }
0x2a: {  	p0 =	seq.s32 s5, $0x0;
	s5 =	sld [smem:$0x3FAC]  }
0x2b: {  	s6 =	sld [smem:$0x3FAD]  }
0x2c: {  	s7 =	sld [smem:$0x3FAE]  }
0x2d: {  	s3 =	simm.s32 $0x108;
	s8 =	sld [smem:$0x3FAF]  }
0x2e: {  	s3 =	simm.s32 @!p0 $0x1082;
	s9 =	sld [smem:$0x3FB0]  }
0x2f: {  	lr =	sadd.s32 s0, s3;
	s0 =	sld [smem:$0x3FA7]  }
0x30: {  	s3 =	sld [smem:$0x3FAA]  }
0x31: {  	[smem:$0x3FB3] =	sst s10  }
0x32: {  	s10 =	sld [smem:$0x3FB1];
	_ =	sdelay $0x3  }
0x33: {  	p0 =	seq.s32 s10, $0x1;
	s10 =	sld [smem:$0x3FB3];
	_ =	sdelay $0x3  }
0x34: {  	[smem:$0x3FB3] =	sst s10  }
0x35: {  	s10 =	sld [smem:$0x3FB2];
	_ =	sdelay $0x3  }
0x36: {  	p1 =	seq.s32 s10, $0x1;
	s10 =	sld [smem:$0x3FB3];
	_ =	sdelay $0x3  }
0x37: {  	[smem:$0x3FB3] =	sst s10  }
0x38: {  	s10 =	sld [smem:$0x3FB4]  }
0x39: {  	_ = 	snop;
	(pc) =	sbr.ind lr, $3  }
0x3a: {  	_ = 	snop  }
0x3b: {  	_ = 	snop  }
0x3c: {  	p2 =	seq.s32 s10, $0x1;
	s10 =	sld [smem:$0x3FB3]  }
0x3d: {  	_ =	shalt  }
0x3e: {  	_ =	shalt  }
0x3f: {  	_ =	shalt  }
0x40: {  	_ =	shalt  }
0x41: {  	_ =	shalt  }
0x42: {  	_ =	shalt  }
0x43: {  	_ =	shalt  }
0x44: {  	_ =	shalt  }
0x45: {  	_ =	shalt  }
0x46: {  	_ =	shalt  }
0x47: {  	_ =	shalt  }
0x48: {  	_ =	shalt  }
0x49: {  	_ =	shalt  }
0x4a: {  	_ =	shalt  }
0x4b: {  	_ =	shalt  }
0x4c: {  	_ =	shalt  }
0x4d: {  	_ =	shalt  }
0x4e: {  	_ =	shalt  }
0x4f: {  	_ =	shalt  }
0x50: {  	_ =	shalt  }
0x51: {  	_ =	shalt  }
0x52: {  	_ =	shalt  }
0x53: {  	_ =	shalt  }
0x54: {  	_ =	shalt  }
0x55: {  	_ =	shalt  }
0x56: {  	_ =	shalt  }
0x57: {  	_ =	shalt  }
0x58: {  	_ =	shalt  }
0x59: {  	_ =	shalt  }
0x5a: {  	_ =	shalt  }
0x5b: {  	_ =	shalt  }
0x5c: {  	_ =	shalt  }
0x5d: {  	_ =	shalt  }
0x5e: {  	_ =	shalt  }
0x5f: {  	_ =	shalt  }
0x60: {  	_ =	shalt  }
0x61: {  	_ =	shalt  }
0x62: {  	_ =	shalt  }
0x63: {  	_ =	shalt  }
0x64: {  	_ =	shalt  }
0x65: {  	_ =	shalt  }
0x66: {  	_ =	shalt  }
0x67: {  	_ =	shalt  }
0x68: {  	_ =	shalt  }
0x69: {  	_ =	shalt  }
0x6a: {  	_ =	shalt  }
0x6b: {  	_ =	shalt  }
0x6c: {  	_ =	shalt  }
0x6d: {  	_ =	shalt  }
0x6e: {  	_ =	shalt  }
0x6f: {  	_ =	shalt  }
0x70: {  	_ =	shalt  }
0x71: {  	_ =	shalt  }
0x72: {  	_ =	shalt  }
0x73: {  	_ =	shalt  }
0x74: {  	_ =	shalt  }
0x75: {  	_ =	shalt  }
0x76: {  	_ =	shalt  }
0x77: {  	_ =	shalt  }
0x78: {  	_ =	shalt  }
0x79: {  	_ =	shalt  }
0x7a: {  	_ =	shalt  }
0x7b: {  	_ =	shalt  }
0x7c: {  	_ =	shalt  }
0x7d: {  	_ =	shalt  }
0x7e: {  	_ =	shalt  }
0x7f: {  	_ =	shalt  }
0x80: {  	_ =	shalt  }
0x81: {  	_ =	shalt  }
0x82: {  	_ =	shalt  }
0x83: {  	_ =	shalt  }
0x84: {  	_ =	shalt  }
0x85: {  	_ =	shalt  }
0x86: {  	_ =	shalt  }
0x87: {  	_ =	shalt  }
.Lfunc_end0:
.L_simem_size_0:
called_computation.1_lowered:
.L_overlay_start_0:
0x88: {  	s2 =	sld [smem:$0x3FD9]  }
0x89: {  	s3 =	sld [smem:$0x3FFE];
	_ =	sdelay $0x1  }
0x8a: {  	s1 =	srdreg.scid  }
0x8b: {  	s0 =	sand.u32 $0x1, s1  }
0x8c: {  	s17 =	sshll.u32 s0, $0xA;
	s2 =	sadd.s32 s3, s2  }
0x8d: {  	s2 =	sadd.s32 s2, s17  }
0x8e: {  	[smem:$0x3FBF] =	sst s2  }
0x8f: {  	_ = 	snop  }
0x90: {  	s2 =	sld [smem:$0x3FD0];
	(tm) =	ssettm $0x1  }
0x91: {  	s18 =	sld [smem:$0x3FFB];
	_ =	sdelay $0x3  }
0x92: {  	_ =	strace s18  }
0x93: {  	s3 =	sld [smem:$0x3FFC];
	_ =	sdelay $0x3  }
0x94: {  	_ =	strace s3  }
0x95: {  	s3 =	sld [smem:$0x3FFD];
	_ =	sdelay $0x3  }
0x96: {  	_ =	strace s3  }
0x97: {  	_ =	strace $0x8FFFFFFF  }
0x98: {  	s19 =	sld [smem:$0x3FDB];
	_ =	sdelay $0x1  }
0x99: {  	s4 =	simm.s32 $_scs_section_size  }
0x9a: {  	s5 =	simm.s32 $_size__tile_overlayer_lowered;
	s6 =	simm.s32 $_tile_overlayer_lowered  }
0x9b: {  	s22 =	simm.s32 $0x1BFF;
	s21 =	sshll.u32 s6, $0x1;
	s3 =	sadd.s32 s4, s19  }
0x9c: {  	s7 =	simm.s32 $0x0;
	s20 =	sshll.u32 s5, $0x1;
	s5 =	sadd.s32 s21, s3  }
0x9d: {  	[timem:s7], [sflag:s22] =	dma.local [hbm:s5], s20  }
0x9e: {  	_ =	swait.ge [sflag:s22], s20  }
0x9f: {  	s4 =	ssub.s32 $0x0, s20;
	[sflag:s22] =	ssyncset.done $0x0  }
0xa0: {  	[sflag:s22] =	ssyncadd.s32 s4;
	_ =	sdelay $0x1  }
0xa1: {  	s23 =	simm.s32 $0x1B8B  }
0xa2: {  	_ =	swait.ge [sflag:s23], $0x1  }
0xa3: {  	[sflag:s23] =	ssyncset.done $0x0  }
0xa4: {  	s25 =	simm.s32 $0x1B8E;
	s24 =	sld [smem:$0x3FFE];
	[sflag:s23] =	ssyncadd.s32 $0xFFFFFFFF  }
0xa5: {  	s26 =	simm.s32 $execute0_lowered;
	[smem:$0x3FD2] =	sst s25  }
0xa6: {  	s5 =	sshll.u32 s26, $0x1;
	_ =	strace $0x80000046;
	[dreg:$0x1] =	wrdreg $0xFFFFFFFF  }
0xa7: {  	s28 =	simm.s32 $_size_execute0_lowered;
	s3 =	sadd.s32 s3, s5;
	[dreg:$0x0] =	wrdreg $0x0  }
0xa8: {  	s5 =	sshll.u32 s28, $0x1;
	[dreg:$0x2] =	wrdreg s3  }
0xa9: {  	[dreg:$0x3] =	wrdreg s5  }
0xaa: {  	[dreg:$0x4] =	wrdreg $0xC0  }
0xab: {  	_ =	task [dreg:s7], $0x5FFFF  }
0xac: {  	[dreg:$0x1] =	wrdreg $0xFFFFFFFF  }
0xad: {  	[dreg:$0x0] =	wrdreg $0x60  }
0xae: {  	[dreg:$0x2] =	wrdreg s2  }
0xaf: {  	[dreg:$0x3] =	wrdreg s24  }
0xb0: {  	[dreg:$0x4] =	wrdreg $0xA  }
0xb1: {  	_ =	task.clear_ibuf [dreg:s7], $0x5FFFF;
	_ =	strace $0x90000046  }
0xb2: {  	s29 =	simm.s32 $0xA;
	_ =	strace $0x80000048  }
0xb3: {  	_ =	swait.ge [sflag:s29], $0x1  }
0xb4: {  	[sflag:s29] =	ssyncadd.s32 $0xFFFFFFFF  }
0xb5: {  	_ =	strace $0x90000048  }
0xb6: {  	_ =	sfence  }
0xb7: {  	s30 =	sld [smem:$0x0];
	_ =	sdelay $0x2  }
0xb8: {  	s31 =	sshll.u32 s1, $0xD;
	s1 =	sshrl.u32 s1, $0x2  }
0xb9: {  	s3 =	sand.u32 $0x4000, s31;
	s1 =	sadd.s32 s1, s30  }
0xba: {  	s0 =	sor.u32 s3, s0;
	s1 =	sshll.u32 s1, $0x11  }
0xbb: {  	s0 =	sor.u32 s1, s0  }
0xbc: {  	s0 =	sadd.s32 $0x8F2B, s0  }
0xbd: {  	[sflag:s0] =	ssyncadd.remote.s32 $0x1  }
0xbe: {  	_ =	sfence.sel $0xFFFF  }
0xbf: {  	[dreg:$0x0] =	wrdreg $0xFFFFFFFF;
	(pc) =	sbr.abs _section_cstart, $3  }
0xc0: {  	[dreg:$0x1] =	wrdreg $0xFFFFFFFF  }
0xc1: {  	_ =	task.clear_ibuf [dreg:s7], $0x2FFFF;
	_ =	strace $0x9FFFFFFF  }
0xc2: {  	(tm) =	ssettm $0x7FFFFFFF  }
0xc3: {  	_ =	shalt  }
tec
execute0_lowered:
.L_overlay_start_1:
0x0: {  	(tag) =	ssettag $0x1  }
0x1: {  	s0 =	rddreg [dreg:$0x0]  }
0x2: {  	s2 =	rddreg [dreg:$0x1];
	s1 =	simm.s32 $0x0;
	s4 =	srdreg.scid  }
0x3: {  	s10 =	stileid.u32;
	s28 =	simm.s32 $0x1F380;
	s29 =	simm.s32 $0x1  }
0x4: {  	s30 =	simm.s32 $0xA000;
	s31 =	simm.s32 $0x2;
	[smem:$0x7FF] =	sst s1  }
0x5: {  	s3 =	sadd.s32 $0x6600, s2;
	s5 =	sand.u32 $0x1, s4;
	s4 =	sadd.s32 $0x1600, s2  }
0x6: {  	s7 =	smul.u32 $0x14000, s10;
	s2 =	sadd.s32 $0xB600, s2;
	s10 =	sshll.u32 s10, $0x3  }
0x7: {  	_ =	strace $0x80000047;
	s6 =	ssub.s32 $0x2, s5;
	s9 =	sshll.u32 s5, $0x9  }
0x8: {  	s5 =	sshll.u32 s5, $0x2;
	s8 =	sshrl.u32 s6, $0x1;
	s9 =	sor.u32 s9, s7  }
0x9: {  	s12 =	sor.u32 s5, s10;
	s17 =	ssub.s32 s6, s8;
	s19 =	sshrl.u32 s9, $0x3  }
0xa: {  	s20 =	sadd.s32 $0x140000, s9;
	s14 =	sor.u32 $0x81, s12;
	s22 =	sor.u32 $0x82, s12  }
0xb: {  	s12 =	sor.u32 $0x83, s12;
	s5 =	sadd.s32 s0, s19;
	s11 =	sor.u32 $0x10, s19  }
0xc: {  	s13 =	sor.u32 $0x20, s19;
	s15 =	sor.u32 $0x30, s19;
	s9 =	sadd.s32 s2, s19  }
0xd: {  	s16 =	sshrl.u32 s14, $0x3;
	s14 =	sshll.u32 s14, $0x7;
	s23 =	sshrl.u32 s22, $0x3  }
0xe: {  	s18 =	sshrl.u32 s12, $0x3;
	s12 =	sshll.u32 s12, $0x7;
	s17 =	smax.u32 s17, $0x1  }
0xf: {  	s19 =	simm.s32 $0x400;
	s6 =	sadd.s32 s0, s11;
	s7 =	sadd.s32 s0, s13  }
0x10: {  	s8 =	sadd.s32 s0, s15;
	s0 =	sshrl.u32 s20, $0x3;
	s21 =	smul.u32 $0x14000, s16  }
0x11: {  	s11 =	sadd.s32 s2, s11;
	s14 =	sand.u32 $0x280, s14;
	s16 =	sshll.u32 s22, $0x7  }
0x12: {  	s18 =	smul.u32 $0x14000, s18;
	s24 =	sand.u32 $0x380, s12;
	s13 =	sadd.s32 s2, s13  }
0x13: {  	s10 =	sadd.s32 s2, s0;
	s0 =	sor.u32 s14, s21;
	s14 =	smul.u32 $0x14000, s23  }
0x14: {  	s15 =	sadd.s32 s2, s15;
	s16 =	sand.u32 $0x300, s16;
	s0 =	sshrl.u32 s0, $0x3  }
0x15: {  	s20 =	simm.s32 $0x3;
	s14 =	sor.u32 s16, s14;
	s12 =	sadd.s32 s2, s0  }
0x16: {  	s16 =	sor.u32 s24, s18;
	s18 =	simm.s32 $0x80;
	s25 =	sshrl.u32 s14, $0x3  }
0x17: {  	s0 =	simm.s32 $0x0;
	s26 =	sshrl.u32 s16, $0x3;
	s14 =	sadd.s32 s2, s25  }
0x18: {  	v0 =	vimm.f32 $0.0e+00;
	s16 =	sadd.s32 s2, s26;
	s26 =	simm.s32 $0x1ED00;
	s25 =	simm.s32 $0x1B800  }
.LBB2_1:
0x19: {  	[tilespmem:s1], [sflag:$0x3] =	stream.strided.gather [hbm4b:s5+s18], $0x2800, s19, s18, $0x38;
	[tilespmem:$0x1FA00] =	vst v63  }
0x1a: {  	_ =	swait.ge [sflag:s20], $0x2800  }
0x1b: {  	[sflag:s20] =	ssyncset.done $0x0  }
0x1c: {  	s2 =	simm.s32 $0x2800;
	[sflag:s20] =	ssyncadd.s32 $0xFFFFD800  }
0x1d: {  	[tilespmem:s2], [sflag:$0x3] =	stream.strided.gather [hbm4b:s6+s18], $0x2800, s19, s18, $0x38;
	[tilespmem:$0x1FA00] =	vst v63  }
0x1e: {  	_ =	swait.ge [sflag:s20], $0x2800  }
0x1f: {  	[sflag:s20] =	ssyncset.done $0x0  }
0x20: {  	s23 =	simm.s32 $0x5000;
	[sflag:s20] =	ssyncadd.s32 $0xFFFFD800  }
0x21: {  	[tilespmem:s23], [sflag:$0x3] =	stream.strided.gather [hbm4b:s7+s18], $0x2800, s19, s18, $0x38;
	[tilespmem:$0x1FA00] =	vst v63  }
0x22: {  	_ =	swait.ge [sflag:s20], $0x2800  }
0x23: {  	[sflag:s20] =	ssyncset.done $0x0  }
0x24: {  	s24 =	simm.s32 $0x7800;
	[sflag:s20] =	ssyncadd.s32 $0xFFFFD800  }
0x25: {  	[tilespmem:s24], [sflag:$0x3] =	stream.strided.gather [hbm4b:s8+s18], $0x2800, s19, s18, $0x38;
	[tilespmem:$0x1FA00] =	vst v63  }
0x26: {  	_ =	swait.ge [sflag:s20], $0x2800  }
0x27: {  	[sflag:s20] =	ssyncset.done $0x0  }
0x28: {  	s21 =	simm.s32 $0x0;
	s2 =	simm.s32 $0x40;
	[sflag:s20] =	ssyncadd.s32 $0xFFFFD800  }
.LBB2_2:
0x29: {  	p0 =	sne.s32 s2, $0x4FFC0;
	[tilespmem:s21+$0xA000] =	vst v0;
	s21 =	smov.u32 s2;
	s2 =	sadd.s32 $0x40, s2  }
.Ltmp0:
0x2a: {  	(pc) =	sbr.rel @p0 .LBB2_2-.Ltmp0, $2  }
0x2b: {  	_ =	sdelay $0x2  }
0x2c: {  	s21 =	sshra.s32 s21, $0x2  }
0x2d: {  	[tilespmem:s21+$0xA000] =	vst v0;
	s2 =	simm.s32 $0x0;
	s23 =	simm.s32 $0x1E000  }
0x2e: {  	[tilespmem:s23], [sflag:$0x1] =	stream.linear.gather [hbm4b:s3+s2], $0x640, $0x38;
	[tilespmem:$0x1FA00] =	vst v63  }
0x2f: {  	s24 =	simm.s32 $0x1E680  }
0x30: {  	[tilespmem:s24], [sflag:$0x1] =	stream.linear.gather [hbm4b:s4+s2], $0x640, $0x38;
	[tilespmem:$0x1FA00] =	vst v63  }
.LBB2_4:
0x31: {  	s21 =	smul.u32 $0xC80, s2;
	_ =	sdelay $0x1  }
0x32: {  	s22 =	sshrl.u32 s21, $0x3  }
0x33: {  	s22 =	sadd.s32 $0xC8, s22  }
0x34: {  	s23 =	sadd.s32 s3, s22  }
0x35: {  	[tilespmem:s26], [sflag:$0x2] =	stream.linear.gather [hbm4b:s23+s1], $0x640, $0x38;
	[tilespmem:$0x1FA00] =	vst v63  }
0x36: {  	s22 =	sadd.s32 s4, s22  }
0x37: {  	[tilespmem:s28], [sflag:$0x2] =	stream.linear.gather [hbm4b:s22+s1], $0x640, $0x38;
	[tilespmem:$0x1FA00] =	vst v63  }
0x38: {  	_ =	swait.ge [sflag:s29], $0x640  }
0x39: {  	[sflag:s29] =	ssyncset.done $0x0  }
0x3a: {  	[sflag:s29] =	ssyncadd.s32 $0xFFFFF9C0  }
0x3b: {  	_ =	swait.ge [sflag:s29], $0x640  }
0x3c: {  	[sflag:s29] =	ssyncset.done $0x0  }
0x3d: {  	s24 =	simm.s32 $0x1E020;
	[sflag:s29] =	ssyncadd.s32 $0xFFFFF9C0  }
0x3e: {  	v1 =	vld [tilespmem:s24+$0x10];
	_ =	sdelay $0x1  }
0x3f: {  	v2 =	vld [tilespmem:s24+$0xFFFFFFF0]  }
0x40: {  	v3 =	vld [tilespmem:s24+$0x0]  }
0x41: {  	s22 =	simm.s32 $0x1E6A0;
	v4 =	vld [tilespmem:s24+$0xFFFFFFE0]  }
0x42: {  	v5 =	vld [tilespmem:s22+$0x10];
	_ =	sdelay $0x1  }
0x43: {  	v6 =	vld [tilespmem:s22+$0xFFFFFFE0]  }
0x44: {  	v7 =	vld.idx.msk [tilespmem:v1+s1+$0x0], $0xffff  }
0x45: {  	v14 =	vld [tilespmem:s22+$0xFFFFFFF0]  }
0x46: {  	v15 =	vld [tilespmem:s22+$0x0];
	v10 =	vadd.s32 $0xA000, v5  }
0x47: {  	v12 =	vadd.s32 $0x2800, v1;
	v8 =	vld.idx.msk [tilespmem:v2+s1+$0x0], $0xffff  }
0x48: {  	v11 =	vld.idx.msk [tilespmem:v4+s1+$0x0], $0xffff  }
0x49: {  	v9 =	vld.idx.msk [tilespmem:v3+s1+$0x0], $0xffff;
	v13 =	vshll.u32 v7, $0x10  }
0x4a: {  	v16 =	vadd.s32 $0xA000, v6;
	v7 =	vand.u32 $0xFFFF0000, v7;
	[tilespmem:v5+s30+$0x0] =	vst.idx.add.f32.msk $0xffff, v13  }
0x4b: {  	[tilespmem:v10+s30+$0x0] =	vst.idx.add.f32.msk $0xffff, v7  }
0x4c: {  	v7 =	vld.idx.msk [tilespmem:v12+s1+$0x0], $0xffff  }
0x4d: {  	v10 =	vshll.u32 v11, $0x10;
	v12 =	vadd.s32 $0x2800, v5  }
0x4e: {  	v11 =	vand.u32 $0xFFFF0000, v11;
	[tilespmem:v6+s30+$0x0] =	vst.idx.add.f32.msk $0xffff, v10;
	v10 =	vadd.s32 $0xC800, v5  }
0x4f: {  	v54 =	vshll.u32 v9, $0x10;
	[tilespmem:v16+s30+$0x0] =	vst.idx.add.f32.msk $0xffff, v11;
	v11 =	vadd.s32 $0x5000, v1  }
0x50: {  	v17 =	vadd.s32 $0xA000, v14;
	v13 =	vshll.u32 v8, $0x10;
	[tilespmem:v15+s30+$0x0] =	vst.idx.add.f32.msk $0xffff, v54  }
0x51: {  	[tilespmem:v14+s30+$0x0] =	vst.idx.add.f32.msk $0xffff, v13;
	v13 =	vadd.s32 $0xA000, v15;
	v55 =	vshll.u32 v7, $0x10  }
0x52: {  	v18 =	vadd.s32 $0x2800, v4;
	v7 =	vand.u32 $0xFFFF0000, v7;
	[tilespmem:v12+s30+$0x0] =	vst.idx.add.f32.msk $0xffff, v55  }
0x53: {  	v12 =	vadd.s32 $0x2800, v2;
	[tilespmem:v10+s30+$0x0] =	vst.idx.add.f32.msk $0xffff, v7  }
0x54: {  	v8 =	vand.u32 $0xFFFF0000, v8;
	v7 =	vadd.s32 $0x2800, v3;
	v10 =	vld.idx.msk [tilespmem:v11+s1+$0x0], $0xffff  }
0x55: {  	v9 =	vand.u32 $0xFFFF0000, v9;
	[tilespmem:v17+s30+$0x0] =	vst.idx.add.f32.msk $0xffff, v8;
	v8 =	vadd.s32 $0x5000, v5  }
0x56: {  	[tilespmem:v13+s30+$0x0] =	vst.idx.add.f32.msk $0xffff, v9;
	v9 =	vadd.s32 $0xF000, v5  }
0x57: {  	v1 =	vadd.s32 $0x7800, v1;
	v11 =	vld.idx.msk [tilespmem:v18+s1+$0x0], $0xffff  }
0x58: {  	v13 =	vadd.s32 $0x2800, v6;
	v12 =	vld.idx.msk [tilespmem:v12+s1+$0x0], $0xffff  }
0x59: {  	v56 =	vadd.s32 $0xC800, v6;
	v7 =	vld.idx.msk [tilespmem:v7+s1+$0x0], $0xffff;
	v57 =	vshll.u32 v10, $0x10  }
0x5a: {  	v58 =	vadd.s32 $0x2800, v14;
	v10 =	vand.u32 $0xFFFF0000, v10;
	[tilespmem:v8+s30+$0x0] =	vst.idx.add.f32.msk $0xffff, v57  }
0x5b: {  	v8 =	vadd.s32 $0xC800, v14;
	[tilespmem:v9+s30+$0x0] =	vst.idx.add.f32.msk $0xffff, v10  }
0x5c: {  	v9 =	vadd.s32 $0x2800, v15;
	v10 =	vshll.u32 v11, $0x10;
	v1 =	vld.idx.msk [tilespmem:v1+s1+$0x0], $0xffff  }
0x5d: {  	v59 =	vadd.s32 $0x5000, v4;
	v11 =	vand.u32 $0xFFFF0000, v11;
	[tilespmem:v13+s30+$0x0] =	vst.idx.add.f32.msk $0xffff, v10  }
0x5e: {  	v10 =	vadd.s32 $0xC800, v15;
	v13 =	vshll.u32 v12, $0x10;
	[tilespmem:v56+s30+$0x0] =	vst.idx.add.f32.msk $0xffff, v11  }
0x5f: {  	v12 =	vand.u32 $0xFFFF0000, v12;
	v11 =	vadd.s32 $0x5000, v2;
	[tilespmem:v58+s30+$0x0] =	vst.idx.add.f32.msk $0xffff, v13  }
0x60: {  	v60 =	vadd.s32 $0x7800, v5;
	v13 =	vshll.u32 v7, $0x10;
	[tilespmem:v8+s30+$0x0] =	vst.idx.add.f32.msk $0xffff, v12  }
0x61: {  	v8 =	vadd.s32 $0x5000, v3;
	[tilespmem:v9+s30+$0x0] =	vst.idx.add.f32.msk $0xffff, v13  }
0x62: {  	v5 =	vadd.s32 $0x11800, v5;
	v7 =	vand.u32 $0xFFFF0000, v7;
	v9 =	vld.idx.msk [tilespmem:v59+s1+$0x0], $0xffff  }
0x63: {  	v12 =	vadd.s32 $0x5000, v6;
	[tilespmem:v10+s30+$0x0] =	vst.idx.add.f32.msk $0xffff, v7  }
0x64: {  	v7 =	vadd.s32 $0xF000, v6;
	v10 =	vshll.u32 v1, $0x10;
	v11 =	vld.idx.msk [tilespmem:v11+s1+$0x0], $0xffff  }
0x65: {  	v61 =	vadd.s32 $0x5000, v14;
	[tilespmem:v60+s30+$0x0] =	vst.idx.add.f32.msk $0xffff, v10  }
0x66: {  	v1 =	vand.u32 $0xFFFF0000, v1;
	v10 =	vadd.s32 $0xF000, v14;
	v62 =	vld.idx.msk [tilespmem:v8+s1+$0x0], $0xffff  }
0x67: {  	v63 =	vadd.s32 $0x5000, v15;
	[tilespmem:v5+s30+$0x0] =	vst.idx.add.f32.msk $0xffff, v1;
	v5 =	vshll.u32 v9, $0x10  }
0x68: {  	v2 =	vadd.s32 $0x7800, v2;
	v13 =	vadd.s32 $0xF000, v15;
	v8 =	vand.u32 $0xFFFF0000, v9;
	[tilespmem:v12+s30+$0x0] =	vst.idx.add.f32.msk $0xffff, v5  }
0x69: {  	v1 =	vadd.s32 $0x7800, v3;
	v3 =	vadd.s32 $0x7800, v6;
	v5 =	vshll.u32 v11, $0x10;
	[tilespmem:v7+s30+$0x0] =	vst.idx.add.f32.msk $0xffff, v8  }
0x6a: {  	v9 =	vadd.s32 $0x7800, v4;
	v4 =	vadd.s32 $0x11800, v6;
	v6 =	vand.u32 $0xFFFF0000, v11;
	[tilespmem:v61+s30+$0x0] =	vst.idx.add.f32.msk $0xffff, v5  }
0x6b: {  	v8 =	vadd.s32 $0x7800, v14;
	v7 =	vadd.s32 $0x7800, v15;
	v11 =	vshll.u32 v62, $0x10;
	[tilespmem:v10+s30+$0x0] =	vst.idx.add.f32.msk $0xffff, v6  }
0x6c: {  	s23 =	simm.s32 $0x0;
	s24 =	simm.s32 $0x1E060;
	v5 =	vadd.s32 $0x11800, v14;
	v6 =	vadd.s32 $0x11800, v15;
	v10 =	vand.u32 $0xFFFF0000, v62;
	[tilespmem:v63+s30+$0x0] =	vst.idx.add.f32.msk $0xffff, v11  }
.LBB2_5:
0x6d: {  	v17 =	vld [tilespmem:s24+$0x10]  }
0x6e: {  	v12 =	vld [tilespmem:s24+$0xFFFFFFF0]  }
0x6f: {  	v14 =	vld [tilespmem:s24+$0x0]  }
0x70: {  	v18 =	vld [tilespmem:s24+$0xFFFFFFE0]  }
0x71: {  	s23 =	sadd.s32 $0x4, s23;
	[tilespmem:v13+s30+$0x0] =	vst.idx.add.f32.msk $0xffff, v10  }
0x72: {  	s22 =	sadd.s32 $0x40, s22;
	p0 =	slt.u32 s23, $0x60;
	v13 =	vld.idx.msk [tilespmem:v9+s1+$0x0], $0xffff  }
0x73: {  	v19 =	vadd.s32 $0x2800, v12;
	v10 =	vadd.s32 $0x5000, v12;
	v20 =	vadd.s32 $0x7800, v12;
	v16 =	vld [tilespmem:s22+$0x10]  }
0x74: {  	v21 =	vld [tilespmem:s22+$0xFFFFFFE0];
	v22 =	vadd.s32 $0x2800, v14;
	v11 =	vadd.s32 $0x5000, v14;
	v23 =	vadd.s32 $0x7800, v14  }
0x75: {  	v24 =	vadd.s32 $0x2800, v18;
	v15 =	vadd.s32 $0x5000, v18;
	v9 =	vadd.s32 $0x7800, v18;
	v25 =	vld.idx.msk [tilespmem:v17+s1+$0x0], $0xffff  }
0x76: {  	v26 =	vld.idx.msk [tilespmem:v12+s1+$0x0], $0xffff  }
0x77: {  	v27 =	vld.idx.msk [tilespmem:v14+s1+$0x0], $0xffff  }
0x78: {  	v29 =	vshll.u32 v13, $0x10;
	v30 =	vand.u32 $0xFFFF0000, v13;
	v18 =	vld.idx.msk [tilespmem:v18+s1+$0x0], $0xffff;
	v28 =	vadd.s32 $0xA000, v16  }
0x79: {  	v33 =	vadd.s32 $0x2800, v17;
	v13 =	vadd.s32 $0xA000, v21;
	v31 =	vadd.s32 $0x2800, v21;
	v32 =	vld [tilespmem:s22+$0xFFFFFFF0]  }
0x7a: {  	v34 =	vadd.s32 $0xC800, v21;
	v14 =	vadd.s32 $0x5000, v21;
	v12 =	vadd.s32 $0xF000, v21;
	v35 =	vld [tilespmem:s22+$0x0]  }
0x7b: {  	v36 =	vadd.s32 $0x7800, v21;
	v37 =	vadd.s32 $0x11800, v21;
	v38 =	vshll.u32 v25, $0x10;
	v39 =	vld.idx.msk [tilespmem:v2+s1+$0x0], $0xffff;
	v2 =	vmovc v20  }
0x7c: {  	v25 =	vand.u32 $0xFFFF0000, v25;
	v20 =	vshll.u32 v26, $0x10;
	v26 =	vand.u32 $0xFFFF0000, v26;
	[tilespmem:v16+s30+$0x0] =	vst.idx.add.f32.msk $0xffff, v38  }
0x7d: {  	v38 =	vshll.u32 v27, $0x10;
	v27 =	vand.u32 $0xFFFF0000, v27;
	[tilespmem:v28+s30+$0x0] =	vst.idx.add.f32.msk $0xffff, v25  }
0x7e: {  	v25 =	vshll.u32 v18, $0x10;
	v18 =	vand.u32 $0xFFFF0000, v18;
	v28 =	vadd.s32 $0xA000, v32;
	v33 =	vld.idx.msk [tilespmem:v33+s1+$0x0], $0xffff  }
0x7f: {  	[tilespmem:v21+s30+$0x0] =	vst.idx.add.f32.msk $0xffff, v25;
	v21 =	vadd.s32 $0x2800, v32;
	v25 =	vadd.s32 $0xC800, v32;
	v40 =	vadd.s32 $0xA000, v35  }
0x80: {  	v42 =	vadd.s32 $0x2800, v16;
	v41 =	vadd.s32 $0xC800, v35;
	[tilespmem:v13+s30+$0x0] =	vst.idx.add.f32.msk $0xffff, v18;
	v18 =	vadd.s32 $0x2800, v35  }
0x81: {  	v44 =	vadd.s32 $0xC800, v16;
	v43 =	vadd.s32 $0xF000, v32;
	[tilespmem:v32+s30+$0x0] =	vst.idx.add.f32.msk $0xffff, v20;
	v20 =	vadd.s32 $0x5000, v32  }
0x82: {  	v45 =	vadd.s32 $0x5000, v17;
	v13 =	vadd.s32 $0xF000, v35;
	[tilespmem:v35+s30+$0x0] =	vst.idx.add.f32.msk $0xffff, v38;
	v38 =	vadd.s32 $0x5000, v35  }
0x83: {  	[tilespmem:v28+s30+$0x0] =	vst.idx.add.f32.msk $0xffff, v26;
	v26 =	vadd.s32 $0x7800, v32;
	v28 =	vshll.u32 v39, $0x10;
	v39 =	vand.u32 $0xFFFF0000, v39  }
0x84: {  	v32 =	vadd.s32 $0x11800, v32;
	[tilespmem:v40+s30+$0x0] =	vst.idx.add.f32.msk $0xffff, v27;
	v27 =	vadd.s32 $0x7800, v35;
	v40 =	vshll.u32 v33, $0x10  }
0x85: {  	v35 =	vadd.s32 $0x11800, v35;
	v33 =	vand.u32 $0xFFFF0000, v33;
	[tilespmem:v42+s30+$0x0] =	vst.idx.add.f32.msk $0xffff, v40  }
0x86: {  	[tilespmem:v44+s30+$0x0] =	vst.idx.add.f32.msk $0xffff, v33  }
0x87: {  	v33 =	vld.idx.msk [tilespmem:v45+s1+$0x0], $0xffff  }
0x88: {  	v24 =	vld.idx.msk [tilespmem:v24+s1+$0x0], $0xffff  }
0x89: {  	v40 =	vadd.s32 $0x5000, v16;
	v19 =	vld.idx.msk [tilespmem:v19+s1+$0x0], $0xffff  }
0x8a: {  	v42 =	vadd.s32 $0xF000, v16;
	v22 =	vld.idx.msk [tilespmem:v22+s1+$0x0], $0xffff  }
0x8b: {  	v17 =	vadd.s32 $0x7800, v17;
	v44 =	vld.idx.msk [tilespmem:v1+s1+$0x0], $0xffff;
	v1 =	vmov v23  }
0x8c: {  	[tilespmem:v3+s30+$0x0] =	vst.idx.add.f32.msk $0xffff, v29;
	v3 =	vmov v36  }
0x8d: {  	v23 =	vshll.u32 v33, $0x10;
	[tilespmem:v4+s30+$0x0] =	vst.idx.add.f32.msk $0xffff, v30;
	v4 =	vmov v37  }
0x8e: {  	v29 =	vshll.u32 v24, $0x10;
	v24 =	vand.u32 $0xFFFF0000, v24;
	v30 =	vand.u32 $0xFFFF0000, v33;
	[tilespmem:v40+s30+$0x0] =	vst.idx.add.f32.msk $0xffff, v23  }
0x8f: {  	v23 =	vshll.u32 v19, $0x10;
	v19 =	vand.u32 $0xFFFF0000, v19;
	[tilespmem:v42+s30+$0x0] =	vst.idx.add.f32.msk $0xffff, v30  }
0x90: {  	v30 =	vshll.u32 v22, $0x10;
	v22 =	vand.u32 $0xFFFF0000, v22;
	v17 =	vld.idx.msk [tilespmem:v17+s1+$0x0], $0xffff  }
0x91: {  	[tilespmem:v31+s30+$0x0] =	vst.idx.add.f32.msk $0xffff, v29;
	v29 =	vshll.u32 v44, $0x10;
	v31 =	vand.u32 $0xFFFF0000, v44  }
0x92: {  	[tilespmem:v34+s30+$0x0] =	vst.idx.add.f32.msk $0xffff, v24;
	v24 =	vadd.s32 $0x7800, v16  }
0x93: {  	v16 =	vadd.s32 $0x11800, v16;
	[tilespmem:v21+s30+$0x0] =	vst.idx.add.f32.msk $0xffff, v23  }
0x94: {  	[tilespmem:v25+s30+$0x0] =	vst.idx.add.f32.msk $0xffff, v19  }
0x95: {  	[tilespmem:v18+s30+$0x0] =	vst.idx.add.f32.msk $0xffff, v30  }
0x96: {  	v18 =	vshll.u32 v17, $0x10;
	[tilespmem:v41+s30+$0x0] =	vst.idx.add.f32.msk $0xffff, v22  }
0x97: {  	v17 =	vand.u32 $0xFFFF0000, v17;
	[tilespmem:v24+s30+$0x0] =	vst.idx.add.f32.msk $0xffff, v18  }
0x98: {  	[tilespmem:v16+s30+$0x0] =	vst.idx.add.f32.msk $0xffff, v17  }
0x99: {  	v15 =	vld.idx.msk [tilespmem:v15+s1+$0x0], $0xffff  }
0x9a: {  	v10 =	vld.idx.msk [tilespmem:v10+s1+$0x0], $0xffff  }
0x9b: {  	v11 =	vld.idx.msk [tilespmem:v11+s1+$0x0], $0xffff  }
0x9c: {  	[tilespmem:v8+s30+$0x0] =	vst.idx.add.f32.msk $0xffff, v28;
	v8 =	vmov v26  }
0x9d: {  	[tilespmem:v5+s30+$0x0] =	vst.idx.add.f32.msk $0xffff, v39;
	v5 =	vmov v32  }
0x9e: {  	[tilespmem:v7+s30+$0x0] =	vst.idx.add.f32.msk $0xffff, v29;
	v7 =	vmov v27  }
0x9f: {  	v16 =	vshll.u32 v15, $0x10;
	v15 =	vand.u32 $0xFFFF0000, v15;
	[tilespmem:v6+s30+$0x0] =	vst.idx.add.f32.msk $0xffff, v31;
	v6 =	vmov v35  }
.Ltmp1:
0xa0: {  	[tilespmem:v14+s30+$0x0] =	vst.idx.add.f32.msk $0xffff, v16;
	v14 =	vshll.u32 v10, $0x10;
	v16 =	vand.u32 $0xFFFF0000, v10;
	(pc) =	sbr.rel @p0 .LBB2_5-.Ltmp1, $4  }
0xa1: {  	v10 =	vand.u32 $0xFFFF0000, v11;
	[tilespmem:v12+s30+$0x0] =	vst.idx.add.f32.msk $0xffff, v15;
	v12 =	vshll.u32 v11, $0x10  }
0xa2: {  	[tilespmem:v20+s30+$0x0] =	vst.idx.add.f32.msk $0xffff, v14  }
0xa3: {  	[tilespmem:v43+s30+$0x0] =	vst.idx.add.f32.msk $0xffff, v16  }
0xa4: {  	s24 =	sadd.s32 $0x40, s24;
	[tilespmem:v38+s30+$0x0] =	vst.idx.add.f32.msk $0xffff, v12  }
0xa5: {  	_ =	sdelay $0x3  }
0xa6: {  	v9 =	vld.idx.msk [tilespmem:v9+s1+$0x0], $0xffff;
	_ =	sdelay $0x1  }
0xa7: {  	v2 =	vld.idx.msk [tilespmem:v2+s1+$0x0], $0xffff  }
0xa8: {  	[tilespmem:v13+s30+$0x0] =	vst.idx.add.f32.msk $0xffff, v10  }
0xa9: {  	v1 =	vld.idx.msk [tilespmem:v1+s1+$0x0], $0xffff  }
0xaa: {  	v10 =	vshll.u32 v9, $0x10  }
0xab: {  	v9 =	vand.u32 $0xFFFF0000, v9;
	[tilespmem:v3+s30+$0x0] =	vst.idx.add.f32.msk $0xffff, v10  }
0xac: {  	v3 =	vshll.u32 v2, $0x10;
	[tilespmem:v4+s30+$0x0] =	vst.idx.add.f32.msk $0xffff, v9  }
0xad: {  	p0 =	seq.s32 s2, $0x31;
	v2 =	vand.u32 $0xFFFF0000, v2;
	[tilespmem:v8+s30+$0x0] =	vst.idx.add.f32.msk $0xffff, v3  }
0xae: {  	s21 =	sshrl.u32 @!p0 s21, $0x3;
	v3 =	vshll.u32 v1, $0x10;
	[tilespmem:v5+s30+$0x0] =	vst.idx.add.f32.msk $0xffff, v2  }
0xaf: {  	s21 =	sadd.s32 @!p0 $0x190, s21;
	v1 =	vand.u32 $0xFFFF0000, v1;
	[tilespmem:v7+s30+$0x0] =	vst.idx.add.f32.msk $0xffff, v3  }
0xb0: {  	s23 =	simm.s32 @!p0 $0x0;
	s24 =	simm.s32 @!p0 $0x1E000;
	s22 =	sadd.s32 @!p0 s3, s21;
	[tilespmem:v6+s30+$0x0] =	vst.idx.add.f32.msk $0xffff, v1  }
0xb1: {  	[tilespmem:s24], [sflag:$0x1] =	stream.linear.gather @!p0 [hbm4b:s22+s23], $0x640, $0x38;
	[tilespmem:$0x1FA00] =	vst v63  }
0xb2: {  	s21 =	sadd.s32 @!p0 s4, s21;
	s22 =	simm.s32 @!p0 $0x1E680  }
0xb3: {  	[tilespmem:s22], [sflag:$0x1] =	stream.linear.gather @!p0 [hbm4b:s21+s23], $0x640, $0x38;
	[tilespmem:$0x1FA00] =	vst v63  }
0xb4: {  	_ =	swait.ge [sflag:s31], $0x640  }
0xb5: {  	[sflag:s31] =	ssyncset.done $0x0  }
0xb6: {  	[sflag:s31] =	ssyncadd.s32 $0xFFFFF9C0  }
0xb7: {  	_ =	swait.ge [sflag:s31], $0x640  }
0xb8: {  	[sflag:s31] =	ssyncset.done $0x0  }
0xb9: {  	s24 =	simm.s32 $0x1ED20;
	[sflag:s31] =	ssyncadd.s32 $0xFFFFF9C0  }
0xba: {  	v1 =	vld [tilespmem:s24+$0x10];
	_ =	sdelay $0x1  }
0xbb: {  	v2 =	vld [tilespmem:s24+$0xFFFFFFF0]  }
0xbc: {  	v3 =	vld [tilespmem:s24+$0x0]  }
0xbd: {  	s21 =	simm.s32 $0x1F3A0;
	v4 =	vld [tilespmem:s24+$0xFFFFFFE0]  }
0xbe: {  	v5 =	vld [tilespmem:s21+$0x10];
	_ =	sdelay $0x1  }
0xbf: {  	v6 =	vld [tilespmem:s21+$0xFFFFFFE0]  }
0xc0: {  	v7 =	vld.idx.msk [tilespmem:v1+s1+$0x0], $0xffff  }
0xc1: {  	v14 =	vld [tilespmem:s21+$0xFFFFFFF0]  }
0xc2: {  	v15 =	vld [tilespmem:s21+$0x0];
	v10 =	vadd.s32 $0xA000, v5  }
0xc3: {  	v12 =	vadd.s32 $0x2800, v1;
	v8 =	vld.idx.msk [tilespmem:v2+s1+$0x0], $0xffff  }
0xc4: {  	v11 =	vld.idx.msk [tilespmem:v4+s1+$0x0], $0xffff  }
0xc5: {  	v9 =	vld.idx.msk [tilespmem:v3+s1+$0x0], $0xffff;
	v13 =	vshll.u32 v7, $0x10  }
0xc6: {  	v16 =	vadd.s32 $0xA000, v6;
	v7 =	vand.u32 $0xFFFF0000, v7;
	[tilespmem:v5+s30+$0x0] =	vst.idx.add.f32.msk $0xffff, v13  }
0xc7: {  	[tilespmem:v10+s30+$0x0] =	vst.idx.add.f32.msk $0xffff, v7  }
0xc8: {  	v7 =	vld.idx.msk [tilespmem:v12+s1+$0x0], $0xffff  }
0xc9: {  	v10 =	vshll.u32 v11, $0x10;
	v12 =	vadd.s32 $0x2800, v5  }
0xca: {  	v11 =	vand.u32 $0xFFFF0000, v11;
	[tilespmem:v6+s30+$0x0] =	vst.idx.add.f32.msk $0xffff, v10;
	v10 =	vadd.s32 $0xC800, v5  }
0xcb: {  	v54 =	vshll.u32 v9, $0x10;
	[tilespmem:v16+s30+$0x0] =	vst.idx.add.f32.msk $0xffff, v11;
	v11 =	vadd.s32 $0x5000, v1  }
0xcc: {  	v17 =	vadd.s32 $0xA000, v14;
	v13 =	vshll.u32 v8, $0x10;
	[tilespmem:v15+s30+$0x0] =	vst.idx.add.f32.msk $0xffff, v54  }
0xcd: {  	[tilespmem:v14+s30+$0x0] =	vst.idx.add.f32.msk $0xffff, v13;
	v13 =	vadd.s32 $0xA000, v15;
	v55 =	vshll.u32 v7, $0x10  }
0xce: {  	v18 =	vadd.s32 $0x2800, v4;
	v7 =	vand.u32 $0xFFFF0000, v7;
	[tilespmem:v12+s30+$0x0] =	vst.idx.add.f32.msk $0xffff, v55  }
0xcf: {  	v12 =	vadd.s32 $0x2800, v2;
	[tilespmem:v10+s30+$0x0] =	vst.idx.add.f32.msk $0xffff, v7  }
0xd0: {  	v8 =	vand.u32 $0xFFFF0000, v8;
	v7 =	vadd.s32 $0x2800, v3;
	v10 =	vld.idx.msk [tilespmem:v11+s1+$0x0], $0xffff  }
0xd1: {  	v9 =	vand.u32 $0xFFFF0000, v9;
	[tilespmem:v17+s30+$0x0] =	vst.idx.add.f32.msk $0xffff, v8;
	v8 =	vadd.s32 $0x5000, v5  }
0xd2: {  	[tilespmem:v13+s30+$0x0] =	vst.idx.add.f32.msk $0xffff, v9;
	v9 =	vadd.s32 $0xF000, v5  }
0xd3: {  	v1 =	vadd.s32 $0x7800, v1;
	v11 =	vld.idx.msk [tilespmem:v18+s1+$0x0], $0xffff  }
0xd4: {  	v13 =	vadd.s32 $0x2800, v6;
	v12 =	vld.idx.msk [tilespmem:v12+s1+$0x0], $0xffff  }
0xd5: {  	v56 =	vadd.s32 $0xC800, v6;
	v7 =	vld.idx.msk [tilespmem:v7+s1+$0x0], $0xffff;
	v57 =	vshll.u32 v10, $0x10  }
0xd6: {  	v58 =	vadd.s32 $0x2800, v14;
	v10 =	vand.u32 $0xFFFF0000, v10;
	[tilespmem:v8+s30+$0x0] =	vst.idx.add.f32.msk $0xffff, v57  }
0xd7: {  	v8 =	vadd.s32 $0xC800, v14;
	[tilespmem:v9+s30+$0x0] =	vst.idx.add.f32.msk $0xffff, v10  }
0xd8: {  	v9 =	vadd.s32 $0x2800, v15;
	v10 =	vshll.u32 v11, $0x10;
	v1 =	vld.idx.msk [tilespmem:v1+s1+$0x0], $0xffff  }
0xd9: {  	v59 =	vadd.s32 $0x5000, v4;
	v11 =	vand.u32 $0xFFFF0000, v11;
	[tilespmem:v13+s30+$0x0] =	vst.idx.add.f32.msk $0xffff, v10  }
0xda: {  	v10 =	vadd.s32 $0xC800, v15;
	v13 =	vshll.u32 v12, $0x10;
	[tilespmem:v56+s30+$0x0] =	vst.idx.add.f32.msk $0xffff, v11  }
0xdb: {  	v12 =	vand.u32 $0xFFFF0000, v12;
	v11 =	vadd.s32 $0x5000, v2;
	[tilespmem:v58+s30+$0x0] =	vst.idx.add.f32.msk $0xffff, v13  }
0xdc: {  	v60 =	vadd.s32 $0x7800, v5;
	v13 =	vshll.u32 v7, $0x10;
	[tilespmem:v8+s30+$0x0] =	vst.idx.add.f32.msk $0xffff, v12  }
0xdd: {  	v8 =	vadd.s32 $0x5000, v3;
	[tilespmem:v9+s30+$0x0] =	vst.idx.add.f32.msk $0xffff, v13  }
0xde: {  	v5 =	vadd.s32 $0x11800, v5;
	v7 =	vand.u32 $0xFFFF0000, v7;
	v9 =	vld.idx.msk [tilespmem:v59+s1+$0x0], $0xffff  }
0xdf: {  	v12 =	vadd.s32 $0x5000, v6;
	[tilespmem:v10+s30+$0x0] =	vst.idx.add.f32.msk $0xffff, v7  }
0xe0: {  	v7 =	vadd.s32 $0xF000, v6;
	v10 =	vshll.u32 v1, $0x10;
	v11 =	vld.idx.msk [tilespmem:v11+s1+$0x0], $0xffff  }
0xe1: {  	v61 =	vadd.s32 $0x5000, v14;
	[tilespmem:v60+s30+$0x0] =	vst.idx.add.f32.msk $0xffff, v10  }
0xe2: {  	v1 =	vand.u32 $0xFFFF0000, v1;
	v10 =	vadd.s32 $0xF000, v14;
	v62 =	vld.idx.msk [tilespmem:v8+s1+$0x0], $0xffff  }
0xe3: {  	v63 =	vadd.s32 $0x5000, v15;
	[tilespmem:v5+s30+$0x0] =	vst.idx.add.f32.msk $0xffff, v1;
	v5 =	vshll.u32 v9, $0x10  }
0xe4: {  	v2 =	vadd.s32 $0x7800, v2;
	v13 =	vadd.s32 $0xF000, v15;
	v8 =	vand.u32 $0xFFFF0000, v9;
	[tilespmem:v12+s30+$0x0] =	vst.idx.add.f32.msk $0xffff, v5  }
0xe5: {  	v1 =	vadd.s32 $0x7800, v3;
	v3 =	vadd.s32 $0x7800, v6;
	v5 =	vshll.u32 v11, $0x10;
	[tilespmem:v7+s30+$0x0] =	vst.idx.add.f32.msk $0xffff, v8  }
0xe6: {  	v9 =	vadd.s32 $0x7800, v4;
	v4 =	vadd.s32 $0x11800, v6;
	v6 =	vand.u32 $0xFFFF0000, v11;
	[tilespmem:v61+s30+$0x0] =	vst.idx.add.f32.msk $0xffff, v5  }
0xe7: {  	v7 =	vadd.s32 $0x7800, v14;
	v8 =	vadd.s32 $0x7800, v15;
	v11 =	vshll.u32 v62, $0x10;
	[tilespmem:v10+s30+$0x0] =	vst.idx.add.f32.msk $0xffff, v6  }
0xe8: {  	s22 =	simm.s32 $0x0;
	s23 =	simm.s32 $0x1ED60;
	v5 =	vadd.s32 $0x11800, v14;
	v6 =	vadd.s32 $0x11800, v15;
	v10 =	vand.u32 $0xFFFF0000, v62;
	[tilespmem:v63+s30+$0x0] =	vst.idx.add.f32.msk $0xffff, v11  }
.LBB2_7:
0xe9: {  	v17 =	vld [tilespmem:s23+$0x10]  }
0xea: {  	v12 =	vld [tilespmem:s23+$0xFFFFFFF0]  }
0xeb: {  	v14 =	vld [tilespmem:s23+$0x0]  }
0xec: {  	v18 =	vld [tilespmem:s23+$0xFFFFFFE0]  }
0xed: {  	s22 =	sadd.s32 $0x4, s22;
	[tilespmem:v13+s30+$0x0] =	vst.idx.add.f32.msk $0xffff, v10  }
0xee: {  	s21 =	sadd.s32 $0x40, s21;
	p0 =	slt.u32 s22, $0x60;
	v13 =	vld.idx.msk [tilespmem:v9+s1+$0x0], $0xffff  }
0xef: {  	v19 =	vadd.s32 $0x2800, v12;
	v10 =	vadd.s32 $0x5000, v12;
	v20 =	vadd.s32 $0x7800, v12;
	v16 =	vld [tilespmem:s21+$0x10]  }
0xf0: {  	v21 =	vld [tilespmem:s21+$0xFFFFFFE0];
	v22 =	vadd.s32 $0x2800, v14;
	v11 =	vadd.s32 $0x5000, v14;
	v23 =	vadd.s32 $0x7800, v14  }
0xf1: {  	v24 =	vadd.s32 $0x2800, v18;
	v15 =	vadd.s32 $0x5000, v18;
	v9 =	vadd.s32 $0x7800, v18;
	v25 =	vld.idx.msk [tilespmem:v17+s1+$0x0], $0xffff  }
0xf2: {  	v26 =	vld.idx.msk [tilespmem:v12+s1+$0x0], $0xffff  }
0xf3: {  	v27 =	vld.idx.msk [tilespmem:v14+s1+$0x0], $0xffff  }
0xf4: {  	v29 =	vshll.u32 v13, $0x10;
	v30 =	vand.u32 $0xFFFF0000, v13;
	v18 =	vld.idx.msk [tilespmem:v18+s1+$0x0], $0xffff;
	v28 =	vadd.s32 $0xA000, v16  }
0xf5: {  	v33 =	vadd.s32 $0x2800, v17;
	v13 =	vadd.s32 $0xA000, v21;
	v31 =	vadd.s32 $0x2800, v21;
	v32 =	vld [tilespmem:s21+$0xFFFFFFF0]  }
0xf6: {  	v34 =	vadd.s32 $0xC800, v21;
	v14 =	vadd.s32 $0x5000, v21;
	v12 =	vadd.s32 $0xF000, v21;
	v35 =	vld [tilespmem:s21+$0x0]  }
0xf7: {  	v36 =	vadd.s32 $0x7800, v21;
	v37 =	vadd.s32 $0x11800, v21;
	v38 =	vshll.u32 v25, $0x10;
	v39 =	vld.idx.msk [tilespmem:v2+s1+$0x0], $0xffff;
	v2 =	vmovc v20  }
0xf8: {  	v25 =	vand.u32 $0xFFFF0000, v25;
	v20 =	vshll.u32 v26, $0x10;
	v26 =	vand.u32 $0xFFFF0000, v26;
	[tilespmem:v16+s30+$0x0] =	vst.idx.add.f32.msk $0xffff, v38  }
0xf9: {  	v38 =	vshll.u32 v27, $0x10;
	v27 =	vand.u32 $0xFFFF0000, v27;
	[tilespmem:v28+s30+$0x0] =	vst.idx.add.f32.msk $0xffff, v25  }
0xfa: {  	v25 =	vshll.u32 v18, $0x10;
	v18 =	vand.u32 $0xFFFF0000, v18;
	v28 =	vadd.s32 $0xA000, v32;
	v33 =	vld.idx.msk [tilespmem:v33+s1+$0x0], $0xffff  }
0xfb: {  	[tilespmem:v21+s30+$0x0] =	vst.idx.add.f32.msk $0xffff, v25;
	v21 =	vadd.s32 $0x2800, v32;
	v25 =	vadd.s32 $0xC800, v32;
	v40 =	vadd.s32 $0xA000, v35  }
0xfc: {  	v42 =	vadd.s32 $0x2800, v16;
	v41 =	vadd.s32 $0xC800, v35;
	[tilespmem:v13+s30+$0x0] =	vst.idx.add.f32.msk $0xffff, v18;
	v18 =	vadd.s32 $0x2800, v35  }
0xfd: {  	v44 =	vadd.s32 $0xC800, v16;
	v43 =	vadd.s32 $0xF000, v32;
	[tilespmem:v32+s30+$0x0] =	vst.idx.add.f32.msk $0xffff, v20;
	v20 =	vadd.s32 $0x5000, v32  }
0xfe: {  	v45 =	vadd.s32 $0x5000, v17;
	v13 =	vadd.s32 $0xF000, v35;
	[tilespmem:v35+s30+$0x0] =	vst.idx.add.f32.msk $0xffff, v38;
	v38 =	vadd.s32 $0x5000, v35  }
0xff: {  	[tilespmem:v28+s30+$0x0] =	vst.idx.add.f32.msk $0xffff, v26;
	v26 =	vadd.s32 $0x7800, v32;
	v28 =	vshll.u32 v39, $0x10;
	v39 =	vand.u32 $0xFFFF0000, v39  }
0x100: {  	v32 =	vadd.s32 $0x11800, v32;
	[tilespmem:v40+s30+$0x0] =	vst.idx.add.f32.msk $0xffff, v27;
	v27 =	vadd.s32 $0x7800, v35;
	v40 =	vshll.u32 v33, $0x10  }
0x101: {  	v35 =	vadd.s32 $0x11800, v35;
	v33 =	vand.u32 $0xFFFF0000, v33;
	[tilespmem:v42+s30+$0x0] =	vst.idx.add.f32.msk $0xffff, v40  }
0x102: {  	[tilespmem:v44+s30+$0x0] =	vst.idx.add.f32.msk $0xffff, v33  }
0x103: {  	v33 =	vld.idx.msk [tilespmem:v45+s1+$0x0], $0xffff  }
0x104: {  	v24 =	vld.idx.msk [tilespmem:v24+s1+$0x0], $0xffff  }
0x105: {  	v40 =	vadd.s32 $0x5000, v16;
	v19 =	vld.idx.msk [tilespmem:v19+s1+$0x0], $0xffff  }
0x106: {  	v42 =	vadd.s32 $0xF000, v16;
	v22 =	vld.idx.msk [tilespmem:v22+s1+$0x0], $0xffff  }
0x107: {  	v17 =	vadd.s32 $0x7800, v17;
	v44 =	vld.idx.msk [tilespmem:v1+s1+$0x0], $0xffff;
	v1 =	vmov v23  }
0x108: {  	[tilespmem:v3+s30+$0x0] =	vst.idx.add.f32.msk $0xffff, v29;
	v3 =	vmov v36  }
0x109: {  	v23 =	vshll.u32 v33, $0x10;
	[tilespmem:v4+s30+$0x0] =	vst.idx.add.f32.msk $0xffff, v30;
	v4 =	vmov v37  }
0x10a: {  	v29 =	vshll.u32 v24, $0x10;
	v24 =	vand.u32 $0xFFFF0000, v24;
	v30 =	vand.u32 $0xFFFF0000, v33;
	[tilespmem:v40+s30+$0x0] =	vst.idx.add.f32.msk $0xffff, v23  }
0x10b: {  	v23 =	vshll.u32 v19, $0x10;
	v19 =	vand.u32 $0xFFFF0000, v19;
	[tilespmem:v42+s30+$0x0] =	vst.idx.add.f32.msk $0xffff, v30  }
0x10c: {  	v30 =	vshll.u32 v22, $0x10;
	v22 =	vand.u32 $0xFFFF0000, v22;
	v17 =	vld.idx.msk [tilespmem:v17+s1+$0x0], $0xffff  }
0x10d: {  	[tilespmem:v31+s30+$0x0] =	vst.idx.add.f32.msk $0xffff, v29;
	v29 =	vshll.u32 v44, $0x10;
	v31 =	vand.u32 $0xFFFF0000, v44  }
0x10e: {  	[tilespmem:v34+s30+$0x0] =	vst.idx.add.f32.msk $0xffff, v24;
	v24 =	vadd.s32 $0x7800, v16  }
0x10f: {  	v16 =	vadd.s32 $0x11800, v16;
	[tilespmem:v21+s30+$0x0] =	vst.idx.add.f32.msk $0xffff, v23  }
0x110: {  	[tilespmem:v25+s30+$0x0] =	vst.idx.add.f32.msk $0xffff, v19  }
0x111: {  	[tilespmem:v18+s30+$0x0] =	vst.idx.add.f32.msk $0xffff, v30  }
0x112: {  	v18 =	vshll.u32 v17, $0x10;
	[tilespmem:v41+s30+$0x0] =	vst.idx.add.f32.msk $0xffff, v22  }
0x113: {  	v17 =	vand.u32 $0xFFFF0000, v17;
	[tilespmem:v24+s30+$0x0] =	vst.idx.add.f32.msk $0xffff, v18  }
0x114: {  	[tilespmem:v16+s30+$0x0] =	vst.idx.add.f32.msk $0xffff, v17  }
0x115: {  	v15 =	vld.idx.msk [tilespmem:v15+s1+$0x0], $0xffff  }
0x116: {  	v10 =	vld.idx.msk [tilespmem:v10+s1+$0x0], $0xffff  }
0x117: {  	v11 =	vld.idx.msk [tilespmem:v11+s1+$0x0], $0xffff  }
0x118: {  	[tilespmem:v7+s30+$0x0] =	vst.idx.add.f32.msk $0xffff, v28;
	v7 =	vmov v26  }
0x119: {  	[tilespmem:v5+s30+$0x0] =	vst.idx.add.f32.msk $0xffff, v39;
	v5 =	vmov v32  }
0x11a: {  	[tilespmem:v8+s30+$0x0] =	vst.idx.add.f32.msk $0xffff, v29;
	v8 =	vmov v27  }
0x11b: {  	v16 =	vshll.u32 v15, $0x10;
	v15 =	vand.u32 $0xFFFF0000, v15;
	[tilespmem:v6+s30+$0x0] =	vst.idx.add.f32.msk $0xffff, v31;
	v6 =	vmov v35  }
.Ltmp2:
0x11c: {  	[tilespmem:v14+s30+$0x0] =	vst.idx.add.f32.msk $0xffff, v16;
	v14 =	vshll.u32 v10, $0x10;
	v16 =	vand.u32 $0xFFFF0000, v10;
	(pc) =	sbr.rel @p0 .LBB2_7-.Ltmp2, $4  }
0x11d: {  	v10 =	vand.u32 $0xFFFF0000, v11;
	[tilespmem:v12+s30+$0x0] =	vst.idx.add.f32.msk $0xffff, v15;
	v12 =	vshll.u32 v11, $0x10  }
0x11e: {  	[tilespmem:v20+s30+$0x0] =	vst.idx.add.f32.msk $0xffff, v14  }
0x11f: {  	[tilespmem:v43+s30+$0x0] =	vst.idx.add.f32.msk $0xffff, v16  }
0x120: {  	s23 =	sadd.s32 $0x40, s23;
	[tilespmem:v38+s30+$0x0] =	vst.idx.add.f32.msk $0xffff, v12  }
0x121: {  	_ =	sdelay $0x3  }
0x122: {  	v9 =	vld.idx.msk [tilespmem:v9+s1+$0x0], $0xffff;
	_ =	sdelay $0x1  }
0x123: {  	v2 =	vld.idx.msk [tilespmem:v2+s1+$0x0], $0xffff  }
0x124: {  	[tilespmem:v13+s30+$0x0] =	vst.idx.add.f32.msk $0xffff, v10  }
0x125: {  	v1 =	vld.idx.msk [tilespmem:v1+s1+$0x0], $0xffff  }
0x126: {  	s2 =	sadd.s32 $0x1, s2;
	v63 =	vshll.u32 v9, $0x10  }
0x127: {  	p0 =	sne.s32 s2, $0x32;
	v9 =	vand.u32 $0xFFFF0000, v9;
	[tilespmem:v3+s30+$0x0] =	vst.idx.add.f32.msk $0xffff, v63  }
.Ltmp3:
0x128: {  	v3 =	vshll.u32 v2, $0x10;
	[tilespmem:v4+s30+$0x0] =	vst.idx.add.f32.msk $0xffff, v9;
	(pc) =	sbr.rel @p0 .LBB2_4-.Ltmp3, $4  }
0x129: {  	v2 =	vand.u32 $0xFFFF0000, v2;
	[tilespmem:v7+s30+$0x0] =	vst.idx.add.f32.msk $0xffff, v3  }
0x12a: {  	v3 =	vshll.u32 v1, $0x10;
	[tilespmem:v5+s30+$0x0] =	vst.idx.add.f32.msk $0xffff, v2  }
0x12b: {  	v1 =	vand.u32 $0xFFFF0000, v1;
	[tilespmem:v8+s30+$0x0] =	vst.idx.add.f32.msk $0xffff, v3  }
0x12c: {  	[tilespmem:v6+s30+$0x0] =	vst.idx.add.f32.msk $0xffff, v1  }
0x12d: {  	[hbm4b:s9+s18] =	stream.strided.scatter [tilespmem:s30], [sflag:$0x3], $0x2800, s19, s18, $0x38;
	[tilespmem:$0x1FA00] =	vst v63  }
0x12e: {  	_ =	swait.ge [sflag:s20], $0x2800  }
0x12f: {  	[sflag:s20] =	ssyncset.done $0x0  }
0x130: {  	s2 =	simm.s32 $0x14000;
	[sflag:s20] =	ssyncadd.s32 $0xFFFFD800  }
0x131: {  	[hbm4b:s10+s18] =	stream.strided.scatter [tilespmem:s2], [sflag:$0x3], $0x2800, s19, s18, $0x38;
	[tilespmem:$0x1FA00] =	vst v63  }
0x132: {  	_ =	swait.ge [sflag:s20], $0x2800  }
0x133: {  	[sflag:s20] =	ssyncset.done $0x0  }
0x134: {  	s24 =	simm.s32 $0xC800;
	[sflag:s20] =	ssyncadd.s32 $0xFFFFD800  }
0x135: {  	[hbm4b:s11+s18] =	stream.strided.scatter [tilespmem:s24], [sflag:$0x3], $0x2800, s19, s18, $0x38;
	[tilespmem:$0x1FA00] =	vst v63  }
0x136: {  	_ =	swait.ge [sflag:s20], $0x2800  }
0x137: {  	[sflag:s20] =	ssyncset.done $0x0  }
0x138: {  	s21 =	simm.s32 $0x16800;
	[sflag:s20] =	ssyncadd.s32 $0xFFFFD800  }
0x139: {  	[hbm4b:s12+s18] =	stream.strided.scatter [tilespmem:s21], [sflag:$0x3], $0x2800, s19, s18, $0x38;
	[tilespmem:$0x1FA00] =	vst v63  }
0x13a: {  	_ =	swait.ge [sflag:s20], $0x2800  }
0x13b: {  	[sflag:s20] =	ssyncset.done $0x0  }
0x13c: {  	s22 =	simm.s32 $0xF000;
	[sflag:s20] =	ssyncadd.s32 $0xFFFFD800  }
0x13d: {  	[hbm4b:s13+s18] =	stream.strided.scatter [tilespmem:s22], [sflag:$0x3], $0x2800, s19, s18, $0x38;
	[tilespmem:$0x1FA00] =	vst v63  }
0x13e: {  	_ =	swait.ge [sflag:s20], $0x2800  }
0x13f: {  	[sflag:s20] =	ssyncset.done $0x0  }
0x140: {  	s23 =	simm.s32 $0x19000;
	[sflag:s20] =	ssyncadd.s32 $0xFFFFD800  }
0x141: {  	[hbm4b:s14+s18] =	stream.strided.scatter [tilespmem:s23], [sflag:$0x3], $0x2800, s19, s18, $0x38;
	[tilespmem:$0x1FA00] =	vst v63  }
0x142: {  	_ =	swait.ge [sflag:s20], $0x2800  }
0x143: {  	[sflag:s20] =	ssyncset.done $0x0  }
0x144: {  	s24 =	simm.s32 $0x11800;
	[sflag:s20] =	ssyncadd.s32 $0xFFFFD800  }
0x145: {  	[hbm4b:s15+s18] =	stream.strided.scatter [tilespmem:s24], [sflag:$0x3], $0x2800, s19, s18, $0x38;
	[tilespmem:$0x1FA00] =	vst v63  }
0x146: {  	s0 =	sadd.s32 $0x1, s0;
	_ =	swait.ge [sflag:s20], $0x2800  }
0x147: {  	p0 =	sne.s32 s0, s17;
	[sflag:s20] =	ssyncset.done $0x0  }
.Ltmp4:
0x148: {  	[sflag:s20] =	ssyncadd.s32 $0xFFFFD800;
	(pc) =	sbr.rel @p0 .LBB2_1-.Ltmp4, $4  }
0x149: {  	[hbm4b:s16+s18] =	stream.strided.scatter [tilespmem:s25], [sflag:$0x3], $0x2800, s19, s18, $0x38;
	[tilespmem:$0x1FA00] =	vst v63  }
0x14a: {  	_ =	swait.ge [sflag:s20], $0x2800  }
0x14b: {  	[sflag:s20] =	ssyncset.done $0x0  }
0x14c: {  	[sflag:s20] =	ssyncadd.s32 $0xFFFFD800  }
0x14d: {  	_ =	sfence.sel $0x180000  }
0x14e: {  	[bflag:$0x0] =	sbarrier.arrive $0xFFFF  }
0x14f: {  	_ =	strace $0x90000047  }
0x150: {  	s0 =	stileid.u32;
	[bflag:$0x2] =	sbarrier.arrive $0xFFFF  }
0x151: {  	p0 =	sne.s32 s0, $0x0;
	s0 =	rddreg [dreg:$0x2]  }
0x152: {  	s0 =	sadd.s32 @!p0 $0x100000, s0  }
0x153: {  	[sflag:s0] =	ssyncadd.tile.s32 @!p0 $0x1;
	_ =	shalt  }
.Lfunc_end2:
_tile_overlayer_lowered:
.L_overlay_start_2:
0x154: {  	(tag) =	ssettag $0x2  }
0x155: {  	s0 =	rddreg [dreg:$0x0];
	s2 =	stileid.u32  }
0x156: {  	s1 =	rddreg [dreg:$0x1];
	p0 =	sne.s32 s2, $0x0  }
0x157: {  	s3 =	rddreg [dreg:$0x2];
	[bflag:$0x3] =	sbarrier.arrive $0xFFFF;
	s2 =	simm.s32 @!p0 $0x1C03  }
0x158: {  	[timem:s3], [sflag:s2] =	dma.local @!p0 [hbm:s0], s1  }
0x159: {  	s0 =	simm.s32 @!p0 $0x3  }
0x15a: {  	_ =	swait.ge @!p0 [sflag:s0], s1  }
0x15b: {  	s1 =	ssub.s32 @!p0 $0x0, s1;
	[sflag:s0] =	ssyncset.done @!p0 $0x0  }
0x15c: {  	[sflag:s0] =	ssyncadd.s32 @!p0 s1  }
0x15d: {  	[bflag:$0x3] =	sbarrier.arrive $0xFFFF  }
0x15e: {  	_ =	shalt  }

// kernel: kernel.13.cloned.1.call-start
scs
__scs_entry_jumppad:
0x0: {  	(pc) =	sbr.rel $0x88, $3  }
0x1: {  	(tag) =	ssettag $0x0;
	lr =	simm.s32 $0x1  }
0x2: {  	[smem:$0x3F98] =	sst lr;
	_ =	strace $0xD0000000  }
0x3: {  	_ = 	snop  }
0x4: {  	_ = 	snop  }
0x5: {  	_ = 	snop  }
0x6: {  	_ = 	snop  }
0x7: {  	_ = 	snop  }
__scs_overlays_trampoline_lowered:
0x8: {  	[smem:$0x3FA7] =	sst s0  }
0x9: {  	[smem:$0x3FA8] =	sst s1  }
0xa: {  	[smem:$0x3FA9] =	sst s2  }
0xb: {  	[smem:$0x3FAA] =	sst s3  }
0xc: {  	[smem:$0x3FAB] =	sst s4  }
0xd: {  	[smem:$0x3FAC] =	sst s5  }
0xe: {  	[smem:$0x3FAD] =	sst s6  }
0xf: {  	[smem:$0x3FAE] =	sst s7  }
0x10: {  	[smem:$0x3FAF] =	sst s8  }
0x11: {  	[smem:$0x3FB0] =	sst s9;
	s0 =	simm.s32 @!p0 $0x0  }
0x12: {  	s1 =	sld [smem:$0x3F96];
	s0 =	simm.s32 @p0 $0x1  }
0x13: {  	[smem:$0x3FB1] =	sst s0;
	s0 =	simm.s32 @!p1 $0x0  }
0x14: {  	s2 =	sld [smem:$0x3F95];
	s0 =	simm.s32 @p1 $0x1  }
0x15: {  	[smem:$0x3FB2] =	sst s0;
	s0 =	simm.s32 @!p2 $0x0  }
0x16: {  	s3 =	sld [smem:$0x3FDB];
	s0 =	simm.s32 @p2 $0x1  }
0x17: {  	s4 =	simm.s32 $0x1BF5;
	[smem:$0x3FB4] =	sst s0  }
0x18: {  	s0 =	sld [smem:$0x3F97];
	_ =	swait.ge [sflag:s4], $0x0  }
0x19: {  	s7 =	sld [smem:$0x3F98]  }
0x1a: {  	s8 =	sadd.s32 $0xFFFFE003, lr  }
0x1b: {  	s9 =	sadd.s32 $0xFFFFFEF7, lr;
	s5 =	simm.s32 $0xFFFFFFFF;
	p2 =	slt.u32 s8, $0xFFFFF086  }
0x1c: {  	p1 =	slt.u32 s9, $0xF7A;
	s5 =	simm.s32 @!p2 $0x0  }
0x1d: {  	s5 =	simm.s32 @p1 $0x1;
	p0 =	seq.s32 s7, s2  }
0x1e: {  	s7 =	smul.u32 @!p0 $0xF7A, s2;
	p2 =	seq.s32 @!p0 s5, $0x0  }
0x1f: {  	s9 =	smul.u32 $0xF7A, s1;
	s8 =	simm.s32 @!p0 $0x1BF5;
	p2 =	por !p2, p0  }
0x20: {  	[sflag:s8] =	ssyncset.s32 @!p0 $0xFFFFF086;
	s6 =	sadd.s32 @!p0 s3, s7;
	s7 =	simm.s32 @!p0 $0x108  }
0x21: {  	s3 =	sadd.s32 s3, s9;
	s6 =	sadd.s32 @!p0 $0x88, s6;
	s7 =	simm.s32 @p2 $0x1082  }
0x22: {  	[simem:s7], [sflag:s8] =	dma.local @!p0 [hbm:s6], $0xF7A  }
0x23: {  	s9 =	sor.u32 $0xD0000000, s2;
	s6 =	simm.s32 $0x108;
	_ =	swait.ge @!p0 [sflag:s8], $0x0  }
0x24: {  	s3 =	sadd.s32 $0x88, s3;
	s6 =	simm.s32 @!p1 $0x1082;
	[sflag:s4] =	ssyncset.s32 $0xFFFFF086  }
0x25: {  	[simem:s6], [sflag:s4] =	dma.local [hbm:s3], $0xF7A  }
0x26: {  	[smem:$0x3F98] =	sst s1;
	(tag) =	ssettag s2;
	_ =	strace s9  }
0x27: {  	s1 =	sld [smem:$0x3FA8]  }
0x28: {  	s2 =	sld [smem:$0x3FA9]  }
0x29: {  	s4 =	sld [smem:$0x3FAB]  }
0x2a: {  	p0 =	seq.s32 s5, $0x0;
	s5 =	sld [smem:$0x3FAC]  }
0x2b: {  	s6 =	sld [smem:$0x3FAD]  }
0x2c: {  	s7 =	sld [smem:$0x3FAE]  }
0x2d: {  	s3 =	simm.s32 $0x108;
	s8 =	sld [smem:$0x3FAF]  }
0x2e: {  	s3 =	simm.s32 @!p0 $0x1082;
	s9 =	sld [smem:$0x3FB0]  }
0x2f: {  	lr =	sadd.s32 s0, s3;
	s0 =	sld [smem:$0x3FA7]  }
0x30: {  	s3 =	sld [smem:$0x3FAA]  }
0x31: {  	[smem:$0x3FB3] =	sst s10  }
0x32: {  	s10 =	sld [smem:$0x3FB1];
	_ =	sdelay $0x3  }
0x33: {  	p0 =	seq.s32 s10, $0x1;
	s10 =	sld [smem:$0x3FB3];
	_ =	sdelay $0x3  }
0x34: {  	[smem:$0x3FB3] =	sst s10  }
0x35: {  	s10 =	sld [smem:$0x3FB2];
	_ =	sdelay $0x3  }
0x36: {  	p1 =	seq.s32 s10, $0x1;
	s10 =	sld [smem:$0x3FB3];
	_ =	sdelay $0x3  }
0x37: {  	[smem:$0x3FB3] =	sst s10  }
0x38: {  	s10 =	sld [smem:$0x3FB4]  }
0x39: {  	_ = 	snop;
	(pc) =	sbr.ind lr, $3  }
0x3a: {  	_ = 	snop  }
0x3b: {  	_ = 	snop  }
0x3c: {  	p2 =	seq.s32 s10, $0x1;
	s10 =	sld [smem:$0x3FB3]  }
0x3d: {  	_ =	shalt  }
0x3e: {  	_ =	shalt  }
0x3f: {  	_ =	shalt  }
0x40: {  	_ =	shalt  }
0x41: {  	_ =	shalt  }
0x42: {  	_ =	shalt  }
0x43: {  	_ =	shalt  }
0x44: {  	_ =	shalt  }
0x45: {  	_ =	shalt  }
0x46: {  	_ =	shalt  }
0x47: {  	_ =	shalt  }
0x48: {  	_ =	shalt  }
0x49: {  	_ =	shalt  }
0x4a: {  	_ =	shalt  }
0x4b: {  	_ =	shalt  }
0x4c: {  	_ =	shalt  }
0x4d: {  	_ =	shalt  }
0x4e: {  	_ =	shalt  }
0x4f: {  	_ =	shalt  }
0x50: {  	_ =	shalt  }
0x51: {  	_ =	shalt  }
0x52: {  	_ =	shalt  }
0x53: {  	_ =	shalt  }
0x54: {  	_ =	shalt  }
0x55: {  	_ =	shalt  }
0x56: {  	_ =	shalt  }
0x57: {  	_ =	shalt  }
0x58: {  	_ =	shalt  }
0x59: {  	_ =	shalt  }
0x5a: {  	_ =	shalt  }
0x5b: {  	_ =	shalt  }
0x5c: {  	_ =	shalt  }
0x5d: {  	_ =	shalt  }
0x5e: {  	_ =	shalt  }
0x5f: {  	_ =	shalt  }
0x60: {  	_ =	shalt  }
0x61: {  	_ =	shalt  }
0x62: {  	_ =	shalt  }
0x63: {  	_ =	shalt  }
0x64: {  	_ =	shalt  }
0x65: {  	_ =	shalt  }
0x66: {  	_ =	shalt  }
0x67: {  	_ =	shalt  }
0x68: {  	_ =	shalt  }
0x69: {  	_ =	shalt  }
0x6a: {  	_ =	shalt  }
0x6b: {  	_ =	shalt  }
0x6c: {  	_ =	shalt  }
0x6d: {  	_ =	shalt  }
0x6e: {  	_ =	shalt  }
0x6f: {  	_ =	shalt  }
0x70: {  	_ =	shalt  }
0x71: {  	_ =	shalt  }
0x72: {  	_ =	shalt  }
0x73: {  	_ =	shalt  }
0x74: {  	_ =	shalt  }
0x75: {  	_ =	shalt  }
0x76: {  	_ =	shalt  }
0x77: {  	_ =	shalt  }
0x78: {  	_ =	shalt  }
0x79: {  	_ =	shalt  }
0x7a: {  	_ =	shalt  }
0x7b: {  	_ =	shalt  }
0x7c: {  	_ =	shalt  }
0x7d: {  	_ =	shalt  }
0x7e: {  	_ =	shalt  }
0x7f: {  	_ =	shalt  }
0x80: {  	_ =	shalt  }
0x81: {  	_ =	shalt  }
0x82: {  	_ =	shalt  }
0x83: {  	_ =	shalt  }
0x84: {  	_ =	shalt  }
0x85: {  	_ =	shalt  }
0x86: {  	_ =	shalt  }
0x87: {  	_ =	shalt  }
.Lfunc_end0:
.L_simem_size_0:
called_computation.2_lowered:
.L_overlay_start_0:
0x88: {  	s2 =	sld [smem:$0x3FD9]  }
0x89: {  	s3 =	sld [smem:$0x3FFE];
	_ =	sdelay $0x1  }
0x8a: {  	s1 =	srdreg.scid  }
0x8b: {  	s0 =	sand.u32 $0x1, s1  }
0x8c: {  	s17 =	sshll.u32 s0, $0xA;
	s2 =	sadd.s32 s3, s2  }
0x8d: {  	s2 =	sadd.s32 s2, s17  }
0x8e: {  	[smem:$0x3FBF] =	sst s2  }
0x8f: {  	_ = 	snop  }
0x90: {  	s2 =	sld [smem:$0x3FC7]  }
0x91: {  	s18 =	sld [smem:$0x3FD0];
	(tm) =	ssettm $0x1  }
0x92: {  	s4 =	sld [smem:$0x3FFB];
	_ =	sdelay $0x3  }
0x93: {  	_ =	strace s4  }
0x94: {  	s4 =	sld [smem:$0x3FFC];
	_ =	sdelay $0x3  }
0x95: {  	_ =	strace s4  }
0x96: {  	s4 =	sld [smem:$0x3FFD];
	_ =	sdelay $0x3  }
0x97: {  	_ =	strace s4  }
0x98: {  	_ =	strace $0x8FFFFFFF  }
0x99: {  	s19 =	sld [smem:$0x3FDB];
	_ =	sdelay $0x1  }
0x9a: {  	s5 =	simm.s32 $_scs_section_size  }
0x9b: {  	s6 =	simm.s32 $_size__tile_overlayer_lowered;
	s7 =	simm.s32 $_tile_overlayer_lowered  }
0x9c: {  	s22 =	simm.s32 $0x1BFF;
	s21 =	sshll.u32 s7, $0x1;
	s4 =	sadd.s32 s5, s19  }
0x9d: {  	s8 =	simm.s32 $0x0;
	s20 =	sshll.u32 s6, $0x1;
	s6 =	sadd.s32 s21, s4  }
0x9e: {  	[timem:s8], [sflag:s22] =	dma.local [hbm:s6], s20  }
0x9f: {  	_ =	swait.ge [sflag:s22], s20  }
0xa0: {  	s5 =	ssub.s32 $0x0, s20;
	[sflag:s22] =	ssyncset.done $0x0  }
0xa1: {  	[sflag:s22] =	ssyncadd.s32 s5;
	_ =	sdelay $0x1  }
0xa2: {  	s23 =	simm.s32 $0x1B8B  }
0xa3: {  	_ =	swait.ge [sflag:s23], $0x1  }
0xa4: {  	[sflag:s23] =	ssyncset.done $0x0  }
0xa5: {  	s25 =	simm.s32 $0x1B8E;
	s24 =	sld [smem:$0x3FFE];
	[sflag:s23] =	ssyncadd.s32 $0xFFFFFFFF  }
0xa6: {  	s26 =	simm.s32 $execute0_lowered;
	[smem:$0x3FD2] =	sst s25  }
0xa7: {  	s6 =	sshll.u32 s26, $0x1;
	_ =	strace $0x8000004C;
	[dreg:$0x1] =	wrdreg $0xFFFFFFFF  }
0xa8: {  	s28 =	simm.s32 $_size_execute0_lowered;
	s4 =	sadd.s32 s4, s6;
	[dreg:$0x0] =	wrdreg $0x0  }
0xa9: {  	s6 =	sshll.u32 s28, $0x1;
	[dreg:$0x2] =	wrdreg s4  }
0xaa: {  	[dreg:$0x3] =	wrdreg s6  }
0xab: {  	[dreg:$0x4] =	wrdreg $0xC0  }
0xac: {  	_ =	task [dreg:s8], $0x5FFFF  }
0xad: {  	[dreg:$0x1] =	wrdreg $0xFFFFFFFF  }
0xae: {  	[dreg:$0x0] =	wrdreg $0x60  }
0xaf: {  	[dreg:$0x2] =	wrdreg s18  }
0xb0: {  	[dreg:$0x3] =	wrdreg s24  }
0xb1: {  	[dreg:$0x4] =	wrdreg s2  }
0xb2: {  	[dreg:$0x5] =	wrdreg $0x9  }
0xb3: {  	_ =	task.clear_ibuf [dreg:s8], $0x6FFFF;
	_ =	strace $0x9000004C  }
0xb4: {  	s29 =	simm.s32 $0x9;
	_ =	strace $0x8000004E  }
0xb5: {  	_ =	swait.ge [sflag:s29], $0x1  }
0xb6: {  	[sflag:s29] =	ssyncadd.s32 $0xFFFFFFFF  }
0xb7: {  	_ =	strace $0x9000004E  }
0xb8: {  	_ =	sfence  }
0xb9: {  	s30 =	sld [smem:$0x0];
	_ =	sdelay $0x2  }
0xba: {  	s31 =	sshll.u32 s1, $0xD;
	s1 =	sshrl.u32 s1, $0x2  }
0xbb: {  	s3 =	sand.u32 $0x4000, s31;
	s1 =	sadd.s32 s1, s30  }
0xbc: {  	s0 =	sor.u32 s3, s0;
	s1 =	sshll.u32 s1, $0x11  }
0xbd: {  	s0 =	sor.u32 s1, s0  }
0xbe: {  	s0 =	sadd.s32 $0x8F2B, s0  }
0xbf: {  	[sflag:s0] =	ssyncadd.remote.s32 $0x1  }
0xc0: {  	_ =	sfence.sel $0xFFFF  }
0xc1: {  	[dreg:$0x0] =	wrdreg $0xFFFFFFFF;
	(pc) =	sbr.abs _section_cstart, $3  }
0xc2: {  	[dreg:$0x1] =	wrdreg $0xFFFFFFFF  }
0xc3: {  	_ =	task.clear_ibuf [dreg:s8], $0x2FFFF;
	_ =	strace $0x9FFFFFFF  }
0xc4: {  	(tm) =	ssettm $0x7FFFFFFF  }
0xc5: {  	_ =	shalt  }
tec
execute0_lowered:
.L_overlay_start_1:
0x0: {  	(tag) =	ssettag $0x1  }
0x1: {  	s0 =	rddreg [dreg:$0x0]  }
0x2: {  	s2 =	rddreg [dreg:$0x1]  }
0x3: {  	s1 =	rddreg [dreg:$0x2];
	s3 =	simm.s32 $0x0  }
0x4: {  	s4 =	srdreg.scid;
	s11 =	stileid.u32;
	s29 =	simm.s32 $0x1E700  }
0x5: {  	s30 =	simm.s32 $0x1EA80;
	s31 =	simm.s32 $0x1F180;
	[smem:$0x7FF] =	sst s3  }
0x6: {  	s6 =	sand.u32 $0x1, s4;
	s4 =	sadd.s32 $0x6600, s2;
	s8 =	smul.u32 $0x14000, s11  }
0x7: {  	s5 =	sadd.s32 $0x1600, s2;
	s2 =	sadd.s32 $0xB600, s2;
	s16 =	sshll.u32 s11, $0x3  }
0x8: {  	_ =	strace $0x8000004D;
	s7 =	ssub.s32 $0x2, s6;
	s10 =	sshll.u32 s6, $0x9  }
0x9: {  	s6 =	sshll.u32 s6, $0x2;
	s9 =	sshrl.u32 s7, $0x1;
	s8 =	sor.u32 s10, s8  }
0xa: {  	s6 =	sor.u32 s6, s16;
	s7 =	ssub.s32 s7, s9;
	s10 =	sshrl.u32 s8, $0x3  }
0xb: {  	s21 =	sadd.s32 $0x140000, s8;
	s22 =	sor.u32 $0x81, s6;
	s24 =	sor.u32 $0x82, s6  }
0xc: {  	s6 =	sor.u32 $0x83, s6;
	s17 =	sadd.s32 s0, s10;
	s18 =	sor.u32 $0x10, s10  }
0xd: {  	s14 =	sor.u32 $0x20, s10;
	s16 =	sor.u32 $0x30, s10;
	s10 =	sadd.s32 s2, s10  }
0xe: {  	s23 =	sshrl.u32 s22, $0x3;
	s8 =	sshll.u32 s22, $0x7;
	s13 =	sshrl.u32 s24, $0x3  }
0xf: {  	s26 =	sshrl.u32 s6, $0x3;
	s9 =	sshll.u32 s24, $0x7;
	s6 =	sshll.u32 s6, $0x7  }
0x10: {  	s22 =	simm.s32 $0x2;
	[dreg:$0x4] =	wrdreg s17;
	s19 =	sadd.s32 s0, s18  }
0x11: {  	s20 =	sadd.s32 s0, s14;
	s0 =	sadd.s32 s0, s16;
	s25 =	smul.u32 $0x14000, s13  }
0x12: {  	s12 =	sadd.s32 s2, s18;
	s8 =	sand.u32 $0x280, s8;
	s15 =	smul.u32 $0x14000, s26  }
0x13: {  	s9 =	sand.u32 $0x300, s9;
	s6 =	sand.u32 $0x380, s6;
	s14 =	sadd.s32 s2, s14  }
0x14: {  	s16 =	sadd.s32 s2, s16;
	s18 =	smax.u32 s7, $0x1;
	[dreg:$0x5] =	wrdreg s19  }
0x15: {  	s26 =	simm.s32 $0x0;
	[dreg:$0x7] =	wrdreg s0;
	s0 =	sshrl.u32 s21, $0x3  }
0x16: {  	[dreg:$0x6] =	wrdreg s20;
	s11 =	sadd.s32 s2, s0;
	s0 =	smul.u32 $0x14000, s23  }
0x17: {  	s19 =	simm.s32 $0x80;
	s20 =	simm.s32 $0x400;
	s21 =	simm.s32 $0x3  }
0x18: {  	s28 =	sor.u32 s9, s25;
	s6 =	sor.u32 s6, s15;
	s0 =	sor.u32 s8, s0  }
0x19: {  	s25 =	simm.s32 $0x0;
	s6 =	sshrl.u32 s6, $0x3;
	s0 =	sshrl.u32 s0, $0x3  }
0x1a: {  	s17 =	sadd.s32 s2, s6;
	s13 =	sadd.s32 s2, s0;
	s0 =	sshrl.u32 s28, $0x3  }
0x1b: {  	v0 =	vimm.f32 $0.0e+00;
	s15 =	sadd.s32 s2, s0;
	s0 =	simm.s32 $0x1;
	s2 =	simm.s32 $0xA000  }
.LBB2_1:
0x1c: {  	s6 =	rddreg [dreg:$0x4]  }
0x1d: {  	[tilespmem:s3], [sflag:$0x3] =	stream.strided.gather [hbm4b:s6+s19], $0x2800, s20, s19, $0x38;
	[tilespmem:$0x1F500] =	vst v63  }
0x1e: {  	_ =	swait.ge [sflag:s21], $0x2800  }
0x1f: {  	[sflag:s21] =	ssyncset.done $0x0  }
0x20: {  	s7 =	simm.s32 $0x2800;
	s8 =	rddreg [dreg:$0x5];
	[sflag:s21] =	ssyncadd.s32 $0xFFFFD800  }
0x21: {  	[tilespmem:s7], [sflag:$0x3] =	stream.strided.gather [hbm4b:s8+s19], $0x2800, s20, s19, $0x38;
	[tilespmem:$0x1F500] =	vst v63  }
0x22: {  	_ =	swait.ge [sflag:s21], $0x2800  }
0x23: {  	[sflag:s21] =	ssyncset.done $0x0  }
0x24: {  	s23 =	simm.s32 $0x5000;
	s9 =	rddreg [dreg:$0x6];
	[sflag:s21] =	ssyncadd.s32 $0xFFFFD800  }
0x25: {  	[tilespmem:s23], [sflag:$0x3] =	stream.strided.gather [hbm4b:s9+s19], $0x2800, s20, s19, $0x38;
	[tilespmem:$0x1F500] =	vst v63  }
0x26: {  	_ =	swait.ge [sflag:s21], $0x2800  }
0x27: {  	[sflag:s21] =	ssyncset.done $0x0  }
0x28: {  	s28 =	simm.s32 $0x7800;
	s24 =	rddreg [dreg:$0x7];
	[sflag:s21] =	ssyncadd.s32 $0xFFFFD800  }
0x29: {  	[tilespmem:s28], [sflag:$0x3] =	stream.strided.gather [hbm4b:s24+s19], $0x2800, s20, s19, $0x38;
	[tilespmem:$0x1F500] =	vst v63  }
0x2a: {  	_ =	swait.ge [sflag:s21], $0x2800  }
0x2b: {  	[sflag:s21] =	ssyncset.done $0x0  }
0x2c: {  	s6 =	simm.s32 $0x40;
	s7 =	simm.s32 $0x0;
	[sflag:s21] =	ssyncadd.s32 $0xFFFFD800  }
.LBB2_2:
0x2d: {  	p0 =	sne.s32 s6, $0x4FFC0;
	[tilespmem:s7+$0xA000] =	vst v0;
	s7 =	smov.u32 s6;
	s6 =	sadd.s32 $0x40, s6  }
.Ltmp0:
0x2e: {  	(pc) =	sbr.rel @p0 .LBB2_2-.Ltmp0, $2  }
0x2f: {  	_ =	sdelay $0x2  }
0x30: {  	s7 =	sshra.s32 s7, $0x2  }
0x31: {  	[tilespmem:s7+$0xA000] =	vst v0;
	s6 =	simm.s32 $0x1E000  }
0x32: {  	[tilespmem:s6], [sflag:$0x1] =	stream.linear.gather [hbm4b:s4+s26], $0x320, $0x38;
	[tilespmem:$0x1F500] =	vst v63  }
0x33: {  	s23 =	simm.s32 $0x1E380  }
0x34: {  	[tilespmem:s23], [sflag:$0x1] =	stream.linear.gather [hbm4b:s5+s26], $0x320, $0x38;
	[tilespmem:$0x1F500] =	vst v63  }
0x35: {  	s24 =	simm.s32 $0x1EE00;
	s28 =	simm.s32 $0x0  }
0x36: {  	[tilespmem:s24], [sflag:$0x1] =	stream.linear.gather [hbm4b:s1+s26], $0x320, $0x38;
	[tilespmem:$0x1F500] =	vst v63  }
.LBB2_4:
0x37: {  	s23 =	smul.u32 $0x640, s28;
	_ =	sdelay $0x1  }
0x38: {  	s6 =	sshrl.u32 s23, $0x3  }
0x39: {  	s6 =	sadd.s32 $0x64, s6  }
0x3a: {  	s7 =	sadd.s32 s4, s6  }
0x3b: {  	[tilespmem:s29], [sflag:$0x2] =	stream.linear.gather [hbm4b:s7+s3], $0x320, $0x38;
	[tilespmem:$0x1F500] =	vst v63  }
0x3c: {  	s9 =	sadd.s32 s5, s6  }
0x3d: {  	[tilespmem:s30], [sflag:$0x2] =	stream.linear.gather [hbm4b:s9+s3], $0x320, $0x38;
	[tilespmem:$0x1F500] =	vst v63  }
0x3e: {  	s6 =	sadd.s32 s1, s6  }
0x3f: {  	[tilespmem:s31], [sflag:$0x2] =	stream.linear.gather [hbm4b:s6+s3], $0x320, $0x38;
	[tilespmem:$0x1F500] =	vst v63  }
0x40: {  	_ =	swait.ge [sflag:s0], $0x320  }
0x41: {  	[sflag:s0] =	ssyncset.done $0x0  }
0x42: {  	[sflag:s0] =	ssyncadd.s32 $0xFFFFFCE0  }
0x43: {  	_ =	swait.ge [sflag:s0], $0x320  }
0x44: {  	[sflag:s0] =	ssyncset.done $0x0  }
0x45: {  	[sflag:s0] =	ssyncadd.s32 $0xFFFFFCE0  }
0x46: {  	_ =	swait.ge [sflag:s0], $0x320  }
0x47: {  	[sflag:s0] =	ssyncset.done $0x0  }
0x48: {  	s24 =	simm.s32 $0x1E020;
	[sflag:s0] =	ssyncadd.s32 $0xFFFFFCE0  }
0x49: {  	v4 =	vld [tilespmem:s24+$0x10];
	_ =	sdelay $0x3  }
0x4a: {  	v5 =	vld [tilespmem:s24+$0xFFFFFFF0]  }
0x4b: {  	v6 =	vld [tilespmem:s24+$0xFFFFFFE0]  }
0x4c: {  	v7 =	vld [tilespmem:s24+$0x0];
	s24 =	simm.s32 $0x1E3A0  }
0x4d: {  	v8 =	vld [tilespmem:s24+$0x10]  }
0x4e: {  	s6 =	simm.s32 $0x1EE20;
	v1 =	vld.idx.msk [tilespmem:v4+s26+$0x0], $0xffff  }
0x4f: {  	v9 =	vld [tilespmem:s6+$0x10];
	_ =	sdelay $0x1  }
0x50: {  	v15 =	vld [tilespmem:s24+$0xFFFFFFE0]  }
0x51: {  	v18 =	vld [tilespmem:s24+$0xFFFFFFF0];
	v2 =	vadd.s32 $0xA000, v8  }
0x52: {  	v21 =	vld [tilespmem:s24+$0x0];
	v13 =	vadd.s32 $0x2800, v4;
	v3 =	vshll.u32 v1, $0x10  }
0x53: {  	v11 =	vld.idx.msk [tilespmem:v6+s26+$0x0], $0xffff;
	v1 =	vand.u32 $0xFFFF0000, v1;
	v14 =	vmul.f32 v3, v9  }
0x54: {  	v3 =	vld [tilespmem:s6+$0xFFFFFFE0];
	v1 =	vmul.f32 v1, v9  }
0x55: {  	[tilespmem:v8+s2+$0x0] =	vst.idx.add.f32.msk $0xffff, v14  }
0x56: {  	[tilespmem:v2+s2+$0x0] =	vst.idx.add.f32.msk $0xffff, v1  }
0x57: {  	v13 =	vld.idx.msk [tilespmem:v13+s26+$0x0], $0xffff  }
0x58: {  	v10 =	vld.idx.msk [tilespmem:v5+s26+$0x0], $0xffff;
	v14 =	vadd.s32 $0xA000, v15  }
0x59: {  	v16 =	vadd.s32 $0x2800, v6;
	v12 =	vld.idx.msk [tilespmem:v7+s26+$0x0], $0xffff;
	v17 =	vshll.u32 v11, $0x10  }
0x5a: {  	v19 =	vadd.s32 $0x2800, v8;
	v11 =	vand.u32 $0xFFFF0000, v11;
	v1 =	vld [tilespmem:s6+$0xFFFFFFF0];
	v17 =	vmul.f32 v17, v3  }
0x5b: {  	v20 =	vadd.s32 $0xC800, v8;
	v2 =	vld [tilespmem:s6+$0x0];
	v11 =	vmul.f32 v11, v3  }
0x5c: {  	v22 =	vadd.s32 $0x5000, v4;
	[tilespmem:v15+s2+$0x0] =	vst.idx.add.f32.msk $0xffff, v17;
	v57 =	vshll.u32 v13, $0x10  }
0x5d: {  	[tilespmem:v14+s2+$0x0] =	vst.idx.add.f32.msk $0xffff, v11;
	v11 =	vand.u32 $0xFFFF0000, v13;
	v13 =	vmul.f32 v57, v9  }
0x5e: {  	v14 =	vadd.s32 $0xA000, v18;
	v16 =	vld.idx.msk [tilespmem:v16+s26+$0x0], $0xffff;
	v11 =	vmul.f32 v11, v9  }
0x5f: {  	v58 =	vshll.u32 v10, $0x10;
	[tilespmem:v19+s2+$0x0] =	vst.idx.add.f32.msk $0xffff, v13  }
0x60: {  	v59 =	vadd.s32 $0xA000, v21;
	v10 =	vand.u32 $0xFFFF0000, v10;
	v13 =	vmul.f32 v58, v1;
	[tilespmem:v20+s2+$0x0] =	vst.idx.add.f32.msk $0xffff, v11  }
0x61: {  	v10 =	vmul.f32 v10, v1;
	v19 =	vshll.u32 v12, $0x10;
	v11 =	vadd.s32 $0x2800, v5;
	v20 =	vld.idx.msk [tilespmem:v22+s26+$0x0], $0xffff  }
0x62: {  	v12 =	vand.u32 $0xFFFF0000, v12;
	v19 =	vmul.f32 v19, v2;
	v22 =	vadd.s32 $0x2800, v7;
	[tilespmem:v18+s2+$0x0] =	vst.idx.add.f32.msk $0xffff, v13  }
0x63: {  	v12 =	vmul.f32 v12, v2;
	v13 =	vadd.s32 $0x2800, v15;
	[tilespmem:v14+s2+$0x0] =	vst.idx.add.f32.msk $0xffff, v10  }
0x64: {  	v10 =	vadd.s32 $0xC800, v15;
	[tilespmem:v21+s2+$0x0] =	vst.idx.add.f32.msk $0xffff, v19  }
0x65: {  	v14 =	vshll.u32 v16, $0x10;
	[tilespmem:v59+s2+$0x0] =	vst.idx.add.f32.msk $0xffff, v12;
	v12 =	vadd.s32 $0x5000, v8  }
0x66: {  	v60 =	vadd.s32 $0xF000, v8;
	v16 =	vand.u32 $0xFFFF0000, v16;
	v14 =	vmul.f32 v14, v3;
	v11 =	vld.idx.msk [tilespmem:v11+s26+$0x0], $0xffff  }
0x67: {  	v4 =	vadd.s32 $0x7800, v4;
	v16 =	vmul.f32 v16, v3;
	v19 =	vld.idx.msk [tilespmem:v22+s26+$0x0], $0xffff;
	v22 =	vshll.u32 v20, $0x10  }
0x68: {  	v23 =	vadd.s32 $0x5000, v6;
	[tilespmem:v13+s2+$0x0] =	vst.idx.add.f32.msk $0xffff, v14;
	v13 =	vand.u32 $0xFFFF0000, v20;
	v14 =	vmul.f32 v22, v9  }
0x69: {  	v20 =	vadd.s32 $0x2800, v18;
	[tilespmem:v10+s2+$0x0] =	vst.idx.add.f32.msk $0xffff, v16;
	v10 =	vmul.f32 v13, v9  }
0x6a: {  	v13 =	vadd.s32 $0xC800, v18;
	[tilespmem:v12+s2+$0x0] =	vst.idx.add.f32.msk $0xffff, v14  }
0x6b: {  	v12 =	vadd.s32 $0x2800, v21;
	[tilespmem:v60+s2+$0x0] =	vst.idx.add.f32.msk $0xffff, v10;
	v10 =	vshll.u32 v11, $0x10  }
0x6c: {  	v14 =	vadd.s32 $0x5000, v5;
	v11 =	vand.u32 $0xFFFF0000, v11;
	v4 =	vld.idx.msk [tilespmem:v4+s26+$0x0], $0xffff;
	v10 =	vmul.f32 v10, v1  }
0x6d: {  	v61 =	vadd.s32 $0xC800, v21;
	v62 =	vld.idx.msk [tilespmem:v23+s26+$0x0], $0xffff;
	v22 =	vshll.u32 v19, $0x10;
	v11 =	vmul.f32 v11, v1  }
0x6e: {  	v23 =	vadd.s32 $0x5000, v7;
	v22 =	vmul.f32 v22, v2;
	[tilespmem:v20+s2+$0x0] =	vst.idx.add.f32.msk $0xffff, v10  }
0x6f: {  	v10 =	vand.u32 $0xFFFF0000, v19;
	[tilespmem:v13+s2+$0x0] =	vst.idx.add.f32.msk $0xffff, v11;
	v11 =	vadd.s32 $0x7800, v8  }
0x70: {  	v10 =	vmul.f32 v10, v2;
	[tilespmem:v12+s2+$0x0] =	vst.idx.add.f32.msk $0xffff, v22;
	v8 =	vadd.s32 $0x11800, v8  }
0x71: {  	v12 =	vadd.s32 $0x5000, v15;
	v14 =	vld.idx.msk [tilespmem:v14+s26+$0x0], $0xffff;
	v13 =	vshll.u32 v4, $0x10  }
0x72: {  	v19 =	vadd.s32 $0xF000, v15;
	[tilespmem:v61+s2+$0x0] =	vst.idx.add.f32.msk $0xffff, v10;
	v4 =	vand.u32 $0xFFFF0000, v4;
	v10 =	vmul.f32 v13, v9  }
0x73: {  	v6 =	vadd.s32 $0x7800, v6;
	v13 =	vshll.u32 v62, $0x10;
	v16 =	vld.idx.msk [tilespmem:v23+s26+$0x0], $0xffff;
	v4 =	vmul.f32 v4, v9  }
0x74: {  	v9 =	vand.u32 $0xFFFF0000, v62;
	v13 =	vmul.f32 v13, v3;
	[tilespmem:v11+s2+$0x0] =	vst.idx.add.f32.msk $0xffff, v10  }
0x75: {  	v22 =	vadd.s32 $0x5000, v18;
	v11 =	vmul.f32 v9, v3;
	[tilespmem:v8+s2+$0x0] =	vst.idx.add.f32.msk $0xffff, v4  }
0x76: {  	v63 =	vadd.s32 $0xF000, v18;
	[tilespmem:v12+s2+$0x0] =	vst.idx.add.f32.msk $0xffff, v13  }
0x77: {  	v20 =	vadd.s32 $0xF000, v21;
	v23 =	vadd.s32 $0x5000, v21;
	v4 =	vshll.u32 v14, $0x10;
	[tilespmem:v19+s2+$0x0] =	vst.idx.add.f32.msk $0xffff, v11  }
0x78: {  	v10 =	vadd.s32 $0x7800, v7;
	v7 =	vand.u32 $0xFFFF0000, v14;
	v4 =	vmul.f32 v4, v1;
	v12 =	vld.idx.msk [tilespmem:v6+s26+$0x0], $0xffff  }
0x79: {  	v9 =	vadd.s32 $0x7800, v5;
	v7 =	vmul.f32 v7, v1;
	v8 =	vshll.u32 v16, $0x10  }
0x7a: {  	v5 =	vadd.s32 $0x7800, v15;
	v11 =	vadd.s32 $0x7800, v18;
	v14 =	vmul.f32 v8, v2;
	[tilespmem:v22+s2+$0x0] =	vst.idx.add.f32.msk $0xffff, v4  }
0x7b: {  	v6 =	vadd.s32 $0x11800, v15;
	v13 =	vand.u32 $0xFFFF0000, v16;
	v4 =	vadd.s32 $0x11800, v18;
	[tilespmem:v63+s2+$0x0] =	vst.idx.add.f32.msk $0xffff, v7  }
0x7c: {  	s8 =	simm.s32 $0x0;
	s7 =	simm.s32 $0x0;
	s9 =	simm.s32 $0x1E060;
	v8 =	vadd.s32 $0x11800, v21;
	v13 =	vmul.f32 v13, v2;
	v7 =	vadd.s32 $0x7800, v21;
	[tilespmem:v23+s2+$0x0] =	vst.idx.add.f32.msk $0xffff, v14  }
.LBB2_5:
0x7d: {  	v19 =	vld [tilespmem:s9+$0x10];
	v14 =	vshll.u32 v12, $0x10;
	v12 =	vand.u32 $0xFFFF0000, v12  }
0x7e: {  	v15 =	vld [tilespmem:s9+$0xFFFFFFF0];
	v23 =	vmul.f32 v14, v3;
	v24 =	vmul.f32 v12, v3  }
0x7f: {  	v3 =	vld [tilespmem:s9+$0x0]  }
0x80: {  	v16 =	vld [tilespmem:s9+$0xFFFFFFE0]  }
0x81: {  	s8 =	sadd.s32 $0x4, s8;
	[tilespmem:v20+s2+$0x0] =	vst.idx.add.f32.msk $0xffff, v13  }
0x82: {  	p0 =	slt.u32 s8, $0x2C;
	v20 =	vld.idx.msk [tilespmem:v9+s7+$0x0], $0xffff  }
0x83: {  	s24 =	sadd.s32 $0x40, s24;
	v22 =	vadd.s32 $0x2800, v15;
	v13 =	vadd.s32 $0x5000, v15;
	v9 =	vadd.s32 $0x7800, v15;
	v25 =	vld.idx.msk [tilespmem:v10+s7+$0x0], $0xffff  }
0x84: {  	s7 =	simm.s32 $0x0;
	v26 =	vadd.s32 $0x2800, v3;
	v14 =	vadd.s32 $0x5000, v3;
	v10 =	vadd.s32 $0x7800, v3;
	v18 =	vld [tilespmem:s24+$0x10]  }
0x85: {  	v27 =	vadd.s32 $0x2800, v16;
	v21 =	vadd.s32 $0x5000, v16;
	v12 =	vadd.s32 $0x7800, v16;
	v28 =	vld.idx.msk [tilespmem:v19+s7+$0x0], $0xffff  }
0x86: {  	s6 =	sadd.s32 $0x40, s6;
	v29 =	vld.idx.msk [tilespmem:v15+s7+$0x0], $0xffff  }
0x87: {  	v17 =	vld [tilespmem:s6+$0x10]  }
0x88: {  	v15 =	vshll.u32 v20, $0x10;
	v30 =	vld.idx.msk [tilespmem:v16+s7+$0x0], $0xffff;
	v16 =	vand.u32 $0xFFFF0000, v20  }
0x89: {  	v31 =	vmul.f32 v15, v1;
	v15 =	vshll.u32 v25, $0x10;
	v25 =	vand.u32 $0xFFFF0000, v25;
	v20 =	vld.idx.msk [tilespmem:v3+s7+$0x0], $0xffff  }
0x8a: {  	v32 =	vadd.s32 $0xA000, v18;
	v33 =	vmul.f32 v16, v1;
	v15 =	vmul.f32 v15, v2;
	v3 =	vld [tilespmem:s6+$0xFFFFFFE0]  }
0x8b: {  	v35 =	vadd.s32 $0x2800, v19;
	v16 =	vmul.f32 v25, v2;
	v34 =	vshll.u32 v28, $0x10;
	v1 =	vld [tilespmem:s6+$0xFFFFFFF0]  }
0x8c: {  	v28 =	vand.u32 $0xFFFF0000, v28;
	v25 =	vshll.u32 v29, $0x10;
	v2 =	vld [tilespmem:s6+$0x0];
	v34 =	vmul.f32 v34, v17  }
0x8d: {  	v29 =	vand.u32 $0xFFFF0000, v29;
	v28 =	vmul.f32 v28, v17;
	v36 =	vld [tilespmem:s24+$0xFFFFFFE0]  }
0x8e: {  	v37 =	vshll.u32 v30, $0x10;
	v30 =	vand.u32 $0xFFFF0000, v30;
	[tilespmem:v18+s2+$0x0] =	vst.idx.add.f32.msk $0xffff, v34  }
0x8f: {  	v34 =	vmul.f32 v37, v3;
	v37 =	vshll.u32 v20, $0x10;
	v20 =	vand.u32 $0xFFFF0000, v20;
	[tilespmem:v32+s2+$0x0] =	vst.idx.add.f32.msk $0xffff, v28  }
0x90: {  	v28 =	vmul.f32 v30, v3;
	v25 =	vmul.f32 v25, v1;
	v30 =	vld.idx.msk [tilespmem:v35+s7+$0x0], $0xffff  }
0x91: {  	v29 =	vmul.f32 v29, v1;
	v32 =	vld [tilespmem:s24+$0xFFFFFFF0];
	v35 =	vmul.f32 v37, v2  }
0x92: {  	v40 =	vmul.f32 v20, v2;
	v37 =	vadd.s32 $0xA000, v36;
	v38 =	vadd.s32 $0x2800, v36;
	v39 =	vld [tilespmem:s24+$0x0]  }
0x93: {  	v41 =	vadd.s32 $0xC800, v36;
	v42 =	vadd.s32 $0x5000, v36;
	v43 =	vadd.s32 $0xF000, v36;
	[tilespmem:v5+s2+$0x0] =	vst.idx.add.f32.msk $0xffff, v23  }
0x94: {  	v20 =	vadd.s32 $0x2800, v18;
	v5 =	vadd.s32 $0x7800, v36;
	[tilespmem:v6+s2+$0x0] =	vst.idx.add.f32.msk $0xffff, v24;
	v6 =	vadd.s32 $0x11800, v36  }
0x95: {  	v23 =	vadd.s32 $0xC800, v18;
	[tilespmem:v36+s2+$0x0] =	vst.idx.add.f32.msk $0xffff, v34  }
0x96: {  	v34 =	vshll.u32 v30, $0x10;
	v36 =	vadd.s32 $0x5000, v19;
	v24 =	vadd.s32 $0xA000, v32;
	[tilespmem:v11+s2+$0x0] =	vst.idx.add.f32.msk $0xffff, v31  }
0x97: {  	v11 =	vand.u32 $0xFFFF0000, v30;
	v30 =	vmul.f32 v34, v17;
	[tilespmem:v37+s2+$0x0] =	vst.idx.add.f32.msk $0xffff, v28;
	v28 =	vadd.s32 $0xA000, v39  }
0x98: {  	v31 =	vadd.s32 $0x2800, v32;
	v34 =	vadd.s32 $0xC800, v32;
	v11 =	vmul.f32 v11, v17;
	v27 =	vld.idx.msk [tilespmem:v27+s7+$0x0], $0xffff  }
0x99: {  	v37 =	vadd.s32 $0x5000, v32;
	v44 =	vadd.s32 $0x2800, v39;
	v45 =	vadd.s32 $0xC800, v39;
	[tilespmem:v20+s2+$0x0] =	vst.idx.add.f32.msk $0xffff, v30  }
0x9a: {  	v46 =	vadd.s32 $0x5000, v39;
	v30 =	vadd.s32 $0xF000, v32;
	v20 =	vadd.s32 $0xF000, v39;
	[tilespmem:v23+s2+$0x0] =	vst.idx.add.f32.msk $0xffff, v11  }
0x9b: {  	v47 =	vadd.s32 $0x7800, v39;
	v11 =	vadd.s32 $0x7800, v32;
	v23 =	vadd.s32 $0x11800, v32;
	v36 =	vld.idx.msk [tilespmem:v36+s7+$0x0], $0xffff  }
0x9c: {  	[tilespmem:v32+s2+$0x0] =	vst.idx.add.f32.msk $0xffff, v25;
	v25 =	vadd.s32 $0x11800, v39  }
0x9d: {  	[tilespmem:v24+s2+$0x0] =	vst.idx.add.f32.msk $0xffff, v29  }
0x9e: {  	v24 =	vshll.u32 v27, $0x10;
	v27 =	vand.u32 $0xFFFF0000, v27;
	[tilespmem:v39+s2+$0x0] =	vst.idx.add.f32.msk $0xffff, v35  }
0x9f: {  	v24 =	vmul.f32 v24, v3;
	v27 =	vmul.f32 v27, v3;
	[tilespmem:v28+s2+$0x0] =	vst.idx.add.f32.msk $0xffff, v40;
	v28 =	vadd.s32 $0x5000, v18  }
0xa0: {  	v29 =	vadd.s32 $0xF000, v18;
	v22 =	vld.idx.msk [tilespmem:v22+s7+$0x0], $0xffff  }
0xa1: {  	v19 =	vadd.s32 $0x7800, v19;
	v32 =	vshll.u32 v36, $0x10;
	v26 =	vld.idx.msk [tilespmem:v26+s7+$0x0], $0xffff  }
0xa2: {  	v32 =	vmul.f32 v32, v17;
	[tilespmem:v38+s2+$0x0] =	vst.idx.add.f32.msk $0xffff, v24;
	v24 =	vand.u32 $0xFFFF0000, v36  }
0xa3: {  	[tilespmem:v41+s2+$0x0] =	vst.idx.add.f32.msk $0xffff, v27;
	v24 =	vmul.f32 v24, v17  }
0xa4: {  	[tilespmem:v28+s2+$0x0] =	vst.idx.add.f32.msk $0xffff, v32  }
0xa5: {  	[tilespmem:v29+s2+$0x0] =	vst.idx.add.f32.msk $0xffff, v24  }
0xa6: {  	v24 =	vshll.u32 v22, $0x10;
	v22 =	vand.u32 $0xFFFF0000, v22;
	v19 =	vld.idx.msk [tilespmem:v19+s7+$0x0], $0xffff  }
0xa7: {  	v24 =	vmul.f32 v24, v1;
	v27 =	vshll.u32 v26, $0x10;
	v26 =	vand.u32 $0xFFFF0000, v26;
	v21 =	vld.idx.msk [tilespmem:v21+s7+$0x0], $0xffff  }
0xa8: {  	v22 =	vmul.f32 v22, v1;
	v27 =	vmul.f32 v27, v2;
	[tilespmem:v4+s2+$0x0] =	vst.idx.add.f32.msk $0xffff, v33;
	v4 =	vmov v23  }
0xa9: {  	v23 =	vmul.f32 v26, v2;
	[tilespmem:v31+s2+$0x0] =	vst.idx.add.f32.msk $0xffff, v24  }
0xaa: {  	[tilespmem:v34+s2+$0x0] =	vst.idx.add.f32.msk $0xffff, v22;
	v22 =	vadd.s32 $0x7800, v18  }
0xab: {  	v18 =	vadd.s32 $0x11800, v18;
	[tilespmem:v44+s2+$0x0] =	vst.idx.add.f32.msk $0xffff, v27  }
0xac: {  	[tilespmem:v45+s2+$0x0] =	vst.idx.add.f32.msk $0xffff, v23;
	v23 =	vshll.u32 v19, $0x10  }
0xad: {  	v24 =	vshll.u32 v21, $0x10;
	v19 =	vand.u32 $0xFFFF0000, v19;
	v13 =	vld.idx.msk [tilespmem:v13+s7+$0x0], $0xffff;
	v23 =	vmul.f32 v23, v17  }
0xae: {  	v21 =	vand.u32 $0xFFFF0000, v21;
	v24 =	vmul.f32 v24, v3;
	v17 =	vmul.f32 v19, v17;
	v14 =	vld.idx.msk [tilespmem:v14+s7+$0x0], $0xffff  }
0xaf: {  	v19 =	vmul.f32 v21, v3;
	[tilespmem:v22+s2+$0x0] =	vst.idx.add.f32.msk $0xffff, v23  }
0xb0: {  	[tilespmem:v18+s2+$0x0] =	vst.idx.add.f32.msk $0xffff, v17  }
0xb1: {  	[tilespmem:v42+s2+$0x0] =	vst.idx.add.f32.msk $0xffff, v24  }
0xb2: {  	[tilespmem:v43+s2+$0x0] =	vst.idx.add.f32.msk $0xffff, v19  }
0xb3: {  	v17 =	vshll.u32 v13, $0x10;
	v13 =	vand.u32 $0xFFFF0000, v13;
	v12 =	vld.idx.msk [tilespmem:v12+s7+$0x0], $0xffff  }
.Ltmp1:
0xb4: {  	v17 =	vmul.f32 v17, v1;
	v18 =	vshll.u32 v14, $0x10;
	v14 =	vand.u32 $0xFFFF0000, v14;
	[tilespmem:v7+s2+$0x0] =	vst.idx.add.f32.msk $0xffff, v15;
	v7 =	vmovc v47;
	(pc) =	sbr.rel @p0 .LBB2_5-.Ltmp1, $4  }
0xb5: {  	v15 =	vmul.f32 v13, v1;
	v18 =	vmul.f32 v18, v2;
	[tilespmem:v8+s2+$0x0] =	vst.idx.add.f32.msk $0xffff, v16;
	v8 =	vmov v25  }
0xb6: {  	v13 =	vmul.f32 v14, v2;
	[tilespmem:v37+s2+$0x0] =	vst.idx.add.f32.msk $0xffff, v17  }
0xb7: {  	[tilespmem:v30+s2+$0x0] =	vst.idx.add.f32.msk $0xffff, v15  }
0xb8: {  	s9 =	sadd.s32 $0x40, s9;
	[tilespmem:v46+s2+$0x0] =	vst.idx.add.f32.msk $0xffff, v18  }
0xb9: {  	_ =	sdelay $0x3  }
0xba: {  	v9 =	vld.idx.msk [tilespmem:v9+s7+$0x0], $0xffff  }
0xbb: {  	[tilespmem:v20+s2+$0x0] =	vst.idx.add.f32.msk $0xffff, v13  }
0xbc: {  	v10 =	vld.idx.msk [tilespmem:v10+s7+$0x0], $0xffff  }
0xbd: {  	v60 =	vshll.u32 v12, $0x10  }
0xbe: {  	v61 =	vand.u32 $0xFFFF0000, v12;
	v13 =	vmul.f32 v60, v3  }
0xbf: {  	v3 =	vmul.f32 v61, v3;
	v62 =	vshll.u32 v9, $0x10  }
0xc0: {  	[tilespmem:v5+s2+$0x0] =	vst.idx.add.f32.msk $0xffff, v13;
	v9 =	vand.u32 $0xFFFF0000, v9;
	v12 =	vmul.f32 v62, v1  }
0xc1: {  	[tilespmem:v6+s2+$0x0] =	vst.idx.add.f32.msk $0xffff, v3;
	v63 =	vshll.u32 v10, $0x10;
	v1 =	vmul.f32 v9, v1  }
0xc2: {  	v3 =	vand.u32 $0xFFFF0000, v10;
	v5 =	vmul.f32 v63, v2;
	[tilespmem:v11+s2+$0x0] =	vst.idx.add.f32.msk $0xffff, v12  }
0xc3: {  	v2 =	vmul.f32 v3, v2;
	[tilespmem:v4+s2+$0x0] =	vst.idx.add.f32.msk $0xffff, v1  }
0xc4: {  	[tilespmem:v7+s2+$0x0] =	vst.idx.add.f32.msk $0xffff, v5  }
0xc5: {  	[tilespmem:v8+s2+$0x0] =	vst.idx.add.f32.msk $0xffff, v2  }
.LBB2_7:
0xc6: {  	s6 =	sshra.s32 s7, $0x2  }
0xc7: {  	v1 =	vld [tilespmem:s6+$0x1E300];
	_ =	sdelay $0x6  }
0xc8: {  	v2 =	vld [tilespmem:s6+$0x1E680]  }
0xc9: {  	v3 =	vld.idx.msk [tilespmem:v1+s3+$0x0], $0xffff  }
0xca: {  	v4 =	vld [tilespmem:s6+$0x1F100];
	_ =	sdelay $0x2  }
0xcb: {  	v5 =	vadd.s32 $0xA000, v2  }
0xcc: {  	v7 =	vadd.s32 $0x2800, v1;
	v6 =	vshll.u32 v3, $0x10  }
0xcd: {  	v3 =	vand.u32 $0xFFFF0000, v3;
	v6 =	vmul.f32 v6, v4  }
0xce: {  	v3 =	vmul.f32 v3, v4  }
0xcf: {  	[tilespmem:v2+s2+$0x0] =	vst.idx.add.f32.msk $0xffff, v6  }
0xd0: {  	[tilespmem:v5+s2+$0x0] =	vst.idx.add.f32.msk $0xffff, v3  }
0xd1: {  	v3 =	vld.idx.msk [tilespmem:v7+s3+$0x0], $0xffff;
	_ =	sdelay $0x2  }
0xd2: {  	v58 =	vadd.s32 $0x2800, v2  }
0xd3: {  	v59 =	vadd.s32 $0xC800, v2  }
0xd4: {  	v8 =	vadd.s32 $0x5000, v1;
	v7 =	vshll.u32 v3, $0x10  }
0xd5: {  	v3 =	vand.u32 $0xFFFF0000, v3;
	v7 =	vmul.f32 v7, v4  }
0xd6: {  	v3 =	vmul.f32 v3, v4  }
0xd7: {  	[tilespmem:v58+s2+$0x0] =	vst.idx.add.f32.msk $0xffff, v7  }
0xd8: {  	[tilespmem:v59+s2+$0x0] =	vst.idx.add.f32.msk $0xffff, v3  }
0xd9: {  	v3 =	vld.idx.msk [tilespmem:v8+s3+$0x0], $0xffff;
	_ =	sdelay $0x2  }
0xda: {  	v60 =	vadd.s32 $0x5000, v2  }
0xdb: {  	v61 =	vadd.s32 $0xF000, v2  }
0xdc: {  	v1 =	vadd.s32 $0x7800, v1;
	v62 =	vshll.u32 v3, $0x10  }
0xdd: {  	v3 =	vand.u32 $0xFFFF0000, v3;
	v7 =	vmul.f32 v62, v4  }
0xde: {  	v3 =	vmul.f32 v3, v4  }
0xdf: {  	[tilespmem:v60+s2+$0x0] =	vst.idx.add.f32.msk $0xffff, v7  }
0xe0: {  	[tilespmem:v61+s2+$0x0] =	vst.idx.add.f32.msk $0xffff, v3  }
0xe1: {  	v1 =	vld.idx.msk [tilespmem:v1+s3+$0x0], $0xffff;
	_ =	sdelay $0x2  }
0xe2: {  	v3 =	vadd.s32 $0x7800, v2  }
0xe3: {  	p0 =	sne.s32 s7, $0x40;
	v2 =	vadd.s32 $0x11800, v2  }
.Ltmp2:
0xe4: {  	v63 =	vshll.u32 v1, $0x10;
	(pc) =	sbr.rel @p0 .LBB2_7-.Ltmp2, $4  }
0xe5: {  	v1 =	vand.u32 $0xFFFF0000, v1;
	v5 =	vmul.f32 v63, v4  }
0xe6: {  	v1 =	vmul.f32 v1, v4  }
0xe7: {  	[tilespmem:v3+s2+$0x0] =	vst.idx.add.f32.msk $0xffff, v5  }
0xe8: {  	s7 =	sadd.s32 $0x40, s7;
	[tilespmem:v2+s2+$0x0] =	vst.idx.add.f32.msk $0xffff, v1  }
0xe9: {  	p0 =	seq.s32 s28, $0x63  }
0xea: {  	s6 =	sshrl.u32 @!p0 s23, $0x3  }
0xeb: {  	s6 =	sadd.s32 @!p0 $0xC8, s6  }
0xec: {  	s8 =	simm.s32 @!p0 $0x0;
	s9 =	simm.s32 @!p0 $0x1E000;
	s7 =	sadd.s32 @!p0 s4, s6  }
0xed: {  	[tilespmem:s9], [sflag:$0x1] =	stream.linear.gather @!p0 [hbm4b:s7+s8], $0x320, $0x38;
	[tilespmem:$0x1F500] =	vst v63  }
0xee: {  	s7 =	sadd.s32 @!p0 s5, s6;
	s9 =	simm.s32 @!p0 $0x1E380  }
0xef: {  	[tilespmem:s9], [sflag:$0x1] =	stream.linear.gather @!p0 [hbm4b:s7+s8], $0x320, $0x38;
	[tilespmem:$0x1F500] =	vst v63  }
0xf0: {  	s6 =	sadd.s32 @!p0 s1, s6;
	s7 =	simm.s32 @!p0 $0x1EE00  }
0xf1: {  	[tilespmem:s7], [sflag:$0x1] =	stream.linear.gather @!p0 [hbm4b:s6+s8], $0x320, $0x38;
	[tilespmem:$0x1F500] =	vst v63  }
0xf2: {  	_ =	swait.ge [sflag:s22], $0x320  }
0xf3: {  	[sflag:s22] =	ssyncset.done $0x0  }
0xf4: {  	[sflag:s22] =	ssyncadd.s32 $0xFFFFFCE0  }
0xf5: {  	_ =	swait.ge [sflag:s22], $0x320  }
0xf6: {  	[sflag:s22] =	ssyncset.done $0x0  }
0xf7: {  	[sflag:s22] =	ssyncadd.s32 $0xFFFFFCE0  }
0xf8: {  	_ =	swait.ge [sflag:s22], $0x320  }
0xf9: {  	[sflag:s22] =	ssyncset.done $0x0  }
0xfa: {  	s24 =	simm.s32 $0x1E720;
	[sflag:s22] =	ssyncadd.s32 $0xFFFFFCE0  }
0xfb: {  	v4 =	vld [tilespmem:s24+$0x10];
	_ =	sdelay $0x3  }
0xfc: {  	v5 =	vld [tilespmem:s24+$0xFFFFFFF0]  }
0xfd: {  	v6 =	vld [tilespmem:s24+$0xFFFFFFE0]  }
0xfe: {  	v7 =	vld [tilespmem:s24+$0x0];
	s24 =	simm.s32 $0x1EAA0  }
0xff: {  	s23 =	simm.s32 $0x0;
	v8 =	vld [tilespmem:s24+$0x10]  }
0x100: {  	s6 =	simm.s32 $0x1F1A0;
	v1 =	vld.idx.msk [tilespmem:v4+s23+$0x0], $0xffff  }
0x101: {  	v9 =	vld [tilespmem:s6+$0x10];
	_ =	sdelay $0x1  }
0x102: {  	v15 =	vld [tilespmem:s24+$0xFFFFFFE0]  }
0x103: {  	v18 =	vld [tilespmem:s24+$0xFFFFFFF0];
	v2 =	vadd.s32 $0xA000, v8  }
0x104: {  	v21 =	vld [tilespmem:s24+$0x0];
	v13 =	vadd.s32 $0x2800, v4;
	v3 =	vshll.u32 v1, $0x10  }
0x105: {  	v11 =	vld.idx.msk [tilespmem:v6+s23+$0x0], $0xffff;
	v1 =	vand.u32 $0xFFFF0000, v1;
	v14 =	vmul.f32 v3, v9  }
0x106: {  	v3 =	vld [tilespmem:s6+$0xFFFFFFE0];
	v1 =	vmul.f32 v1, v9  }
0x107: {  	[tilespmem:v8+s2+$0x0] =	vst.idx.add.f32.msk $0xffff, v14  }
0x108: {  	[tilespmem:v2+s2+$0x0] =	vst.idx.add.f32.msk $0xffff, v1  }
0x109: {  	v13 =	vld.idx.msk [tilespmem:v13+s23+$0x0], $0xffff  }
0x10a: {  	v10 =	vld.idx.msk [tilespmem:v5+s23+$0x0], $0xffff;
	v14 =	vadd.s32 $0xA000, v15  }
0x10b: {  	v16 =	vadd.s32 $0x2800, v6;
	v12 =	vld.idx.msk [tilespmem:v7+s23+$0x0], $0xffff;
	v17 =	vshll.u32 v11, $0x10  }
0x10c: {  	v19 =	vadd.s32 $0x2800, v8;
	v11 =	vand.u32 $0xFFFF0000, v11;
	v1 =	vld [tilespmem:s6+$0xFFFFFFF0];
	v17 =	vmul.f32 v17, v3  }
0x10d: {  	v20 =	vadd.s32 $0xC800, v8;
	v2 =	vld [tilespmem:s6+$0x0];
	v11 =	vmul.f32 v11, v3  }
0x10e: {  	v22 =	vadd.s32 $0x5000, v4;
	[tilespmem:v15+s2+$0x0] =	vst.idx.add.f32.msk $0xffff, v17;
	v57 =	vshll.u32 v13, $0x10  }
0x10f: {  	[tilespmem:v14+s2+$0x0] =	vst.idx.add.f32.msk $0xffff, v11;
	v11 =	vand.u32 $0xFFFF0000, v13;
	v13 =	vmul.f32 v57, v9  }
0x110: {  	v14 =	vadd.s32 $0xA000, v18;
	v16 =	vld.idx.msk [tilespmem:v16+s23+$0x0], $0xffff;
	v11 =	vmul.f32 v11, v9  }
0x111: {  	v58 =	vshll.u32 v10, $0x10;
	[tilespmem:v19+s2+$0x0] =	vst.idx.add.f32.msk $0xffff, v13  }
0x112: {  	v59 =	vadd.s32 $0xA000, v21;
	v10 =	vand.u32 $0xFFFF0000, v10;
	v13 =	vmul.f32 v58, v1;
	[tilespmem:v20+s2+$0x0] =	vst.idx.add.f32.msk $0xffff, v11  }
0x113: {  	v10 =	vmul.f32 v10, v1;
	v19 =	vshll.u32 v12, $0x10;
	v11 =	vadd.s32 $0x2800, v5;
	v20 =	vld.idx.msk [tilespmem:v22+s23+$0x0], $0xffff  }
0x114: {  	v12 =	vand.u32 $0xFFFF0000, v12;
	v19 =	vmul.f32 v19, v2;
	v22 =	vadd.s32 $0x2800, v7;
	[tilespmem:v18+s2+$0x0] =	vst.idx.add.f32.msk $0xffff, v13  }
0x115: {  	v12 =	vmul.f32 v12, v2;
	v13 =	vadd.s32 $0x2800, v15;
	[tilespmem:v14+s2+$0x0] =	vst.idx.add.f32.msk $0xffff, v10  }
0x116: {  	v10 =	vadd.s32 $0xC800, v15;
	[tilespmem:v21+s2+$0x0] =	vst.idx.add.f32.msk $0xffff, v19  }
0x117: {  	v14 =	vshll.u32 v16, $0x10;
	[tilespmem:v59+s2+$0x0] =	vst.idx.add.f32.msk $0xffff, v12;
	v12 =	vadd.s32 $0x5000, v8  }
0x118: {  	v60 =	vadd.s32 $0xF000, v8;
	v16 =	vand.u32 $0xFFFF0000, v16;
	v14 =	vmul.f32 v14, v3;
	v11 =	vld.idx.msk [tilespmem:v11+s23+$0x0], $0xffff  }
0x119: {  	v4 =	vadd.s32 $0x7800, v4;
	v16 =	vmul.f32 v16, v3;
	v19 =	vld.idx.msk [tilespmem:v22+s23+$0x0], $0xffff;
	v22 =	vshll.u32 v20, $0x10  }
0x11a: {  	v23 =	vadd.s32 $0x5000, v6;
	[tilespmem:v13+s2+$0x0] =	vst.idx.add.f32.msk $0xffff, v14;
	v13 =	vand.u32 $0xFFFF0000, v20;
	v14 =	vmul.f32 v22, v9  }
0x11b: {  	v20 =	vadd.s32 $0x2800, v18;
	[tilespmem:v10+s2+$0x0] =	vst.idx.add.f32.msk $0xffff, v16;
	v10 =	vmul.f32 v13, v9  }
0x11c: {  	v13 =	vadd.s32 $0xC800, v18;
	[tilespmem:v12+s2+$0x0] =	vst.idx.add.f32.msk $0xffff, v14  }
0x11d: {  	v12 =	vadd.s32 $0x2800, v21;
	[tilespmem:v60+s2+$0x0] =	vst.idx.add.f32.msk $0xffff, v10;
	v10 =	vshll.u32 v11, $0x10  }
0x11e: {  	v14 =	vadd.s32 $0x5000, v5;
	v11 =	vand.u32 $0xFFFF0000, v11;
	v4 =	vld.idx.msk [tilespmem:v4+s23+$0x0], $0xffff;
	v10 =	vmul.f32 v10, v1  }
0x11f: {  	v61 =	vadd.s32 $0xC800, v21;
	v62 =	vld.idx.msk [tilespmem:v23+s23+$0x0], $0xffff;
	v22 =	vshll.u32 v19, $0x10;
	v11 =	vmul.f32 v11, v1  }
0x120: {  	v23 =	vadd.s32 $0x5000, v7;
	v22 =	vmul.f32 v22, v2;
	[tilespmem:v20+s2+$0x0] =	vst.idx.add.f32.msk $0xffff, v10  }
0x121: {  	v10 =	vand.u32 $0xFFFF0000, v19;
	[tilespmem:v13+s2+$0x0] =	vst.idx.add.f32.msk $0xffff, v11;
	v11 =	vadd.s32 $0x7800, v8  }
0x122: {  	v10 =	vmul.f32 v10, v2;
	[tilespmem:v12+s2+$0x0] =	vst.idx.add.f32.msk $0xffff, v22;
	v8 =	vadd.s32 $0x11800, v8  }
0x123: {  	v12 =	vadd.s32 $0x5000, v15;
	v14 =	vld.idx.msk [tilespmem:v14+s23+$0x0], $0xffff;
	v13 =	vshll.u32 v4, $0x10  }
0x124: {  	v19 =	vadd.s32 $0xF000, v15;
	[tilespmem:v61+s2+$0x0] =	vst.idx.add.f32.msk $0xffff, v10;
	v4 =	vand.u32 $0xFFFF0000, v4;
	v10 =	vmul.f32 v13, v9  }
0x125: {  	v6 =	vadd.s32 $0x7800, v6;
	v13 =	vshll.u32 v62, $0x10;
	v16 =	vld.idx.msk [tilespmem:v23+s23+$0x0], $0xffff;
	v4 =	vmul.f32 v4, v9  }
0x126: {  	v9 =	vand.u32 $0xFFFF0000, v62;
	v13 =	vmul.f32 v13, v3;
	[tilespmem:v11+s2+$0x0] =	vst.idx.add.f32.msk $0xffff, v10  }
0x127: {  	v22 =	vadd.s32 $0x5000, v18;
	v11 =	vmul.f32 v9, v3;
	[tilespmem:v8+s2+$0x0] =	vst.idx.add.f32.msk $0xffff, v4  }
0x128: {  	v63 =	vadd.s32 $0xF000, v18;
	[tilespmem:v12+s2+$0x0] =	vst.idx.add.f32.msk $0xffff, v13  }
0x129: {  	v20 =	vadd.s32 $0xF000, v21;
	v23 =	vadd.s32 $0x5000, v21;
	v4 =	vshll.u32 v14, $0x10;
	[tilespmem:v19+s2+$0x0] =	vst.idx.add.f32.msk $0xffff, v11  }
0x12a: {  	v10 =	vadd.s32 $0x7800, v7;
	v7 =	vand.u32 $0xFFFF0000, v14;
	v4 =	vmul.f32 v4, v1;
	v12 =	vld.idx.msk [tilespmem:v6+s23+$0x0], $0xffff  }
0x12b: {  	v9 =	vadd.s32 $0x7800, v5;
	v7 =	vmul.f32 v7, v1;
	v8 =	vshll.u32 v16, $0x10  }
0x12c: {  	v5 =	vadd.s32 $0x7800, v15;
	v11 =	vadd.s32 $0x7800, v18;
	v14 =	vmul.f32 v8, v2;
	[tilespmem:v22+s2+$0x0] =	vst.idx.add.f32.msk $0xffff, v4  }
0x12d: {  	v6 =	vadd.s32 $0x11800, v15;
	v13 =	vand.u32 $0xFFFF0000, v16;
	v4 =	vadd.s32 $0x11800, v18;
	[tilespmem:v63+s2+$0x0] =	vst.idx.add.f32.msk $0xffff, v7  }
0x12e: {  	s7 =	simm.s32 $0x0;
	s8 =	simm.s32 $0x1E760;
	v8 =	vadd.s32 $0x11800, v21;
	v13 =	vmul.f32 v13, v2;
	v7 =	vadd.s32 $0x7800, v21;
	[tilespmem:v23+s2+$0x0] =	vst.idx.add.f32.msk $0xffff, v14  }
.LBB2_9:
0x12f: {  	v19 =	vld [tilespmem:s8+$0x10];
	v14 =	vshll.u32 v12, $0x10;
	v12 =	vand.u32 $0xFFFF0000, v12  }
0x130: {  	v15 =	vld [tilespmem:s8+$0xFFFFFFF0];
	v22 =	vmul.f32 v14, v3;
	v23 =	vmul.f32 v12, v3  }
0x131: {  	v3 =	vld [tilespmem:s8+$0x0]  }
0x132: {  	v16 =	vld [tilespmem:s8+$0xFFFFFFE0]  }
0x133: {  	s7 =	sadd.s32 $0x4, s7;
	[tilespmem:v20+s2+$0x0] =	vst.idx.add.f32.msk $0xffff, v13  }
0x134: {  	p0 =	slt.u32 s7, $0x2C;
	v20 =	vld.idx.msk [tilespmem:v9+s23+$0x0], $0xffff  }
0x135: {  	s24 =	sadd.s32 $0x40, s24;
	v24 =	vadd.s32 $0x2800, v15;
	v13 =	vadd.s32 $0x5000, v15;
	v9 =	vadd.s32 $0x7800, v15;
	v25 =	vld.idx.msk [tilespmem:v10+s23+$0x0], $0xffff  }
0x136: {  	v26 =	vadd.s32 $0x2800, v3;
	v14 =	vadd.s32 $0x5000, v3;
	v10 =	vadd.s32 $0x7800, v3;
	v18 =	vld [tilespmem:s24+$0x10]  }
0x137: {  	v27 =	vadd.s32 $0x2800, v16;
	v21 =	vadd.s32 $0x5000, v16;
	v12 =	vadd.s32 $0x7800, v16;
	v28 =	vld.idx.msk [tilespmem:v19+s23+$0x0], $0xffff  }
0x138: {  	s6 =	sadd.s32 $0x40, s6;
	v29 =	vld.idx.msk [tilespmem:v15+s23+$0x0], $0xffff  }
0x139: {  	v17 =	vld [tilespmem:s6+$0x10]  }
0x13a: {  	v15 =	vshll.u32 v20, $0x10;
	v30 =	vld.idx.msk [tilespmem:v16+s23+$0x0], $0xffff;
	v16 =	vand.u32 $0xFFFF0000, v20  }
0x13b: {  	v31 =	vmul.f32 v15, v1;
	v15 =	vshll.u32 v25, $0x10;
	v25 =	vand.u32 $0xFFFF0000, v25;
	v20 =	vld.idx.msk [tilespmem:v3+s23+$0x0], $0xffff  }
0x13c: {  	v32 =	vadd.s32 $0xA000, v18;
	v33 =	vmul.f32 v16, v1;
	v15 =	vmul.f32 v15, v2;
	v3 =	vld [tilespmem:s6+$0xFFFFFFE0]  }
0x13d: {  	v35 =	vadd.s32 $0x2800, v19;
	v16 =	vmul.f32 v25, v2;
	v34 =	vshll.u32 v28, $0x10;
	v1 =	vld [tilespmem:s6+$0xFFFFFFF0]  }
0x13e: {  	v28 =	vand.u32 $0xFFFF0000, v28;
	v25 =	vshll.u32 v29, $0x10;
	v2 =	vld [tilespmem:s6+$0x0];
	v34 =	vmul.f32 v34, v17  }
0x13f: {  	v29 =	vand.u32 $0xFFFF0000, v29;
	v28 =	vmul.f32 v28, v17;
	v36 =	vld [tilespmem:s24+$0xFFFFFFE0]  }
0x140: {  	v37 =	vshll.u32 v30, $0x10;
	v30 =	vand.u32 $0xFFFF0000, v30;
	[tilespmem:v18+s2+$0x0] =	vst.idx.add.f32.msk $0xffff, v34  }
0x141: {  	v34 =	vmul.f32 v37, v3;
	v37 =	vshll.u32 v20, $0x10;
	v20 =	vand.u32 $0xFFFF0000, v20;
	[tilespmem:v32+s2+$0x0] =	vst.idx.add.f32.msk $0xffff, v28  }
0x142: {  	v28 =	vmul.f32 v30, v3;
	v25 =	vmul.f32 v25, v1;
	v30 =	vld.idx.msk [tilespmem:v35+s23+$0x0], $0xffff  }
0x143: {  	v29 =	vmul.f32 v29, v1;
	v32 =	vld [tilespmem:s24+$0xFFFFFFF0];
	v35 =	vmul.f32 v37, v2  }
0x144: {  	v40 =	vmul.f32 v20, v2;
	v37 =	vadd.s32 $0xA000, v36;
	v38 =	vadd.s32 $0x2800, v36;
	v39 =	vld [tilespmem:s24+$0x0]  }
0x145: {  	v41 =	vadd.s32 $0xC800, v36;
	v42 =	vadd.s32 $0x5000, v36;
	v43 =	vadd.s32 $0xF000, v36;
	[tilespmem:v5+s2+$0x0] =	vst.idx.add.f32.msk $0xffff, v22  }
0x146: {  	v20 =	vadd.s32 $0x2800, v18;
	v5 =	vadd.s32 $0x7800, v36;
	[tilespmem:v6+s2+$0x0] =	vst.idx.add.f32.msk $0xffff, v23;
	v6 =	vadd.s32 $0x11800, v36  }
0x147: {  	v22 =	vadd.s32 $0xC800, v18;
	[tilespmem:v36+s2+$0x0] =	vst.idx.add.f32.msk $0xffff, v34  }
0x148: {  	v34 =	vshll.u32 v30, $0x10;
	v36 =	vadd.s32 $0x5000, v19;
	v23 =	vadd.s32 $0xA000, v32;
	[tilespmem:v11+s2+$0x0] =	vst.idx.add.f32.msk $0xffff, v31  }
0x149: {  	v11 =	vand.u32 $0xFFFF0000, v30;
	v30 =	vmul.f32 v34, v17;
	[tilespmem:v37+s2+$0x0] =	vst.idx.add.f32.msk $0xffff, v28;
	v28 =	vadd.s32 $0xA000, v39  }
0x14a: {  	v31 =	vadd.s32 $0x2800, v32;
	v34 =	vadd.s32 $0xC800, v32;
	v11 =	vmul.f32 v11, v17;
	v27 =	vld.idx.msk [tilespmem:v27+s23+$0x0], $0xffff  }
0x14b: {  	v37 =	vadd.s32 $0x5000, v32;
	v44 =	vadd.s32 $0x2800, v39;
	v45 =	vadd.s32 $0xC800, v39;
	[tilespmem:v20+s2+$0x0] =	vst.idx.add.f32.msk $0xffff, v30  }
0x14c: {  	v46 =	vadd.s32 $0x5000, v39;
	v30 =	vadd.s32 $0xF000, v32;
	v20 =	vadd.s32 $0xF000, v39;
	[tilespmem:v22+s2+$0x0] =	vst.idx.add.f32.msk $0xffff, v11  }
0x14d: {  	v47 =	vadd.s32 $0x7800, v39;
	v11 =	vadd.s32 $0x7800, v32;
	v22 =	vadd.s32 $0x11800, v32;
	v36 =	vld.idx.msk [tilespmem:v36+s23+$0x0], $0xffff  }
0x14e: {  	[tilespmem:v32+s2+$0x0] =	vst.idx.add.f32.msk $0xffff, v25;
	v25 =	vadd.s32 $0x11800, v39  }
0x14f: {  	[tilespmem:v23+s2+$0x0] =	vst.idx.add.f32.msk $0xffff, v29  }
0x150: {  	v23 =	vshll.u32 v27, $0x10;
	v27 =	vand.u32 $0xFFFF0000, v27;
	[tilespmem:v39+s2+$0x0] =	vst.idx.add.f32.msk $0xffff, v35  }
0x151: {  	v23 =	vmul.f32 v23, v3;
	v27 =	vmul.f32 v27, v3;
	[tilespmem:v28+s2+$0x0] =	vst.idx.add.f32.msk $0xffff, v40;
	v28 =	vadd.s32 $0x5000, v18  }
0x152: {  	v29 =	vadd.s32 $0xF000, v18;
	v24 =	vld.idx.msk [tilespmem:v24+s23+$0x0], $0xffff  }
0x153: {  	v19 =	vadd.s32 $0x7800, v19;
	v32 =	vshll.u32 v36, $0x10;
	v26 =	vld.idx.msk [tilespmem:v26+s23+$0x0], $0xffff  }
0x154: {  	v32 =	vmul.f32 v32, v17;
	[tilespmem:v38+s2+$0x0] =	vst.idx.add.f32.msk $0xffff, v23;
	v23 =	vand.u32 $0xFFFF0000, v36  }
0x155: {  	[tilespmem:v41+s2+$0x0] =	vst.idx.add.f32.msk $0xffff, v27;
	v23 =	vmul.f32 v23, v17  }
0x156: {  	[tilespmem:v28+s2+$0x0] =	vst.idx.add.f32.msk $0xffff, v32  }
0x157: {  	[tilespmem:v29+s2+$0x0] =	vst.idx.add.f32.msk $0xffff, v23  }
0x158: {  	v23 =	vshll.u32 v24, $0x10;
	v24 =	vand.u32 $0xFFFF0000, v24;
	v19 =	vld.idx.msk [tilespmem:v19+s23+$0x0], $0xffff  }
0x159: {  	v23 =	vmul.f32 v23, v1;
	v27 =	vshll.u32 v26, $0x10;
	v26 =	vand.u32 $0xFFFF0000, v26;
	v21 =	vld.idx.msk [tilespmem:v21+s23+$0x0], $0xffff  }
0x15a: {  	v24 =	vmul.f32 v24, v1;
	v27 =	vmul.f32 v27, v2;
	[tilespmem:v4+s2+$0x0] =	vst.idx.add.f32.msk $0xffff, v33;
	v4 =	vmov v22  }
0x15b: {  	v22 =	vmul.f32 v26, v2;
	[tilespmem:v31+s2+$0x0] =	vst.idx.add.f32.msk $0xffff, v23  }
0x15c: {  	v23 =	vadd.s32 $0x7800, v18;
	[tilespmem:v34+s2+$0x0] =	vst.idx.add.f32.msk $0xffff, v24  }
0x15d: {  	v18 =	vadd.s32 $0x11800, v18;
	[tilespmem:v44+s2+$0x0] =	vst.idx.add.f32.msk $0xffff, v27  }
0x15e: {  	[tilespmem:v45+s2+$0x0] =	vst.idx.add.f32.msk $0xffff, v22;
	v22 =	vshll.u32 v19, $0x10  }
0x15f: {  	v24 =	vshll.u32 v21, $0x10;
	v19 =	vand.u32 $0xFFFF0000, v19;
	v13 =	vld.idx.msk [tilespmem:v13+s23+$0x0], $0xffff;
	v22 =	vmul.f32 v22, v17  }
0x160: {  	v21 =	vand.u32 $0xFFFF0000, v21;
	v24 =	vmul.f32 v24, v3;
	v17 =	vmul.f32 v19, v17;
	v14 =	vld.idx.msk [tilespmem:v14+s23+$0x0], $0xffff  }
0x161: {  	v19 =	vmul.f32 v21, v3;
	[tilespmem:v23+s2+$0x0] =	vst.idx.add.f32.msk $0xffff, v22  }
0x162: {  	[tilespmem:v18+s2+$0x0] =	vst.idx.add.f32.msk $0xffff, v17  }
0x163: {  	[tilespmem:v42+s2+$0x0] =	vst.idx.add.f32.msk $0xffff, v24  }
0x164: {  	[tilespmem:v43+s2+$0x0] =	vst.idx.add.f32.msk $0xffff, v19  }
0x165: {  	v17 =	vshll.u32 v13, $0x10;
	v13 =	vand.u32 $0xFFFF0000, v13;
	v12 =	vld.idx.msk [tilespmem:v12+s23+$0x0], $0xffff  }
.Ltmp3:
0x166: {  	v17 =	vmul.f32 v17, v1;
	v18 =	vshll.u32 v14, $0x10;
	v14 =	vand.u32 $0xFFFF0000, v14;
	[tilespmem:v7+s2+$0x0] =	vst.idx.add.f32.msk $0xffff, v15;
	v7 =	vmovc v47;
	(pc) =	sbr.rel @p0 .LBB2_9-.Ltmp3, $4  }
0x167: {  	v15 =	vmul.f32 v13, v1;
	v18 =	vmul.f32 v18, v2;
	[tilespmem:v8+s2+$0x0] =	vst.idx.add.f32.msk $0xffff, v16;
	v8 =	vmov v25  }
0x168: {  	v13 =	vmul.f32 v14, v2;
	[tilespmem:v37+s2+$0x0] =	vst.idx.add.f32.msk $0xffff, v17  }
0x169: {  	[tilespmem:v30+s2+$0x0] =	vst.idx.add.f32.msk $0xffff, v15  }
0x16a: {  	s8 =	sadd.s32 $0x40, s8;
	[tilespmem:v46+s2+$0x0] =	vst.idx.add.f32.msk $0xffff, v18  }
0x16b: {  	_ =	sdelay $0x3  }
0x16c: {  	v9 =	vld.idx.msk [tilespmem:v9+s23+$0x0], $0xffff  }
0x16d: {  	[tilespmem:v20+s2+$0x0] =	vst.idx.add.f32.msk $0xffff, v13  }
0x16e: {  	v10 =	vld.idx.msk [tilespmem:v10+s23+$0x0], $0xffff  }
0x16f: {  	v60 =	vshll.u32 v12, $0x10  }
0x170: {  	v61 =	vand.u32 $0xFFFF0000, v12;
	v13 =	vmul.f32 v60, v3  }
0x171: {  	v3 =	vmul.f32 v61, v3;
	v62 =	vshll.u32 v9, $0x10  }
0x172: {  	[tilespmem:v5+s2+$0x0] =	vst.idx.add.f32.msk $0xffff, v13;
	v9 =	vand.u32 $0xFFFF0000, v9;
	v12 =	vmul.f32 v62, v1  }
0x173: {  	[tilespmem:v6+s2+$0x0] =	vst.idx.add.f32.msk $0xffff, v3;
	v63 =	vshll.u32 v10, $0x10;
	v1 =	vmul.f32 v9, v1  }
0x174: {  	v3 =	vand.u32 $0xFFFF0000, v10;
	v5 =	vmul.f32 v63, v2;
	[tilespmem:v11+s2+$0x0] =	vst.idx.add.f32.msk $0xffff, v12  }
0x175: {  	v2 =	vmul.f32 v3, v2;
	[tilespmem:v4+s2+$0x0] =	vst.idx.add.f32.msk $0xffff, v1  }
0x176: {  	[tilespmem:v7+s2+$0x0] =	vst.idx.add.f32.msk $0xffff, v5  }
0x177: {  	[tilespmem:v8+s2+$0x0] =	vst.idx.add.f32.msk $0xffff, v2  }
.LBB2_11:
0x178: {  	s6 =	sshra.s32 s23, $0x2  }
0x179: {  	v1 =	vld [tilespmem:s6+$0x1EA00];
	_ =	sdelay $0x6  }
0x17a: {  	v2 =	vld [tilespmem:s6+$0x1ED80]  }
0x17b: {  	v3 =	vld.idx.msk [tilespmem:v1+s3+$0x0], $0xffff  }
0x17c: {  	v4 =	vld [tilespmem:s6+$0x1F480];
	_ =	sdelay $0x2  }
0x17d: {  	v5 =	vadd.s32 $0xA000, v2  }
0x17e: {  	v7 =	vadd.s32 $0x2800, v1;
	v6 =	vshll.u32 v3, $0x10  }
0x17f: {  	v3 =	vand.u32 $0xFFFF0000, v3;
	v6 =	vmul.f32 v6, v4  }
0x180: {  	v3 =	vmul.f32 v3, v4  }
0x181: {  	[tilespmem:v2+s2+$0x0] =	vst.idx.add.f32.msk $0xffff, v6  }
0x182: {  	[tilespmem:v5+s2+$0x0] =	vst.idx.add.f32.msk $0xffff, v3  }
0x183: {  	v3 =	vld.idx.msk [tilespmem:v7+s3+$0x0], $0xffff;
	_ =	sdelay $0x2  }
0x184: {  	v58 =	vadd.s32 $0x2800, v2  }
0x185: {  	v59 =	vadd.s32 $0xC800, v2  }
0x186: {  	v8 =	vadd.s32 $0x5000, v1;
	v7 =	vshll.u32 v3, $0x10  }
0x187: {  	v3 =	vand.u32 $0xFFFF0000, v3;
	v7 =	vmul.f32 v7, v4  }
0x188: {  	v3 =	vmul.f32 v3, v4  }
0x189: {  	[tilespmem:v58+s2+$0x0] =	vst.idx.add.f32.msk $0xffff, v7  }
0x18a: {  	[tilespmem:v59+s2+$0x0] =	vst.idx.add.f32.msk $0xffff, v3  }
0x18b: {  	v3 =	vld.idx.msk [tilespmem:v8+s3+$0x0], $0xffff;
	_ =	sdelay $0x2  }
0x18c: {  	v60 =	vadd.s32 $0x5000, v2  }
0x18d: {  	v61 =	vadd.s32 $0xF000, v2  }
0x18e: {  	v1 =	vadd.s32 $0x7800, v1;
	v62 =	vshll.u32 v3, $0x10  }
0x18f: {  	v3 =	vand.u32 $0xFFFF0000, v3;
	v7 =	vmul.f32 v62, v4  }
0x190: {  	v3 =	vmul.f32 v3, v4  }
0x191: {  	[tilespmem:v60+s2+$0x0] =	vst.idx.add.f32.msk $0xffff, v7  }
0x192: {  	[tilespmem:v61+s2+$0x0] =	vst.idx.add.f32.msk $0xffff, v3  }
0x193: {  	v1 =	vld.idx.msk [tilespmem:v1+s3+$0x0], $0xffff;
	_ =	sdelay $0x2  }
0x194: {  	v3 =	vadd.s32 $0x7800, v2  }
0x195: {  	p0 =	sne.s32 s23, $0x40;
	v2 =	vadd.s32 $0x11800, v2  }
.Ltmp4:
0x196: {  	v63 =	vshll.u32 v1, $0x10;
	(pc) =	sbr.rel @p0 .LBB2_11-.Ltmp4, $4  }
0x197: {  	v1 =	vand.u32 $0xFFFF0000, v1;
	v5 =	vmul.f32 v63, v4  }
0x198: {  	v1 =	vmul.f32 v1, v4  }
0x199: {  	[tilespmem:v3+s2+$0x0] =	vst.idx.add.f32.msk $0xffff, v5  }
0x19a: {  	s23 =	sadd.s32 $0x40, s23;
	[tilespmem:v2+s2+$0x0] =	vst.idx.add.f32.msk $0xffff, v1  }
0x19b: {  	s28 =	sadd.s32 $0x1, s28  }
0x19c: {  	p0 =	sne.s32 s28, $0x64  }
.Ltmp5:
0x19d: {  	_ = 	snop;
	(pc) =	sbr.rel @p0 .LBB2_4-.Ltmp5, $1  }
0x19e: {  	_ =	sdelay $0x3  }
0x19f: {  	[hbm4b:s10+s19] =	stream.strided.scatter [tilespmem:s2], [sflag:$0x3], $0x2800, s20, s19, $0x38;
	[tilespmem:$0x1F500] =	vst v63  }
0x1a0: {  	_ =	swait.ge [sflag:s21], $0x2800  }
0x1a1: {  	[sflag:s21] =	ssyncset.done $0x0  }
0x1a2: {  	s6 =	simm.s32 $0x14000;
	[sflag:s21] =	ssyncadd.s32 $0xFFFFD800  }
0x1a3: {  	[hbm4b:s11+s19] =	stream.strided.scatter [tilespmem:s6], [sflag:$0x3], $0x2800, s20, s19, $0x38;
	[tilespmem:$0x1F500] =	vst v63  }
0x1a4: {  	_ =	swait.ge [sflag:s21], $0x2800  }
0x1a5: {  	[sflag:s21] =	ssyncset.done $0x0  }
0x1a6: {  	s7 =	simm.s32 $0xC800;
	[sflag:s21] =	ssyncadd.s32 $0xFFFFD800  }
0x1a7: {  	[hbm4b:s12+s19] =	stream.strided.scatter [tilespmem:s7], [sflag:$0x3], $0x2800, s20, s19, $0x38;
	[tilespmem:$0x1F500] =	vst v63  }
0x1a8: {  	_ =	swait.ge [sflag:s21], $0x2800  }
0x1a9: {  	[sflag:s21] =	ssyncset.done $0x0  }
0x1aa: {  	s8 =	simm.s32 $0x16800;
	[sflag:s21] =	ssyncadd.s32 $0xFFFFD800  }
0x1ab: {  	[hbm4b:s13+s19] =	stream.strided.scatter [tilespmem:s8], [sflag:$0x3], $0x2800, s20, s19, $0x38;
	[tilespmem:$0x1F500] =	vst v63  }
0x1ac: {  	_ =	swait.ge [sflag:s21], $0x2800  }
0x1ad: {  	[sflag:s21] =	ssyncset.done $0x0  }
0x1ae: {  	s9 =	simm.s32 $0xF000;
	[sflag:s21] =	ssyncadd.s32 $0xFFFFD800  }
0x1af: {  	[hbm4b:s14+s19] =	stream.strided.scatter [tilespmem:s9], [sflag:$0x3], $0x2800, s20, s19, $0x38;
	[tilespmem:$0x1F500] =	vst v63  }
0x1b0: {  	_ =	swait.ge [sflag:s21], $0x2800  }
0x1b1: {  	[sflag:s21] =	ssyncset.done $0x0  }
0x1b2: {  	s23 =	simm.s32 $0x19000;
	[sflag:s21] =	ssyncadd.s32 $0xFFFFD800  }
0x1b3: {  	[hbm4b:s15+s19] =	stream.strided.scatter [tilespmem:s23], [sflag:$0x3], $0x2800, s20, s19, $0x38;
	[tilespmem:$0x1F500] =	vst v63  }
0x1b4: {  	_ =	swait.ge [sflag:s21], $0x2800  }
0x1b5: {  	[sflag:s21] =	ssyncset.done $0x0  }
0x1b6: {  	s24 =	simm.s32 $0x11800;
	[sflag:s21] =	ssyncadd.s32 $0xFFFFD800  }
0x1b7: {  	[hbm4b:s16+s19] =	stream.strided.scatter [tilespmem:s24], [sflag:$0x3], $0x2800, s20, s19, $0x38;
	[tilespmem:$0x1F500] =	vst v63  }
0x1b8: {  	s25 =	sadd.s32 $0x1, s25;
	_ =	swait.ge [sflag:s21], $0x2800  }
0x1b9: {  	p0 =	sne.s32 s25, s18;
	[sflag:s21] =	ssyncset.done $0x0  }
.Ltmp6:
0x1ba: {  	s28 =	simm.s32 $0x1B800;
	[sflag:s21] =	ssyncadd.s32 $0xFFFFD800;
	(pc) =	sbr.rel @p0 .LBB2_1-.Ltmp6, $4  }
0x1bb: {  	[hbm4b:s17+s19] =	stream.strided.scatter [tilespmem:s28], [sflag:$0x3], $0x2800, s20, s19, $0x38;
	[tilespmem:$0x1F500] =	vst v63  }
0x1bc: {  	_ =	swait.ge [sflag:s21], $0x2800  }
0x1bd: {  	[sflag:s21] =	ssyncset.done $0x0  }
0x1be: {  	[sflag:s21] =	ssyncadd.s32 $0xFFFFD800  }
0x1bf: {  	_ =	sfence.sel $0x180000  }
0x1c0: {  	[bflag:$0x0] =	sbarrier.arrive $0xFFFF  }
0x1c1: {  	_ =	strace $0x9000004D  }
0x1c2: {  	s0 =	stileid.u32;
	[bflag:$0x2] =	sbarrier.arrive $0xFFFF  }
0x1c3: {  	p0 =	sne.s32 s0, $0x0;
	s0 =	rddreg [dreg:$0x3]  }
0x1c4: {  	s0 =	sadd.s32 @!p0 $0x100000, s0  }
0x1c5: {  	[sflag:s0] =	ssyncadd.tile.s32 @!p0 $0x1;
	_ =	shalt  }
.Lfunc_end2:
_tile_overlayer_lowered:
.L_overlay_start_2:
0x1c6: {  	(tag) =	ssettag $0x2  }
0x1c7: {  	s0 =	rddreg [dreg:$0x0];
	s2 =	stileid.u32  }
0x1c8: {  	s1 =	rddreg [dreg:$0x1];
	p0 =	sne.s32 s2, $0x0  }
0x1c9: {  	s3 =	rddreg [dreg:$0x2];
	[bflag:$0x3] =	sbarrier.arrive $0xFFFF;
	s2 =	simm.s32 @!p0 $0x1C03  }
0x1ca: {  	[timem:s3], [sflag:s2] =	dma.local @!p0 [hbm:s0], s1  }
0x1cb: {  	s0 =	simm.s32 @!p0 $0x3  }
0x1cc: {  	_ =	swait.ge @!p0 [sflag:s0], s1  }
0x1cd: {  	s1 =	ssub.s32 @!p0 $0x0, s1;
	[sflag:s0] =	ssyncset.done @!p0 $0x0  }
0x1ce: {  	[sflag:s0] =	ssyncadd.s32 @!p0 s1  }
0x1cf: {  	[bflag:$0x3] =	sbarrier.arrive $0xFFFF  }
0x1d0: {  	_ =	shalt  }

// kernel: kernel.7.cloned.1.call-start
scs
__scs_entry_jumppad:
0x0: {  	(pc) =	sbr.rel $0x88, $3  }
0x1: {  	(tag) =	ssettag $0x0;
	lr =	simm.s32 $0x1  }
0x2: {  	[smem:$0x3F98] =	sst lr;
	_ =	strace $0xD0000000  }
0x3: {  	_ = 	snop  }
0x4: {  	_ = 	snop  }
0x5: {  	_ = 	snop  }
0x6: {  	_ = 	snop  }
0x7: {  	_ = 	snop  }
__scs_overlays_trampoline_lowered:
0x8: {  	[smem:$0x3FA7] =	sst s0  }
0x9: {  	[smem:$0x3FA8] =	sst s1  }
0xa: {  	[smem:$0x3FA9] =	sst s2  }
0xb: {  	[smem:$0x3FAA] =	sst s3  }
0xc: {  	[smem:$0x3FAB] =	sst s4  }
0xd: {  	[smem:$0x3FAC] =	sst s5  }
0xe: {  	[smem:$0x3FAD] =	sst s6  }
0xf: {  	[smem:$0x3FAE] =	sst s7  }
0x10: {  	[smem:$0x3FAF] =	sst s8  }
0x11: {  	[smem:$0x3FB0] =	sst s9;
	s0 =	simm.s32 @!p0 $0x0  }
0x12: {  	s1 =	sld [smem:$0x3F96];
	s0 =	simm.s32 @p0 $0x1  }
0x13: {  	[smem:$0x3FB1] =	sst s0;
	s0 =	simm.s32 @!p1 $0x0  }
0x14: {  	s2 =	sld [smem:$0x3F95];
	s0 =	simm.s32 @p1 $0x1  }
0x15: {  	[smem:$0x3FB2] =	sst s0;
	s0 =	simm.s32 @!p2 $0x0  }
0x16: {  	s3 =	sld [smem:$0x3FDB];
	s0 =	simm.s32 @p2 $0x1  }
0x17: {  	s4 =	simm.s32 $0x1BF5;
	[smem:$0x3FB4] =	sst s0  }
0x18: {  	s0 =	sld [smem:$0x3F97];
	_ =	swait.ge [sflag:s4], $0x0  }
0x19: {  	s7 =	sld [smem:$0x3F98]  }
0x1a: {  	s8 =	sadd.s32 $0xFFFFE003, lr  }
0x1b: {  	s9 =	sadd.s32 $0xFFFFFEF7, lr;
	s5 =	simm.s32 $0xFFFFFFFF;
	p2 =	slt.u32 s8, $0xFFFFF086  }
0x1c: {  	p1 =	slt.u32 s9, $0xF7A;
	s5 =	simm.s32 @!p2 $0x0  }
0x1d: {  	s5 =	simm.s32 @p1 $0x1;
	p0 =	seq.s32 s7, s2  }
0x1e: {  	s7 =	smul.u32 @!p0 $0xF7A, s2;
	p2 =	seq.s32 @!p0 s5, $0x0  }
0x1f: {  	s9 =	smul.u32 $0xF7A, s1;
	s8 =	simm.s32 @!p0 $0x1BF5;
	p2 =	por !p2, p0  }
0x20: {  	[sflag:s8] =	ssyncset.s32 @!p0 $0xFFFFF086;
	s6 =	sadd.s32 @!p0 s3, s7;
	s7 =	simm.s32 @!p0 $0x108  }
0x21: {  	s3 =	sadd.s32 s3, s9;
	s6 =	sadd.s32 @!p0 $0x88, s6;
	s7 =	simm.s32 @p2 $0x1082  }
0x22: {  	[simem:s7], [sflag:s8] =	dma.local @!p0 [hbm:s6], $0xF7A  }
0x23: {  	s9 =	sor.u32 $0xD0000000, s2;
	s6 =	simm.s32 $0x108;
	_ =	swait.ge @!p0 [sflag:s8], $0x0  }
0x24: {  	s3 =	sadd.s32 $0x88, s3;
	s6 =	simm.s32 @!p1 $0x1082;
	[sflag:s4] =	ssyncset.s32 $0xFFFFF086  }
0x25: {  	[simem:s6], [sflag:s4] =	dma.local [hbm:s3], $0xF7A  }
0x26: {  	[smem:$0x3F98] =	sst s1;
	(tag) =	ssettag s2;
	_ =	strace s9  }
0x27: {  	s1 =	sld [smem:$0x3FA8]  }
0x28: {  	s2 =	sld [smem:$0x3FA9]  }
0x29: {  	s4 =	sld [smem:$0x3FAB]  }
0x2a: {  	p0 =	seq.s32 s5, $0x0;
	s5 =	sld [smem:$0x3FAC]  }
0x2b: {  	s6 =	sld [smem:$0x3FAD]  }
0x2c: {  	s7 =	sld [smem:$0x3FAE]  }
0x2d: {  	s3 =	simm.s32 $0x108;
	s8 =	sld [smem:$0x3FAF]  }
0x2e: {  	s3 =	simm.s32 @!p0 $0x1082;
	s9 =	sld [smem:$0x3FB0]  }
0x2f: {  	lr =	sadd.s32 s0, s3;
	s0 =	sld [smem:$0x3FA7]  }
0x30: {  	s3 =	sld [smem:$0x3FAA]  }
0x31: {  	[smem:$0x3FB3] =	sst s10  }
0x32: {  	s10 =	sld [smem:$0x3FB1];
	_ =	sdelay $0x3  }
0x33: {  	p0 =	seq.s32 s10, $0x1;
	s10 =	sld [smem:$0x3FB3];
	_ =	sdelay $0x3  }
0x34: {  	[smem:$0x3FB3] =	sst s10  }
0x35: {  	s10 =	sld [smem:$0x3FB2];
	_ =	sdelay $0x3  }
0x36: {  	p1 =	seq.s32 s10, $0x1;
	s10 =	sld [smem:$0x3FB3];
	_ =	sdelay $0x3  }
0x37: {  	[smem:$0x3FB3] =	sst s10  }
0x38: {  	s10 =	sld [smem:$0x3FB4]  }
0x39: {  	_ = 	snop;
	(pc) =	sbr.ind lr, $3  }
0x3a: {  	_ = 	snop  }
0x3b: {  	_ = 	snop  }
0x3c: {  	p2 =	seq.s32 s10, $0x1;
	s10 =	sld [smem:$0x3FB3]  }
0x3d: {  	_ =	shalt  }
0x3e: {  	_ =	shalt  }
0x3f: {  	_ =	shalt  }
0x40: {  	_ =	shalt  }
0x41: {  	_ =	shalt  }
0x42: {  	_ =	shalt  }
0x43: {  	_ =	shalt  }
0x44: {  	_ =	shalt  }
0x45: {  	_ =	shalt  }
0x46: {  	_ =	shalt  }
0x47: {  	_ =	shalt  }
0x48: {  	_ =	shalt  }
0x49: {  	_ =	shalt  }
0x4a: {  	_ =	shalt  }
0x4b: {  	_ =	shalt  }
0x4c: {  	_ =	shalt  }
0x4d: {  	_ =	shalt  }
0x4e: {  	_ =	shalt  }
0x4f: {  	_ =	shalt  }
0x50: {  	_ =	shalt  }
0x51: {  	_ =	shalt  }
0x52: {  	_ =	shalt  }
0x53: {  	_ =	shalt  }
0x54: {  	_ =	shalt  }
0x55: {  	_ =	shalt  }
0x56: {  	_ =	shalt  }
0x57: {  	_ =	shalt  }
0x58: {  	_ =	shalt  }
0x59: {  	_ =	shalt  }
0x5a: {  	_ =	shalt  }
0x5b: {  	_ =	shalt  }
0x5c: {  	_ =	shalt  }
0x5d: {  	_ =	shalt  }
0x5e: {  	_ =	shalt  }
0x5f: {  	_ =	shalt  }
0x60: {  	_ =	shalt  }
0x61: {  	_ =	shalt  }
0x62: {  	_ =	shalt  }
0x63: {  	_ =	shalt  }
0x64: {  	_ =	shalt  }
0x65: {  	_ =	shalt  }
0x66: {  	_ =	shalt  }
0x67: {  	_ =	shalt  }
0x68: {  	_ =	shalt  }
0x69: {  	_ =	shalt  }
0x6a: {  	_ =	shalt  }
0x6b: {  	_ =	shalt  }
0x6c: {  	_ =	shalt  }
0x6d: {  	_ =	shalt  }
0x6e: {  	_ =	shalt  }
0x6f: {  	_ =	shalt  }
0x70: {  	_ =	shalt  }
0x71: {  	_ =	shalt  }
0x72: {  	_ =	shalt  }
0x73: {  	_ =	shalt  }
0x74: {  	_ =	shalt  }
0x75: {  	_ =	shalt  }
0x76: {  	_ =	shalt  }
0x77: {  	_ =	shalt  }
0x78: {  	_ =	shalt  }
0x79: {  	_ =	shalt  }
0x7a: {  	_ =	shalt  }
0x7b: {  	_ =	shalt  }
0x7c: {  	_ =	shalt  }
0x7d: {  	_ =	shalt  }
0x7e: {  	_ =	shalt  }
0x7f: {  	_ =	shalt  }
0x80: {  	_ =	shalt  }
0x81: {  	_ =	shalt  }
0x82: {  	_ =	shalt  }
0x83: {  	_ =	shalt  }
0x84: {  	_ =	shalt  }
0x85: {  	_ =	shalt  }
0x86: {  	_ =	shalt  }
0x87: {  	_ =	shalt  }
.Lfunc_end0:
.L_simem_size_0:
called_computation_lowered:
.L_overlay_start_0:
0x88: {  	s2 =	sld [smem:$0x3FD9]  }
0x89: {  	s3 =	sld [smem:$0x3FFE];
	_ =	sdelay $0x1  }
0x8a: {  	s1 =	srdreg.scid  }
0x8b: {  	s0 =	sand.u32 $0x1, s1  }
0x8c: {  	s17 =	sshll.u32 s0, $0xA;
	s2 =	sadd.s32 s3, s2  }
0x8d: {  	s2 =	sadd.s32 s2, s17  }
0x8e: {  	[smem:$0x3FBF] =	sst s2  }
0x8f: {  	_ = 	snop  }
0x90: {  	(tm) =	ssettm $0x1  }
0x91: {  	s18 =	sld [smem:$0x3FFB];
	_ =	sdelay $0x3  }
0x92: {  	_ =	strace s18  }
0x93: {  	s2 =	sld [smem:$0x3FFC];
	_ =	sdelay $0x3  }
0x94: {  	_ =	strace s2  }
0x95: {  	s2 =	sld [smem:$0x3FFD];
	_ =	sdelay $0x3  }
0x96: {  	_ =	strace s2  }
0x97: {  	_ =	strace $0x8FFFFFFF  }
0x98: {  	s19 =	sld [smem:$0x3FDB];
	_ =	sdelay $0x1  }
0x99: {  	s20 =	simm.s32 $_scs_section_size  }
0x9a: {  	s4 =	simm.s32 $_size__tile_overlayer_lowered;
	s5 =	simm.s32 $_tile_overlayer_lowered  }
0x9b: {  	s6 =	simm.s32 $0x1BFF;
	s21 =	sshll.u32 s5, $0x1;
	s3 =	sadd.s32 s20, s19  }
0x9c: {  	s22 =	simm.s32 $0x0;
	s4 =	sshll.u32 s4, $0x1;
	s5 =	sadd.s32 s21, s3  }
0x9d: {  	[timem:s22], [sflag:s6] =	dma.local [hbm:s5], s4  }
0x9e: {  	_ =	swait.ge [sflag:s6], s4  }
0x9f: {  	s4 =	ssub.s32 $0x0, s4;
	[sflag:s6] =	ssyncset.done $0x0  }
0xa0: {  	[sflag:s6] =	ssyncadd.s32 s4;
	_ =	sdelay $0x1  }
0xa1: {  	s23 =	simm.s32 $0x1B8B  }
0xa2: {  	_ =	swait.ge [sflag:s23], $0x1  }
0xa3: {  	[sflag:s23] =	ssyncset.done $0x0  }
0xa4: {  	[sflag:s23] =	ssyncadd.s32 $0xFFFFFFFF  }
0xa5: {  	s4 =	sld [smem:$0x0]  }
0xa6: {  	s5 =	sand.u32 $0xFFFFFFFE, s1  }
0xa7: {  	p0 =	sne.s32 s1, s5  }
0xa8: {  	s5 =	sshll.u32 @p0 s5, $0xE  }
0xa9: {  	s5 =	sadd.s32 @p0 $0x11B8D, s5;
	s6 =	sshll.u32 @p0 s4, $0x11  }
0xaa: {  	s5 =	sor.u32 @p0 s6, s5  }
0xab: {  	[sflag:s5] =	ssyncadd.remote.s32 @p0 $0x1;
	_ =	sdelay $0x1  }
0xac: {  	s5 =	simm.s32 @p0 $0x1B8D  }
0xad: {  	_ =	swait.eq @p0 [sflag:s5], $0x1  }
0xae: {  	[sflag:s5] =	ssyncadd.s32 @p0 $0xFFFFFFFF  }
0xaf: {  	s6 =	sshll.u32 @!p0 s1, $0xE  }
0xb0: {  	s6 =	sor.u32 @!p0 $0x4000, s6;
	s5 =	simm.s32 @!p0 $0x1B8D  }
0xb1: {  	s4 =	sshll.u32 @!p0 s4, $0x11;
	s6 =	sadd.s32 @!p0 $0x11B8D, s6;
	_ =	swait.eq @!p0 [sflag:s5], $0x1  }
0xb2: {  	s4 =	sor.u32 @!p0 s4, s6;
	[sflag:s5] =	ssyncadd.s32 @!p0 $0xFFFFFFFF  }
0xb3: {  	s25 =	simm.s32 $0x1B8E;
	s24 =	sld [smem:$0x3FFE];
	[sflag:s4] =	ssyncadd.remote.s32 @!p0 $0x1  }
0xb4: {  	s26 =	simm.s32 $execute0_lowered;
	[smem:$0x3FD2] =	sst s25  }
0xb5: {  	s5 =	sshll.u32 s26, $0x1;
	_ =	strace $0x80000049;
	[dreg:$0x1] =	wrdreg $0xFFFFFFFF  }
0xb6: {  	s28 =	simm.s32 $_size_execute0_lowered;
	s3 =	sadd.s32 s3, s5;
	[dreg:$0x0] =	wrdreg $0x0  }
0xb7: {  	s5 =	sshll.u32 s28, $0x1;
	[dreg:$0x2] =	wrdreg s3  }
0xb8: {  	[dreg:$0x3] =	wrdreg s5  }
0xb9: {  	[dreg:$0x4] =	wrdreg $0xC0  }
0xba: {  	_ =	task [dreg:s22], $0x5FFFF  }
0xbb: {  	[dreg:$0x1] =	wrdreg $0xFFFFFFFF  }
0xbc: {  	[dreg:$0x0] =	wrdreg $0x60  }
0xbd: {  	[dreg:$0x2] =	wrdreg s24  }
0xbe: {  	[dreg:$0x3] =	wrdreg $0x38000  }
0xbf: {  	[dreg:$0x4] =	wrdreg $0x9  }
0xc0: {  	_ =	task.clear_ibuf [dreg:s22], $0x5FFFF;
	_ =	strace $0x90000049  }
0xc1: {  	s29 =	simm.s32 $0x9;
	_ =	strace $0x8000004B  }
0xc2: {  	_ =	swait.ge [sflag:s29], $0x1  }
0xc3: {  	[sflag:s29] =	ssyncadd.s32 $0xFFFFFFFF  }
0xc4: {  	_ =	strace $0x9000004B  }
0xc5: {  	_ =	sfence  }
0xc6: {  	s30 =	sld [smem:$0x0];
	_ =	sdelay $0x2  }
0xc7: {  	s31 =	sshll.u32 s1, $0xD;
	s1 =	sshrl.u32 s1, $0x2  }
0xc8: {  	s4 =	sand.u32 $0x4000, s31;
	s1 =	sadd.s32 s1, s30  }
0xc9: {  	s0 =	sor.u32 s4, s0;
	s1 =	sshll.u32 s1, $0x11  }
0xca: {  	s0 =	sor.u32 s1, s0  }
0xcb: {  	s0 =	sadd.s32 $0x8F2B, s0  }
0xcc: {  	[sflag:s0] =	ssyncadd.remote.s32 $0x1  }
0xcd: {  	_ =	sfence.sel $0xFFFF  }
0xce: {  	[dreg:$0x0] =	wrdreg $0xFFFFFFFF;
	(pc) =	sbr.abs _section_cstart, $3  }
0xcf: {  	[dreg:$0x1] =	wrdreg $0xFFFFFFFF  }
0xd0: {  	_ =	task.clear_ibuf [dreg:s22], $0x2FFFF;
	_ =	strace $0x9FFFFFFF  }
0xd1: {  	(tm) =	ssettm $0x7FFFFFFF  }
tec
execute0_lowered:
.L_overlay_start_1:
0x0: {  	(tag) =	ssettag $0x1  }
0x1: {  	s3 =	rddreg [dreg:$0x0]  }
0x2: {  	s9 =	rddreg [dreg:$0x1]  }
0x3: {  	s0 =	rddreg [dreg:$0x2]  }
0x4: {  	s2 =	simm.s32 $0x0;
	s1 =	stileid.u32;
	s5 =	srdreg.scid  }
0x5: {  	s14 =	simm.s32 $0x1;
	s15 =	simm.s32 $0x2;
	s17 =	simm.s32 $0x400  }
0x6: {  	s18 =	simm.s32 $0x3;
	s19 =	simm.s32 $0x6000;
	s4 =	smul.u32 $0x50, s1  }
0x7: {  	s20 =	simm.s32 $0x6280;
	s21 =	simm.s32 $0x0;
	s26 =	smul.u32 $0x2710, s1  }
0x8: {  	[smem:$0x7FF] =	sst s2;
	s16 =	sand.u32 $0x1, s5;
	s7 =	smul.u32 $0x4E2, s1  }
0x9: {  	s6 =	sadd.s32 $0x1600, s3;
	s30 =	sshrl.u32 s1, $0x3;
	s13 =	smul.u32 $0x5000, s1  }
0xa: {  	s31 =	sshll.u32 s1, $0x7;
	_ =	strace $0x8000004A;
	s28 =	ssub.s32 $0x2, s16  }
0xb: {  	s12 =	smul.u32 $0x50000, s30;
	p0 =	sne.s32 s16, $0x0;
	s16 =	simm.s32 $0x80  }
0xc: {  	s10 =	sadd.s32 s4, s3;
	s29 =	sshrl.u32 s28, $0x1;
	s5 =	sshrl.u32 s26, $0x3  }
0xd: {  	s3 =	sadd.s32 s6, s7;
	s13 =	sshrl.u32 s13, $0x2;
	s11 =	ssub.s32 s28, s29  }
.Ltmp0:
0xe: {  	s8 =	sadd.s32 s6, s5;
	s12 =	sshrl.u32 s12, $0x2;
	(pc) =	sbr.rel .LBB2_1-.Ltmp0, $4  }
0xf: {  	s10 =	sadd.s32 $0x5B600, s10;
	s4 =	sadd.s32 $0xFA, s8;
	s5 =	sadd.s32 $0x1F4, s8  }
0x10: {  	s6 =	sadd.s32 $0x2EE, s8;
	s7 =	sadd.s32 $0x3E8, s8;
	s8 =	sand.u32 $0x380, s31  }
0x11: {  	s12 =	sadd.s32 s12, s9;
	s9 =	sadd.s32 s13, s9;
	s11 =	smax.u32 s11, $0x1  }
0x12: {  	v0 =	vimm.f32 $0.0e+00;
	v1 =	vimm.f32 $1.000000000e+00;
	s13 =	simm.s32 $0x3000;
	s8 =	sadd.s32 s8, s12;
	s12 =	simm.s32 $0x2800  }
.LBB2_19:
0x13: {  	s21 =	sadd.s32 $0x1, s21  }
0x14: {  	p1 =	sne.s32 s21, s11  }
.Ltmp1:
0x15: {  	_ = 	snop;
	(pc) =	sbr.rel @!p1 .LBB2_20-.Ltmp1, $1  }
0x16: {  	_ =	sdelay $0x3  }
.LBB2_1:
0x17: {  	s22 =	simm.s32 $0x40;
	s23 =	simm.s32 $0x0  }
.LBB2_2:
0x18: {  	p1 =	sne.s32 s22, $0x9FC0;
	[tilespmem:s23+$0x0] =	vst v0;
	s23 =	smov.u32 s22;
	s22 =	sadd.s32 $0x40, s22  }
.Ltmp2:
0x19: {  	(pc) =	sbr.rel @p1 .LBB2_2-.Ltmp2, $2  }
0x1a: {  	_ =	sdelay $0x2  }
0x1b: {  	s23 =	sshra.s32 s23, $0x2  }
0x1c: {  	[tilespmem:s23+$0x0] =	vst v0  }
0x1d: {  	[tilespmem:s12], [sflag:$0x1] =	stream.linear.gather [hbm4b:s3+s2], $0x7D0, $0x38;
	[tilespmem:$0x6500] =	vst v63  }
0x1e: {  	_ = 	snop  }
0x1f: {  	[tilespmem:s13], [sflag:$0x2] =	stream.linear.gather [hbm4b:s4+s2], $0x7D0, $0x38;
	[tilespmem:$0x6500] =	vst v63  }
0x20: {  	_ =	swait.ge [sflag:s14], $0x7D0  }
0x21: {  	[sflag:s14] =	ssyncset.done $0x0  }
0x22: {  	s22 =	simm.s32 $0x2820;
	[sflag:s14] =	ssyncadd.s32 $0xFFFFF830  }
0x23: {  	v5 =	vld [tilespmem:s22+$0x10];
	_ =	sdelay $0x4  }
0x24: {  	v4 =	vld [tilespmem:s22+$0xFFFFFFE0]  }
0x25: {  	v2 =	vld [tilespmem:s22+$0xFFFFFFF0]  }
0x26: {  	v3 =	vld [tilespmem:s22+$0x0]  }
0x27: {  	s23 =	simm.s32 $0x2860;
	s22 =	simm.s32 $0x0;
	[tilespmem:v5+s2+$0x0] =	vst.idx.add.f32.msk $0xffff, v1  }
.LBB2_4:
0x28: {  	v5 =	vld [tilespmem:s23+$0x10];
	s22 =	sadd.s32 $0x4, s22  }
0x29: {  	v6 =	vld [tilespmem:s23+$0xFFFFFFF0];
	p1 =	slt.u32 s22, $0x78  }
0x2a: {  	v7 =	vld [tilespmem:s23+$0x0]  }
0x2b: {  	v8 =	vld [tilespmem:s23+$0xFFFFFFE0]  }
.Ltmp3:
0x2c: {  	[tilespmem:v4+s2+$0x0] =	vst.idx.add.f32.msk $0xffff, v1;
	(pc) =	sbr.rel @p1 .LBB2_4-.Ltmp3, $4  }
0x2d: {  	[tilespmem:v2+s2+$0x0] =	vst.idx.add.f32.msk $0xffff, v1  }
0x2e: {  	[tilespmem:v3+s2+$0x0] =	vst.idx.add.f32.msk $0xffff, v1;
	v2 =	vmov v6  }
0x2f: {  	v3 =	vmov v7  }
0x30: {  	s23 =	sadd.s32 $0x40, s23;
	[tilespmem:v5+s2+$0x0] =	vst.idx.add.f32.msk $0xffff, v1;
	v4 =	vmov v8  }
0x31: {  	_ =	sdelay $0x3  }
0x32: {  	[tilespmem:v4+s2+$0x0] =	vst.idx.add.f32.msk $0xffff, v1  }
0x33: {  	[tilespmem:v2+s2+$0x0] =	vst.idx.add.f32.msk $0xffff, v1  }
0x34: {  	[tilespmem:v3+s2+$0x0] =	vst.idx.add.f32.msk $0xffff, v1  }
0x35: {  	v2 =	vld [tilespmem:$0x2FC0];
	_ =	sdelay $0x7  }
0x36: {  	[tilespmem:v2+s2+$0x0] =	vst.idx.add.f32.msk $0xffff, v1  }
0x37: {  	[tilespmem:s12], [sflag:$0x1] =	stream.linear.gather [hbm4b:s5+s2], $0x7D0, $0x38;
	[tilespmem:$0x6500] =	vst v63  }
0x38: {  	_ =	swait.ge [sflag:s15], $0x7D0  }
0x39: {  	[sflag:s15] =	ssyncset.done $0x0  }
0x3a: {  	s22 =	simm.s32 $0x3020;
	[sflag:s15] =	ssyncadd.s32 $0xFFFFF830  }
0x3b: {  	v5 =	vld [tilespmem:s22+$0x10];
	_ =	sdelay $0x4  }
0x3c: {  	v4 =	vld [tilespmem:s22+$0xFFFFFFE0]  }
0x3d: {  	v2 =	vld [tilespmem:s22+$0xFFFFFFF0]  }
0x3e: {  	v3 =	vld [tilespmem:s22+$0x0]  }
0x3f: {  	s23 =	simm.s32 $0x3060;
	s22 =	simm.s32 $0x0;
	[tilespmem:v5+s2+$0x0] =	vst.idx.add.f32.msk $0xffff, v1  }
.LBB2_6:
0x40: {  	v5 =	vld [tilespmem:s23+$0x10];
	s22 =	sadd.s32 $0x4, s22  }
0x41: {  	v6 =	vld [tilespmem:s23+$0xFFFFFFF0];
	p1 =	slt.u32 s22, $0x78  }
0x42: {  	v7 =	vld [tilespmem:s23+$0x0]  }
0x43: {  	v8 =	vld [tilespmem:s23+$0xFFFFFFE0]  }
.Ltmp4:
0x44: {  	[tilespmem:v4+s2+$0x0] =	vst.idx.add.f32.msk $0xffff, v1;
	(pc) =	sbr.rel @p1 .LBB2_6-.Ltmp4, $4  }
0x45: {  	[tilespmem:v2+s2+$0x0] =	vst.idx.add.f32.msk $0xffff, v1  }
0x46: {  	[tilespmem:v3+s2+$0x0] =	vst.idx.add.f32.msk $0xffff, v1;
	v2 =	vmov v6  }
0x47: {  	v3 =	vmov v7  }
0x48: {  	s23 =	sadd.s32 $0x40, s23;
	[tilespmem:v5+s2+$0x0] =	vst.idx.add.f32.msk $0xffff, v1;
	v4 =	vmov v8  }
0x49: {  	_ =	sdelay $0x3  }
0x4a: {  	[tilespmem:v4+s2+$0x0] =	vst.idx.add.f32.msk $0xffff, v1  }
0x4b: {  	[tilespmem:v2+s2+$0x0] =	vst.idx.add.f32.msk $0xffff, v1  }
0x4c: {  	[tilespmem:v3+s2+$0x0] =	vst.idx.add.f32.msk $0xffff, v1  }
0x4d: {  	v2 =	vld [tilespmem:$0x37C0];
	_ =	sdelay $0x7  }
0x4e: {  	[tilespmem:v2+s2+$0x0] =	vst.idx.add.f32.msk $0xffff, v1  }
0x4f: {  	[tilespmem:s13], [sflag:$0x2] =	stream.linear.gather [hbm4b:s6+s2], $0x7D0, $0x38;
	[tilespmem:$0x6500] =	vst v63  }
0x50: {  	_ =	swait.ge [sflag:s14], $0x7D0  }
0x51: {  	[sflag:s14] =	ssyncset.done $0x0  }
0x52: {  	s22 =	simm.s32 $0x2820;
	[sflag:s14] =	ssyncadd.s32 $0xFFFFF830  }
0x53: {  	v5 =	vld [tilespmem:s22+$0x10];
	_ =	sdelay $0x4  }
0x54: {  	v4 =	vld [tilespmem:s22+$0xFFFFFFE0]  }
0x55: {  	v2 =	vld [tilespmem:s22+$0xFFFFFFF0]  }
0x56: {  	v3 =	vld [tilespmem:s22+$0x0]  }
0x57: {  	s23 =	simm.s32 $0x2860;
	s22 =	simm.s32 $0x0;
	[tilespmem:v5+s2+$0x0] =	vst.idx.add.f32.msk $0xffff, v1  }
.LBB2_8:
0x58: {  	v5 =	vld [tilespmem:s23+$0x10];
	s22 =	sadd.s32 $0x4, s22  }
0x59: {  	v6 =	vld [tilespmem:s23+$0xFFFFFFF0];
	p1 =	slt.u32 s22, $0x78  }
0x5a: {  	v7 =	vld [tilespmem:s23+$0x0]  }
0x5b: {  	v8 =	vld [tilespmem:s23+$0xFFFFFFE0]  }
.Ltmp5:
0x5c: {  	[tilespmem:v4+s2+$0x0] =	vst.idx.add.f32.msk $0xffff, v1;
	(pc) =	sbr.rel @p1 .LBB2_8-.Ltmp5, $4  }
0x5d: {  	[tilespmem:v2+s2+$0x0] =	vst.idx.add.f32.msk $0xffff, v1  }
0x5e: {  	[tilespmem:v3+s2+$0x0] =	vst.idx.add.f32.msk $0xffff, v1;
	v2 =	vmov v6  }
0x5f: {  	v3 =	vmov v7  }
0x60: {  	s23 =	sadd.s32 $0x40, s23;
	[tilespmem:v5+s2+$0x0] =	vst.idx.add.f32.msk $0xffff, v1;
	v4 =	vmov v8  }
0x61: {  	_ =	sdelay $0x3  }
0x62: {  	[tilespmem:v4+s2+$0x0] =	vst.idx.add.f32.msk $0xffff, v1  }
0x63: {  	[tilespmem:v2+s2+$0x0] =	vst.idx.add.f32.msk $0xffff, v1  }
0x64: {  	[tilespmem:v3+s2+$0x0] =	vst.idx.add.f32.msk $0xffff, v1  }
0x65: {  	v2 =	vld [tilespmem:$0x2FC0];
	_ =	sdelay $0x7  }
0x66: {  	[tilespmem:v2+s2+$0x0] =	vst.idx.add.f32.msk $0xffff, v1  }
0x67: {  	[tilespmem:s12], [sflag:$0x1] =	stream.linear.gather [hbm4b:s7+s2], $0x7D0, $0x38;
	[tilespmem:$0x6500] =	vst v63  }
0x68: {  	_ =	swait.ge [sflag:s15], $0x7D0  }
0x69: {  	[sflag:s15] =	ssyncset.done $0x0  }
0x6a: {  	s22 =	simm.s32 $0x3020;
	[sflag:s15] =	ssyncadd.s32 $0xFFFFF830  }
0x6b: {  	v5 =	vld [tilespmem:s22+$0x10];
	_ =	sdelay $0x4  }
0x6c: {  	v4 =	vld [tilespmem:s22+$0xFFFFFFE0]  }
0x6d: {  	v2 =	vld [tilespmem:s22+$0xFFFFFFF0]  }
0x6e: {  	v3 =	vld [tilespmem:s22+$0x0]  }
0x6f: {  	s23 =	simm.s32 $0x3060;
	s22 =	simm.s32 $0x0;
	[tilespmem:v5+s2+$0x0] =	vst.idx.add.f32.msk $0xffff, v1  }
.LBB2_10:
0x70: {  	v5 =	vld [tilespmem:s23+$0x10];
	s22 =	sadd.s32 $0x4, s22  }
0x71: {  	v6 =	vld [tilespmem:s23+$0xFFFFFFF0];
	p1 =	slt.u32 s22, $0x78  }
0x72: {  	v7 =	vld [tilespmem:s23+$0x0]  }
0x73: {  	v8 =	vld [tilespmem:s23+$0xFFFFFFE0]  }
.Ltmp6:
0x74: {  	[tilespmem:v4+s2+$0x0] =	vst.idx.add.f32.msk $0xffff, v1;
	(pc) =	sbr.rel @p1 .LBB2_10-.Ltmp6, $4  }
0x75: {  	[tilespmem:v2+s2+$0x0] =	vst.idx.add.f32.msk $0xffff, v1  }
0x76: {  	[tilespmem:v3+s2+$0x0] =	vst.idx.add.f32.msk $0xffff, v1;
	v2 =	vmov v6  }
0x77: {  	v3 =	vmov v7  }
0x78: {  	s23 =	sadd.s32 $0x40, s23;
	[tilespmem:v5+s2+$0x0] =	vst.idx.add.f32.msk $0xffff, v1;
	v4 =	vmov v8  }
0x79: {  	_ =	sdelay $0x3  }
0x7a: {  	[tilespmem:v4+s2+$0x0] =	vst.idx.add.f32.msk $0xffff, v1  }
0x7b: {  	[tilespmem:v2+s2+$0x0] =	vst.idx.add.f32.msk $0xffff, v1  }
0x7c: {  	[tilespmem:v3+s2+$0x0] =	vst.idx.add.f32.msk $0xffff, v1  }
0x7d: {  	v2 =	vld [tilespmem:$0x37C0];
	_ =	sdelay $0x7  }
0x7e: {  	[tilespmem:v2+s2+$0x0] =	vst.idx.add.f32.msk $0xffff, v1  }
0x7f: {  	_ =	swait.ge [sflag:s14], $0x7D0  }
0x80: {  	[sflag:s14] =	ssyncset.done $0x0  }
0x81: {  	s22 =	simm.s32 $0x2820;
	[sflag:s14] =	ssyncadd.s32 $0xFFFFF830  }
0x82: {  	v5 =	vld [tilespmem:s22+$0x10];
	_ =	sdelay $0x4  }
0x83: {  	v4 =	vld [tilespmem:s22+$0xFFFFFFE0]  }
0x84: {  	v2 =	vld [tilespmem:s22+$0xFFFFFFF0]  }
0x85: {  	v3 =	vld [tilespmem:s22+$0x0]  }
0x86: {  	s23 =	simm.s32 $0x2860;
	s22 =	simm.s32 $0x0;
	[tilespmem:v5+s2+$0x0] =	vst.idx.add.f32.msk $0xffff, v1  }
.LBB2_12:
0x87: {  	v5 =	vld [tilespmem:s23+$0x10];
	s22 =	sadd.s32 $0x4, s22  }
0x88: {  	v6 =	vld [tilespmem:s23+$0xFFFFFFF0];
	p1 =	slt.u32 s22, $0x78  }
0x89: {  	v7 =	vld [tilespmem:s23+$0x0]  }
0x8a: {  	v8 =	vld [tilespmem:s23+$0xFFFFFFE0]  }
.Ltmp7:
0x8b: {  	[tilespmem:v4+s2+$0x0] =	vst.idx.add.f32.msk $0xffff, v1;
	(pc) =	sbr.rel @p1 .LBB2_12-.Ltmp7, $4  }
0x8c: {  	[tilespmem:v2+s2+$0x0] =	vst.idx.add.f32.msk $0xffff, v1  }
0x8d: {  	[tilespmem:v3+s2+$0x0] =	vst.idx.add.f32.msk $0xffff, v1;
	v2 =	vmov v6  }
0x8e: {  	v3 =	vmov v7  }
0x8f: {  	s23 =	sadd.s32 $0x40, s23;
	[tilespmem:v5+s2+$0x0] =	vst.idx.add.f32.msk $0xffff, v1;
	v4 =	vmov v8  }
0x90: {  	_ =	sdelay $0x3  }
0x91: {  	[tilespmem:v4+s2+$0x0] =	vst.idx.add.f32.msk $0xffff, v1  }
0x92: {  	[tilespmem:v2+s2+$0x0] =	vst.idx.add.f32.msk $0xffff, v1  }
0x93: {  	[tilespmem:v3+s2+$0x0] =	vst.idx.add.f32.msk $0xffff, v1  }
0x94: {  	v2 =	vld [tilespmem:$0x2FC0];
	_ =	sdelay $0x7  }
0x95: {  	[tilespmem:v2+s2+$0x0] =	vst.idx.add.f32.msk $0xffff, v1  }
0x96: {  	[spmem:s8] =	stream.strided.scatter [tilespmem:s2], [sflag:$0x3], $0x2800, s17, s16, $0x38;
	[tilespmem:$0x6500] =	vst v63  }
.Ltmp8:
0x97: {  	_ =	swait.ge [sflag:s18], $0x2800;
	(pc) =	sbr.rel @p0 .LBB2_19-.Ltmp8, $3  }
0x98: {  	[sflag:s18] =	ssyncset.done $0x0  }
0x99: {  	[sflag:s18] =	ssyncadd.s32 $0xFFFFD800  }
0x9a: {  	[bflag:$0x0] =	sbarrier.arrive $0xFFFF;
	_ =	sdelay $0x1  }
0x9b: {  	[tilespmem:$0x6280] =	vst v0  }
0x9c: {  	[tilespmem:$0x6290] =	vst v0  }
0x9d: {  	[tilespmem:$0x62A0] =	vst v0  }
0x9e: {  	[tilespmem:$0x62B0] =	vst v0  }
0x9f: {  	[tilespmem:$0x62C0] =	vst v0  }
0xa0: {  	[tilespmem:$0x62D0] =	vst v0  }
0xa1: {  	[tilespmem:$0x62E0] =	vst v0  }
0xa2: {  	[tilespmem:$0x62F0] =	vst v0  }
0xa3: {  	[tilespmem:$0x6300] =	vst v0  }
0xa4: {  	[tilespmem:$0x6310] =	vst v0  }
0xa5: {  	[tilespmem:$0x6320] =	vst v0  }
0xa6: {  	[tilespmem:$0x6330] =	vst v0  }
0xa7: {  	[tilespmem:$0x6340] =	vst v0  }
0xa8: {  	[tilespmem:$0x6350] =	vst v0  }
0xa9: {  	[tilespmem:$0x6360] =	vst v0  }
0xaa: {  	[tilespmem:$0x6370] =	vst v0  }
0xab: {  	[tilespmem:$0x6380] =	vst v0  }
0xac: {  	[tilespmem:$0x6390] =	vst v0  }
0xad: {  	[tilespmem:$0x63A0] =	vst v0  }
0xae: {  	[tilespmem:$0x63B0] =	vst v0  }
0xaf: {  	[tilespmem:$0x63C0] =	vst v0  }
0xb0: {  	[tilespmem:$0x63D0] =	vst v0  }
0xb1: {  	[tilespmem:$0x63E0] =	vst v0  }
0xb2: {  	[tilespmem:$0x63F0] =	vst v0  }
0xb3: {  	[tilespmem:$0x6400] =	vst v0  }
0xb4: {  	[tilespmem:$0x6410] =	vst v0  }
0xb5: {  	[tilespmem:$0x6420] =	vst v0  }
0xb6: {  	[tilespmem:$0x6430] =	vst v0  }
0xb7: {  	[tilespmem:$0x6440] =	vst v0  }
0xb8: {  	[tilespmem:$0x6450] =	vst v0  }
0xb9: {  	[tilespmem:$0x6460] =	vst v0  }
0xba: {  	[tilespmem:$0x6470] =	vst v0  }
0xbb: {  	[tilespmem:$0x6480] =	vst v0  }
0xbc: {  	[tilespmem:$0x6490] =	vst v0  }
0xbd: {  	[tilespmem:$0x64A0] =	vst v0  }
0xbe: {  	[tilespmem:$0x64B0] =	vst v0  }
0xbf: {  	[tilespmem:$0x64C0] =	vst v0  }
0xc0: {  	[tilespmem:$0x64D0] =	vst v0  }
0xc1: {  	[tilespmem:$0x64E0] =	vst v0  }
0xc2: {  	[tilespmem:$0x64F0] =	vst v0;
	s22 =	simm.s32 $0x0  }
.LBB2_15:
0xc3: {  	s23 =	sshrl.u32 s22, $0x3  }
0xc4: {  	s23 =	smul.u32 $0x50000, s23;
	_ =	sdelay $0x1  }
0xc5: {  	s24 =	sshll.u32 s22, $0x7;
	s23 =	sshra.s32 s23, $0x2  }
0xc6: {  	s24 =	sand.u32 $0x380, s24;
	s23 =	sadd.s32 s23, s9  }
0xc7: {  	s23 =	sadd.s32 s24, s23  }
0xc8: {  	[tilespmem:s19], [sflag:$0x3] =	stream.strided.gather [spmem:s23], $0x280, s17, s16, $0x38;
	[tilespmem:$0x6500] =	vst v63  }
0xc9: {  	_ =	swait.ge [sflag:s18], $0x280  }
0xca: {  	[sflag:s18] =	ssyncset.done $0x0  }
0xcb: {  	s23 =	simm.s32 $0x0;
	[sflag:s18] =	ssyncadd.s32 $0xFFFFFD80  }
0xcc: {  	s24 =	simm.s32 $0x40;
	v2 =	vld [tilespmem:s23+$0x6000]  }
.LBB2_16:
0xcd: {  	p1 =	sne.s32 s24, $0x9C0;
	v3 =	vld [tilespmem:s23+$0x6280];
	_ =	sdelay $0x2  }
.Ltmp9:
0xce: {  	(pc) =	sbr.rel @p1 .LBB2_16-.Ltmp9, $4  }
0xcf: {  	_ = 	snop  }
0xd0: {  	v3 =	vadd.f32 v2, v3  }
0xd1: {  	s25 =	sshra.s32 s24, $0x2  }
0xd2: {  	s24 =	sadd.s32 $0x40, s24;
	v2 =	vld [tilespmem:s25+$0x6000];
	[tilespmem:s23+$0x6280] =	vst v3;
	s23 =	smov.u32 s25  }
0xd3: {  	v3 =	vld [tilespmem:s23+$0x6280]  }
0xd4: {  	s22 =	sadd.s32 $0x1, s22  }
0xd5: {  	p1 =	sne.s32 s22, $0x10  }
.Ltmp10:
0xd6: {  	_ = 	snop;
	(pc) =	sbr.rel @p1 .LBB2_15-.Ltmp10, $3  }
0xd7: {  	_ = 	snop  }
0xd8: {  	v2 =	vadd.f32 v2, v3;
	_ =	sdelay $0x1  }
0xd9: {  	[tilespmem:s23+$0x6280] =	vst v2  }
.Ltmp11:
0xda: {  	(pc) =	sbr.rel .LBB2_19-.Ltmp11, $4  }
0xdb: {  	[hbm4b:s10+s2] =	stream.linear.scatter [tilespmem:s20], [sflag:$0x3], $0x280, $0x38;
	[tilespmem:$0x6500] =	vst v63  }
0xdc: {  	_ =	swait.ge [sflag:s18], $0x280  }
0xdd: {  	[sflag:s18] =	ssyncset.done $0x0  }
0xde: {  	[sflag:s18] =	ssyncadd.s32 $0xFFFFFD80  }
.LBB2_20:
0xdf: {  	_ =	sfence.sel $0x180000  }
0xe0: {  	[bflag:$0x0] =	sbarrier.arrive $0xFFFF  }
0xe1: {  	p0 =	sne.s32 s1, $0x0;
	_ =	strace $0x9000004A  }
0xe2: {  	s0 =	sadd.s32 @!p0 $0x100000, s0;
	[bflag:$0x2] =	sbarrier.arrive $0xFFFF  }
0xe3: {  	[sflag:s0] =	ssyncadd.tile.s32 @!p0 $0x1;
	_ =	shalt  }
.Lfunc_end2:
_tile_overlayer_lowered:
.L_overlay_start_2:
0xe4: {  	(tag) =	ssettag $0x2  }
0xe5: {  	s0 =	rddreg [dreg:$0x0];
	s2 =	stileid.u32  }
0xe6: {  	s1 =	rddreg [dreg:$0x1];
	p0 =	sne.s32 s2, $0x0  }
0xe7: {  	s3 =	rddreg [dreg:$0x2];
	[bflag:$0x3] =	sbarrier.arrive $0xFFFF;
	s2 =	simm.s32 @!p0 $0x1C03  }
0xe8: {  	[timem:s3], [sflag:s2] =	dma.local @!p0 [hbm:s0], s1  }
0xe9: {  	s0 =	simm.s32 @!p0 $0x3  }
0xea: {  	_ =	swait.ge @!p0 [sflag:s0], s1  }
0xeb: {  	s1 =	ssub.s32 @!p0 $0x0, s1;
	[sflag:s0] =	ssyncset.done @!p0 $0x0  }
0xec: {  	[sflag:s0] =	ssyncadd.s32 @!p0 s1  }
0xed: {  	[bflag:$0x3] =	sbarrier.arrive $0xFFFF  }
0xee: {  	_ =	shalt  }

</sc_bundles>
